<compile_context>
chip_gen: v7x
topology: tpu7x:2x2x1
jax: 0.10.2.dev20260603
libtpu: 0.0.44.dev20260713+nightly
codegen_flags: <defaults>
</compile_context>

<pallas_src>
import functools

import jax
import jax.numpy as jnp
from jax import lax
from jax.experimental import pallas as pl
from jax.experimental.pallas import tpu as pltpu
from jax.experimental.pallas import tpu_sc as plsc

N = 10000
R = 10240
E = 320000
NT = 32
NB = 80
EP = NT * NB * 128
DUMP = N
DH = 16
DO = 10

_MESH = plsc.VectorSubcoreMesh(
    core_axis_name="c", subcore_axis_name="s", num_cores=2, num_subcores=16
)


@functools.partial(
    pl.kernel,
    out_type=jax.ShapeDtypeStruct((NT, R // 128, 128), jnp.float32),
    mesh=_MESH,
    compiler_params=pltpu.CompilerParams(needs_layout_passes=False),
    scratch_types=[
        pltpu.VMEM((NB, 128), jnp.int32),
        pltpu.VMEM((R // 128, 128), jnp.float32),
    ],
)
def _sc_deg(dst_hbm, degp_hbm, dstv, ldeg):
    c = lax.axis_index("c")
    s = lax.axis_index("s")
    tid = c * 16 + s
    zeros = jnp.zeros((16,), jnp.float32)

    pltpu.sync_copy(dst_hbm.at[tid], dstv)

    def zero_row(i, carry):
        for kk in range(8):
            ldeg[i, pl.ds(kk * 16, 16)] = zeros
        return carry

    lax.fori_loop(0, R // 128, zero_row, 0)

    def accum(jj, carry):
        for kk in range(8):
            d = dstv[jj, pl.ds(kk * 16, 16)]
            cnt, last = plsc.scan_count(d)
            plsc.addupdate_scatter(
                ldeg,
                [lax.shift_right_logical(d, 7), lax.bitwise_and(d, 127)],
                cnt.astype(jnp.float32),
                mask=last,
            )
        return carry

    lax.fori_loop(0, NB, accum, 0)
    pltpu.sync_copy(ldeg, degp_hbm.at[tid])


@functools.partial(
    pl.kernel,
    out_type=jax.ShapeDtypeStruct((2, R, DH), jnp.float32),
    mesh=_MESH,
    compiler_params=pltpu.CompilerParams(use_tc_tiling_on_sc=False),
    scratch_types=[
        pltpu.VMEM((NB, 128), jnp.int32),
        pltpu.VMEM((NB, 128), jnp.int32),
        pltpu.VMEM((16, 128, DH), jnp.float32),
        pltpu.SemaphoreType.DMA,
        pltpu.SemaphoreType.DMA,
        pltpu.VMEM_SHARED((R, DH), jnp.float32),
        pltpu.VMEM_SHARED((R, DH), jnp.float32),
    ],
)
def _sc_msg(hs_hbm, src_hbm, dst_hbm, msgp_hbm, srcv, dstv, rows, gsem, ssem,
            acc, hs_sh):
    c = lax.axis_index("c")
    s = lax.axis_index("s")
    tid = c * 16 + s
    zeros = jnp.zeros((16,), jnp.float32)

    pltpu.sync_copy(src_hbm.at[tid], srcv)
    pltpu.sync_copy(dst_hbm.at[tid], dstv)
    base = s * (R // 16)
    pltpu.sync_copy(hs_hbm.at[pl.ds(base, R // 16)],
                    hs_sh.at[pl.ds(base, R // 16)])

    def zero_row(i, carry):
        rows[0, i, :] = zeros
        return carry

    lax.fori_loop(0, 128, zero_row, 0)

    def zero_sl(q, carry):
        pltpu.sync_copy(rows.at[0], acc.at[pl.ds(base + q * 128, 128)])
        return carry

    lax.fori_loop(0, R // 16 // 128, zero_sl, 0)
    plsc.subcore_barrier()

    def gather8(j, base, sem):
        for b in range(8):
            pltpu.async_copy(hs_sh.at[srcv.at[j + b]], rows.at[base + b], sem)

    def drain8(j, base, sem):
        for b in range(8):
            pltpu.make_async_copy(hs_sh.at[srcv.at[j + b]], rows.at[base + b],
                                  sem).wait()

    def scatter8(j, base, sem):
        for b in range(8):
            pltpu.async_copy(rows.at[base + b], acc.at[dstv.at[j + b]], sem,
                             add=True)

    def sdrain8(j, base, sem):
        for b in range(8):
            pltpu.make_async_copy(rows.at[base + b], acc.at[dstv.at[j + b]],
                                  sem).wait()

    gather8(0, 0, gsem)
    nsteps = NB // 16

    def step(o, carry):
        jA = o * 16
        jB = jA + 8
        drain8(jA, 0, gsem)
        scatter8(jA, 0, ssem)
        gather8(jB, 8, gsem)
        sdrain8(jA, 0, ssem)
        drain8(jB, 8, gsem)
        scatter8(jB, 8, ssem)

        @pl.when(o < nsteps - 1)
        def _():
            gather8(jA + 16, 0, gsem)

        sdrain8(jB, 8, ssem)
        return carry

    lax.fori_loop(0, nsteps, step, 0)

    plsc.subcore_barrier()

    @pl.when(s == 0)
    def _():
        pltpu.sync_copy(acc, msgp_hbm.at[c])


def _tc_mm_body(x_ref, w1_ref, h_ref):
    h_ref[...] = jnp.dot(x_ref[...], w1_ref[...],
                         preferred_element_type=jnp.float32)


def _tc0_body(degp_ref, dinv_ref):
    deg = jnp.sum(degp_ref[...], axis=0) + 1.0
    dinv_ref[...] = lax.rsqrt(jnp.maximum(deg, 1.0))


def _tc1_body(h_ref, dinvc_ref, hs1_ref, dinv_ref):
    dinv16 = jnp.broadcast_to(dinvc_ref[...], (R, DH))
    hs1_ref[...] = h_ref[...] * dinv16
    dinv_ref[...] = dinv16


def _tc2_body(msgp_ref, hs1_ref, dinv_ref, b1_ref, w2_ref, hs2_ref):
    msg = msgp_ref[0] + msgp_ref[1]
    pre = dinv_ref[...] * (msg + hs1_ref[...]) + b1_ref[...]
    out1 = jnp.maximum(pre, 0.0)
    h2 = jnp.dot(out1, w2_ref[...], preferred_element_type=jnp.float32)
    hs2_ref[...] = h2 * dinv_ref[...]


def _tc3_body(msgp_ref, hs2_ref, dinv_ref, b2_ref, out_ref):
    msg = msgp_ref[0] + msgp_ref[1]
    z = dinv_ref[...] * (msg + hs2_ref[...]) + b2_ref[...]
    col = lax.broadcasted_iota(jnp.int32, (1, DH), 1)
    z = jnp.where(col < DO, z, -1e30)
    m = jnp.max(z, axis=1, keepdims=True)
    ssum = jnp.sum(jnp.exp(z - m), axis=1, keepdims=True)
    out_ref[...] = z - m - jnp.log(ssum)


def kernel(x, edge_index, W1, b1, W2, b2):
    src = edge_index[0].astype(jnp.int32)
    dst = edge_index[1].astype(jnp.int32)
    pad = EP - E
    srcp = jnp.concatenate([src, jnp.zeros((pad,), jnp.int32)]).reshape(
        NT, NB, 128)
    dstp = jnp.concatenate([dst, jnp.full((pad,), DUMP, jnp.int32)]).reshape(
        NT, NB, 128)
    xp = jnp.pad(x.astype(jnp.float32), ((0, R - N), (0, 0)))
    w2p = jnp.pad(W2, ((0, 0), (0, DH - DO)))
    b1r = b1.reshape(1, DH)
    b2r = jnp.pad(b2, (0, DH - DO)).reshape(1, DH)

    h1 = pl.pallas_call(
        _tc_mm_body,
        out_shape=jax.ShapeDtypeStruct((R, DH), jnp.float32),
    )(xp, W1)

    degp = _sc_deg(dstp)

    dinvc = pl.pallas_call(
        _tc0_body,
        out_shape=jax.ShapeDtypeStruct((R // 128, 128), jnp.float32),
    )(degp).reshape(R, 1)

    hs1, dinv = pl.pallas_call(
        _tc1_body,
        out_shape=[
            jax.ShapeDtypeStruct((R, DH), jnp.float32),
            jax.ShapeDtypeStruct((R, DH), jnp.float32),
        ],
    )(h1, dinvc)

    msgp1 = _sc_msg(hs1, srcp, dstp)

    hs2 = pl.pallas_call(
        _tc2_body,
        out_shape=jax.ShapeDtypeStruct((R, DH), jnp.float32),
    )(msgp1, hs1, dinv, b1r, w2p)

    msgp2 = _sc_msg(hs2, srcp, dstp)

    out16 = pl.pallas_call(
        _tc3_body,
        out_shape=jax.ShapeDtypeStruct((R, DH), jnp.float32),
    )(msgp2, hs2, dinv, b2r)

    return out16[:N, :DO]

# --- scband reference (transcript-rebuilt; emitter-appended) ---
"""Pipeline reference for scband-net-86457691669085 (READ-ONLY COPY).

The authoritative reference and input builder live on the scoring server;
editing this copy changes nothing except your own understanding.
"""

import jax, jax.numpy as jnp
import numpy as np

N_NODES = 10000
N_EDGES = 320000
D_FEAT = 128
D_HID = 16
D_OUT = 10


def gcn_conv(x, edge_index, W, b):
    # GCNConv: x' = D^-1/2 (A + I) D^-1/2 (x W) + b
    N = x.shape[0]
    src = edge_index[0]
    dst = edge_index[1]
    loop = jnp.arange(N, dtype=src.dtype)
    src = jnp.concatenate([src, loop])
    dst = jnp.concatenate([dst, loop])
    deg = jnp.zeros((N,), dtype=x.dtype).at[dst].add(1.0)
    dinv = 1.0 / jnp.sqrt(jnp.clip(deg, 1.0))
    norm = dinv[src] * dinv[dst]
    h = x @ W
    msg = h[src] * norm[:, None]
    out = jax.ops.segment_sum(msg, dst, num_segments=N)
    return out + b


def setup_inputs(seed: int = 0) -> dict:
    key = jax.random.key(seed)
    k1, k2, k3, k4, k5, k6 = jax.random.split(key, 6)
    x = jax.random.normal(k1, (N_NODES, D_FEAT), dtype=jnp.float32)
    edge_index = jax.random.randint(k2, (2, N_EDGES), 0, N_NODES, dtype=jnp.int64)
    W1 = jax.random.normal(k3, (D_FEAT, D_HID), dtype=jnp.float32) * (1.0 / np.sqrt(D_FEAT))
    b1 = jnp.zeros((D_HID,), dtype=jnp.float32)
    W2 = jax.random.normal(k4, (D_HID, D_OUT), dtype=jnp.float32) * (1.0 / np.sqrt(D_HID))
    b2 = jnp.zeros((D_OUT,), dtype=jnp.float32)
    return {"x": x, "edge_index": edge_index, "W1": W1, "b1": b1, "W2": W2, "b2": b2}


def reference(x, edge_index, W1, b1, W2, b2):
    h = gcn_conv(x, edge_index, W1, b1)
    h = jax.nn.relu(h)
    # dropout is identity in eval mode (training=False)
    out = gcn_conv(h, edge_index, W2, b2)
    return jax.nn.log_softmax(out, axis=1)

if __name__ == "__main__":
    import jax
    _d = setup_inputs()
    print(jax.jit(kernel)(*tuple(_d.values())))

</pallas_src>

<mosaic_0001>
#map = affine_map<(d0, d1) -> (0, 0, 0)>
module attributes {stable_mosaic.version = 14 : i64} {
  func.func @_sc_deg(%arg0: i32, %arg1: i32, %arg2: memref<32x80x128xi32, #tpu.memory_space<hbm>>, %arg3: memref<32x80x128xf32, #tpu.memory_space<hbm>>, %arg4: memref<80x128xi32, #tpu.memory_space<vmem>>, %arg5: memref<80x128xf32, #tpu.memory_space<vmem>>) attributes {dimension_semantics = [#tpu.dimension_semantics<core_parallel>, #tpu.dimension_semantics<subcore_parallel>], iteration_bounds = array<i64: 2, 16>, scalar_prefetch = 0 : i64, scratch_operands = 2 : i64, tpu.core_type = #tpu.core_type<sc_vector_subcore>, window_params = [{transform_indices = #map}, {transform_indices = #map}]} {
    %mul3A = arith.constant 16 : i32
    %mul3A_0 = arith.muli %arg0, %mul3A : i32
    %add3A = arith.addi %mul3A_0, %arg1 : i32
    %broadcast_in_dim3A = arith.constant 0.000000e+00 : f32
    %broadcast_in_dim3A_1 = vector.broadcast %broadcast_in_dim3A : f32 to vector<16xf32>
    "tpu.region"() ({
      %run_scoped3A = tpu.sem_alloc : memref<!tpu.dma_semaphore, #tpu.memory_space<semaphore_mem>>
      %dma_start3A = arith.constant 0 : i32
      %dma_start3A_13 = arith.constant 0 : i32
      %dma_start3A_14 = tpu.memref_slice %arg2[%add3A, %dma_start3A, %dma_start3A_13] : memref<32x80x128xi32, #tpu.memory_space<hbm>> -> memref<1x80x128xi32, #tpu.memory_space<hbm>>
      %dma_start3A_15 = tpu.memref_squeeze %dma_start3A_14 : memref<1x80x128xi32, #tpu.memory_space<hbm>> -> memref<80x128xi32, #tpu.memory_space<hbm>>
      %dma_start3A_16 = arith.constant 0 : i32
      %dma_start3A_17 = arith.constant 0 : i32
      %dma_start3A_18 = tpu.memref_slice %arg2[%add3A, %dma_start3A_16, %dma_start3A_17] : memref<32x80x128xi32, #tpu.memory_space<hbm>> -> memref<1x80x128xi32, #tpu.memory_space<hbm>>
      %dma_start3A_19 = tpu.memref_squeeze %dma_start3A_18 : memref<1x80x128xi32, #tpu.memory_space<hbm>> -> memref<80x128xi32, #tpu.memory_space<hbm>>
      tpu.enqueue_dma source(%dma_start3A_19 : memref<80x128xi32, #tpu.memory_space<hbm>>) target(%arg4 : memref<80x128xi32, #tpu.memory_space<vmem>>) target_semaphore(%run_scoped3A : memref<!tpu.dma_semaphore, #tpu.memory_space<semaphore_mem>>)
      %dma_wait3A = arith.constant 0 : i32
      %dma_wait3A_20 = arith.constant 0 : i32
      %dma_wait3A_21 = tpu.memref_slice %arg2[%add3A, %dma_wait3A, %dma_wait3A_20] : memref<32x80x128xi32, #tpu.memory_space<hbm>> -> memref<1x80x128xi32, #tpu.memory_space<hbm>>
      %dma_wait3A_22 = tpu.memref_squeeze %dma_wait3A_21 : memref<1x80x128xi32, #tpu.memory_space<hbm>> -> memref<80x128xi32, #tpu.memory_space<hbm>>
      %dma_wait3A_23 = arith.constant 0 : i32
      %dma_wait3A_24 = arith.constant 0 : i32
      %dma_wait3A_25 = tpu.memref_slice %arg2[%add3A, %dma_wait3A_23, %dma_wait3A_24] : memref<32x80x128xi32, #tpu.memory_space<hbm>> -> memref<1x80x128xi32, #tpu.memory_space<hbm>>
      %dma_wait3A_26 = tpu.memref_squeeze %dma_wait3A_25 : memref<1x80x128xi32, #tpu.memory_space<hbm>> -> memref<80x128xi32, #tpu.memory_space<hbm>>
      tpu.wait_dma2 semaphore(%run_scoped3A : memref<!tpu.dma_semaphore, #tpu.memory_space<semaphore_mem>>) src(%dma_wait3A_26 : memref<80x128xi32, #tpu.memory_space<hbm>>) dst(%arg4 : memref<80x128xi32, #tpu.memory_space<vmem>>)
      tpu.yield
    }) : () -> ()
    %scan3A = arith.constant 0 : i32
    %scan3A_2 = arith.constant 0 : i32
    %scan3A_3 = arith.constant 80 : i32
    %scan3A_4 = arith.addi %scan3A_2, %scan3A_3 : i32
    %scan3A_5 = arith.constant 1 : i32
    scf.for %scan3A_13 = %scan3A_2 to %scan3A_4 step %scan3A_5  : i32 {
      %swap3A = arith.index_cast %scan3A_13 : i32 to index
      %swap3A_14 = arith.constant 0 : index
      %swap3A_15 = tpu.vector_load %arg5[%swap3A, %swap3A_14] {strides = array<i32>} : memref<80x128xf32, #tpu.memory_space<vmem>>, vector<16xf32>,
      tpu.vector_store %arg5[%swap3A, %swap3A_14], %broadcast_in_dim3A_1 {strides = array<i32>} : memref<80x128xf32, #tpu.memory_space<vmem>>, vector<16xf32>,
      %swap3A_16 = arith.index_cast %scan3A_13 : i32 to index
      %swap3A_17 = arith.constant 16 : index
      %swap3A_18 = tpu.vector_load %arg5[%swap3A_16, %swap3A_17] {strides = array<i32>} : memref<80x128xf32, #tpu.memory_space<vmem>>, vector<16xf32>,
      tpu.vector_store %arg5[%swap3A_16, %swap3A_17], %broadcast_in_dim3A_1 {strides = array<i32>} : memref<80x128xf32, #tpu.memory_space<vmem>>, vector<16xf32>,
      %swap3A_19 = arith.index_cast %scan3A_13 : i32 to index
      %swap3A_20 = arith.constant 32 : index
      %swap3A_21 = tpu.vector_load %arg5[%swap3A_19, %swap3A_20] {strides = array<i32>} : memref<80x128xf32, #tpu.memory_space<vmem>>, vector<16xf32>,
      tpu.vector_store %arg5[%swap3A_19, %swap3A_20], %broadcast_in_dim3A_1 {strides = array<i32>} : memref<80x128xf32, #tpu.memory_space<vmem>>, vector<16xf32>,
      %swap3A_22 = arith.index_cast %scan3A_13 : i32 to index
      %swap3A_23 = arith.constant 48 : index
      %swap3A_24 = tpu.vector_load %arg5[%swap3A_22, %swap3A_23] {strides = array<i32>} : memref<80x128xf32, #tpu.memory_space<vmem>>, vector<16xf32>,
      tpu.vector_store %arg5[%swap3A_22, %swap3A_23], %broadcast_in_dim3A_1 {strides = array<i32>} : memref<80x128xf32, #tpu.memory_space<vmem>>, vector<16xf32>,
      %swap3A_25 = arith.index_cast %scan3A_13 : i32 to index
      %swap3A_26 = arith.constant 64 : index
      %swap3A_27 = tpu.vector_load %arg5[%swap3A_25, %swap3A_26] {strides = array<i32>} : memref<80x128xf32, #tpu.memory_space<vmem>>, vector<16xf32>,
      tpu.vector_store %arg5[%swap3A_25, %swap3A_26], %broadcast_in_dim3A_1 {strides = array<i32>} : memref<80x128xf32, #tpu.memory_space<vmem>>, vector<16xf32>,
      %swap3A_28 = arith.index_cast %scan3A_13 : i32 to index
      %swap3A_29 = arith.constant 80 : index
      %swap3A_30 = tpu.vector_load %arg5[%swap3A_28, %swap3A_29] {strides = array<i32>} : memref<80x128xf32, #tpu.memory_space<vmem>>, vector<16xf32>,
      tpu.vector_store %arg5[%swap3A_28, %swap3A_29], %broadcast_in_dim3A_1 {strides = array<i32>} : memref<80x128xf32, #tpu.memory_space<vmem>>, vector<16xf32>,
      %swap3A_31 = arith.index_cast %scan3A_13 : i32 to index
      %swap3A_32 = arith.constant 96 : index
      %swap3A_33 = tpu.vector_load %arg5[%swap3A_31, %swap3A_32] {strides = array<i32>} : memref<80x128xf32, #tpu.memory_space<vmem>>, vector<16xf32>,
      tpu.vector_store %arg5[%swap3A_31, %swap3A_32], %broadcast_in_dim3A_1 {strides = array<i32>} : memref<80x128xf32, #tpu.memory_space<vmem>>, vector<16xf32>,
      %swap3A_34 = arith.index_cast %scan3A_13 : i32 to index
      %swap3A_35 = arith.constant 112 : index
      %swap3A_36 = tpu.vector_load %arg5[%swap3A_34, %swap3A_35] {strides = array<i32>} : memref<80x128xf32, #tpu.memory_space<vmem>>, vector<16xf32>,
      tpu.vector_store %arg5[%swap3A_34, %swap3A_35], %broadcast_in_dim3A_1 {strides = array<i32>} : memref<80x128xf32, #tpu.memory_space<vmem>>, vector<16xf32>,
    }
    %scan3A_6 = arith.constant 80 : i32
    %scan3A_7 = arith.constant 0 : i32
    %scan3A_8 = arith.constant 0 : i32
    %scan3A_9 = arith.constant 80 : i32
    %scan3A_10 = arith.addi %scan3A_8, %scan3A_9 : i32
    %scan3A_11 = arith.constant 1 : i32
    scf.for %scan3A_13 = %scan3A_8 to %scan3A_10 step %scan3A_11  : i32 {
      %get3A = arith.index_cast %scan3A_13 : i32 to index
      %get3A_14 = arith.constant 0 : index
      %get3A_15 = tpu.vector_load %arg4[%get3A, %get3A_14] {strides = array<i32>} : memref<80x128xi32, #tpu.memory_space<vmem>>, vector<16xi32>,
      %broadcast_in_dim3A_16 = arith.constant true
      %broadcast_in_dim3A_17 = vector.broadcast %broadcast_in_dim3A_16 : i1 to vector<16xi1>
      %unique3A, %unique3A_18 = tpu.scan_count mask(%broadcast_in_dim3A_17 : vector<16xi1>) value(%get3A_15 : vector<16xi32>) : vector<16xi1>, vector<16xi32>
      %shift_right_logical3A = arith.constant 7 : i32
      %shift_right_logical3A_19 = vector.broadcast %shift_right_logical3A : i32 to vector<16xi32>
      %shift_right_logical3A_20 = arith.shrui %get3A_15, %shift_right_logical3A_19 : vector<16xi32>
      %and3A = arith.constant 127 : i32
      %and3A_21 = vector.broadcast %and3A : i32 to vector<16xi32>
      %and3A_22 = arith.andi %get3A_15, %and3A_21 : vector<16xi32>
      %convert_element_type3A = arith.sitofp %unique3A_18 : vector<16xi32> to vector<16xf32>
      tpu.vector_store_idx %arg5[%shift_right_logical3A_20, %and3A_22], %convert_element_type3A masked %unique3A {add = true} : memref<80x128xf32, #tpu.memory_space<vmem>>[vector<16xi32>, vector<16xi32>], vector<16xf32>, vector<16xi1>
      %get3A_23 = arith.index_cast %scan3A_13 : i32 to index
      %get3A_24 = arith.constant 16 : index
      %get3A_25 = tpu.vector_load %arg4[%get3A_23, %get3A_24] {strides = array<i32>} : memref<80x128xi32, #tpu.memory_space<vmem>>, vector<16xi32>,
      %broadcast_in_dim3A_26 = arith.constant true
      %broadcast_in_dim3A_27 = vector.broadcast %broadcast_in_dim3A_26 : i1 to vector<16xi1>
      %unique3A_28, %unique3A_29 = tpu.scan_count mask(%broadcast_in_dim3A_27 : vector<16xi1>) value(%get3A_25 : vector<16xi32>) : vector<16xi1>, vector<16xi32>
      %shift_right_logical3A_30 = arith.constant 7 : i32
      %shift_right_logical3A_31 = vector.broadcast %shift_right_logical3A_30 : i32 to vector<16xi32>
      %shift_right_logical3A_32 = arith.shrui %get3A_25, %shift_right_logical3A_31 : vector<16xi32>
      %and3A_33 = arith.constant 127 : i32
      %and3A_34 = vector.broadcast %and3A_33 : i32 to vector<16xi32>
      %and3A_35 = arith.andi %get3A_25, %and3A_34 : vector<16xi32>
      %convert_element_type3A_36 = arith.sitofp %unique3A_29 : vector<16xi32> to vector<16xf32>
      tpu.vector_store_idx %arg5[%shift_right_logical3A_32, %and3A_35], %convert_element_type3A_36 masked %unique3A_28 {add = true} : memref<80x128xf32, #tpu.memory_space<vmem>>[vector<16xi32>, vector<16xi32>], vector<16xf32>, vector<16xi1>
      %get3A_37 = arith.index_cast %scan3A_13 : i32 to index
      %get3A_38 = arith.constant 32 : index
      %get3A_39 = tpu.vector_load %arg4[%get3A_37, %get3A_38] {strides = array<i32>} : memref<80x128xi32, #tpu.memory_space<vmem>>, vector<16xi32>,
      %broadcast_in_dim3A_40 = arith.constant true
      %broadcast_in_dim3A_41 = vector.broadcast %broadcast_in_dim3A_40 : i1 to vector<16xi1>
      %unique3A_42, %unique3A_43 = tpu.scan_count mask(%broadcast_in_dim3A_41 : vector<16xi1>) value(%get3A_39 : vector<16xi32>) : vector<16xi1>, vector<16xi32>
      %shift_right_logical3A_44 = arith.constant 7 : i32
      %shift_right_logical3A_45 = vector.broadcast %shift_right_logical3A_44 : i32 to vector<16xi32>
      %shift_right_logical3A_46 = arith.shrui %get3A_39, %shift_right_logical3A_45 : vector<16xi32>
      %and3A_47 = arith.constant 127 : i32
      %and3A_48 = vector.broadcast %and3A_47 : i32 to vector<16xi32>
      %and3A_49 = arith.andi %get3A_39, %and3A_48 : vector<16xi32>
      %convert_element_type3A_50 = arith.sitofp %unique3A_43 : vector<16xi32> to vector<16xf32>
      tpu.vector_store_idx %arg5[%shift_right_logical3A_46, %and3A_49], %convert_element_type3A_50 masked %unique3A_42 {add = true} : memref<80x128xf32, #tpu.memory_space<vmem>>[vector<16xi32>, vector<16xi32>], vector<16xf32>, vector<16xi1>
      %get3A_51 = arith.index_cast %scan3A_13 : i32 to index
      %get3A_52 = arith.constant 48 : index
      %get3A_53 = tpu.vector_load %arg4[%get3A_51, %get3A_52] {strides = array<i32>} : memref<80x128xi32, #tpu.memory_space<vmem>>, vector<16xi32>,
      %broadcast_in_dim3A_54 = arith.constant true
      %broadcast_in_dim3A_55 = vector.broadcast %broadcast_in_dim3A_54 : i1 to vector<16xi1>
      %unique3A_56, %unique3A_57 = tpu.scan_count mask(%broadcast_in_dim3A_55 : vector<16xi1>) value(%get3A_53 : vector<16xi32>) : vector<16xi1>, vector<16xi32>
      %shift_right_logical3A_58 = arith.constant 7 : i32
      %shift_right_logical3A_59 = vector.broadcast %shift_right_logical3A_58 : i32 to vector<16xi32>
      %shift_right_logical3A_60 = arith.shrui %get3A_53, %shift_right_logical3A_59 : vector<16xi32>
      %and3A_61 = arith.constant 127 : i32
      %and3A_62 = vector.broadcast %and3A_61 : i32 to vector<16xi32>
      %and3A_63 = arith.andi %get3A_53, %and3A_62 : vector<16xi32>
      %convert_element_type3A_64 = arith.sitofp %unique3A_57 : vector<16xi32> to vector<16xf32>
      tpu.vector_store_idx %arg5[%shift_right_logical3A_60, %and3A_63], %convert_element_type3A_64 masked %unique3A_56 {add = true} : memref<80x128xf32, #tpu.memory_space<vmem>>[vector<16xi32>, vector<16xi32>], vector<16xf32>, vector<16xi1>
      %get3A_65 = arith.index_cast %scan3A_13 : i32 to index
      %get3A_66 = arith.constant 64 : index
      %get3A_67 = tpu.vector_load %arg4[%get3A_65, %get3A_66] {strides = array<i32>} : memref<80x128xi32, #tpu.memory_space<vmem>>, vector<16xi32>,
      %broadcast_in_dim3A_68 = arith.constant true
      %broadcast_in_dim3A_69 = vector.broadcast %broadcast_in_dim3A_68 : i1 to vector<16xi1>
      %unique3A_70, %unique3A_71 = tpu.scan_count mask(%broadcast_in_dim3A_69 : vector<16xi1>) value(%get3A_67 : vector<16xi32>) : vector<16xi1>, vector<16xi32>
      %shift_right_logical3A_72 = arith.constant 7 : i32
      %shift_right_logical3A_73 = vector.broadcast %shift_right_logical3A_72 : i32 to vector<16xi32>
      %shift_right_logical3A_74 = arith.shrui %get3A_67, %shift_right_logical3A_73 : vector<16xi32>
      %and3A_75 = arith.constant 127 : i32
      %and3A_76 = vector.broadcast %and3A_75 : i32 to vector<16xi32>
      %and3A_77 = arith.andi %get3A_67, %and3A_76 : vector<16xi32>
      %convert_element_type3A_78 = arith.sitofp %unique3A_71 : vector<16xi32> to vector<16xf32>
      tpu.vector_store_idx %arg5[%shift_right_logical3A_74, %and3A_77], %convert_element_type3A_78 masked %unique3A_70 {add = true} : memref<80x128xf32, #tpu.memory_space<vmem>>[vector<16xi32>, vector<16xi32>], vector<16xf32>, vector<16xi1>
      %get3A_79 = arith.index_cast %scan3A_13 : i32 to index
      %get3A_80 = arith.constant 80 : index
      %get3A_81 = tpu.vector_load %arg4[%get3A_79, %get3A_80] {strides = array<i32>} : memref<80x128xi32, #tpu.memory_space<vmem>>, vector<16xi32>,
      %broadcast_in_dim3A_82 = arith.constant true
      %broadcast_in_dim3A_83 = vector.broadcast %broadcast_in_dim3A_82 : i1 to vector<16xi1>
      %unique3A_84, %unique3A_85 = tpu.scan_count mask(%broadcast_in_dim3A_83 : vector<16xi1>) value(%get3A_81 : vector<16xi32>) : vector<16xi1>, vector<16xi32>
      %shift_right_logical3A_86 = arith.constant 7 : i32
      %shift_right_logical3A_87 = vector.broadcast %shift_right_logical3A_86 : i32 to vector<16xi32>
      %shift_right_logical3A_88 = arith.shrui %get3A_81, %shift_right_logical3A_87 : vector<16xi32>
      %and3A_89 = arith.constant 127 : i32
      %and3A_90 = vector.broadcast %and3A_89 : i32 to vector<16xi32>
      %and3A_91 = arith.andi %get3A_81, %and3A_90 : vector<16xi32>
      %convert_element_type3A_92 = arith.sitofp %unique3A_85 : vector<16xi32> to vector<16xf32>
      tpu.vector_store_idx %arg5[%shift_right_logical3A_88, %and3A_91], %convert_element_type3A_92 masked %unique3A_84 {add = true} : memref<80x128xf32, #tpu.memory_space<vmem>>[vector<16xi32>, vector<16xi32>], vector<16xf32>, vector<16xi1>
      %get3A_93 = arith.index_cast %scan3A_13 : i32 to index
      %get3A_94 = arith.constant 96 : index
      %get3A_95 = tpu.vector_load %arg4[%get3A_93, %get3A_94] {strides = array<i32>} : memref<80x128xi32, #tpu.memory_space<vmem>>, vector<16xi32>,
      %broadcast_in_dim3A_96 = arith.constant true
      %broadcast_in_dim3A_97 = vector.broadcast %broadcast_in_dim3A_96 : i1 to vector<16xi1>
      %unique3A_98, %unique3A_99 = tpu.scan_count mask(%broadcast_in_dim3A_97 : vector<16xi1>) value(%get3A_95 : vector<16xi32>) : vector<16xi1>, vector<16xi32>
      %shift_right_logical3A_100 = arith.constant 7 : i32
      %shift_right_logical3A_101 = vector.broadcast %shift_right_logical3A_100 : i32 to vector<16xi32>
      %shift_right_logical3A_102 = arith.shrui %get3A_95, %shift_right_logical3A_101 : vector<16xi32>
      %and3A_103 = arith.constant 127 : i32
      %and3A_104 = vector.broadcast %and3A_103 : i32 to vector<16xi32>
      %and3A_105 = arith.andi %get3A_95, %and3A_104 : vector<16xi32>
      %convert_element_type3A_106 = arith.sitofp %unique3A_99 : vector<16xi32> to vector<16xf32>
      tpu.vector_store_idx %arg5[%shift_right_logical3A_102, %and3A_105], %convert_element_type3A_106 masked %unique3A_98 {add = true} : memref<80x128xf32, #tpu.memory_space<vmem>>[vector<16xi32>, vector<16xi32>], vector<16xf32>, vector<16xi1>
      %get3A_107 = arith.index_cast %scan3A_13 : i32 to index
      %get3A_108 = arith.constant 112 : index
      %get3A_109 = tpu.vector_load %arg4[%get3A_107, %get3A_108] {strides = array<i32>} : memref<80x128xi32, #tpu.memory_space<vmem>>, vector<16xi32>,
      %broadcast_in_dim3A_110 = arith.constant true
      %broadcast_in_dim3A_111 = vector.broadcast %broadcast_in_dim3A_110 : i1 to vector<16xi1>
      %unique3A_112, %unique3A_113 = tpu.scan_count mask(%broadcast_in_dim3A_111 : vector<16xi1>) value(%get3A_109 : vector<16xi32>) : vector<16xi1>, vector<16xi32>
      %shift_right_logical3A_114 = arith.constant 7 : i32
      %shift_right_logical3A_115 = vector.broadcast %shift_right_logical3A_114 : i32 to vector<16xi32>
      %shift_right_logical3A_116 = arith.shrui %get3A_109, %shift_right_logical3A_115 : vector<16xi32>
      %and3A_117 = arith.constant 127 : i32
      %and3A_118 = vector.broadcast %and3A_117 : i32 to vector<16xi32>
      %and3A_119 = arith.andi %get3A_109, %and3A_118 : vector<16xi32>
      %convert_element_type3A_120 = arith.sitofp %unique3A_113 : vector<16xi32> to vector<16xf32>
      tpu.vector_store_idx %arg5[%shift_right_logical3A_116, %and3A_119], %convert_element_type3A_120 masked %unique3A_112 {add = true} : memref<80x128xf32, #tpu.memory_space<vmem>>[vector<16xi32>, vector<16xi32>], vector<16xf32>, vector<16xi1>
    }
    %scan3A_12 = arith.constant 80 : i32
    "tpu.region"() ({
      %run_scoped3A = tpu.sem_alloc : memref<!tpu.dma_semaphore, #tpu.memory_space<semaphore_mem>>
      %dma_start3A = arith.constant 0 : i32
      %dma_start3A_13 = arith.constant 0 : i32
      %dma_start3A_14 = tpu.memref_slice %arg3[%add3A, %dma_start3A, %dma_start3A_13] : memref<32x80x128xf32, #tpu.memory_space<hbm>> -> memref<1x80x128xf32, #tpu.memory_space<hbm>>
      %dma_start3A_15 = tpu.memref_squeeze %dma_start3A_14 : memref<1x80x128xf32, #tpu.memory_space<hbm>> -> memref<80x128xf32, #tpu.memory_space<hbm>>
      %dma_start3A_16 = arith.constant 0 : i32
      %dma_start3A_17 = arith.constant 0 : i32
      %dma_start3A_18 = tpu.memref_slice %arg3[%add3A, %dma_start3A_16, %dma_start3A_17] : memref<32x80x128xf32, #tpu.memory_space<hbm>> -> memref<1x80x128xf32, #tpu.memory_space<hbm>>
      %dma_start3A_19 = tpu.memref_squeeze %dma_start3A_18 : memref<1x80x128xf32, #tpu.memory_space<hbm>> -> memref<80x128xf32, #tpu.memory_space<hbm>>
      tpu.enqueue_dma source(%arg5 : memref<80x128xf32, #tpu.memory_space<vmem>>) target(%dma_start3A_19 : memref<80x128xf32, #tpu.memory_space<hbm>>) target_semaphore(%run_scoped3A : memref<!tpu.dma_semaphore, #tpu.memory_space<semaphore_mem>>)
      %dma_wait3A = arith.constant 0 : i32
      %dma_wait3A_20 = arith.constant 0 : i32
      %dma_wait3A_21 = tpu.memref_slice %arg3[%add3A, %dma_wait3A, %dma_wait3A_20] : memref<32x80x128xf32, #tpu.memory_space<hbm>> -> memref<1x80x128xf32, #tpu.memory_space<hbm>>
      %dma_wait3A_22 = tpu.memref_squeeze %dma_wait3A_21 : memref<1x80x128xf32, #tpu.memory_space<hbm>> -> memref<80x128xf32, #tpu.memory_space<hbm>>
      %dma_wait3A_23 = arith.constant 0 : i32
      %dma_wait3A_24 = arith.constant 0 : i32
      %dma_wait3A_25 = tpu.memref_slice %arg3[%add3A, %dma_wait3A_23, %dma_wait3A_24] : memref<32x80x128xf32, #tpu.memory_space<hbm>> -> memref<1x80x128xf32, #tpu.memory_space<hbm>>
      %dma_wait3A_26 = tpu.memref_squeeze %dma_wait3A_25 : memref<1x80x128xf32, #tpu.memory_space<hbm>> -> memref<80x128xf32, #tpu.memory_space<hbm>>
      tpu.wait_dma2 semaphore(%run_scoped3A : memref<!tpu.dma_semaphore, #tpu.memory_space<semaphore_mem>>) src(%arg5 : memref<80x128xf32, #tpu.memory_space<vmem>>) dst(%dma_wait3A_26 : memref<80x128xf32, #tpu.memory_space<hbm>>)
      tpu.yield
    }) : () -> ()
    return
  }
}

#map = affine_map<(d0, d1) -> (0, 0)>
#map1 = affine_map<(d0, d1) -> (0, 0, 0)>
module attributes {stable_mosaic.version = 14 : i64} {
  func.func @_sc_msg(%arg0: i32, %arg1: i32, %arg2: memref<10240x16xf32, #tpu.memory_space<hbm>>, %arg3: memref<32x80x128xi32, #tpu.memory_space<hbm>>, %arg4: memref<32x80x128xi32, #tpu.memory_space<hbm>>, %arg5: memref<2x10240x16xf32, #tpu.memory_space<hbm>>, %arg6: memref<80x128xi32, #tpu.memory_space<vmem>>, %arg7: memref<80x128xi32, #tpu.memory_space<vmem>>, %arg8: memref<16x128x16xf32, #tpu.memory_space<vmem>>, %arg9: memref<!tpu.dma_semaphore, #tpu.memory_space<semaphore_mem>>, %arg10: memref<!tpu.dma_semaphore, #tpu.memory_space<semaphore_mem>>, %arg11: memref<10240x16xf32, #tpu.memory_space<vmem_shared>>, %arg12: memref<10240x16xf32, #tpu.memory_space<vmem_shared>>) attributes {dimension_semantics = [#tpu.dimension_semantics<core_parallel>, #tpu.dimension_semantics<subcore_parallel>], iteration_bounds = array<i64: 2, 16>, scalar_prefetch = 0 : i64, scratch_operands = 7 : i64, tpu.core_type = #tpu.core_type<sc_vector_subcore>, window_params = [{transform_indices = #map}, {transform_indices = #map1}, {transform_indices = #map1}, {transform_indices = #map1}]} {
    %mul3A = arith.constant 16 : i32
    %mul3A_0 = arith.muli %arg0, %mul3A : i32
    %add3A = arith.addi %mul3A_0, %arg1 : i32
    %broadcast_in_dim3A = arith.constant 0.000000e+00 : f32
    %broadcast_in_dim3A_1 = vector.broadcast %broadcast_in_dim3A : f32 to vector<16xf32>
    "tpu.region"() ({
      %run_scoped3A = tpu.sem_alloc : memref<!tpu.dma_semaphore, #tpu.memory_space<semaphore_mem>>
      %dma_start3A_119 = arith.constant 0 : i32
      %dma_start3A_120 = arith.constant 0 : i32
      %dma_start3A_121 = tpu.memref_slice %arg3[%add3A, %dma_start3A_119, %dma_start3A_120] : memref<32x80x128xi32, #tpu.memory_space<hbm>> -> memref<1x80x128xi32, #tpu.memory_space<hbm>>
      %dma_start3A_122 = tpu.memref_squeeze %dma_start3A_121 : memref<1x80x128xi32, #tpu.memory_space<hbm>> -> memref<80x128xi32, #tpu.memory_space<hbm>>
      %dma_start3A_123 = arith.constant 0 : i32
      %dma_start3A_124 = arith.constant 0 : i32
      %dma_start3A_125 = tpu.memref_slice %arg3[%add3A, %dma_start3A_123, %dma_start3A_124] : memref<32x80x128xi32, #tpu.memory_space<hbm>> -> memref<1x80x128xi32, #tpu.memory_space<hbm>>
      %dma_start3A_126 = tpu.memref_squeeze %dma_start3A_125 : memref<1x80x128xi32, #tpu.memory_space<hbm>> -> memref<80x128xi32, #tpu.memory_space<hbm>>
      tpu.enqueue_dma source(%dma_start3A_126 : memref<80x128xi32, #tpu.memory_space<hbm>>) target(%arg6 : memref<80x128xi32, #tpu.memory_space<vmem>>) target_semaphore(%run_scoped3A : memref<!tpu.dma_semaphore, #tpu.memory_space<semaphore_mem>>)
      %dma_wait3A = arith.constant 0 : i32
      %dma_wait3A_127 = arith.constant 0 : i32
      %dma_wait3A_128 = tpu.memref_slice %arg3[%add3A, %dma_wait3A, %dma_wait3A_127] : memref<32x80x128xi32, #tpu.memory_space<hbm>> -> memref<1x80x128xi32, #tpu.memory_space<hbm>>
      %dma_wait3A_129 = tpu.memref_squeeze %dma_wait3A_128 : memref<1x80x128xi32, #tpu.memory_space<hbm>> -> memref<80x128xi32, #tpu.memory_space<hbm>>
      %dma_wait3A_130 = arith.constant 0 : i32
      %dma_wait3A_131 = arith.constant 0 : i32
      %dma_wait3A_132 = tpu.memref_slice %arg3[%add3A, %dma_wait3A_130, %dma_wait3A_131] : memref<32x80x128xi32, #tpu.memory_space<hbm>> -> memref<1x80x128xi32, #tpu.memory_space<hbm>>
      %dma_wait3A_133 = tpu.memref_squeeze %dma_wait3A_132 : memref<1x80x128xi32, #tpu.memory_space<hbm>> -> memref<80x128xi32, #tpu.memory_space<hbm>>
      tpu.wait_dma2 semaphore(%run_scoped3A : memref<!tpu.dma_semaphore, #tpu.memory_space<semaphore_mem>>) src(%dma_wait3A_133 : memref<80x128xi32, #tpu.memory_space<hbm>>) dst(%arg6 : memref<80x128xi32, #tpu.memory_space<vmem>>)
      tpu.yield
    }) : () -> ()
    "tpu.region"() ({
      %run_scoped3A = tpu.sem_alloc : memref<!tpu.dma_semaphore, #tpu.memory_space<semaphore_mem>>
      %dma_start3A_119 = arith.constant 0 : i32
      %dma_start3A_120 = arith.constant 0 : i32
      %dma_start3A_121 = tpu.memref_slice %arg4[%add3A, %dma_start3A_119, %dma_start3A_120] : memref<32x80x128xi32, #tpu.memory_space<hbm>> -> memref<1x80x128xi32, #tpu.memory_space<hbm>>
      %dma_start3A_122 = tpu.memref_squeeze %dma_start3A_121 : memref<1x80x128xi32, #tpu.memory_space<hbm>> -> memref<80x128xi32, #tpu.memory_space<hbm>>
      %dma_start3A_123 = arith.constant 0 : i32
      %dma_start3A_124 = arith.constant 0 : i32
      %dma_start3A_125 = tpu.memref_slice %arg4[%add3A, %dma_start3A_123, %dma_start3A_124] : memref<32x80x128xi32, #tpu.memory_space<hbm>> -> memref<1x80x128xi32, #tpu.memory_space<hbm>>
      %dma_start3A_126 = tpu.memref_squeeze %dma_start3A_125 : memref<1x80x128xi32, #tpu.memory_space<hbm>> -> memref<80x128xi32, #tpu.memory_space<hbm>>
      tpu.enqueue_dma source(%dma_start3A_126 : memref<80x128xi32, #tpu.memory_space<hbm>>) target(%arg7 : memref<80x128xi32, #tpu.memory_space<vmem>>) target_semaphore(%run_scoped3A : memref<!tpu.dma_semaphore, #tpu.memory_space<semaphore_mem>>)
      %dma_wait3A = arith.constant 0 : i32
      %dma_wait3A_127 = arith.constant 0 : i32
      %dma_wait3A_128 = tpu.memref_slice %arg4[%add3A, %dma_wait3A, %dma_wait3A_127] : memref<32x80x128xi32, #tpu.memory_space<hbm>> -> memref<1x80x128xi32, #tpu.memory_space<hbm>>
      %dma_wait3A_129 = tpu.memref_squeeze %dma_wait3A_128 : memref<1x80x128xi32, #tpu.memory_space<hbm>> -> memref<80x128xi32, #tpu.memory_space<hbm>>
      %dma_wait3A_130 = arith.constant 0 : i32
      %dma_wait3A_131 = arith.constant 0 : i32
      %dma_wait3A_132 = tpu.memref_slice %arg4[%add3A, %dma_wait3A_130, %dma_wait3A_131] : memref<32x80x128xi32, #tpu.memory_space<hbm>> -> memref<1x80x128xi32, #tpu.memory_space<hbm>>
      %dma_wait3A_133 = tpu.memref_squeeze %dma_wait3A_132 : memref<1x80x128xi32, #tpu.memory_space<hbm>> -> memref<80x128xi32, #tpu.memory_space<hbm>>
      tpu.wait_dma2 semaphore(%run_scoped3A : memref<!tpu.dma_semaphore, #tpu.memory_space<semaphore_mem>>) src(%dma_wait3A_133 : memref<80x128xi32, #tpu.memory_space<hbm>>) dst(%arg7 : memref<80x128xi32, #tpu.memory_space<vmem>>)
      tpu.yield
    }) : () -> ()
    %mul3A_2 = arith.constant 640 : i32
    %mul3A_3 = arith.muli %arg1, %mul3A_2 : i32
    "tpu.region"() ({
      %run_scoped3A = tpu.sem_alloc : memref<!tpu.dma_semaphore, #tpu.memory_space<semaphore_mem>>
      %dma_start3A_119 = arith.constant 0 : i32
      %dma_start3A_120 = tpu.memref_slice %arg12[%mul3A_3, %dma_start3A_119] : memref<10240x16xf32, #tpu.memory_space<vmem_shared>> -> memref<640x16xf32, #tpu.memory_space<vmem_shared>>
      %dma_start3A_121 = arith.constant 0 : i32
      %dma_start3A_122 = tpu.memref_slice %arg2[%mul3A_3, %dma_start3A_121] : memref<10240x16xf32, #tpu.memory_space<hbm>> -> memref<640x16xf32, #tpu.memory_space<hbm>>
      tpu.enqueue_dma source(%dma_start3A_122 : memref<640x16xf32, #tpu.memory_space<hbm>>) target(%dma_start3A_120 : memref<640x16xf32, #tpu.memory_space<vmem_shared>>) target_semaphore(%run_scoped3A : memref<!tpu.dma_semaphore, #tpu.memory_space<semaphore_mem>>)
      %dma_wait3A = arith.constant 0 : i32
      %dma_wait3A_123 = tpu.memref_slice %arg12[%mul3A_3, %dma_wait3A] : memref<10240x16xf32, #tpu.memory_space<vmem_shared>> -> memref<640x16xf32, #tpu.memory_space<vmem_shared>>
      %dma_wait3A_124 = arith.constant 0 : i32
      %dma_wait3A_125 = tpu.memref_slice %arg2[%mul3A_3, %dma_wait3A_124] : memref<10240x16xf32, #tpu.memory_space<hbm>> -> memref<640x16xf32, #tpu.memory_space<hbm>>
      tpu.wait_dma2 semaphore(%run_scoped3A : memref<!tpu.dma_semaphore, #tpu.memory_space<semaphore_mem>>) src(%dma_wait3A_125 : memref<640x16xf32, #tpu.memory_space<hbm>>) dst(%dma_wait3A_123 : memref<640x16xf32, #tpu.memory_space<vmem_shared>>)
      tpu.yield
    }) : () -> ()
    %scan3A = arith.constant 0 : i32
    %scan3A_4 = arith.constant 0 : i32
    %scan3A_5 = arith.constant 128 : i32
    %scan3A_6 = arith.addi %scan3A_4, %scan3A_5 : i32
    %scan3A_7 = arith.constant 1 : i32
    scf.for %scan3A_119 = %scan3A_4 to %scan3A_6 step %scan3A_7  : i32 {
      %swap3A = arith.constant 0 : i32
      %swap3A_120 = arith.index_cast %swap3A : i32 to index
      %swap3A_121 = arith.index_cast %scan3A_119 : i32 to index
      %swap3A_122 = arith.constant 0 : index
      %swap3A_123 = tpu.vector_load %arg8[%swap3A_120, %swap3A_121, %swap3A_122] {strides = array<i32>} : memref<16x128x16xf32, #tpu.memory_space<vmem>>, vector<1x1x16xf32>,
      %swap3A_124 = vector.shape_cast %swap3A_123 : vector<1x1x16xf32> to vector<16xf32>
      %swap3A_125 = vector.shape_cast %broadcast_in_dim3A_1 : vector<16xf32> to vector<1x1x16xf32>
      tpu.vector_store %arg8[%swap3A_120, %swap3A_121, %swap3A_122], %swap3A_125 {strides = array<i32>} : memref<16x128x16xf32, #tpu.memory_space<vmem>>, vector<1x1x16xf32>,
    }
    %scan3A_8 = arith.constant 128 : i32
    %scan3A_9 = arith.constant 0 : i32
    %scan3A_10 = arith.constant 0 : i32
    %scan3A_11 = arith.constant 5 : i32
    %scan3A_12 = arith.addi %scan3A_10, %scan3A_11 : i32
    %scan3A_13 = arith.constant 1 : i32
    scf.for %scan3A_119 = %scan3A_10 to %scan3A_12 step %scan3A_13  : i32 {
      %mul3A_120 = arith.constant 128 : i32
      %mul3A_121 = arith.muli %scan3A_119, %mul3A_120 : i32
      %add3A_122 = arith.addi %mul3A_3, %mul3A_121 : i32
      %run_scoped3A = arith.constant 0 : i32
      "tpu.region"() ({
        %run_scoped3A_123 = tpu.sem_alloc : memref<!tpu.dma_semaphore, #tpu.memory_space<semaphore_mem>>
        %dma_start3A_124 = arith.constant 0 : i32
        %dma_start3A_125 = arith.constant 0 : i32
        %dma_start3A_126 = tpu.memref_slice %arg8[%run_scoped3A, %dma_start3A_124, %dma_start3A_125] : memref<16x128x16xf32, #tpu.memory_space<vmem>> -> memref<1x128x16xf32, #tpu.memory_space<vmem>>
        %dma_start3A_127 = tpu.memref_squeeze %dma_start3A_126 : memref<1x128x16xf32, #tpu.memory_space<vmem>> -> memref<128x16xf32, #tpu.memory_space<vmem>>
        %dma_start3A_128 = arith.constant 0 : i32
        %dma_start3A_129 = tpu.memref_slice %arg11[%add3A_122, %dma_start3A_128] : memref<10240x16xf32, #tpu.memory_space<vmem_shared>> -> memref<128x16xf32, #tpu.memory_space<vmem_shared>>
        %dma_start3A_130 = arith.constant 0 : i32
        %dma_start3A_131 = tpu.memref_slice %arg11[%add3A_122, %dma_start3A_130] : memref<10240x16xf32, #tpu.memory_space<vmem_shared>> -> memref<128x16xf32, #tpu.memory_space<vmem_shared>>
        %dma_start3A_132 = arith.constant 0 : i32
        %dma_start3A_133 = arith.constant 0 : i32
        %dma_start3A_134 = tpu.memref_slice %arg8[%run_scoped3A, %dma_start3A_132, %dma_start3A_133] : memref<16x128x16xf32, #tpu.memory_space<vmem>> -> memref<1x128x16xf32, #tpu.memory_space<vmem>>
        %dma_start3A_135 = tpu.memref_squeeze %dma_start3A_134 : memref<1x128x16xf32, #tpu.memory_space<vmem>> -> memref<128x16xf32, #tpu.memory_space<vmem>>
        tpu.enqueue_dma source(%dma_start3A_135 : memref<128x16xf32, #tpu.memory_space<vmem>>) target(%dma_start3A_131 : memref<128x16xf32, #tpu.memory_space<vmem_shared>>) target_semaphore(%run_scoped3A_123 : memref<!tpu.dma_semaphore, #tpu.memory_space<semaphore_mem>>)
        %dma_wait3A = arith.constant 0 : i32
        %dma_wait3A_136 = arith.constant 0 : i32
        %dma_wait3A_137 = tpu.memref_slice %arg8[%run_scoped3A, %dma_wait3A, %dma_wait3A_136] : memref<16x128x16xf32, #tpu.memory_space<vmem>> -> memref<1x128x16xf32, #tpu.memory_space<vmem>>
        %dma_wait3A_138 = tpu.memref_squeeze %dma_wait3A_137 : memref<1x128x16xf32, #tpu.memory_space<vmem>> -> memref<128x16xf32, #tpu.memory_space<vmem>>
        %dma_wait3A_139 = arith.constant 0 : i32
        %dma_wait3A_140 = tpu.memref_slice %arg11[%add3A_122, %dma_wait3A_139] : memref<10240x16xf32, #tpu.memory_space<vmem_shared>> -> memref<128x16xf32, #tpu.memory_space<vmem_shared>>
        %dma_wait3A_141 = arith.constant 0 : i32
        %dma_wait3A_142 = tpu.memref_slice %arg11[%add3A_122, %dma_wait3A_141] : memref<10240x16xf32, #tpu.memory_space<vmem_shared>> -> memref<128x16xf32, #tpu.memory_space<vmem_shared>>
        %dma_wait3A_143 = arith.constant 0 : i32
        %dma_wait3A_144 = arith.constant 0 : i32
        %dma_wait3A_145 = tpu.memref_slice %arg8[%run_scoped3A, %dma_wait3A_143, %dma_wait3A_144] : memref<16x128x16xf32, #tpu.memory_space<vmem>> -> memref<1x128x16xf32, #tpu.memory_space<vmem>>
        %dma_wait3A_146 = tpu.memref_squeeze %dma_wait3A_145 : memref<1x128x16xf32, #tpu.memory_space<vmem>> -> memref<128x16xf32, #tpu.memory_space<vmem>>
        tpu.wait_dma2 semaphore(%run_scoped3A_123 : memref<!tpu.dma_semaphore, #tpu.memory_space<semaphore_mem>>) src(%dma_wait3A_146 : memref<128x16xf32, #tpu.memory_space<vmem>>) dst(%dma_wait3A_142 : memref<128x16xf32, #tpu.memory_space<vmem_shared>>)
        tpu.yield
      }) : () -> ()
    }
    %scan3A_14 = arith.constant 5 : i32
    %barrier3A = arith.constant 0 : index
    tpu.barrier barrier_id(%barrier3A)
    %dma_start3A = arith.constant 0 : i32
    %dma_start3A_15 = arith.constant 0 : i32
    %dma_start3A_16 = arith.constant 0 : i32
    %dma_start3A_17 = arith.constant 0 : i32
    %dma_start3A_18 = tpu.memref_slice %arg8[%dma_start3A_15, %dma_start3A_16, %dma_start3A_17] : memref<16x128x16xf32, #tpu.memory_space<vmem>> -> memref<1x128x16xf32, #tpu.memory_space<vmem>>
    %dma_start3A_19 = tpu.memref_squeeze %dma_start3A_18 : memref<1x128x16xf32, #tpu.memory_space<vmem>> -> memref<128x16xf32, #tpu.memory_space<vmem>>
    %dma_start3A_20 = arith.constant 0 : i32
    %dma_start3A_21 = tpu.memref_slice %arg6[%dma_start3A, %dma_start3A_20] : memref<80x128xi32, #tpu.memory_space<vmem>> -> memref<1x128xi32, #tpu.memory_space<vmem>>
    %dma_start3A_22 = tpu.memref_squeeze %dma_start3A_21 : memref<1x128xi32, #tpu.memory_space<vmem>> -> memref<128xi32, #tpu.memory_space<vmem>>
    %dma_start3A_23 = arith.constant 0 : i32
    %dma_start3A_24 = arith.constant 0 : i32
    %dma_start3A_25 = tpu.memref_slice %arg12[%dma_start3A_23, %dma_start3A_24] : memref<10240x16xf32, #tpu.memory_space<vmem_shared>> -> memref<10240x16xf32, #tpu.memory_space<vmem_shared>>
    tpu.enqueue_indirect_dma source(%dma_start3A_25 : memref<10240x16xf32, #tpu.memory_space<vmem_shared>>) target(%dma_start3A_19 : memref<128x16xf32, #tpu.memory_space<vmem>>) offsets(%dma_start3A_22 : memref<128xi32, #tpu.memory_space<vmem>>) semaphore(%arg9 : memref<!tpu.dma_semaphore, #tpu.memory_space<semaphore_mem>>)
    %dma_start3A_26 = arith.constant 1 : i32
    %dma_start3A_27 = arith.constant 1 : i32
    %dma_start3A_28 = arith.constant 0 : i32
    %dma_start3A_29 = arith.constant 0 : i32
    %dma_start3A_30 = tpu.memref_slice %arg8[%dma_start3A_27, %dma_start3A_28, %dma_start3A_29] : memref<16x128x16xf32, #tpu.memory_space<vmem>> -> memref<1x128x16xf32, #tpu.memory_space<vmem>>
    %dma_start3A_31 = tpu.memref_squeeze %dma_start3A_30 : memref<1x128x16xf32, #tpu.memory_space<vmem>> -> memref<128x16xf32, #tpu.memory_space<vmem>>
    %dma_start3A_32 = arith.constant 0 : i32
    %dma_start3A_33 = tpu.memref_slice %arg6[%dma_start3A_26, %dma_start3A_32] : memref<80x128xi32, #tpu.memory_space<vmem>> -> memref<1x128xi32, #tpu.memory_space<vmem>>
    %dma_start3A_34 = tpu.memref_squeeze %dma_start3A_33 : memref<1x128xi32, #tpu.memory_space<vmem>> -> memref<128xi32, #tpu.memory_space<vmem>>
    %dma_start3A_35 = arith.constant 0 : i32
    %dma_start3A_36 = arith.constant 0 : i32
    %dma_start3A_37 = tpu.memref_slice %arg12[%dma_start3A_35, %dma_start3A_36] : memref<10240x16xf32, #tpu.memory_space<vmem_shared>> -> memref<10240x16xf32, #tpu.memory_space<vmem_shared>>
    tpu.enqueue_indirect_dma source(%dma_start3A_37 : memref<10240x16xf32, #tpu.memory_space<vmem_shared>>) target(%dma_start3A_31 : memref<128x16xf32, #tpu.memory_space<vmem>>) offsets(%dma_start3A_34 : memref<128xi32, #tpu.memory_space<vmem>>) semaphore(%arg9 : memref<!tpu.dma_semaphore, #tpu.memory_space<semaphore_mem>>)
    %dma_start3A_38 = arith.constant 2 : i32
    %dma_start3A_39 = arith.constant 2 : i32
    %dma_start3A_40 = arith.constant 0 : i32
    %dma_start3A_41 = arith.constant 0 : i32
    %dma_start3A_42 = tpu.memref_slice %arg8[%dma_start3A_39, %dma_start3A_40, %dma_start3A_41] : memref<16x128x16xf32, #tpu.memory_space<vmem>> -> memref<1x128x16xf32, #tpu.memory_space<vmem>>
    %dma_start3A_43 = tpu.memref_squeeze %dma_start3A_42 : memref<1x128x16xf32, #tpu.memory_space<vmem>> -> memref<128x16xf32, #tpu.memory_space<vmem>>
    %dma_start3A_44 = arith.constant 0 : i32
    %dma_start3A_45 = tpu.memref_slice %arg6[%dma_start3A_38, %dma_start3A_44] : memref<80x128xi32, #tpu.memory_space<vmem>> -> memref<1x128xi32, #tpu.memory_space<vmem>>
    %dma_start3A_46 = tpu.memref_squeeze %dma_start3A_45 : memref<1x128xi32, #tpu.memory_space<vmem>> -> memref<128xi32, #tpu.memory_space<vmem>>
    %dma_start3A_47 = arith.constant 0 : i32
    %dma_start3A_48 = arith.constant 0 : i32
    %dma_start3A_49 = tpu.memref_slice %arg12[%dma_start3A_47, %dma_start3A_48] : memref<10240x16xf32, #tpu.memory_space<vmem_shared>> -> memref<10240x16xf32, #tpu.memory_space<vmem_shared>>
    tpu.enqueue_indirect_dma source(%dma_start3A_49 : memref<10240x16xf32, #tpu.memory_space<vmem_shared>>) target(%dma_start3A_43 : memref<128x16xf32, #tpu.memory_space<vmem>>) offsets(%dma_start3A_46 : memref<128xi32, #tpu.memory_space<vmem>>) semaphore(%arg9 : memref<!tpu.dma_semaphore, #tpu.memory_space<semaphore_mem>>)
    %dma_start3A_50 = arith.constant 3 : i32
    %dma_start3A_51 = arith.constant 3 : i32
    %dma_start3A_52 = arith.constant 0 : i32
    %dma_start3A_53 = arith.constant 0 : i32
    %dma_start3A_54 = tpu.memref_slice %arg8[%dma_start3A_51, %dma_start3A_52, %dma_start3A_53] : memref<16x128x16xf32, #tpu.memory_space<vmem>> -> memref<1x128x16xf32, #tpu.memory_space<vmem>>
    %dma_start3A_55 = tpu.memref_squeeze %dma_start3A_54 : memref<1x128x16xf32, #tpu.memory_space<vmem>> -> memref<128x16xf32, #tpu.memory_space<vmem>>
    %dma_start3A_56 = arith.constant 0 : i32
    %dma_start3A_57 = tpu.memref_slice %arg6[%dma_start3A_50, %dma_start3A_56] : memref<80x128xi32, #tpu.memory_space<vmem>> -> memref<1x128xi32, #tpu.memory_space<vmem>>
    %dma_start3A_58 = tpu.memref_squeeze %dma_start3A_57 : memref<1x128xi32, #tpu.memory_space<vmem>> -> memref<128xi32, #tpu.memory_space<vmem>>
    %dma_start3A_59 = arith.constant 0 : i32
    %dma_start3A_60 = arith.constant 0 : i32
    %dma_start3A_61 = tpu.memref_slice %arg12[%dma_start3A_59, %dma_start3A_60] : memref<10240x16xf32, #tpu.memory_space<vmem_shared>> -> memref<10240x16xf32, #tpu.memory_space<vmem_shared>>
    tpu.enqueue_indirect_dma source(%dma_start3A_61 : memref<10240x16xf32, #tpu.memory_space<vmem_shared>>) target(%dma_start3A_55 : memref<128x16xf32, #tpu.memory_space<vmem>>) offsets(%dma_start3A_58 : memref<128xi32, #tpu.memory_space<vmem>>) semaphore(%arg9 : memref<!tpu.dma_semaphore, #tpu.memory_space<semaphore_mem>>)
    %dma_start3A_62 = arith.constant 4 : i32
    %dma_start3A_63 = arith.constant 4 : i32
    %dma_start3A_64 = arith.constant 0 : i32
    %dma_start3A_65 = arith.constant 0 : i32
    %dma_start3A_66 = tpu.memref_slice %arg8[%dma_start3A_63, %dma_start3A_64, %dma_start3A_65] : memref<16x128x16xf32, #tpu.memory_space<vmem>> -> memref<1x128x16xf32, #tpu.memory_space<vmem>>
    %dma_start3A_67 = tpu.memref_squeeze %dma_start3A_66 : memref<1x128x16xf32, #tpu.memory_space<vmem>> -> memref<128x16xf32, #tpu.memory_space<vmem>>
    %dma_start3A_68 = arith.constant 0 : i32
    %dma_start3A_69 = tpu.memref_slice %arg6[%dma_start3A_62, %dma_start3A_68] : memref<80x128xi32, #tpu.memory_space<vmem>> -> memref<1x128xi32, #tpu.memory_space<vmem>>
    %dma_start3A_70 = tpu.memref_squeeze %dma_start3A_69 : memref<1x128xi32, #tpu.memory_space<vmem>> -> memref<128xi32, #tpu.memory_space<vmem>>
    %dma_start3A_71 = arith.constant 0 : i32
    %dma_start3A_72 = arith.constant 0 : i32
    %dma_start3A_73 = tpu.memref_slice %arg12[%dma_start3A_71, %dma_start3A_72] : memref<10240x16xf32, #tpu.memory_space<vmem_shared>> -> memref<10240x16xf32, #tpu.memory_space<vmem_shared>>
    tpu.enqueue_indirect_dma source(%dma_start3A_73 : memref<10240x16xf32, #tpu.memory_space<vmem_shared>>) target(%dma_start3A_67 : memref<128x16xf32, #tpu.memory_space<vmem>>) offsets(%dma_start3A_70 : memref<128xi32, #tpu.memory_space<vmem>>) semaphore(%arg9 : memref<!tpu.dma_semaphore, #tpu.memory_space<semaphore_mem>>)
    %dma_start3A_74 = arith.constant 5 : i32
    %dma_start3A_75 = arith.constant 5 : i32
    %dma_start3A_76 = arith.constant 0 : i32
    %dma_start3A_77 = arith.constant 0 : i32
    %dma_start3A_78 = tpu.memref_slice %arg8[%dma_start3A_75, %dma_start3A_76, %dma_start3A_77] : memref<16x128x16xf32, #tpu.memory_space<vmem>> -> memref<1x128x16xf32, #tpu.memory_space<vmem>>
    %dma_start3A_79 = tpu.memref_squeeze %dma_start3A_78 : memref<1x128x16xf32, #tpu.memory_space<vmem>> -> memref<128x16xf32, #tpu.memory_space<vmem>>
    %dma_start3A_80 = arith.constant 0 : i32
    %dma_start3A_81 = tpu.memref_slice %arg6[%dma_start3A_74, %dma_start3A_80] : memref<80x128xi32, #tpu.memory_space<vmem>> -> memref<1x128xi32, #tpu.memory_space<vmem>>
    %dma_start3A_82 = tpu.memref_squeeze %dma_start3A_81 : memref<1x128xi32, #tpu.memory_space<vmem>> -> memref<128xi32, #tpu.memory_space<vmem>>
    %dma_start3A_83 = arith.constant 0 : i32
    %dma_start3A_84 = arith.constant 0 : i32
    %dma_start3A_85 = tpu.memref_slice %arg12[%dma_start3A_83, %dma_start3A_84] : memref<10240x16xf32, #tpu.memory_space<vmem_shared>> -> memref<10240x16xf32, #tpu.memory_space<vmem_shared>>
    tpu.enqueue_indirect_dma source(%dma_start3A_85 : memref<10240x16xf32, #tpu.memory_space<vmem_shared>>) target(%dma_start3A_79 : memref<128x16xf32, #tpu.memory_space<vmem>>) offsets(%dma_start3A_82 : memref<128xi32, #tpu.memory_space<vmem>>) semaphore(%arg9 : memref<!tpu.dma_semaphore, #tpu.memory_space<semaphore_mem>>)
    %dma_start3A_86 = arith.constant 6 : i32
    %dma_start3A_87 = arith.constant 6 : i32
    %dma_start3A_88 = arith.constant 0 : i32
    %dma_start3A_89 = arith.constant 0 : i32
    %dma_start3A_90 = tpu.memref_slice %arg8[%dma_start3A_87, %dma_start3A_88, %dma_start3A_89] : memref<16x128x16xf32, #tpu.memory_space<vmem>> -> memref<1x128x16xf32, #tpu.memory_space<vmem>>
    %dma_start3A_91 = tpu.memref_squeeze %dma_start3A_90 : memref<1x128x16xf32, #tpu.memory_space<vmem>> -> memref<128x16xf32, #tpu.memory_space<vmem>>
    %dma_start3A_92 = arith.constant 0 : i32
    %dma_start3A_93 = tpu.memref_slice %arg6[%dma_start3A_86, %dma_start3A_92] : memref<80x128xi32, #tpu.memory_space<vmem>> -> memref<1x128xi32, #tpu.memory_space<vmem>>
    %dma_start3A_94 = tpu.memref_squeeze %dma_start3A_93 : memref<1x128xi32, #tpu.memory_space<vmem>> -> memref<128xi32, #tpu.memory_space<vmem>>
    %dma_start3A_95 = arith.constant 0 : i32
    %dma_start3A_96 = arith.constant 0 : i32
    %dma_start3A_97 = tpu.memref_slice %arg12[%dma_start3A_95, %dma_start3A_96] : memref<10240x16xf32, #tpu.memory_space<vmem_shared>> -> memref<10240x16xf32, #tpu.memory_space<vmem_shared>>
    tpu.enqueue_indirect_dma source(%dma_start3A_97 : memref<10240x16xf32, #tpu.memory_space<vmem_shared>>) target(%dma_start3A_91 : memref<128x16xf32, #tpu.memory_space<vmem>>) offsets(%dma_start3A_94 : memref<128xi32, #tpu.memory_space<vmem>>) semaphore(%arg9 : memref<!tpu.dma_semaphore, #tpu.memory_space<semaphore_mem>>)
    %dma_start3A_98 = arith.constant 7 : i32
    %dma_start3A_99 = arith.constant 7 : i32
    %dma_start3A_100 = arith.constant 0 : i32
    %dma_start3A_101 = arith.constant 0 : i32
    %dma_start3A_102 = tpu.memref_slice %arg8[%dma_start3A_99, %dma_start3A_100, %dma_start3A_101] : memref<16x128x16xf32, #tpu.memory_space<vmem>> -> memref<1x128x16xf32, #tpu.memory_space<vmem>>
    %dma_start3A_103 = tpu.memref_squeeze %dma_start3A_102 : memref<1x128x16xf32, #tpu.memory_space<vmem>> -> memref<128x16xf32, #tpu.memory_space<vmem>>
    %dma_start3A_104 = arith.constant 0 : i32
    %dma_start3A_105 = tpu.memref_slice %arg6[%dma_start3A_98, %dma_start3A_104] : memref<80x128xi32, #tpu.memory_space<vmem>> -> memref<1x128xi32, #tpu.memory_space<vmem>>
    %dma_start3A_106 = tpu.memref_squeeze %dma_start3A_105 : memref<1x128xi32, #tpu.memory_space<vmem>> -> memref<128xi32, #tpu.memory_space<vmem>>
    %dma_start3A_107 = arith.constant 0 : i32
    %dma_start3A_108 = arith.constant 0 : i32
    %dma_start3A_109 = tpu.memref_slice %arg12[%dma_start3A_107, %dma_start3A_108] : memref<10240x16xf32, #tpu.memory_space<vmem_shared>> -> memref<10240x16xf32, #tpu.memory_space<vmem_shared>>
    tpu.enqueue_indirect_dma source(%dma_start3A_109 : memref<10240x16xf32, #tpu.memory_space<vmem_shared>>) target(%dma_start3A_103 : memref<128x16xf32, #tpu.memory_space<vmem>>) offsets(%dma_start3A_106 : memref<128xi32, #tpu.memory_space<vmem>>) semaphore(%arg9 : memref<!tpu.dma_semaphore, #tpu.memory_space<semaphore_mem>>)
    %scan3A_110 = arith.constant 0 : i32
    %scan3A_111 = arith.constant 0 : i32
    %scan3A_112 = arith.constant 5 : i32
    %scan3A_113 = arith.addi %scan3A_111, %scan3A_112 : i32
    %scan3A_114 = arith.constant 1 : i32
    scf.for %scan3A_119 = %scan3A_111 to %scan3A_113 step %scan3A_114  : i32 {
      %mul3A_120 = arith.constant 16 : i32
      %mul3A_121 = arith.muli %scan3A_119, %mul3A_120 : i32
      %add3A_122 = arith.constant 8 : i32
      %add3A_123 = arith.addi %mul3A_121, %add3A_122 : i32
      %add3A_124 = arith.constant 0 : i32
      %add3A_125 = arith.addi %mul3A_121, %add3A_124 : i32
      %dma_wait3A = arith.constant 0 : i32
      %dma_wait3A_126 = arith.constant 0 : i32
      %dma_wait3A_127 = arith.constant 0 : i32
      %dma_wait3A_128 = tpu.memref_slice %arg8[%dma_wait3A, %dma_wait3A_126, %dma_wait3A_127] : memref<16x128x16xf32, #tpu.memory_space<vmem>> -> memref<1x128x16xf32, #tpu.memory_space<vmem>>
      %dma_wait3A_129 = tpu.memref_squeeze %dma_wait3A_128 : memref<1x128x16xf32, #tpu.memory_space<vmem>> -> memref<128x16xf32, #tpu.memory_space<vmem>>
      %dma_wait3A_130 = arith.constant 0 : i32
      %dma_wait3A_131 = tpu.memref_slice %arg6[%add3A_125, %dma_wait3A_130] : memref<80x128xi32, #tpu.memory_space<vmem>> -> memref<1x128xi32, #tpu.memory_space<vmem>>
      %dma_wait3A_132 = tpu.memref_squeeze %dma_wait3A_131 : memref<1x128xi32, #tpu.memory_space<vmem>> -> memref<128xi32, #tpu.memory_space<vmem>>
      %dma_wait3A_133 = arith.constant 0 : i32
      %dma_wait3A_134 = arith.constant 0 : i32
      %dma_wait3A_135 = tpu.memref_slice %arg12[%dma_wait3A_133, %dma_wait3A_134] : memref<10240x16xf32, #tpu.memory_space<vmem_shared>> -> memref<10240x16xf32, #tpu.memory_space<vmem_shared>>
      tpu.wait_indirect_dma semaphore(%arg9 : memref<!tpu.dma_semaphore, #tpu.memory_space<semaphore_mem>>) src(%dma_wait3A_135 : memref<10240x16xf32, #tpu.memory_space<vmem_shared>>) dst(%dma_wait3A_129 : memref<128x16xf32, #tpu.memory_space<vmem>>)
      %add3A_136 = arith.constant 1 : i32
      %add3A_137 = arith.addi %mul3A_121, %add3A_136 : i32
      %dma_wait3A_138 = arith.constant 1 : i32
      %dma_wait3A_139 = arith.constant 0 : i32
      %dma_wait3A_140 = arith.constant 0 : i32
      %dma_wait3A_141 = tpu.memref_slice %arg8[%dma_wait3A_138, %dma_wait3A_139, %dma_wait3A_140] : memref<16x128x16xf32, #tpu.memory_space<vmem>> -> memref<1x128x16xf32, #tpu.memory_space<vmem>>
      %dma_wait3A_142 = tpu.memref_squeeze %dma_wait3A_141 : memref<1x128x16xf32, #tpu.memory_space<vmem>> -> memref<128x16xf32, #tpu.memory_space<vmem>>
      %dma_wait3A_143 = arith.constant 0 : i32
      %dma_wait3A_144 = tpu.memref_slice %arg6[%add3A_137, %dma_wait3A_143] : memref<80x128xi32, #tpu.memory_space<vmem>> -> memref<1x128xi32, #tpu.memory_space<vmem>>
      %dma_wait3A_145 = tpu.memref_squeeze %dma_wait3A_144 : memref<1x128xi32, #tpu.memory_space<vmem>> -> memref<128xi32, #tpu.memory_space<vmem>>
      %dma_wait3A_146 = arith.constant 0 : i32
      %dma_wait3A_147 = arith.constant 0 : i32
      %dma_wait3A_148 = tpu.memref_slice %arg12[%dma_wait3A_146, %dma_wait3A_147] : memref<10240x16xf32, #tpu.memory_space<vmem_shared>> -> memref<10240x16xf32, #tpu.memory_space<vmem_shared>>
      tpu.wait_indirect_dma semaphore(%arg9 : memref<!tpu.dma_semaphore, #tpu.memory_space<semaphore_mem>>) src(%dma_wait3A_148 : memref<10240x16xf32, #tpu.memory_space<vmem_shared>>) dst(%dma_wait3A_142 : memref<128x16xf32, #tpu.memory_space<vmem>>)
      %add3A_149 = arith.constant 2 : i32
      %add3A_150 = arith.addi %mul3A_121, %add3A_149 : i32
      %dma_wait3A_151 = arith.constant 2 : i32
      %dma_wait3A_152 = arith.constant 0 : i32
      %dma_wait3A_153 = arith.constant 0 : i32
      %dma_wait3A_154 = tpu.memref_slice %arg8[%dma_wait3A_151, %dma_wait3A_152, %dma_wait3A_153] : memref<16x128x16xf32, #tpu.memory_space<vmem>> -> memref<1x128x16xf32, #tpu.memory_space<vmem>>
      %dma_wait3A_155 = tpu.memref_squeeze %dma_wait3A_154 : memref<1x128x16xf32, #tpu.memory_space<vmem>> -> memref<128x16xf32, #tpu.memory_space<vmem>>
      %dma_wait3A_156 = arith.constant 0 : i32
      %dma_wait3A_157 = tpu.memref_slice %arg6[%add3A_150, %dma_wait3A_156] : memref<80x128xi32, #tpu.memory_space<vmem>> -> memref<1x128xi32, #tpu.memory_space<vmem>>
      %dma_wait3A_158 = tpu.memref_squeeze %dma_wait3A_157 : memref<1x128xi32, #tpu.memory_space<vmem>> -> memref<128xi32, #tpu.memory_space<vmem>>
      %dma_wait3A_159 = arith.constant 0 : i32
      %dma_wait3A_160 = arith.constant 0 : i32
      %dma_wait3A_161 = tpu.memref_slice %arg12[%dma_wait3A_159, %dma_wait3A_160] : memref<10240x16xf32, #tpu.memory_space<vmem_shared>> -> memref<10240x16xf32, #tpu.memory_space<vmem_shared>>
      tpu.wait_indirect_dma semaphore(%arg9 : memref<!tpu.dma_semaphore, #tpu.memory_space<semaphore_mem>>) src(%dma_wait3A_161 : memref<10240x16xf32, #tpu.memory_space<vmem_shared>>) dst(%dma_wait3A_155 : memref<128x16xf32, #tpu.memory_space<vmem>>)
      %add3A_162 = arith.constant 3 : i32
      %add3A_163 = arith.addi %mul3A_121, %add3A_162 : i32
      %dma_wait3A_164 = arith.constant 3 : i32
      %dma_wait3A_165 = arith.constant 0 : i32
      %dma_wait3A_166 = arith.constant 0 : i32
      %dma_wait3A_167 = tpu.memref_slice %arg8[%dma_wait3A_164, %dma_wait3A_165, %dma_wait3A_166] : memref<16x128x16xf32, #tpu.memory_space<vmem>> -> memref<1x128x16xf32, #tpu.memory_space<vmem>>
      %dma_wait3A_168 = tpu.memref_squeeze %dma_wait3A_167 : memref<1x128x16xf32, #tpu.memory_space<vmem>> -> memref<128x16xf32, #tpu.memory_space<vmem>>
      %dma_wait3A_169 = arith.constant 0 : i32
      %dma_wait3A_170 = tpu.memref_slice %arg6[%add3A_163, %dma_wait3A_169] : memref<80x128xi32, #tpu.memory_space<vmem>> -> memref<1x128xi32, #tpu.memory_space<vmem>>
      %dma_wait3A_171 = tpu.memref_squeeze %dma_wait3A_170 : memref<1x128xi32, #tpu.memory_space<vmem>> -> memref<128xi32, #tpu.memory_space<vmem>>
      %dma_wait3A_172 = arith.constant 0 : i32
      %dma_wait3A_173 = arith.constant 0 : i32
      %dma_wait3A_174 = tpu.memref_slice %arg12[%dma_wait3A_172, %dma_wait3A_173] : memref<10240x16xf32, #tpu.memory_space<vmem_shared>> -> memref<10240x16xf32, #tpu.memory_space<vmem_shared>>
      tpu.wait_indirect_dma semaphore(%arg9 : memref<!tpu.dma_semaphore, #tpu.memory_space<semaphore_mem>>) src(%dma_wait3A_174 : memref<10240x16xf32, #tpu.memory_space<vmem_shared>>) dst(%dma_wait3A_168 : memref<128x16xf32, #tpu.memory_space<vmem>>)
      %add3A_175 = arith.constant 4 : i32
      %add3A_176 = arith.addi %mul3A_121, %add3A_175 : i32
      %dma_wait3A_177 = arith.constant 4 : i32
      %dma_wait3A_178 = arith.constant 0 : i32
      %dma_wait3A_179 = arith.constant 0 : i32
      %dma_wait3A_180 = tpu.memref_slice %arg8[%dma_wait3A_177, %dma_wait3A_178, %dma_wait3A_179] : memref<16x128x16xf32, #tpu.memory_space<vmem>> -> memref<1x128x16xf32, #tpu.memory_space<vmem>>
      %dma_wait3A_181 = tpu.memref_squeeze %dma_wait3A_180 : memref<1x128x16xf32, #tpu.memory_space<vmem>> -> memref<128x16xf32, #tpu.memory_space<vmem>>
      %dma_wait3A_182 = arith.constant 0 : i32
      %dma_wait3A_183 = tpu.memref_slice %arg6[%add3A_176, %dma_wait3A_182] : memref<80x128xi32, #tpu.memory_space<vmem>> -> memref<1x128xi32, #tpu.memory_space<vmem>>
      %dma_wait3A_184 = tpu.memref_squeeze %dma_wait3A_183 : memref<1x128xi32, #tpu.memory_space<vmem>> -> memref<128xi32, #tpu.memory_space<vmem>>
      %dma_wait3A_185 = arith.constant 0 : i32
      %dma_wait3A_186 = arith.constant 0 : i32
      %dma_wait3A_187 = tpu.memref_slice %arg12[%dma_wait3A_185, %dma_wait3A_186] : memref<10240x16xf32, #tpu.memory_space<vmem_shared>> -> memref<10240x16xf32, #tpu.memory_space<vmem_shared>>
      tpu.wait_indirect_dma semaphore(%arg9 : memref<!tpu.dma_semaphore, #tpu.memory_space<semaphore_mem>>) src(%dma_wait3A_187 : memref<10240x16xf32, #tpu.memory_space<vmem_shared>>) dst(%dma_wait3A_181 : memref<128x16xf32, #tpu.memory_space<vmem>>)
      %add3A_188 = arith.constant 5 : i32
      %add3A_189 = arith.addi %mul3A_121, %add3A_188 : i32
      %dma_wait3A_190 = arith.constant 5 : i32
      %dma_wait3A_191 = arith.constant 0 : i32
      %dma_wait3A_192 = arith.constant 0 : i32
      %dma_wait3A_193 = tpu.memref_slice %arg8[%dma_wait3A_190, %dma_wait3A_191, %dma_wait3A_192] : memref<16x128x16xf32, #tpu.memory_space<vmem>> -> memref<1x128x16xf32, #tpu.memory_space<vmem>>
      %dma_wait3A_194 = tpu.memref_squeeze %dma_wait3A_193 : memref<1x128x16xf32, #tpu.memory_space<vmem>> -> memref<128x16xf32, #tpu.memory_space<vmem>>
      %dma_wait3A_195 = arith.constant 0 : i32
      %dma_wait3A_196 = tpu.memref_slice %arg6[%add3A_189, %dma_wait3A_195] : memref<80x128xi32, #tpu.memory_space<vmem>> -> memref<1x128xi32, #tpu.memory_space<vmem>>
      %dma_wait3A_197 = tpu.memref_squeeze %dma_wait3A_196 : memref<1x128xi32, #tpu.memory_space<vmem>> -> memref<128xi32, #tpu.memory_space<vmem>>
      %dma_wait3A_198 = arith.constant 0 : i32
      %dma_wait3A_199 = arith.constant 0 : i32
      %dma_wait3A_200 = tpu.memref_slice %arg12[%dma_wait3A_198, %dma_wait3A_199] : memref<10240x16xf32, #tpu.memory_space<vmem_shared>> -> memref<10240x16xf32, #tpu.memory_space<vmem_shared>>
      tpu.wait_indirect_dma semaphore(%arg9 : memref<!tpu.dma_semaphore, #tpu.memory_space<semaphore_mem>>) src(%dma_wait3A_200 : memref<10240x16xf32, #tpu.memory_space<vmem_shared>>) dst(%dma_wait3A_194 : memref<128x16xf32, #tpu.memory_space<vmem>>)
      %add3A_201 = arith.constant 6 : i32
      %add3A_202 = arith.addi %mul3A_121, %add3A_201 : i32
      %dma_wait3A_203 = arith.constant 6 : i32
      %dma_wait3A_204 = arith.constant 0 : i32
      %dma_wait3A_205 = arith.constant 0 : i32
      %dma_wait3A_206 = tpu.memref_slice %arg8[%dma_wait3A_203, %dma_wait3A_204, %dma_wait3A_205] : memref<16x128x16xf32, #tpu.memory_space<vmem>> -> memref<1x128x16xf32, #tpu.memory_space<vmem>>
      %dma_wait3A_207 = tpu.memref_squeeze %dma_wait3A_206 : memref<1x128x16xf32, #tpu.memory_space<vmem>> -> memref<128x16xf32, #tpu.memory_space<vmem>>
      %dma_wait3A_208 = arith.constant 0 : i32
      %dma_wait3A_209 = tpu.memref_slice %arg6[%add3A_202, %dma_wait3A_208] : memref<80x128xi32, #tpu.memory_space<vmem>> -> memref<1x128xi32, #tpu.memory_space<vmem>>
      %dma_wait3A_210 = tpu.memref_squeeze %dma_wait3A_209 : memref<1x128xi32, #tpu.memory_space<vmem>> -> memref<128xi32, #tpu.memory_space<vmem>>
      %dma_wait3A_211 = arith.constant 0 : i32
      %dma_wait3A_212 = arith.constant 0 : i32
      %dma_wait3A_213 = tpu.memref_slice %arg12[%dma_wait3A_211, %dma_wait3A_212] : memref<10240x16xf32, #tpu.memory_space<vmem_shared>> -> memref<10240x16xf32, #tpu.memory_space<vmem_shared>>
      tpu.wait_indirect_dma semaphore(%arg9 : memref<!tpu.dma_semaphore, #tpu.memory_space<semaphore_mem>>) src(%dma_wait3A_213 : memref<10240x16xf32, #tpu.memory_space<vmem_shared>>) dst(%dma_wait3A_207 : memref<128x16xf32, #tpu.memory_space<vmem>>)
      %add3A_214 = arith.constant 7 : i32
      %add3A_215 = arith.addi %mul3A_121, %add3A_214 : i32
      %dma_wait3A_216 = arith.constant 7 : i32
      %dma_wait3A_217 = arith.constant 0 : i32
      %dma_wait3A_218 = arith.constant 0 : i32
      %dma_wait3A_219 = tpu.memref_slice %arg8[%dma_wait3A_216, %dma_wait3A_217, %dma_wait3A_218] : memref<16x128x16xf32, #tpu.memory_space<vmem>> -> memref<1x128x16xf32, #tpu.memory_space<vmem>>
      %dma_wait3A_220 = tpu.memref_squeeze %dma_wait3A_219 : memref<1x128x16xf32, #tpu.memory_space<vmem>> -> memref<128x16xf32, #tpu.memory_space<vmem>>
      %dma_wait3A_221 = arith.constant 0 : i32
      %dma_wait3A_222 = tpu.memref_slice %arg6[%add3A_215, %dma_wait3A_221] : memref<80x128xi32, #tpu.memory_space<vmem>> -> memref<1x128xi32, #tpu.memory_space<vmem>>
      %dma_wait3A_223 = tpu.memref_squeeze %dma_wait3A_222 : memref<1x128xi32, #tpu.memory_space<vmem>> -> memref<128xi32, #tpu.memory_space<vmem>>
      %dma_wait3A_224 = arith.constant 0 : i32
      %dma_wait3A_225 = arith.constant 0 : i32
      %dma_wait3A_226 = tpu.memref_slice %arg12[%dma_wait3A_224, %dma_wait3A_225] : memref<10240x16xf32, #tpu.memory_space<vmem_shared>> -> memref<10240x16xf32, #tpu.memory_space<vmem_shared>>
      tpu.wait_indirect_dma semaphore(%arg9 : memref<!tpu.dma_semaphore, #tpu.memory_space<semaphore_mem>>) src(%dma_wait3A_226 : memref<10240x16xf32, #tpu.memory_space<vmem_shared>>) dst(%dma_wait3A_220 : memref<128x16xf32, #tpu.memory_space<vmem>>)
      %add3A_227 = arith.constant 0 : i32
      %add3A_228 = arith.addi %mul3A_121, %add3A_227 : i32
      %dma_start3A_229 = arith.constant 0 : i32
      %dma_start3A_230 = arith.constant 0 : i32
      %dma_start3A_231 = arith.constant 0 : i32
      %dma_start3A_232 = tpu.memref_slice %arg8[%dma_start3A_229, %dma_start3A_230, %dma_start3A_231] : memref<16x128x16xf32, #tpu.memory_space<vmem>> -> memref<1x128x16xf32, #tpu.memory_space<vmem>>
      %dma_start3A_233 = tpu.memref_squeeze %dma_start3A_232 : memref<1x128x16xf32, #tpu.memory_space<vmem>> -> memref<128x16xf32, #tpu.memory_space<vmem>>
      %dma_start3A_234 = arith.constant 0 : i32
      %dma_start3A_235 = tpu.memref_slice %arg7[%add3A_228, %dma_start3A_234] : memref<80x128xi32, #tpu.memory_space<vmem>> -> memref<1x128xi32, #tpu.memory_space<vmem>>
      %dma_start3A_236 = tpu.memref_squeeze %dma_start3A_235 : memref<1x128xi32, #tpu.memory_space<vmem>> -> memref<128xi32, #tpu.memory_space<vmem>>
      %dma_start3A_237 = arith.constant 0 : i32
      %dma_start3A_238 = arith.constant 0 : i32
      %dma_start3A_239 = tpu.memref_slice %arg11[%dma_start3A_237, %dma_start3A_238] : memref<10240x16xf32, #tpu.memory_space<vmem_shared>> -> memref<10240x16xf32, #tpu.memory_space<vmem_shared>>
      tpu.enqueue_indirect_dma source(%dma_start3A_233 : memref<128x16xf32, #tpu.memory_space<vmem>>) target(%dma_start3A_239 : memref<10240x16xf32, #tpu.memory_space<vmem_shared>>) offsets(%dma_start3A_236 : memref<128xi32, #tpu.memory_space<vmem>>) semaphore(%arg10 : memref<!tpu.dma_semaphore, #tpu.memory_space<semaphore_mem>>) {add = true}
      %add3A_240 = arith.constant 1 : i32
      %add3A_241 = arith.addi %mul3A_121, %add3A_240 : i32
      %dma_start3A_242 = arith.constant 1 : i32
      %dma_start3A_243 = arith.constant 0 : i32
      %dma_start3A_244 = arith.constant 0 : i32
      %dma_start3A_245 = tpu.memref_slice %arg8[%dma_start3A_242, %dma_start3A_243, %dma_start3A_244] : memref<16x128x16xf32, #tpu.memory_space<vmem>> -> memref<1x128x16xf32, #tpu.memory_space<vmem>>
      %dma_start3A_246 = tpu.memref_squeeze %dma_start3A_245 : memref<1x128x16xf32, #tpu.memory_space<vmem>> -> memref<128x16xf32, #tpu.memory_space<vmem>>
      %dma_start3A_247 = arith.constant 0 : i32
      %dma_start3A_248 = tpu.memref_slice %arg7[%add3A_241, %dma_start3A_247] : memref<80x128xi32, #tpu.memory_space<vmem>> -> memref<1x128xi32, #tpu.memory_space<vmem>>
      %dma_start3A_249 = tpu.memref_squeeze %dma_start3A_248 : memref<1x128xi32, #tpu.memory_space<vmem>> -> memref<128xi32, #tpu.memory_space<vmem>>
      %dma_start3A_250 = arith.constant 0 : i32
      %dma_start3A_251 = arith.constant 0 : i32
      %dma_start3A_252 = tpu.memref_slice %arg11[%dma_start3A_250, %dma_start3A_251] : memref<10240x16xf32, #tpu.memory_space<vmem_shared>> -> memref<10240x16xf32, #tpu.memory_space<vmem_shared>>
      tpu.enqueue_indirect_dma source(%dma_start3A_246 : memref<128x16xf32, #tpu.memory_space<vmem>>) target(%dma_start3A_252 : memref<10240x16xf32, #tpu.memory_space<vmem_shared>>) offsets(%dma_start3A_249 : memref<128xi32, #tpu.memory_space<vmem>>) semaphore(%arg10 : memref<!tpu.dma_semaphore, #tpu.memory_space<semaphore_mem>>) {add = true}
      %add3A_253 = arith.constant 2 : i32
      %add3A_254 = arith.addi %mul3A_121, %add3A_253 : i32
      %dma_start3A_255 = arith.constant 2 : i32
      %dma_start3A_256 = arith.constant 0 : i32
      %dma_start3A_257 = arith.constant 0 : i32
      %dma_start3A_258 = tpu.memref_slice %arg8[%dma_start3A_255, %dma_start3A_256, %dma_start3A_257] : memref<16x128x16xf32, #tpu.memory_space<vmem>> -> memref<1x128x16xf32, #tpu.memory_space<vmem>>
      %dma_start3A_259 = tpu.memref_squeeze %dma_start3A_258 : memref<1x128x16xf32, #tpu.memory_space<vmem>> -> memref<128x16xf32, #tpu.memory_space<vmem>>
      %dma_start3A_260 = arith.constant 0 : i32
      %dma_start3A_261 = tpu.memref_slice %arg7[%add3A_254, %dma_start3A_260] : memref<80x128xi32, #tpu.memory_space<vmem>> -> memref<1x128xi32, #tpu.memory_space<vmem>>
      %dma_start3A_262 = tpu.memref_squeeze %dma_start3A_261 : memref<1x128xi32, #tpu.memory_space<vmem>> -> memref<128xi32, #tpu.memory_space<vmem>>
      %dma_start3A_263 = arith.constant 0 : i32
      %dma_start3A_264 = arith.constant 0 : i32
      %dma_start3A_265 = tpu.memref_slice %arg11[%dma_start3A_263, %dma_start3A_264] : memref<10240x16xf32, #tpu.memory_space<vmem_shared>> -> memref<10240x16xf32, #tpu.memory_space<vmem_shared>>
      tpu.enqueue_indirect_dma source(%dma_start3A_259 : memref<128x16xf32, #tpu.memory_space<vmem>>) target(%dma_start3A_265 : memref<10240x16xf32, #tpu.memory_space<vmem_shared>>) offsets(%dma_start3A_262 : memref<128xi32, #tpu.memory_space<vmem>>) semaphore(%arg10 : memref<!tpu.dma_semaphore, #tpu.memory_space<semaphore_mem>>) {add = true}
      %add3A_266 = arith.constant 3 : i32
      %add3A_267 = arith.addi %mul3A_121, %add3A_266 : i32
      %dma_start3A_268 = arith.constant 3 : i32
      %dma_start3A_269 = arith.constant 0 : i32
      %dma_start3A_270 = arith.constant 0 : i32
      %dma_start3A_271 = tpu.memref_slice %arg8[%dma_start3A_268, %dma_start3A_269, %dma_start3A_270] : memref<16x128x16xf32, #tpu.memory_space<vmem>> -> memref<1x128x16xf32, #tpu.memory_space<vmem>>
      %dma_start3A_272 = tpu.memref_squeeze %dma_start3A_271 : memref<1x128x16xf32, #tpu.memory_space<vmem>> -> memref<128x16xf32, #tpu.memory_space<vmem>>
      %dma_start3A_273 = arith.constant 0 : i32
      %dma_start3A_274 = tpu.memref_slice %arg7[%add3A_267, %dma_start3A_273] : memref<80x128xi32, #tpu.memory_space<vmem>> -> memref<1x128xi32, #tpu.memory_space<vmem>>
      %dma_start3A_275 = tpu.memref_squeeze %dma_start3A_274 : memref<1x128xi32, #tpu.memory_space<vmem>> -> memref<128xi32, #tpu.memory_space<vmem>>
      %dma_start3A_276 = arith.constant 0 : i32
      %dma_start3A_277 = arith.constant 0 : i32
      %dma_start3A_278 = tpu.memref_slice %arg11[%dma_start3A_276, %dma_start3A_277] : memref<10240x16xf32, #tpu.memory_space<vmem_shared>> -> memref<10240x16xf32, #tpu.memory_space<vmem_shared>>
      tpu.enqueue_indirect_dma source(%dma_start3A_272 : memref<128x16xf32, #tpu.memory_space<vmem>>) target(%dma_start3A_278 : memref<10240x16xf32, #tpu.memory_space<vmem_shared>>) offsets(%dma_start3A_275 : memref<128xi32, #tpu.memory_space<vmem>>) semaphore(%arg10 : memref<!tpu.dma_semaphore, #tpu.memory_space<semaphore_mem>>) {add = true}
      %add3A_279 = arith.constant 4 : i32
      %add3A_280 = arith.addi %mul3A_121, %add3A_279 : i32
      %dma_start3A_281 = arith.constant 4 : i32
      %dma_start3A_282 = arith.constant 0 : i32
      %dma_start3A_283 = arith.constant 0 : i32
      %dma_start3A_284 = tpu.memref_slice %arg8[%dma_start3A_281, %dma_start3A_282, %dma_start3A_283] : memref<16x128x16xf32, #tpu.memory_space<vmem>> -> memref<1x128x16xf32, #tpu.memory_space<vmem>>
      %dma_start3A_285 = tpu.memref_squeeze %dma_start3A_284 : memref<1x128x16xf32, #tpu.memory_space<vmem>> -> memref<128x16xf32, #tpu.memory_space<vmem>>
      %dma_start3A_286 = arith.constant 0 : i32
      %dma_start3A_287 = tpu.memref_slice %arg7[%add3A_280, %dma_start3A_286] : memref<80x128xi32, #tpu.memory_space<vmem>> -> memref<1x128xi32, #tpu.memory_space<vmem>>
      %dma_start3A_288 = tpu.memref_squeeze %dma_start3A_287 : memref<1x128xi32, #tpu.memory_space<vmem>> -> memref<128xi32, #tpu.memory_space<vmem>>
      %dma_start3A_289 = arith.constant 0 : i32
      %dma_start3A_290 = arith.constant 0 : i32
      %dma_start3A_291 = tpu.memref_slice %arg11[%dma_start3A_289, %dma_start3A_290] : memref<10240x16xf32, #tpu.memory_space<vmem_shared>> -> memref<10240x16xf32, #tpu.memory_space<vmem_shared>>
      tpu.enqueue_indirect_dma source(%dma_start3A_285 : memref<128x16xf32, #tpu.memory_space<vmem>>) target(%dma_start3A_291 : memref<10240x16xf32, #tpu.memory_space<vmem_shared>>) offsets(%dma_start3A_288 : memref<128xi32, #tpu.memory_space<vmem>>) semaphore(%arg10 : memref<!tpu.dma_semaphore, #tpu.memory_space<semaphore_mem>>) {add = true}
      %add3A_292 = arith.constant 5 : i32
      %add3A_293 = arith.addi %mul3A_121, %add3A_292 : i32
      %dma_start3A_294 = arith.constant 5 : i32
      %dma_start3A_295 = arith.constant 0 : i32
      %dma_start3A_296 = arith.constant 0 : i32
      %dma_start3A_297 = tpu.memref_slice %arg8[%dma_start3A_294, %dma_start3A_295, %dma_start3A_296] : memref<16x128x16xf32, #tpu.memory_space<vmem>> -> memref<1x128x16xf32, #tpu.memory_space<vmem>>
      %dma_start3A_298 = tpu.memref_squeeze %dma_start3A_297 : memref<1x128x16xf32, #tpu.memory_space<vmem>> -> memref<128x16xf32, #tpu.memory_space<vmem>>
      %dma_start3A_299 = arith.constant 0 : i32
      %dma_start3A_300 = tpu.memref_slice %arg7[%add3A_293, %dma_start3A_299] : memref<80x128xi32, #tpu.memory_space<vmem>> -> memref<1x128xi32, #tpu.memory_space<vmem>>
      %dma_start3A_301 = tpu.memref_squeeze %dma_start3A_300 : memref<1x128xi32, #tpu.memory_space<vmem>> -> memref<128xi32, #tpu.memory_space<vmem>>
      %dma_start3A_302 = arith.constant 0 : i32
      %dma_start3A_303 = arith.constant 0 : i32
      %dma_start3A_304 = tpu.memref_slice %arg11[%dma_start3A_302, %dma_start3A_303] : memref<10240x16xf32, #tpu.memory_space<vmem_shared>> -> memref<10240x16xf32, #tpu.memory_space<vmem_shared>>
      tpu.enqueue_indirect_dma source(%dma_start3A_298 : memref<128x16xf32, #tpu.memory_space<vmem>>) target(%dma_start3A_304 : memref<10240x16xf32, #tpu.memory_space<vmem_shared>>) offsets(%dma_start3A_301 : memref<128xi32, #tpu.memory_space<vmem>>) semaphore(%arg10 : memref<!tpu.dma_semaphore, #tpu.memory_space<semaphore_mem>>) {add = true}
      %add3A_305 = arith.constant 6 : i32
      %add3A_306 = arith.addi %mul3A_121, %add3A_305 : i32
      %dma_start3A_307 = arith.constant 6 : i32
      %dma_start3A_308 = arith.constant 0 : i32
      %dma_start3A_309 = arith.constant 0 : i32
      %dma_start3A_310 = tpu.memref_slice %arg8[%dma_start3A_307, %dma_start3A_308, %dma_start3A_309] : memref<16x128x16xf32, #tpu.memory_space<vmem>> -> memref<1x128x16xf32, #tpu.memory_space<vmem>>
      %dma_start3A_311 = tpu.memref_squeeze %dma_start3A_310 : memref<1x128x16xf32, #tpu.memory_space<vmem>> -> memref<128x16xf32, #tpu.memory_space<vmem>>
      %dma_start3A_312 = arith.constant 0 : i32
      %dma_start3A_313 = tpu.memref_slice %arg7[%add3A_306, %dma_start3A_312] : memref<80x128xi32, #tpu.memory_space<vmem>> -> memref<1x128xi32, #tpu.memory_space<vmem>>
      %dma_start3A_314 = tpu.memref_squeeze %dma_start3A_313 : memref<1x128xi32, #tpu.memory_space<vmem>> -> memref<128xi32, #tpu.memory_space<vmem>>
      %dma_start3A_315 = arith.constant 0 : i32
      %dma_start3A_316 = arith.constant 0 : i32
      %dma_start3A_317 = tpu.memref_slice %arg11[%dma_start3A_315, %dma_start3A_316] : memref<10240x16xf32, #tpu.memory_space<vmem_shared>> -> memref<10240x16xf32, #tpu.memory_space<vmem_shared>>
      tpu.enqueue_indirect_dma source(%dma_start3A_311 : memref<128x16xf32, #tpu.memory_space<vmem>>) target(%dma_start3A_317 : memref<10240x16xf32, #tpu.memory_space<vmem_shared>>) offsets(%dma_start3A_314 : memref<128xi32, #tpu.memory_space<vmem>>) semaphore(%arg10 : memref<!tpu.dma_semaphore, #tpu.memory_space<semaphore_mem>>) {add = true}
      %add3A_318 = arith.constant 7 : i32
      %add3A_319 = arith.addi %mul3A_121, %add3A_318 : i32
      %dma_start3A_320 = arith.constant 7 : i32
      %dma_start3A_321 = arith.constant 0 : i32
      %dma_start3A_322 = arith.constant 0 : i32
      %dma_start3A_323 = tpu.memref_slice %arg8[%dma_start3A_320, %dma_start3A_321, %dma_start3A_322] : memref<16x128x16xf32, #tpu.memory_space<vmem>> -> memref<1x128x16xf32, #tpu.memory_space<vmem>>
      %dma_start3A_324 = tpu.memref_squeeze %dma_start3A_323 : memref<1x128x16xf32, #tpu.memory_space<vmem>> -> memref<128x16xf32, #tpu.memory_space<vmem>>
      %dma_start3A_325 = arith.constant 0 : i32
      %dma_start3A_326 = tpu.memref_slice %arg7[%add3A_319, %dma_start3A_325] : memref<80x128xi32, #tpu.memory_space<vmem>> -> memref<1x128xi32, #tpu.memory_space<vmem>>
      %dma_start3A_327 = tpu.memref_squeeze %dma_start3A_326 : memref<1x128xi32, #tpu.memory_space<vmem>> -> memref<128xi32, #tpu.memory_space<vmem>>
      %dma_start3A_328 = arith.constant 0 : i32
      %dma_start3A_329 = arith.constant 0 : i32
      %dma_start3A_330 = tpu.memref_slice %arg11[%dma_start3A_328, %dma_start3A_329] : memref<10240x16xf32, #tpu.memory_space<vmem_shared>> -> memref<10240x16xf32, #tpu.memory_space<vmem_shared>>
      tpu.enqueue_indirect_dma source(%dma_start3A_324 : memref<128x16xf32, #tpu.memory_space<vmem>>) target(%dma_start3A_330 : memref<10240x16xf32, #tpu.memory_space<vmem_shared>>) offsets(%dma_start3A_327 : memref<128xi32, #tpu.memory_space<vmem>>) semaphore(%arg10 : memref<!tpu.dma_semaphore, #tpu.memory_space<semaphore_mem>>) {add = true}
      %add3A_331 = arith.constant 0 : i32
      %add3A_332 = arith.addi %add3A_123, %add3A_331 : i32
      %dma_start3A_333 = arith.constant 8 : i32
      %dma_start3A_334 = arith.constant 0 : i32
      %dma_start3A_335 = arith.constant 0 : i32
      %dma_start3A_336 = tpu.memref_slice %arg8[%dma_start3A_333, %dma_start3A_334, %dma_start3A_335] : memref<16x128x16xf32, #tpu.memory_space<vmem>> -> memref<1x128x16xf32, #tpu.memory_space<vmem>>
      %dma_start3A_337 = tpu.memref_squeeze %dma_start3A_336 : memref<1x128x16xf32, #tpu.memory_space<vmem>> -> memref<128x16xf32, #tpu.memory_space<vmem>>
      %dma_start3A_338 = arith.constant 0 : i32
      %dma_start3A_339 = tpu.memref_slice %arg6[%add3A_332, %dma_start3A_338] : memref<80x128xi32, #tpu.memory_space<vmem>> -> memref<1x128xi32, #tpu.memory_space<vmem>>
      %dma_start3A_340 = tpu.memref_squeeze %dma_start3A_339 : memref<1x128xi32, #tpu.memory_space<vmem>> -> memref<128xi32, #tpu.memory_space<vmem>>
      %dma_start3A_341 = arith.constant 0 : i32
      %dma_start3A_342 = arith.constant 0 : i32
      %dma_start3A_343 = tpu.memref_slice %arg12[%dma_start3A_341, %dma_start3A_342] : memref<10240x16xf32, #tpu.memory_space<vmem_shared>> -> memref<10240x16xf32, #tpu.memory_space<vmem_shared>>
      tpu.enqueue_indirect_dma source(%dma_start3A_343 : memref<10240x16xf32, #tpu.memory_space<vmem_shared>>) target(%dma_start3A_337 : memref<128x16xf32, #tpu.memory_space<vmem>>) offsets(%dma_start3A_340 : memref<128xi32, #tpu.memory_space<vmem>>) semaphore(%arg9 : memref<!tpu.dma_semaphore, #tpu.memory_space<semaphore_mem>>)
      %add3A_344 = arith.constant 1 : i32
      %add3A_345 = arith.addi %add3A_123, %add3A_344 : i32
      %dma_start3A_346 = arith.constant 9 : i32
      %dma_start3A_347 = arith.constant 0 : i32
      %dma_start3A_348 = arith.constant 0 : i32
      %dma_start3A_349 = tpu.memref_slice %arg8[%dma_start3A_346, %dma_start3A_347, %dma_start3A_348] : memref<16x128x16xf32, #tpu.memory_space<vmem>> -> memref<1x128x16xf32, #tpu.memory_space<vmem>>
      %dma_start3A_350 = tpu.memref_squeeze %dma_start3A_349 : memref<1x128x16xf32, #tpu.memory_space<vmem>> -> memref<128x16xf32, #tpu.memory_space<vmem>>
      %dma_start3A_351 = arith.constant 0 : i32
      %dma_start3A_352 = tpu.memref_slice %arg6[%add3A_345, %dma_start3A_351] : memref<80x128xi32, #tpu.memory_space<vmem>> -> memref<1x128xi32, #tpu.memory_space<vmem>>
      %dma_start3A_353 = tpu.memref_squeeze %dma_start3A_352 : memref<1x128xi32, #tpu.memory_space<vmem>> -> memref<128xi32, #tpu.memory_space<vmem>>
      %dma_start3A_354 = arith.constant 0 : i32
      %dma_start3A_355 = arith.constant 0 : i32
      %dma_start3A_356 = tpu.memref_slice %arg12[%dma_start3A_354, %dma_start3A_355] : memref<10240x16xf32, #tpu.memory_space<vmem_shared>> -> memref<10240x16xf32, #tpu.memory_space<vmem_shared>>
      tpu.enqueue_indirect_dma source(%dma_start3A_356 : memref<10240x16xf32, #tpu.memory_space<vmem_shared>>) target(%dma_start3A_350 : memref<128x16xf32, #tpu.memory_space<vmem>>) offsets(%dma_start3A_353 : memref<128xi32, #tpu.memory_space<vmem>>) semaphore(%arg9 : memref<!tpu.dma_semaphore, #tpu.memory_space<semaphore_mem>>)
      %add3A_357 = arith.constant 2 : i32
      %add3A_358 = arith.addi %add3A_123, %add3A_357 : i32
      %dma_start3A_359 = arith.constant 10 : i32
      %dma_start3A_360 = arith.constant 0 : i32
      %dma_start3A_361 = arith.constant 0 : i32
      %dma_start3A_362 = tpu.memref_slice %arg8[%dma_start3A_359, %dma_start3A_360, %dma_start3A_361] : memref<16x128x16xf32, #tpu.memory_space<vmem>> -> memref<1x128x16xf32, #tpu.memory_space<vmem>>
      %dma_start3A_363 = tpu.memref_squeeze %dma_start3A_362 : memref<1x128x16xf32, #tpu.memory_space<vmem>> -> memref<128x16xf32, #tpu.memory_space<vmem>>
      %dma_start3A_364 = arith.constant 0 : i32
      %dma_start3A_365 = tpu.memref_slice %arg6[%add3A_358, %dma_start3A_364] : memref<80x128xi32, #tpu.memory_space<vmem>> -> memref<1x128xi32, #tpu.memory_space<vmem>>
      %dma_start3A_366 = tpu.memref_squeeze %dma_start3A_365 : memref<1x128xi32, #tpu.memory_space<vmem>> -> memref<128xi32, #tpu.memory_space<vmem>>
      %dma_start3A_367 = arith.constant 0 : i32
      %dma_start3A_368 = arith.constant 0 : i32
      %dma_start3A_369 = tpu.memref_slice %arg12[%dma_start3A_367, %dma_start3A_368] : memref<10240x16xf32, #tpu.memory_space<vmem_shared>> -> memref<10240x16xf32, #tpu.memory_space<vmem_shared>>
      tpu.enqueue_indirect_dma source(%dma_start3A_369 : memref<10240x16xf32, #tpu.memory_space<vmem_shared>>) target(%dma_start3A_363 : memref<128x16xf32, #tpu.memory_space<vmem>>) offsets(%dma_start3A_366 : memref<128xi32, #tpu.memory_space<vmem>>) semaphore(%arg9 : memref<!tpu.dma_semaphore, #tpu.memory_space<semaphore_mem>>)
      %add3A_370 = arith.constant 3 : i32
      %add3A_371 = arith.addi %add3A_123, %add3A_370 : i32
      %dma_start3A_372 = arith.constant 11 : i32
      %dma_start3A_373 = arith.constant 0 : i32
      %dma_start3A_374 = arith.constant 0 : i32
      %dma_start3A_375 = tpu.memref_slice %arg8[%dma_start3A_372, %dma_start3A_373, %dma_start3A_374] : memref<16x128x16xf32, #tpu.memory_space<vmem>> -> memref<1x128x16xf32, #tpu.memory_space<vmem>>
      %dma_start3A_376 = tpu.memref_squeeze %dma_start3A_375 : memref<1x128x16xf32, #tpu.memory_space<vmem>> -> memref<128x16xf32, #tpu.memory_space<vmem>>
      %dma_start3A_377 = arith.constant 0 : i32
      %dma_start3A_378 = tpu.memref_slice %arg6[%add3A_371, %dma_start3A_377] : memref<80x128xi32, #tpu.memory_space<vmem>> -> memref<1x128xi32, #tpu.memory_space<vmem>>
      %dma_start3A_379 = tpu.memref_squeeze %dma_start3A_378 : memref<1x128xi32, #tpu.memory_space<vmem>> -> memref<128xi32, #tpu.memory_space<vmem>>
      %dma_start3A_380 = arith.constant 0 : i32
      %dma_start3A_381 = arith.constant 0 : i32
      %dma_start3A_382 = tpu.memref_slice %arg12[%dma_start3A_380, %dma_start3A_381] : memref<10240x16xf32, #tpu.memory_space<vmem_shared>> -> memref<10240x16xf32, #tpu.memory_space<vmem_shared>>
      tpu.enqueue_indirect_dma source(%dma_start3A_382 : memref<10240x16xf32, #tpu.memory_space<vmem_shared>>) target(%dma_start3A_376 : memref<128x16xf32, #tpu.memory_space<vmem>>) offsets(%dma_start3A_379 : memref<128xi32, #tpu.memory_space<vmem>>) semaphore(%arg9 : memref<!tpu.dma_semaphore, #tpu.memory_space<semaphore_mem>>)
      %add3A_383 = arith.constant 4 : i32
      %add3A_384 = arith.addi %add3A_123, %add3A_383 : i32
      %dma_start3A_385 = arith.constant 12 : i32
      %dma_start3A_386 = arith.constant 0 : i32
      %dma_start3A_387 = arith.constant 0 : i32
      %dma_start3A_388 = tpu.memref_slice %arg8[%dma_start3A_385, %dma_start3A_386, %dma_start3A_387] : memref<16x128x16xf32, #tpu.memory_space<vmem>> -> memref<1x128x16xf32, #tpu.memory_space<vmem>>
      %dma_start3A_389 = tpu.memref_squeeze %dma_start3A_388 : memref<1x128x16xf32, #tpu.memory_space<vmem>> -> memref<128x16xf32, #tpu.memory_space<vmem>>
      %dma_start3A_390 = arith.constant 0 : i32
      %dma_start3A_391 = tpu.memref_slice %arg6[%add3A_384, %dma_start3A_390] : memref<80x128xi32, #tpu.memory_space<vmem>> -> memref<1x128xi32, #tpu.memory_space<vmem>>
      %dma_start3A_392 = tpu.memref_squeeze %dma_start3A_391 : memref<1x128xi32, #tpu.memory_space<vmem>> -> memref<128xi32, #tpu.memory_space<vmem>>
      %dma_start3A_393 = arith.constant 0 : i32
      %dma_start3A_394 = arith.constant 0 : i32
      %dma_start3A_395 = tpu.memref_slice %arg12[%dma_start3A_393, %dma_start3A_394] : memref<10240x16xf32, #tpu.memory_space<vmem_shared>> -> memref<10240x16xf32, #tpu.memory_space<vmem_shared>>
      tpu.enqueue_indirect_dma source(%dma_start3A_395 : memref<10240x16xf32, #tpu.memory_space<vmem_shared>>) target(%dma_start3A_389 : memref<128x16xf32, #tpu.memory_space<vmem>>) offsets(%dma_start3A_392 : memref<128xi32, #tpu.memory_space<vmem>>) semaphore(%arg9 : memref<!tpu.dma_semaphore, #tpu.memory_space<semaphore_mem>>)
      %add3A_396 = arith.constant 5 : i32
      %add3A_397 = arith.addi %add3A_123, %add3A_396 : i32
      %dma_start3A_398 = arith.constant 13 : i32
      %dma_start3A_399 = arith.constant 0 : i32
      %dma_start3A_400 = arith.constant 0 : i32
      %dma_start3A_401 = tpu.memref_slice %arg8[%dma_start3A_398, %dma_start3A_399, %dma_start3A_400] : memref<16x128x16xf32, #tpu.memory_space<vmem>> -> memref<1x128x16xf32, #tpu.memory_space<vmem>>
      %dma_start3A_402 = tpu.memref_squeeze %dma_start3A_401 : memref<1x128x16xf32, #tpu.memory_space<vmem>> -> memref<128x16xf32, #tpu.memory_space<vmem>>
      %dma_start3A_403 = arith.constant 0 : i32
      %dma_start3A_404 = tpu.memref_slice %arg6[%add3A_397, %dma_start3A_403] : memref<80x128xi32, #tpu.memory_space<vmem>> -> memref<1x128xi32, #tpu.memory_space<vmem>>
      %dma_start3A_405 = tpu.memref_squeeze %dma_start3A_404 : memref<1x128xi32, #tpu.memory_space<vmem>> -> memref<128xi32, #tpu.memory_space<vmem>>
      %dma_start3A_406 = arith.constant 0 : i32
      %dma_start3A_407 = arith.constant 0 : i32
      %dma_start3A_408 = tpu.memref_slice %arg12[%dma_start3A_406, %dma_start3A_407] : memref<10240x16xf32, #tpu.memory_space<vmem_shared>> -> memref<10240x16xf32, #tpu.memory_space<vmem_shared>>
      tpu.enqueue_indirect_dma source(%dma_start3A_408 : memref<10240x16xf32, #tpu.memory_space<vmem_shared>>) target(%dma_start3A_402 : memref<128x16xf32, #tpu.memory_space<vmem>>) offsets(%dma_start3A_405 : memref<128xi32, #tpu.memory_space<vmem>>) semaphore(%arg9 : memref<!tpu.dma_semaphore, #tpu.memory_space<semaphore_mem>>)
      %add3A_409 = arith.constant 6 : i32
      %add3A_410 = arith.addi %add3A_123, %add3A_409 : i32
      %dma_start3A_411 = arith.constant 14 : i32
      %dma_start3A_412 = arith.constant 0 : i32
      %dma_start3A_413 = arith.constant 0 : i32
      %dma_start3A_414 = tpu.memref_slice %arg8[%dma_start3A_411, %dma_start3A_412, %dma_start3A_413] : memref<16x128x16xf32, #tpu.memory_space<vmem>> -> memref<1x128x16xf32, #tpu.memory_space<vmem>>
      %dma_start3A_415 = tpu.memref_squeeze %dma_start3A_414 : memref<1x128x16xf32, #tpu.memory_space<vmem>> -> memref<128x16xf32, #tpu.memory_space<vmem>>
      %dma_start3A_416 = arith.constant 0 : i32
      %dma_start3A_417 = tpu.memref_slice %arg6[%add3A_410, %dma_start3A_416] : memref<80x128xi32, #tpu.memory_space<vmem>> -> memref<1x128xi32, #tpu.memory_space<vmem>>
      %dma_start3A_418 = tpu.memref_squeeze %dma_start3A_417 : memref<1x128xi32, #tpu.memory_space<vmem>> -> memref<128xi32, #tpu.memory_space<vmem>>
      %dma_start3A_419 = arith.constant 0 : i32
      %dma_start3A_420 = arith.constant 0 : i32
      %dma_start3A_421 = tpu.memref_slice %arg12[%dma_start3A_419, %dma_start3A_420] : memref<10240x16xf32, #tpu.memory_space<vmem_shared>> -> memref<10240x16xf32, #tpu.memory_space<vmem_shared>>
      tpu.enqueue_indirect_dma source(%dma_start3A_421 : memref<10240x16xf32, #tpu.memory_space<vmem_shared>>) target(%dma_start3A_415 : memref<128x16xf32, #tpu.memory_space<vmem>>) offsets(%dma_start3A_418 : memref<128xi32, #tpu.memory_space<vmem>>) semaphore(%arg9 : memref<!tpu.dma_semaphore, #tpu.memory_space<semaphore_mem>>)
      %add3A_422 = arith.constant 7 : i32
      %add3A_423 = arith.addi %add3A_123, %add3A_422 : i32
      %dma_start3A_424 = arith.constant 15 : i32
      %dma_start3A_425 = arith.constant 0 : i32
      %dma_start3A_426 = arith.constant 0 : i32
      %dma_start3A_427 = tpu.memref_slice %arg8[%dma_start3A_424, %dma_start3A_425, %dma_start3A_426] : memref<16x128x16xf32, #tpu.memory_space<vmem>> -> memref<1x128x16xf32, #tpu.memory_space<vmem>>
      %dma_start3A_428 = tpu.memref_squeeze %dma_start3A_427 : memref<1x128x16xf32, #tpu.memory_space<vmem>> -> memref<128x16xf32, #tpu.memory_space<vmem>>
      %dma_start3A_429 = arith.constant 0 : i32
      %dma_start3A_430 = tpu.memref_slice %arg6[%add3A_423, %dma_start3A_429] : memref<80x128xi32, #tpu.memory_space<vmem>> -> memref<1x128xi32, #tpu.memory_space<vmem>>
      %dma_start3A_431 = tpu.memref_squeeze %dma_start3A_430 : memref<1x128xi32, #tpu.memory_space<vmem>> -> memref<128xi32, #tpu.memory_space<vmem>>
      %dma_start3A_432 = arith.constant 0 : i32
      %dma_start3A_433 = arith.constant 0 : i32
      %dma_start3A_434 = tpu.memref_slice %arg12[%dma_start3A_432, %dma_start3A_433] : memref<10240x16xf32, #tpu.memory_space<vmem_shared>> -> memref<10240x16xf32, #tpu.memory_space<vmem_shared>>
      tpu.enqueue_indirect_dma source(%dma_start3A_434 : memref<10240x16xf32, #tpu.memory_space<vmem_shared>>) target(%dma_start3A_428 : memref<128x16xf32, #tpu.memory_space<vmem>>) offsets(%dma_start3A_431 : memref<128xi32, #tpu.memory_space<vmem>>) semaphore(%arg9 : memref<!tpu.dma_semaphore, #tpu.memory_space<semaphore_mem>>)
      %add3A_435 = arith.constant 0 : i32
      %add3A_436 = arith.addi %mul3A_121, %add3A_435 : i32
      %dma_wait3A_437 = arith.constant 0 : i32
      %dma_wait3A_438 = arith.constant 0 : i32
      %dma_wait3A_439 = arith.constant 0 : i32
      %dma_wait3A_440 = tpu.memref_slice %arg8[%dma_wait3A_437, %dma_wait3A_438, %dma_wait3A_439] : memref<16x128x16xf32, #tpu.memory_space<vmem>> -> memref<1x128x16xf32, #tpu.memory_space<vmem>>
      %dma_wait3A_441 = tpu.memref_squeeze %dma_wait3A_440 : memref<1x128x16xf32, #tpu.memory_space<vmem>> -> memref<128x16xf32, #tpu.memory_space<vmem>>
      %dma_wait3A_442 = arith.constant 0 : i32
      %dma_wait3A_443 = tpu.memref_slice %arg7[%add3A_436, %dma_wait3A_442] : memref<80x128xi32, #tpu.memory_space<vmem>> -> memref<1x128xi32, #tpu.memory_space<vmem>>
      %dma_wait3A_444 = tpu.memref_squeeze %dma_wait3A_443 : memref<1x128xi32, #tpu.memory_space<vmem>> -> memref<128xi32, #tpu.memory_space<vmem>>
      %dma_wait3A_445 = arith.constant 0 : i32
      %dma_wait3A_446 = arith.constant 0 : i32
      %dma_wait3A_447 = tpu.memref_slice %arg11[%dma_wait3A_445, %dma_wait3A_446] : memref<10240x16xf32, #tpu.memory_space<vmem_shared>> -> memref<10240x16xf32, #tpu.memory_space<vmem_shared>>
      tpu.wait_indirect_dma semaphore(%arg10 : memref<!tpu.dma_semaphore, #tpu.memory_space<semaphore_mem>>) src(%dma_wait3A_441 : memref<128x16xf32, #tpu.memory_space<vmem>>) dst(%dma_wait3A_447 : memref<10240x16xf32, #tpu.memory_space<vmem_shared>>)
      %add3A_448 = arith.constant 1 : i32
      %add3A_449 = arith.addi %mul3A_121, %add3A_448 : i32
      %dma_wait3A_450 = arith.constant 1 : i32
      %dma_wait3A_451 = arith.constant 0 : i32
      %dma_wait3A_452 = arith.constant 0 : i32
      %dma_wait3A_453 = tpu.memref_slice %arg8[%dma_wait3A_450, %dma_wait3A_451, %dma_wait3A_452] : memref<16x128x16xf32, #tpu.memory_space<vmem>> -> memref<1x128x16xf32, #tpu.memory_space<vmem>>
      %dma_wait3A_454 = tpu.memref_squeeze %dma_wait3A_453 : memref<1x128x16xf32, #tpu.memory_space<vmem>> -> memref<128x16xf32, #tpu.memory_space<vmem>>
      %dma_wait3A_455 = arith.constant 0 : i32
      %dma_wait3A_456 = tpu.memref_slice %arg7[%add3A_449, %dma_wait3A_455] : memref<80x128xi32, #tpu.memory_space<vmem>> -> memref<1x128xi32, #tpu.memory_space<vmem>>
      %dma_wait3A_457 = tpu.memref_squeeze %dma_wait3A_456 : memref<1x128xi32, #tpu.memory_space<vmem>> -> memref<128xi32, #tpu.memory_space<vmem>>
      %dma_wait3A_458 = arith.constant 0 : i32
      %dma_wait3A_459 = arith.constant 0 : i32
      %dma_wait3A_460 = tpu.memref_slice %arg11[%dma_wait3A_458, %dma_wait3A_459] : memref<10240x16xf32, #tpu.memory_space<vmem_shared>> -> memref<10240x16xf32, #tpu.memory_space<vmem_shared>>
      tpu.wait_indirect_dma semaphore(%arg10 : memref<!tpu.dma_semaphore, #tpu.memory_space<semaphore_mem>>) src(%dma_wait3A_454 : memref<128x16xf32, #tpu.memory_space<vmem>>) dst(%dma_wait3A_460 : memref<10240x16xf32, #tpu.memory_space<vmem_shared>>)
      %add3A_461 = arith.constant 2 : i32
      %add3A_462 = arith.addi %mul3A_121, %add3A_461 : i32
      %dma_wait3A_463 = arith.constant 2 : i32
      %dma_wait3A_464 = arith.constant 0 : i32
      %dma_wait3A_465 = arith.constant 0 : i32
      %dma_wait3A_466 = tpu.memref_slice %arg8[%dma_wait3A_463, %dma_wait3A_464, %dma_wait3A_465] : memref<16x128x16xf32, #tpu.memory_space<vmem>> -> memref<1x128x16xf32, #tpu.memory_space<vmem>>
      %dma_wait3A_467 = tpu.memref_squeeze %dma_wait3A_466 : memref<1x128x16xf32, #tpu.memory_space<vmem>> -> memref<128x16xf32, #tpu.memory_space<vmem>>
      %dma_wait3A_468 = arith.constant 0 : i32
      %dma_wait3A_469 = tpu.memref_slice %arg7[%add3A_462, %dma_wait3A_468] : memref<80x128xi32, #tpu.memory_space<vmem>> -> memref<1x128xi32, #tpu.memory_space<vmem>>
      %dma_wait3A_470 = tpu.memref_squeeze %dma_wait3A_469 : memref<1x128xi32, #tpu.memory_space<vmem>> -> memref<128xi32, #tpu.memory_space<vmem>>
      %dma_wait3A_471 = arith.constant 0 : i32
      %dma_wait3A_472 = arith.constant 0 : i32
      %dma_wait3A_473 = tpu.memref_slice %arg11[%dma_wait3A_471, %dma_wait3A_472] : memref<10240x16xf32, #tpu.memory_space<vmem_shared>> -> memref<10240x16xf32, #tpu.memory_space<vmem_shared>>
      tpu.wait_indirect_dma semaphore(%arg10 : memref<!tpu.dma_semaphore, #tpu.memory_space<semaphore_mem>>) src(%dma_wait3A_467 : memref<128x16xf32, #tpu.memory_space<vmem>>) dst(%dma_wait3A_473 : memref<10240x16xf32, #tpu.memory_space<vmem_shared>>)
      %add3A_474 = arith.constant 3 : i32
      %add3A_475 = arith.addi %mul3A_121, %add3A_474 : i32
      %dma_wait3A_476 = arith.constant 3 : i32
      %dma_wait3A_477 = arith.constant 0 : i32
      %dma_wait3A_478 = arith.constant 0 : i32
      %dma_wait3A_479 = tpu.memref_slice %arg8[%dma_wait3A_476, %dma_wait3A_477, %dma_wait3A_478] : memref<16x128x16xf32, #tpu.memory_space<vmem>> -> memref<1x128x16xf32, #tpu.memory_space<vmem>>
      %dma_wait3A_480 = tpu.memref_squeeze %dma_wait3A_479 : memref<1x128x16xf32, #tpu.memory_space<vmem>> -> memref<128x16xf32, #tpu.memory_space<vmem>>
      %dma_wait3A_481 = arith.constant 0 : i32
      %dma_wait3A_482 = tpu.memref_slice %arg7[%add3A_475, %dma_wait3A_481] : memref<80x128xi32, #tpu.memory_space<vmem>> -> memref<1x128xi32, #tpu.memory_space<vmem>>
      %dma_wait3A_483 = tpu.memref_squeeze %dma_wait3A_482 : memref<1x128xi32, #tpu.memory_space<vmem>> -> memref<128xi32, #tpu.memory_space<vmem>>
      %dma_wait3A_484 = arith.constant 0 : i32
      %dma_wait3A_485 = arith.constant 0 : i32
      %dma_wait3A_486 = tpu.memref_slice %arg11[%dma_wait3A_484, %dma_wait3A_485] : memref<10240x16xf32, #tpu.memory_space<vmem_shared>> -> memref<10240x16xf32, #tpu.memory_space<vmem_shared>>
      tpu.wait_indirect_dma semaphore(%arg10 : memref<!tpu.dma_semaphore, #tpu.memory_space<semaphore_mem>>) src(%dma_wait3A_480 : memref<128x16xf32, #tpu.memory_space<vmem>>) dst(%dma_wait3A_486 : memref<10240x16xf32, #tpu.memory_space<vmem_shared>>)
      %add3A_487 = arith.constant 4 : i32
      %add3A_488 = arith.addi %mul3A_121, %add3A_487 : i32
      %dma_wait3A_489 = arith.constant 4 : i32
      %dma_wait3A_490 = arith.constant 0 : i32
      %dma_wait3A_491 = arith.constant 0 : i32
      %dma_wait3A_492 = tpu.memref_slice %arg8[%dma_wait3A_489, %dma_wait3A_490, %dma_wait3A_491] : memref<16x128x16xf32, #tpu.memory_space<vmem>> -> memref<1x128x16xf32, #tpu.memory_space<vmem>>
      %dma_wait3A_493 = tpu.memref_squeeze %dma_wait3A_492 : memref<1x128x16xf32, #tpu.memory_space<vmem>> -> memref<128x16xf32, #tpu.memory_space<vmem>>
      %dma_wait3A_494 = arith.constant 0 : i32
      %dma_wait3A_495 = tpu.memref_slice %arg7[%add3A_488, %dma_wait3A_494] : memref<80x128xi32, #tpu.memory_space<vmem>> -> memref<1x128xi32, #tpu.memory_space<vmem>>
      %dma_wait3A_496 = tpu.memref_squeeze %dma_wait3A_495 : memref<1x128xi32, #tpu.memory_space<vmem>> -> memref<128xi32, #tpu.memory_space<vmem>>
      %dma_wait3A_497 = arith.constant 0 : i32
      %dma_wait3A_498 = arith.constant 0 : i32
      %dma_wait3A_499 = tpu.memref_slice %arg11[%dma_wait3A_497, %dma_wait3A_498] : memref<10240x16xf32, #tpu.memory_space<vmem_shared>> -> memref<10240x16xf32, #tpu.memory_space<vmem_shared>>
      tpu.wait_indirect_dma semaphore(%arg10 : memref<!tpu.dma_semaphore, #tpu.memory_space<semaphore_mem>>) src(%dma_wait3A_493 : memref<128x16xf32, #tpu.memory_space<vmem>>) dst(%dma_wait3A_499 : memref<10240x16xf32, #tpu.memory_space<vmem_shared>>)
      %add3A_500 = arith.constant 5 : i32
      %add3A_501 = arith.addi %mul3A_121, %add3A_500 : i32
      %dma_wait3A_502 = arith.constant 5 : i32
      %dma_wait3A_503 = arith.constant 0 : i32
      %dma_wait3A_504 = arith.constant 0 : i32
      %dma_wait3A_505 = tpu.memref_slice %arg8[%dma_wait3A_502, %dma_wait3A_503, %dma_wait3A_504] : memref<16x128x16xf32, #tpu.memory_space<vmem>> -> memref<1x128x16xf32, #tpu.memory_space<vmem>>
      %dma_wait3A_506 = tpu.memref_squeeze %dma_wait3A_505 : memref<1x128x16xf32, #tpu.memory_space<vmem>> -> memref<128x16xf32, #tpu.memory_space<vmem>>
      %dma_wait3A_507 = arith.constant 0 : i32
      %dma_wait3A_508 = tpu.memref_slice %arg7[%add3A_501, %dma_wait3A_507] : memref<80x128xi32, #tpu.memory_space<vmem>> -> memref<1x128xi32, #tpu.memory_space<vmem>>
      %dma_wait3A_509 = tpu.memref_squeeze %dma_wait3A_508 : memref<1x128xi32, #tpu.memory_space<vmem>> -> memref<128xi32, #tpu.memory_space<vmem>>
      %dma_wait3A_510 = arith.constant 0 : i32
      %dma_wait3A_511 = arith.constant 0 : i32
      %dma_wait3A_512 = tpu.memref_slice %arg11[%dma_wait3A_510, %dma_wait3A_511] : memref<10240x16xf32, #tpu.memory_space<vmem_shared>> -> memref<10240x16xf32, #tpu.memory_space<vmem_shared>>
      tpu.wait_indirect_dma semaphore(%arg10 : memref<!tpu.dma_semaphore, #tpu.memory_space<semaphore_mem>>) src(%dma_wait3A_506 : memref<128x16xf32, #tpu.memory_space<vmem>>) dst(%dma_wait3A_512 : memref<10240x16xf32, #tpu.memory_space<vmem_shared>>)
      %add3A_513 = arith.constant 6 : i32
      %add3A_514 = arith.addi %mul3A_121, %add3A_513 : i32
      %dma_wait3A_515 = arith.constant 6 : i32
      %dma_wait3A_516 = arith.constant 0 : i32
      %dma_wait3A_517 = arith.constant 0 : i32
      %dma_wait3A_518 = tpu.memref_slice %arg8[%dma_wait3A_515, %dma_wait3A_516, %dma_wait3A_517] : memref<16x128x16xf32, #tpu.memory_space<vmem>> -> memref<1x128x16xf32, #tpu.memory_space<vmem>>
      %dma_wait3A_519 = tpu.memref_squeeze %dma_wait3A_518 : memref<1x128x16xf32, #tpu.memory_space<vmem>> -> memref<128x16xf32, #tpu.memory_space<vmem>>
      %dma_wait3A_520 = arith.constant 0 : i32
      %dma_wait3A_521 = tpu.memref_slice %arg7[%add3A_514, %dma_wait3A_520] : memref<80x128xi32, #tpu.memory_space<vmem>> -> memref<1x128xi32, #tpu.memory_space<vmem>>
      %dma_wait3A_522 = tpu.memref_squeeze %dma_wait3A_521 : memref<1x128xi32, #tpu.memory_space<vmem>> -> memref<128xi32, #tpu.memory_space<vmem>>
      %dma_wait3A_523 = arith.constant 0 : i32
      %dma_wait3A_524 = arith.constant 0 : i32
      %dma_wait3A_525 = tpu.memref_slice %arg11[%dma_wait3A_523, %dma_wait3A_524] : memref<10240x16xf32, #tpu.memory_space<vmem_shared>> -> memref<10240x16xf32, #tpu.memory_space<vmem_shared>>
      tpu.wait_indirect_dma semaphore(%arg10 : memref<!tpu.dma_semaphore, #tpu.memory_space<semaphore_mem>>) src(%dma_wait3A_519 : memref<128x16xf32, #tpu.memory_space<vmem>>) dst(%dma_wait3A_525 : memref<10240x16xf32, #tpu.memory_space<vmem_shared>>)
      %add3A_526 = arith.constant 7 : i32
      %add3A_527 = arith.addi %mul3A_121, %add3A_526 : i32
      %dma_wait3A_528 = arith.constant 7 : i32
      %dma_wait3A_529 = arith.constant 0 : i32
      %dma_wait3A_530 = arith.constant 0 : i32
      %dma_wait3A_531 = tpu.memref_slice %arg8[%dma_wait3A_528, %dma_wait3A_529, %dma_wait3A_530] : memref<16x128x16xf32, #tpu.memory_space<vmem>> -> memref<1x128x16xf32, #tpu.memory_space<vmem>>
      %dma_wait3A_532 = tpu.memref_squeeze %dma_wait3A_531 : memref<1x128x16xf32, #tpu.memory_space<vmem>> -> memref<128x16xf32, #tpu.memory_space<vmem>>
      %dma_wait3A_533 = arith.constant 0 : i32
      %dma_wait3A_534 = tpu.memref_slice %arg7[%add3A_527, %dma_wait3A_533] : memref<80x128xi32, #tpu.memory_space<vmem>> -> memref<1x128xi32, #tpu.memory_space<vmem>>
      %dma_wait3A_535 = tpu.memref_squeeze %dma_wait3A_534 : memref<1x128xi32, #tpu.memory_space<vmem>> -> memref<128xi32, #tpu.memory_space<vmem>>
      %dma_wait3A_536 = arith.constant 0 : i32
      %dma_wait3A_537 = arith.constant 0 : i32
      %dma_wait3A_538 = tpu.memref_slice %arg11[%dma_wait3A_536, %dma_wait3A_537] : memref<10240x16xf32, #tpu.memory_space<vmem_shared>> -> memref<10240x16xf32, #tpu.memory_space<vmem_shared>>
      tpu.wait_indirect_dma semaphore(%arg10 : memref<!tpu.dma_semaphore, #tpu.memory_space<semaphore_mem>>) src(%dma_wait3A_532 : memref<128x16xf32, #tpu.memory_space<vmem>>) dst(%dma_wait3A_538 : memref<10240x16xf32, #tpu.memory_space<vmem_shared>>)
      %add3A_539 = arith.constant 0 : i32
      %add3A_540 = arith.addi %add3A_123, %add3A_539 : i32
      %dma_wait3A_541 = arith.constant 8 : i32
      %dma_wait3A_542 = arith.constant 0 : i32
      %dma_wait3A_543 = arith.constant 0 : i32
      %dma_wait3A_544 = tpu.memref_slice %arg8[%dma_wait3A_541, %dma_wait3A_542, %dma_wait3A_543] : memref<16x128x16xf32, #tpu.memory_space<vmem>> -> memref<1x128x16xf32, #tpu.memory_space<vmem>>
      %dma_wait3A_545 = tpu.memref_squeeze %dma_wait3A_544 : memref<1x128x16xf32, #tpu.memory_space<vmem>> -> memref<128x16xf32, #tpu.memory_space<vmem>>
      %dma_wait3A_546 = arith.constant 0 : i32
      %dma_wait3A_547 = tpu.memref_slice %arg6[%add3A_540, %dma_wait3A_546] : memref<80x128xi32, #tpu.memory_space<vmem>> -> memref<1x128xi32, #tpu.memory_space<vmem>>
      %dma_wait3A_548 = tpu.memref_squeeze %dma_wait3A_547 : memref<1x128xi32, #tpu.memory_space<vmem>> -> memref<128xi32, #tpu.memory_space<vmem>>
      %dma_wait3A_549 = arith.constant 0 : i32
      %dma_wait3A_550 = arith.constant 0 : i32
      %dma_wait3A_551 = tpu.memref_slice %arg12[%dma_wait3A_549, %dma_wait3A_550] : memref<10240x16xf32, #tpu.memory_space<vmem_shared>> -> memref<10240x16xf32, #tpu.memory_space<vmem_shared>>
      tpu.wait_indirect_dma semaphore(%arg9 : memref<!tpu.dma_semaphore, #tpu.memory_space<semaphore_mem>>) src(%dma_wait3A_551 : memref<10240x16xf32, #tpu.memory_space<vmem_shared>>) dst(%dma_wait3A_545 : memref<128x16xf32, #tpu.memory_space<vmem>>)
      %add3A_552 = arith.constant 1 : i32
      %add3A_553 = arith.addi %add3A_123, %add3A_552 : i32
      %dma_wait3A_554 = arith.constant 9 : i32
      %dma_wait3A_555 = arith.constant 0 : i32
      %dma_wait3A_556 = arith.constant 0 : i32
      %dma_wait3A_557 = tpu.memref_slice %arg8[%dma_wait3A_554, %dma_wait3A_555, %dma_wait3A_556] : memref<16x128x16xf32, #tpu.memory_space<vmem>> -> memref<1x128x16xf32, #tpu.memory_space<vmem>>
      %dma_wait3A_558 = tpu.memref_squeeze %dma_wait3A_557 : memref<1x128x16xf32, #tpu.memory_space<vmem>> -> memref<128x16xf32, #tpu.memory_space<vmem>>
      %dma_wait3A_559 = arith.constant 0 : i32
      %dma_wait3A_560 = tpu.memref_slice %arg6[%add3A_553, %dma_wait3A_559] : memref<80x128xi32, #tpu.memory_space<vmem>> -> memref<1x128xi32, #tpu.memory_space<vmem>>
      %dma_wait3A_561 = tpu.memref_squeeze %dma_wait3A_560 : memref<1x128xi32, #tpu.memory_space<vmem>> -> memref<128xi32, #tpu.memory_space<vmem>>
      %dma_wait3A_562 = arith.constant 0 : i32
      %dma_wait3A_563 = arith.constant 0 : i32
      %dma_wait3A_564 = tpu.memref_slice %arg12[%dma_wait3A_562, %dma_wait3A_563] : memref<10240x16xf32, #tpu.memory_space<vmem_shared>> -> memref<10240x16xf32, #tpu.memory_space<vmem_shared>>
      tpu.wait_indirect_dma semaphore(%arg9 : memref<!tpu.dma_semaphore, #tpu.memory_space<semaphore_mem>>) src(%dma_wait3A_564 : memref<10240x16xf32, #tpu.memory_space<vmem_shared>>) dst(%dma_wait3A_558 : memref<128x16xf32, #tpu.memory_space<vmem>>)
      %add3A_565 = arith.constant 2 : i32
      %add3A_566 = arith.addi %add3A_123, %add3A_565 : i32
      %dma_wait3A_567 = arith.constant 10 : i32
      %dma_wait3A_568 = arith.constant 0 : i32
      %dma_wait3A_569 = arith.constant 0 : i32
      %dma_wait3A_570 = tpu.memref_slice %arg8[%dma_wait3A_567, %dma_wait3A_568, %dma_wait3A_569] : memref<16x128x16xf32, #tpu.memory_space<vmem>> -> memref<1x128x16xf32, #tpu.memory_space<vmem>>
      %dma_wait3A_571 = tpu.memref_squeeze %dma_wait3A_570 : memref<1x128x16xf32, #tpu.memory_space<vmem>> -> memref<128x16xf32, #tpu.memory_space<vmem>>
      %dma_wait3A_572 = arith.constant 0 : i32
      %dma_wait3A_573 = tpu.memref_slice %arg6[%add3A_566, %dma_wait3A_572] : memref<80x128xi32, #tpu.memory_space<vmem>> -> memref<1x128xi32, #tpu.memory_space<vmem>>
      %dma_wait3A_574 = tpu.memref_squeeze %dma_wait3A_573 : memref<1x128xi32, #tpu.memory_space<vmem>> -> memref<128xi32, #tpu.memory_space<vmem>>
      %dma_wait3A_575 = arith.constant 0 : i32
      %dma_wait3A_576 = arith.constant 0 : i32
      %dma_wait3A_577 = tpu.memref_slice %arg12[%dma_wait3A_575, %dma_wait3A_576] : memref<10240x16xf32, #tpu.memory_space<vmem_shared>> -> memref<10240x16xf32, #tpu.memory_space<vmem_shared>>
      tpu.wait_indirect_dma semaphore(%arg9 : memref<!tpu.dma_semaphore, #tpu.memory_space<semaphore_mem>>) src(%dma_wait3A_577 : memref<10240x16xf32, #tpu.memory_space<vmem_shared>>) dst(%dma_wait3A_571 : memref<128x16xf32, #tpu.memory_space<vmem>>)
      %add3A_578 = arith.constant 3 : i32
      %add3A_579 = arith.addi %add3A_123, %add3A_578 : i32
      %dma_wait3A_580 = arith.constant 11 : i32
      %dma_wait3A_581 = arith.constant 0 : i32
      %dma_wait3A_582 = arith.constant 0 : i32
      %dma_wait3A_583 = tpu.memref_slice %arg8[%dma_wait3A_580, %dma_wait3A_581, %dma_wait3A_582] : memref<16x128x16xf32, #tpu.memory_space<vmem>> -> memref<1x128x16xf32, #tpu.memory_space<vmem>>
      %dma_wait3A_584 = tpu.memref_squeeze %dma_wait3A_583 : memref<1x128x16xf32, #tpu.memory_space<vmem>> -> memref<128x16xf32, #tpu.memory_space<vmem>>
      %dma_wait3A_585 = arith.constant 0 : i32
      %dma_wait3A_586 = tpu.memref_slice %arg6[%add3A_579, %dma_wait3A_585] : memref<80x128xi32, #tpu.memory_space<vmem>> -> memref<1x128xi32, #tpu.memory_space<vmem>>
      %dma_wait3A_587 = tpu.memref_squeeze %dma_wait3A_586 : memref<1x128xi32, #tpu.memory_space<vmem>> -> memref<128xi32, #tpu.memory_space<vmem>>
      %dma_wait3A_588 = arith.constant 0 : i32
      %dma_wait3A_589 = arith.constant 0 : i32
      %dma_wait3A_590 = tpu.memref_slice %arg12[%dma_wait3A_588, %dma_wait3A_589] : memref<10240x16xf32, #tpu.memory_space<vmem_shared>> -> memref<10240x16xf32, #tpu.memory_space<vmem_shared>>
      tpu.wait_indirect_dma semaphore(%arg9 : memref<!tpu.dma_semaphore, #tpu.memory_space<semaphore_mem>>) src(%dma_wait3A_590 : memref<10240x16xf32, #tpu.memory_space<vmem_shared>>) dst(%dma_wait3A_584 : memref<128x16xf32, #tpu.memory_space<vmem>>)
      %add3A_591 = arith.constant 4 : i32
      %add3A_592 = arith.addi %add3A_123, %add3A_591 : i32
      %dma_wait3A_593 = arith.constant 12 : i32
      %dma_wait3A_594 = arith.constant 0 : i32
      %dma_wait3A_595 = arith.constant 0 : i32
      %dma_wait3A_596 = tpu.memref_slice %arg8[%dma_wait3A_593, %dma_wait3A_594, %dma_wait3A_595] : memref<16x128x16xf32, #tpu.memory_space<vmem>> -> memref<1x128x16xf32, #tpu.memory_space<vmem>>
      %dma_wait3A_597 = tpu.memref_squeeze %dma_wait3A_596 : memref<1x128x16xf32, #tpu.memory_space<vmem>> -> memref<128x16xf32, #tpu.memory_space<vmem>>
      %dma_wait3A_598 = arith.constant 0 : i32
      %dma_wait3A_599 = tpu.memref_slice %arg6[%add3A_592, %dma_wait3A_598] : memref<80x128xi32, #tpu.memory_space<vmem>> -> memref<1x128xi32, #tpu.memory_space<vmem>>
      %dma_wait3A_600 = tpu.memref_squeeze %dma_wait3A_599 : memref<1x128xi32, #tpu.memory_space<vmem>> -> memref<128xi32, #tpu.memory_space<vmem>>
      %dma_wait3A_601 = arith.constant 0 : i32
      %dma_wait3A_602 = arith.constant 0 : i32
      %dma_wait3A_603 = tpu.memref_slice %arg12[%dma_wait3A_601, %dma_wait3A_602] : memref<10240x16xf32, #tpu.memory_space<vmem_shared>> -> memref<10240x16xf32, #tpu.memory_space<vmem_shared>>
      tpu.wait_indirect_dma semaphore(%arg9 : memref<!tpu.dma_semaphore, #tpu.memory_space<semaphore_mem>>) src(%dma_wait3A_603 : memref<10240x16xf32, #tpu.memory_space<vmem_shared>>) dst(%dma_wait3A_597 : memref<128x16xf32, #tpu.memory_space<vmem>>)
      %add3A_604 = arith.constant 5 : i32
      %add3A_605 = arith.addi %add3A_123, %add3A_604 : i32
      %dma_wait3A_606 = arith.constant 13 : i32
      %dma_wait3A_607 = arith.constant 0 : i32
      %dma_wait3A_608 = arith.constant 0 : i32
      %dma_wait3A_609 = tpu.memref_slice %arg8[%dma_wait3A_606, %dma_wait3A_607, %dma_wait3A_608] : memref<16x128x16xf32, #tpu.memory_space<vmem>> -> memref<1x128x16xf32, #tpu.memory_space<vmem>>
      %dma_wait3A_610 = tpu.memref_squeeze %dma_wait3A_609 : memref<1x128x16xf32, #tpu.memory_space<vmem>> -> memref<128x16xf32, #tpu.memory_space<vmem>>
      %dma_wait3A_611 = arith.constant 0 : i32
      %dma_wait3A_612 = tpu.memref_slice %arg6[%add3A_605, %dma_wait3A_611] : memref<80x128xi32, #tpu.memory_space<vmem>> -> memref<1x128xi32, #tpu.memory_space<vmem>>
      %dma_wait3A_613 = tpu.memref_squeeze %dma_wait3A_612 : memref<1x128xi32, #tpu.memory_space<vmem>> -> memref<128xi32, #tpu.memory_space<vmem>>
      %dma_wait3A_614 = arith.constant 0 : i32
      %dma_wait3A_615 = arith.constant 0 : i32
      %dma_wait3A_616 = tpu.memref_slice %arg12[%dma_wait3A_614, %dma_wait3A_615] : memref<10240x16xf32, #tpu.memory_space<vmem_shared>> -> memref<10240x16xf32, #tpu.memory_space<vmem_shared>>
      tpu.wait_indirect_dma semaphore(%arg9 : memref<!tpu.dma_semaphore, #tpu.memory_space<semaphore_mem>>) src(%dma_wait3A_616 : memref<10240x16xf32, #tpu.memory_space<vmem_shared>>) dst(%dma_wait3A_610 : memref<128x16xf32, #tpu.memory_space<vmem>>)
      %add3A_617 = arith.constant 6 : i32
      %add3A_618 = arith.addi %add3A_123, %add3A_617 : i32
      %dma_wait3A_619 = arith.constant 14 : i32
      %dma_wait3A_620 = arith.constant 0 : i32
      %dma_wait3A_621 = arith.constant 0 : i32
      %dma_wait3A_622 = tpu.memref_slice %arg8[%dma_wait3A_619, %dma_wait3A_620, %dma_wait3A_621] : memref<16x128x16xf32, #tpu.memory_space<vmem>> -> memref<1x128x16xf32, #tpu.memory_space<vmem>>
      %dma_wait3A_623 = tpu.memref_squeeze %dma_wait3A_622 : memref<1x128x16xf32, #tpu.memory_space<vmem>> -> memref<128x16xf32, #tpu.memory_space<vmem>>
      %dma_wait3A_624 = arith.constant 0 : i32
      %dma_wait3A_625 = tpu.memref_slice %arg6[%add3A_618, %dma_wait3A_624] : memref<80x128xi32, #tpu.memory_space<vmem>> -> memref<1x128xi32, #tpu.memory_space<vmem>>
      %dma_wait3A_626 = tpu.memref_squeeze %dma_wait3A_625 : memref<1x128xi32, #tpu.memory_space<vmem>> -> memref<128xi32, #tpu.memory_space<vmem>>
      %dma_wait3A_627 = arith.constant 0 : i32
      %dma_wait3A_628 = arith.constant 0 : i32
      %dma_wait3A_629 = tpu.memref_slice %arg12[%dma_wait3A_627, %dma_wait3A_628] : memref<10240x16xf32, #tpu.memory_space<vmem_shared>> -> memref<10240x16xf32, #tpu.memory_space<vmem_shared>>
      tpu.wait_indirect_dma semaphore(%arg9 : memref<!tpu.dma_semaphore, #tpu.memory_space<semaphore_mem>>) src(%dma_wait3A_629 : memref<10240x16xf32, #tpu.memory_space<vmem_shared>>) dst(%dma_wait3A_623 : memref<128x16xf32, #tpu.memory_space<vmem>>)
      %add3A_630 = arith.constant 7 : i32
      %add3A_631 = arith.addi %add3A_123, %add3A_630 : i32
      %dma_wait3A_632 = arith.constant 15 : i32
      %dma_wait3A_633 = arith.constant 0 : i32
      %dma_wait3A_634 = arith.constant 0 : i32
      %dma_wait3A_635 = tpu.memref_slice %arg8[%dma_wait3A_632, %dma_wait3A_633, %dma_wait3A_634] : memref<16x128x16xf32, #tpu.memory_space<vmem>> -> memref<1x128x16xf32, #tpu.memory_space<vmem>>
      %dma_wait3A_636 = tpu.memref_squeeze %dma_wait3A_635 : memref<1x128x16xf32, #tpu.memory_space<vmem>> -> memref<128x16xf32, #tpu.memory_space<vmem>>
      %dma_wait3A_637 = arith.constant 0 : i32
      %dma_wait3A_638 = tpu.memref_slice %arg6[%add3A_631, %dma_wait3A_637] : memref<80x128xi32, #tpu.memory_space<vmem>> -> memref<1x128xi32, #tpu.memory_space<vmem>>
      %dma_wait3A_639 = tpu.memref_squeeze %dma_wait3A_638 : memref<1x128xi32, #tpu.memory_space<vmem>> -> memref<128xi32, #tpu.memory_space<vmem>>
      %dma_wait3A_640 = arith.constant 0 : i32
      %dma_wait3A_641 = arith.constant 0 : i32
      %dma_wait3A_642 = tpu.memref_slice %arg12[%dma_wait3A_640, %dma_wait3A_641] : memref<10240x16xf32, #tpu.memory_space<vmem_shared>> -> memref<10240x16xf32, #tpu.memory_space<vmem_shared>>
      tpu.wait_indirect_dma semaphore(%arg9 : memref<!tpu.dma_semaphore, #tpu.memory_space<semaphore_mem>>) src(%dma_wait3A_642 : memref<10240x16xf32, #tpu.memory_space<vmem_shared>>) dst(%dma_wait3A_636 : memref<128x16xf32, #tpu.memory_space<vmem>>)
      %add3A_643 = arith.constant 0 : i32
      %add3A_644 = arith.addi %add3A_123, %add3A_643 : i32
      %dma_start3A_645 = arith.constant 8 : i32
      %dma_start3A_646 = arith.constant 0 : i32
      %dma_start3A_647 = arith.constant 0 : i32
      %dma_start3A_648 = tpu.memref_slice %arg8[%dma_start3A_645, %dma_start3A_646, %dma_start3A_647] : memref<16x128x16xf32, #tpu.memory_space<vmem>> -> memref<1x128x16xf32, #tpu.memory_space<vmem>>
      %dma_start3A_649 = tpu.memref_squeeze %dma_start3A_648 : memref<1x128x16xf32, #tpu.memory_space<vmem>> -> memref<128x16xf32, #tpu.memory_space<vmem>>
      %dma_start3A_650 = arith.constant 0 : i32
      %dma_start3A_651 = tpu.memref_slice %arg7[%add3A_644, %dma_start3A_650] : memref<80x128xi32, #tpu.memory_space<vmem>> -> memref<1x128xi32, #tpu.memory_space<vmem>>
      %dma_start3A_652 = tpu.memref_squeeze %dma_start3A_651 : memref<1x128xi32, #tpu.memory_space<vmem>> -> memref<128xi32, #tpu.memory_space<vmem>>
      %dma_start3A_653 = arith.constant 0 : i32
      %dma_start3A_654 = arith.constant 0 : i32
      %dma_start3A_655 = tpu.memref_slice %arg11[%dma_start3A_653, %dma_start3A_654] : memref<10240x16xf32, #tpu.memory_space<vmem_shared>> -> memref<10240x16xf32, #tpu.memory_space<vmem_shared>>
      tpu.enqueue_indirect_dma source(%dma_start3A_649 : memref<128x16xf32, #tpu.memory_space<vmem>>) target(%dma_start3A_655 : memref<10240x16xf32, #tpu.memory_space<vmem_shared>>) offsets(%dma_start3A_652 : memref<128xi32, #tpu.memory_space<vmem>>) semaphore(%arg10 : memref<!tpu.dma_semaphore, #tpu.memory_space<semaphore_mem>>) {add = true}
      %add3A_656 = arith.constant 1 : i32
      %add3A_657 = arith.addi %add3A_123, %add3A_656 : i32
      %dma_start3A_658 = arith.constant 9 : i32
      %dma_start3A_659 = arith.constant 0 : i32
      %dma_start3A_660 = arith.constant 0 : i32
      %dma_start3A_661 = tpu.memref_slice %arg8[%dma_start3A_658, %dma_start3A_659, %dma_start3A_660] : memref<16x128x16xf32, #tpu.memory_space<vmem>> -> memref<1x128x16xf32, #tpu.memory_space<vmem>>
      %dma_start3A_662 = tpu.memref_squeeze %dma_start3A_661 : memref<1x128x16xf32, #tpu.memory_space<vmem>> -> memref<128x16xf32, #tpu.memory_space<vmem>>
      %dma_start3A_663 = arith.constant 0 : i32
      %dma_start3A_664 = tpu.memref_slice %arg7[%add3A_657, %dma_start3A_663] : memref<80x128xi32, #tpu.memory_space<vmem>> -> memref<1x128xi32, #tpu.memory_space<vmem>>
      %dma_start3A_665 = tpu.memref_squeeze %dma_start3A_664 : memref<1x128xi32, #tpu.memory_space<vmem>> -> memref<128xi32, #tpu.memory_space<vmem>>
      %dma_start3A_666 = arith.constant 0 : i32
      %dma_start3A_667 = arith.constant 0 : i32
      %dma_start3A_668 = tpu.memref_slice %arg11[%dma_start3A_666, %dma_start3A_667] : memref<10240x16xf32, #tpu.memory_space<vmem_shared>> -> memref<10240x16xf32, #tpu.memory_space<vmem_shared>>
      tpu.enqueue_indirect_dma source(%dma_start3A_662 : memref<128x16xf32, #tpu.memory_space<vmem>>) target(%dma_start3A_668 : memref<10240x16xf32, #tpu.memory_space<vmem_shared>>) offsets(%dma_start3A_665 : memref<128xi32, #tpu.memory_space<vmem>>) semaphore(%arg10 : memref<!tpu.dma_semaphore, #tpu.memory_space<semaphore_mem>>) {add = true}
      %add3A_669 = arith.constant 2 : i32
      %add3A_670 = arith.addi %add3A_123, %add3A_669 : i32
      %dma_start3A_671 = arith.constant 10 : i32
      %dma_start3A_672 = arith.constant 0 : i32
      %dma_start3A_673 = arith.constant 0 : i32
      %dma_start3A_674 = tpu.memref_slice %arg8[%dma_start3A_671, %dma_start3A_672, %dma_start3A_673] : memref<16x128x16xf32, #tpu.memory_space<vmem>> -> memref<1x128x16xf32, #tpu.memory_space<vmem>>
      %dma_start3A_675 = tpu.memref_squeeze %dma_start3A_674 : memref<1x128x16xf32, #tpu.memory_space<vmem>> -> memref<128x16xf32, #tpu.memory_space<vmem>>
      %dma_start3A_676 = arith.constant 0 : i32
      %dma_start3A_677 = tpu.memref_slice %arg7[%add3A_670, %dma_start3A_676] : memref<80x128xi32, #tpu.memory_space<vmem>> -> memref<1x128xi32, #tpu.memory_space<vmem>>
      %dma_start3A_678 = tpu.memref_squeeze %dma_start3A_677 : memref<1x128xi32, #tpu.memory_space<vmem>> -> memref<128xi32, #tpu.memory_space<vmem>>
      %dma_start3A_679 = arith.constant 0 : i32
      %dma_start3A_680 = arith.constant 0 : i32
      %dma_start3A_681 = tpu.memref_slice %arg11[%dma_start3A_679, %dma_start3A_680] : memref<10240x16xf32, #tpu.memory_space<vmem_shared>> -> memref<10240x16xf32, #tpu.memory_space<vmem_shared>>
      tpu.enqueue_indirect_dma source(%dma_start3A_675 : memref<128x16xf32, #tpu.memory_space<vmem>>) target(%dma_start3A_681 : memref<10240x16xf32, #tpu.memory_space<vmem_shared>>) offsets(%dma_start3A_678 : memref<128xi32, #tpu.memory_space<vmem>>) semaphore(%arg10 : memref<!tpu.dma_semaphore, #tpu.memory_space<semaphore_mem>>) {add = true}
      %add3A_682 = arith.constant 3 : i32
      %add3A_683 = arith.addi %add3A_123, %add3A_682 : i32
      %dma_start3A_684 = arith.constant 11 : i32
      %dma_start3A_685 = arith.constant 0 : i32
      %dma_start3A_686 = arith.constant 0 : i32
      %dma_start3A_687 = tpu.memref_slice %arg8[%dma_start3A_684, %dma_start3A_685, %dma_start3A_686] : memref<16x128x16xf32, #tpu.memory_space<vmem>> -> memref<1x128x16xf32, #tpu.memory_space<vmem>>
      %dma_start3A_688 = tpu.memref_squeeze %dma_start3A_687 : memref<1x128x16xf32, #tpu.memory_space<vmem>> -> memref<128x16xf32, #tpu.memory_space<vmem>>
      %dma_start3A_689 = arith.constant 0 : i32
      %dma_start3A_690 = tpu.memref_slice %arg7[%add3A_683, %dma_start3A_689] : memref<80x128xi32, #tpu.memory_space<vmem>> -> memref<1x128xi32, #tpu.memory_space<vmem>>
      %dma_start3A_691 = tpu.memref_squeeze %dma_start3A_690 : memref<1x128xi32, #tpu.memory_space<vmem>> -> memref<128xi32, #tpu.memory_space<vmem>>
      %dma_start3A_692 = arith.constant 0 : i32
      %dma_start3A_693 = arith.constant 0 : i32
      %dma_start3A_694 = tpu.memref_slice %arg11[%dma_start3A_692, %dma_start3A_693] : memref<10240x16xf32, #tpu.memory_space<vmem_shared>> -> memref<10240x16xf32, #tpu.memory_space<vmem_shared>>
      tpu.enqueue_indirect_dma source(%dma_start3A_688 : memref<128x16xf32, #tpu.memory_space<vmem>>) target(%dma_start3A_694 : memref<10240x16xf32, #tpu.memory_space<vmem_shared>>) offsets(%dma_start3A_691 : memref<128xi32, #tpu.memory_space<vmem>>) semaphore(%arg10 : memref<!tpu.dma_semaphore, #tpu.memory_space<semaphore_mem>>) {add = true}
      %add3A_695 = arith.constant 4 : i32
      %add3A_696 = arith.addi %add3A_123, %add3A_695 : i32
      %dma_start3A_697 = arith.constant 12 : i32
      %dma_start3A_698 = arith.constant 0 : i32
      %dma_start3A_699 = arith.constant 0 : i32
      %dma_start3A_700 = tpu.memref_slice %arg8[%dma_start3A_697, %dma_start3A_698, %dma_start3A_699] : memref<16x128x16xf32, #tpu.memory_space<vmem>> -> memref<1x128x16xf32, #tpu.memory_space<vmem>>
      %dma_start3A_701 = tpu.memref_squeeze %dma_start3A_700 : memref<1x128x16xf32, #tpu.memory_space<vmem>> -> memref<128x16xf32, #tpu.memory_space<vmem>>
      %dma_start3A_702 = arith.constant 0 : i32
      %dma_start3A_703 = tpu.memref_slice %arg7[%add3A_696, %dma_start3A_702] : memref<80x128xi32, #tpu.memory_space<vmem>> -> memref<1x128xi32, #tpu.memory_space<vmem>>
      %dma_start3A_704 = tpu.memref_squeeze %dma_start3A_703 : memref<1x128xi32, #tpu.memory_space<vmem>> -> memref<128xi32, #tpu.memory_space<vmem>>
      %dma_start3A_705 = arith.constant 0 : i32
      %dma_start3A_706 = arith.constant 0 : i32
      %dma_start3A_707 = tpu.memref_slice %arg11[%dma_start3A_705, %dma_start3A_706] : memref<10240x16xf32, #tpu.memory_space<vmem_shared>> -> memref<10240x16xf32, #tpu.memory_space<vmem_shared>>
      tpu.enqueue_indirect_dma source(%dma_start3A_701 : memref<128x16xf32, #tpu.memory_space<vmem>>) target(%dma_start3A_707 : memref<10240x16xf32, #tpu.memory_space<vmem_shared>>) offsets(%dma_start3A_704 : memref<128xi32, #tpu.memory_space<vmem>>) semaphore(%arg10 : memref<!tpu.dma_semaphore, #tpu.memory_space<semaphore_mem>>) {add = true}
      %add3A_708 = arith.constant 5 : i32
      %add3A_709 = arith.addi %add3A_123, %add3A_708 : i32
      %dma_start3A_710 = arith.constant 13 : i32
      %dma_start3A_711 = arith.constant 0 : i32
      %dma_start3A_712 = arith.constant 0 : i32
      %dma_start3A_713 = tpu.memref_slice %arg8[%dma_start3A_710, %dma_start3A_711, %dma_start3A_712] : memref<16x128x16xf32, #tpu.memory_space<vmem>> -> memref<1x128x16xf32, #tpu.memory_space<vmem>>
      %dma_start3A_714 = tpu.memref_squeeze %dma_start3A_713 : memref<1x128x16xf32, #tpu.memory_space<vmem>> -> memref<128x16xf32, #tpu.memory_space<vmem>>
      %dma_start3A_715 = arith.constant 0 : i32
      %dma_start3A_716 = tpu.memref_slice %arg7[%add3A_709, %dma_start3A_715] : memref<80x128xi32, #tpu.memory_space<vmem>> -> memref<1x128xi32, #tpu.memory_space<vmem>>
      %dma_start3A_717 = tpu.memref_squeeze %dma_start3A_716 : memref<1x128xi32, #tpu.memory_space<vmem>> -> memref<128xi32, #tpu.memory_space<vmem>>
      %dma_start3A_718 = arith.constant 0 : i32
      %dma_start3A_719 = arith.constant 0 : i32
      %dma_start3A_720 = tpu.memref_slice %arg11[%dma_start3A_718, %dma_start3A_719] : memref<10240x16xf32, #tpu.memory_space<vmem_shared>> -> memref<10240x16xf32, #tpu.memory_space<vmem_shared>>
      tpu.enqueue_indirect_dma source(%dma_start3A_714 : memref<128x16xf32, #tpu.memory_space<vmem>>) target(%dma_start3A_720 : memref<10240x16xf32, #tpu.memory_space<vmem_shared>>) offsets(%dma_start3A_717 : memref<128xi32, #tpu.memory_space<vmem>>) semaphore(%arg10 : memref<!tpu.dma_semaphore, #tpu.memory_space<semaphore_mem>>) {add = true}
      %add3A_721 = arith.constant 6 : i32
      %add3A_722 = arith.addi %add3A_123, %add3A_721 : i32
      %dma_start3A_723 = arith.constant 14 : i32
      %dma_start3A_724 = arith.constant 0 : i32
      %dma_start3A_725 = arith.constant 0 : i32
      %dma_start3A_726 = tpu.memref_slice %arg8[%dma_start3A_723, %dma_start3A_724, %dma_start3A_725] : memref<16x128x16xf32, #tpu.memory_space<vmem>> -> memref<1x128x16xf32, #tpu.memory_space<vmem>>
      %dma_start3A_727 = tpu.memref_squeeze %dma_start3A_726 : memref<1x128x16xf32, #tpu.memory_space<vmem>> -> memref<128x16xf32, #tpu.memory_space<vmem>>
      %dma_start3A_728 = arith.constant 0 : i32
      %dma_start3A_729 = tpu.memref_slice %arg7[%add3A_722, %dma_start3A_728] : memref<80x128xi32, #tpu.memory_space<vmem>> -> memref<1x128xi32, #tpu.memory_space<vmem>>
      %dma_start3A_730 = tpu.memref_squeeze %dma_start3A_729 : memref<1x128xi32, #tpu.memory_space<vmem>> -> memref<128xi32, #tpu.memory_space<vmem>>
      %dma_start3A_731 = arith.constant 0 : i32
      %dma_start3A_732 = arith.constant 0 : i32
      %dma_start3A_733 = tpu.memref_slice %arg11[%dma_start3A_731, %dma_start3A_732] : memref<10240x16xf32, #tpu.memory_space<vmem_shared>> -> memref<10240x16xf32, #tpu.memory_space<vmem_shared>>
      tpu.enqueue_indirect_dma source(%dma_start3A_727 : memref<128x16xf32, #tpu.memory_space<vmem>>) target(%dma_start3A_733 : memref<10240x16xf32, #tpu.memory_space<vmem_shared>>) offsets(%dma_start3A_730 : memref<128xi32, #tpu.memory_space<vmem>>) semaphore(%arg10 : memref<!tpu.dma_semaphore, #tpu.memory_space<semaphore_mem>>) {add = true}
      %add3A_734 = arith.constant 7 : i32
      %add3A_735 = arith.addi %add3A_123, %add3A_734 : i32
      %dma_start3A_736 = arith.constant 15 : i32
      %dma_start3A_737 = arith.constant 0 : i32
      %dma_start3A_738 = arith.constant 0 : i32
      %dma_start3A_739 = tpu.memref_slice %arg8[%dma_start3A_736, %dma_start3A_737, %dma_start3A_738] : memref<16x128x16xf32, #tpu.memory_space<vmem>> -> memref<1x128x16xf32, #tpu.memory_space<vmem>>
      %dma_start3A_740 = tpu.memref_squeeze %dma_start3A_739 : memref<1x128x16xf32, #tpu.memory_space<vmem>> -> memref<128x16xf32, #tpu.memory_space<vmem>>
      %dma_start3A_741 = arith.constant 0 : i32
      %dma_start3A_742 = tpu.memref_slice %arg7[%add3A_735, %dma_start3A_741] : memref<80x128xi32, #tpu.memory_space<vmem>> -> memref<1x128xi32, #tpu.memory_space<vmem>>
      %dma_start3A_743 = tpu.memref_squeeze %dma_start3A_742 : memref<1x128xi32, #tpu.memory_space<vmem>> -> memref<128xi32, #tpu.memory_space<vmem>>
      %dma_start3A_744 = arith.constant 0 : i32
      %dma_start3A_745 = arith.constant 0 : i32
      %dma_start3A_746 = tpu.memref_slice %arg11[%dma_start3A_744, %dma_start3A_745] : memref<10240x16xf32, #tpu.memory_space<vmem_shared>> -> memref<10240x16xf32, #tpu.memory_space<vmem_shared>>
      tpu.enqueue_indirect_dma source(%dma_start3A_740 : memref<128x16xf32, #tpu.memory_space<vmem>>) target(%dma_start3A_746 : memref<10240x16xf32, #tpu.memory_space<vmem_shared>>) offsets(%dma_start3A_743 : memref<128xi32, #tpu.memory_space<vmem>>) semaphore(%arg10 : memref<!tpu.dma_semaphore, #tpu.memory_space<semaphore_mem>>) {add = true}
      %lt3A = arith.constant 4 : i32
      %lt3A_747 = arith.cmpi slt, %scan3A_119, %lt3A : i32
      %convert_element_type3A_748 = arith.extui %lt3A_747 : i1 to i32
      %cond3A_749 = arith.constant 0 : i32
      %cond3A_750 = arith.cmpi ne, %convert_element_type3A_748, %cond3A_749 : i32
      scf.if %cond3A_750 {
        %add3A_855 = arith.constant 16 : i32
        %add3A_856 = arith.addi %mul3A_121, %add3A_855 : i32
        %add3A_857 = arith.constant 0 : i32
        %add3A_858 = arith.addi %add3A_856, %add3A_857 : i32
        %dma_start3A_859 = arith.constant 0 : i32
        %dma_start3A_860 = arith.constant 0 : i32
        %dma_start3A_861 = arith.constant 0 : i32
        %dma_start3A_862 = tpu.memref_slice %arg8[%dma_start3A_859, %dma_start3A_860, %dma_start3A_861] : memref<16x128x16xf32, #tpu.memory_space<vmem>> -> memref<1x128x16xf32, #tpu.memory_space<vmem>>
        %dma_start3A_863 = tpu.memref_squeeze %dma_start3A_862 : memref<1x128x16xf32, #tpu.memory_space<vmem>> -> memref<128x16xf32, #tpu.memory_space<vmem>>
        %dma_start3A_864 = arith.constant 0 : i32
        %dma_start3A_865 = tpu.memref_slice %arg6[%add3A_858, %dma_start3A_864] : memref<80x128xi32, #tpu.memory_space<vmem>> -> memref<1x128xi32, #tpu.memory_space<vmem>>
        %dma_start3A_866 = tpu.memref_squeeze %dma_start3A_865 : memref<1x128xi32, #tpu.memory_space<vmem>> -> memref<128xi32, #tpu.memory_space<vmem>>
        %dma_start3A_867 = arith.constant 0 : i32
        %dma_start3A_868 = arith.constant 0 : i32
        %dma_start3A_869 = tpu.memref_slice %arg12[%dma_start3A_867, %dma_start3A_868] : memref<10240x16xf32, #tpu.memory_space<vmem_shared>> -> memref<10240x16xf32, #tpu.memory_space<vmem_shared>>
        tpu.enqueue_indirect_dma source(%dma_start3A_869 : memref<10240x16xf32, #tpu.memory_space<vmem_shared>>) target(%dma_start3A_863 : memref<128x16xf32, #tpu.memory_space<vmem>>) offsets(%dma_start3A_866 : memref<128xi32, #tpu.memory_space<vmem>>) semaphore(%arg9 : memref<!tpu.dma_semaphore, #tpu.memory_space<semaphore_mem>>)
        %add3A_870 = arith.constant 1 : i32
        %add3A_871 = arith.addi %add3A_856, %add3A_870 : i32
        %dma_start3A_872 = arith.constant 1 : i32
        %dma_start3A_873 = arith.constant 0 : i32
        %dma_start3A_874 = arith.constant 0 : i32
        %dma_start3A_875 = tpu.memref_slice %arg8[%dma_start3A_872, %dma_start3A_873, %dma_start3A_874] : memref<16x128x16xf32, #tpu.memory_space<vmem>> -> memref<1x128x16xf32, #tpu.memory_space<vmem>>
        %dma_start3A_876 = tpu.memref_squeeze %dma_start3A_875 : memref<1x128x16xf32, #tpu.memory_space<vmem>> -> memref<128x16xf32, #tpu.memory_space<vmem>>
        %dma_start3A_877 = arith.constant 0 : i32
        %dma_start3A_878 = tpu.memref_slice %arg6[%add3A_871, %dma_start3A_877] : memref<80x128xi32, #tpu.memory_space<vmem>> -> memref<1x128xi32, #tpu.memory_space<vmem>>
        %dma_start3A_879 = tpu.memref_squeeze %dma_start3A_878 : memref<1x128xi32, #tpu.memory_space<vmem>> -> memref<128xi32, #tpu.memory_space<vmem>>
        %dma_start3A_880 = arith.constant 0 : i32
        %dma_start3A_881 = arith.constant 0 : i32
        %dma_start3A_882 = tpu.memref_slice %arg12[%dma_start3A_880, %dma_start3A_881] : memref<10240x16xf32, #tpu.memory_space<vmem_shared>> -> memref<10240x16xf32, #tpu.memory_space<vmem_shared>>
        tpu.enqueue_indirect_dma source(%dma_start3A_882 : memref<10240x16xf32, #tpu.memory_space<vmem_shared>>) target(%dma_start3A_876 : memref<128x16xf32, #tpu.memory_space<vmem>>) offsets(%dma_start3A_879 : memref<128xi32, #tpu.memory_space<vmem>>) semaphore(%arg9 : memref<!tpu.dma_semaphore, #tpu.memory_space<semaphore_mem>>)
        %add3A_883 = arith.constant 2 : i32
        %add3A_884 = arith.addi %add3A_856, %add3A_883 : i32
        %dma_start3A_885 = arith.constant 2 : i32
        %dma_start3A_886 = arith.constant 0 : i32
        %dma_start3A_887 = arith.constant 0 : i32
        %dma_start3A_888 = tpu.memref_slice %arg8[%dma_start3A_885, %dma_start3A_886, %dma_start3A_887] : memref<16x128x16xf32, #tpu.memory_space<vmem>> -> memref<1x128x16xf32, #tpu.memory_space<vmem>>
        %dma_start3A_889 = tpu.memref_squeeze %dma_start3A_888 : memref<1x128x16xf32, #tpu.memory_space<vmem>> -> memref<128x16xf32, #tpu.memory_space<vmem>>
        %dma_start3A_890 = arith.constant 0 : i32
        %dma_start3A_891 = tpu.memref_slice %arg6[%add3A_884, %dma_start3A_890] : memref<80x128xi32, #tpu.memory_space<vmem>> -> memref<1x128xi32, #tpu.memory_space<vmem>>
        %dma_start3A_892 = tpu.memref_squeeze %dma_start3A_891 : memref<1x128xi32, #tpu.memory_space<vmem>> -> memref<128xi32, #tpu.memory_space<vmem>>
        %dma_start3A_893 = arith.constant 0 : i32
        %dma_start3A_894 = arith.constant 0 : i32
        %dma_start3A_895 = tpu.memref_slice %arg12[%dma_start3A_893, %dma_start3A_894] : memref<10240x16xf32, #tpu.memory_space<vmem_shared>> -> memref<10240x16xf32, #tpu.memory_space<vmem_shared>>
        tpu.enqueue_indirect_dma source(%dma_start3A_895 : memref<10240x16xf32, #tpu.memory_space<vmem_shared>>) target(%dma_start3A_889 : memref<128x16xf32, #tpu.memory_space<vmem>>) offsets(%dma_start3A_892 : memref<128xi32, #tpu.memory_space<vmem>>) semaphore(%arg9 : memref<!tpu.dma_semaphore, #tpu.memory_space<semaphore_mem>>)
        %add3A_896 = arith.constant 3 : i32
        %add3A_897 = arith.addi %add3A_856, %add3A_896 : i32
        %dma_start3A_898 = arith.constant 3 : i32
        %dma_start3A_899 = arith.constant 0 : i32
        %dma_start3A_900 = arith.constant 0 : i32
        %dma_start3A_901 = tpu.memref_slice %arg8[%dma_start3A_898, %dma_start3A_899, %dma_start3A_900] : memref<16x128x16xf32, #tpu.memory_space<vmem>> -> memref<1x128x16xf32, #tpu.memory_space<vmem>>
        %dma_start3A_902 = tpu.memref_squeeze %dma_start3A_901 : memref<1x128x16xf32, #tpu.memory_space<vmem>> -> memref<128x16xf32, #tpu.memory_space<vmem>>
        %dma_start3A_903 = arith.constant 0 : i32
        %dma_start3A_904 = tpu.memref_slice %arg6[%add3A_897, %dma_start3A_903] : memref<80x128xi32, #tpu.memory_space<vmem>> -> memref<1x128xi32, #tpu.memory_space<vmem>>
        %dma_start3A_905 = tpu.memref_squeeze %dma_start3A_904 : memref<1x128xi32, #tpu.memory_space<vmem>> -> memref<128xi32, #tpu.memory_space<vmem>>
        %dma_start3A_906 = arith.constant 0 : i32
        %dma_start3A_907 = arith.constant 0 : i32
        %dma_start3A_908 = tpu.memref_slice %arg12[%dma_start3A_906, %dma_start3A_907] : memref<10240x16xf32, #tpu.memory_space<vmem_shared>> -> memref<10240x16xf32, #tpu.memory_space<vmem_shared>>
        tpu.enqueue_indirect_dma source(%dma_start3A_908 : memref<10240x16xf32, #tpu.memory_space<vmem_shared>>) target(%dma_start3A_902 : memref<128x16xf32, #tpu.memory_space<vmem>>) offsets(%dma_start3A_905 : memref<128xi32, #tpu.memory_space<vmem>>) semaphore(%arg9 : memref<!tpu.dma_semaphore, #tpu.memory_space<semaphore_mem>>)
        %add3A_909 = arith.constant 4 : i32
        %add3A_910 = arith.addi %add3A_856, %add3A_909 : i32
        %dma_start3A_911 = arith.constant 4 : i32
        %dma_start3A_912 = arith.constant 0 : i32
        %dma_start3A_913 = arith.constant 0 : i32
        %dma_start3A_914 = tpu.memref_slice %arg8[%dma_start3A_911, %dma_start3A_912, %dma_start3A_913] : memref<16x128x16xf32, #tpu.memory_space<vmem>> -> memref<1x128x16xf32, #tpu.memory_space<vmem>>
        %dma_start3A_915 = tpu.memref_squeeze %dma_start3A_914 : memref<1x128x16xf32, #tpu.memory_space<vmem>> -> memref<128x16xf32, #tpu.memory_space<vmem>>
        %dma_start3A_916 = arith.constant 0 : i32
        %dma_start3A_917 = tpu.memref_slice %arg6[%add3A_910, %dma_start3A_916] : memref<80x128xi32, #tpu.memory_space<vmem>> -> memref<1x128xi32, #tpu.memory_space<vmem>>
        %dma_start3A_918 = tpu.memref_squeeze %dma_start3A_917 : memref<1x128xi32, #tpu.memory_space<vmem>> -> memref<128xi32, #tpu.memory_space<vmem>>
        %dma_start3A_919 = arith.constant 0 : i32
        %dma_start3A_920 = arith.constant 0 : i32
        %dma_start3A_921 = tpu.memref_slice %arg12[%dma_start3A_919, %dma_start3A_920] : memref<10240x16xf32, #tpu.memory_space<vmem_shared>> -> memref<10240x16xf32, #tpu.memory_space<vmem_shared>>
        tpu.enqueue_indirect_dma source(%dma_start3A_921 : memref<10240x16xf32, #tpu.memory_space<vmem_shared>>) target(%dma_start3A_915 : memref<128x16xf32, #tpu.memory_space<vmem>>) offsets(%dma_start3A_918 : memref<128xi32, #tpu.memory_space<vmem>>) semaphore(%arg9 : memref<!tpu.dma_semaphore, #tpu.memory_space<semaphore_mem>>)
        %add3A_922 = arith.constant 5 : i32
        %add3A_923 = arith.addi %add3A_856, %add3A_922 : i32
        %dma_start3A_924 = arith.constant 5 : i32
        %dma_start3A_925 = arith.constant 0 : i32
        %dma_start3A_926 = arith.constant 0 : i32
        %dma_start3A_927 = tpu.memref_slice %arg8[%dma_start3A_924, %dma_start3A_925, %dma_start3A_926] : memref<16x128x16xf32, #tpu.memory_space<vmem>> -> memref<1x128x16xf32, #tpu.memory_space<vmem>>
        %dma_start3A_928 = tpu.memref_squeeze %dma_start3A_927 : memref<1x128x16xf32, #tpu.memory_space<vmem>> -> memref<128x16xf32, #tpu.memory_space<vmem>>
        %dma_start3A_929 = arith.constant 0 : i32
        %dma_start3A_930 = tpu.memref_slice %arg6[%add3A_923, %dma_start3A_929] : memref<80x128xi32, #tpu.memory_space<vmem>> -> memref<1x128xi32, #tpu.memory_space<vmem>>
        %dma_start3A_931 = tpu.memref_squeeze %dma_start3A_930 : memref<1x128xi32, #tpu.memory_space<vmem>> -> memref<128xi32, #tpu.memory_space<vmem>>
        %dma_start3A_932 = arith.constant 0 : i32
        %dma_start3A_933 = arith.constant 0 : i32
        %dma_start3A_934 = tpu.memref_slice %arg12[%dma_start3A_932, %dma_start3A_933] : memref<10240x16xf32, #tpu.memory_space<vmem_shared>> -> memref<10240x16xf32, #tpu.memory_space<vmem_shared>>
        tpu.enqueue_indirect_dma source(%dma_start3A_934 : memref<10240x16xf32, #tpu.memory_space<vmem_shared>>) target(%dma_start3A_928 : memref<128x16xf32, #tpu.memory_space<vmem>>) offsets(%dma_start3A_931 : memref<128xi32, #tpu.memory_space<vmem>>) semaphore(%arg9 : memref<!tpu.dma_semaphore, #tpu.memory_space<semaphore_mem>>)
        %add3A_935 = arith.constant 6 : i32
        %add3A_936 = arith.addi %add3A_856, %add3A_935 : i32
        %dma_start3A_937 = arith.constant 6 : i32
        %dma_start3A_938 = arith.constant 0 : i32
        %dma_start3A_939 = arith.constant 0 : i32
        %dma_start3A_940 = tpu.memref_slice %arg8[%dma_start3A_937, %dma_start3A_938, %dma_start3A_939] : memref<16x128x16xf32, #tpu.memory_space<vmem>> -> memref<1x128x16xf32, #tpu.memory_space<vmem>>
        %dma_start3A_941 = tpu.memref_squeeze %dma_start3A_940 : memref<1x128x16xf32, #tpu.memory_space<vmem>> -> memref<128x16xf32, #tpu.memory_space<vmem>>
        %dma_start3A_942 = arith.constant 0 : i32
        %dma_start3A_943 = tpu.memref_slice %arg6[%add3A_936, %dma_start3A_942] : memref<80x128xi32, #tpu.memory_space<vmem>> -> memref<1x128xi32, #tpu.memory_space<vmem>>
        %dma_start3A_944 = tpu.memref_squeeze %dma_start3A_943 : memref<1x128xi32, #tpu.memory_space<vmem>> -> memref<128xi32, #tpu.memory_space<vmem>>
        %dma_start3A_945 = arith.constant 0 : i32
        %dma_start3A_946 = arith.constant 0 : i32
        %dma_start3A_947 = tpu.memref_slice %arg12[%dma_start3A_945, %dma_start3A_946] : memref<10240x16xf32, #tpu.memory_space<vmem_shared>> -> memref<10240x16xf32, #tpu.memory_space<vmem_shared>>
        tpu.enqueue_indirect_dma source(%dma_start3A_947 : memref<10240x16xf32, #tpu.memory_space<vmem_shared>>) target(%dma_start3A_941 : memref<128x16xf32, #tpu.memory_space<vmem>>) offsets(%dma_start3A_944 : memref<128xi32, #tpu.memory_space<vmem>>) semaphore(%arg9 : memref<!tpu.dma_semaphore, #tpu.memory_space<semaphore_mem>>)
        %add3A_948 = arith.constant 7 : i32
        %add3A_949 = arith.addi %add3A_856, %add3A_948 : i32
        %dma_start3A_950 = arith.constant 7 : i32
        %dma_start3A_951 = arith.constant 0 : i32
        %dma_start3A_952 = arith.constant 0 : i32
        %dma_start3A_953 = tpu.memref_slice %arg8[%dma_start3A_950, %dma_start3A_951, %dma_start3A_952] : memref<16x128x16xf32, #tpu.memory_space<vmem>> -> memref<1x128x16xf32, #tpu.memory_space<vmem>>
        %dma_start3A_954 = tpu.memref_squeeze %dma_start3A_953 : memref<1x128x16xf32, #tpu.memory_space<vmem>> -> memref<128x16xf32, #tpu.memory_space<vmem>>
        %dma_start3A_955 = arith.constant 0 : i32
        %dma_start3A_956 = tpu.memref_slice %arg6[%add3A_949, %dma_start3A_955] : memref<80x128xi32, #tpu.memory_space<vmem>> -> memref<1x128xi32, #tpu.memory_space<vmem>>
        %dma_start3A_957 = tpu.memref_squeeze %dma_start3A_956 : memref<1x128xi32, #tpu.memory_space<vmem>> -> memref<128xi32, #tpu.memory_space<vmem>>
        %dma_start3A_958 = arith.constant 0 : i32
        %dma_start3A_959 = arith.constant 0 : i32
        %dma_start3A_960 = tpu.memref_slice %arg12[%dma_start3A_958, %dma_start3A_959] : memref<10240x16xf32, #tpu.memory_space<vmem_shared>> -> memref<10240x16xf32, #tpu.memory_space<vmem_shared>>
        tpu.enqueue_indirect_dma source(%dma_start3A_960 : memref<10240x16xf32, #tpu.memory_space<vmem_shared>>) target(%dma_start3A_954 : memref<128x16xf32, #tpu.memory_space<vmem>>) offsets(%dma_start3A_957 : memref<128xi32, #tpu.memory_space<vmem>>) semaphore(%arg9 : memref<!tpu.dma_semaphore, #tpu.memory_space<semaphore_mem>>)
      } else {
      }
      %add3A_751 = arith.constant 0 : i32
      %add3A_752 = arith.addi %add3A_123, %add3A_751 : i32
      %dma_wait3A_753 = arith.constant 8 : i32
      %dma_wait3A_754 = arith.constant 0 : i32
      %dma_wait3A_755 = arith.constant 0 : i32
      %dma_wait3A_756 = tpu.memref_slice %arg8[%dma_wait3A_753, %dma_wait3A_754, %dma_wait3A_755] : memref<16x128x16xf32, #tpu.memory_space<vmem>> -> memref<1x128x16xf32, #tpu.memory_space<vmem>>
      %dma_wait3A_757 = tpu.memref_squeeze %dma_wait3A_756 : memref<1x128x16xf32, #tpu.memory_space<vmem>> -> memref<128x16xf32, #tpu.memory_space<vmem>>
      %dma_wait3A_758 = arith.constant 0 : i32
      %dma_wait3A_759 = tpu.memref_slice %arg7[%add3A_752, %dma_wait3A_758] : memref<80x128xi32, #tpu.memory_space<vmem>> -> memref<1x128xi32, #tpu.memory_space<vmem>>
      %dma_wait3A_760 = tpu.memref_squeeze %dma_wait3A_759 : memref<1x128xi32, #tpu.memory_space<vmem>> -> memref<128xi32, #tpu.memory_space<vmem>>
      %dma_wait3A_761 = arith.constant 0 : i32
      %dma_wait3A_762 = arith.constant 0 : i32
      %dma_wait3A_763 = tpu.memref_slice %arg11[%dma_wait3A_761, %dma_wait3A_762] : memref<10240x16xf32, #tpu.memory_space<vmem_shared>> -> memref<10240x16xf32, #tpu.memory_space<vmem_shared>>
      tpu.wait_indirect_dma semaphore(%arg10 : memref<!tpu.dma_semaphore, #tpu.memory_space<semaphore_mem>>) src(%dma_wait3A_757 : memref<128x16xf32, #tpu.memory_space<vmem>>) dst(%dma_wait3A_763 : memref<10240x16xf32, #tpu.memory_space<vmem_shared>>)
      %add3A_764 = arith.constant 1 : i32
      %add3A_765 = arith.addi %add3A_123, %add3A_764 : i32
      %dma_wait3A_766 = arith.constant 9 : i32
      %dma_wait3A_767 = arith.constant 0 : i32
      %dma_wait3A_768 = arith.constant 0 : i32
      %dma_wait3A_769 = tpu.memref_slice %arg8[%dma_wait3A_766, %dma_wait3A_767, %dma_wait3A_768] : memref<16x128x16xf32, #tpu.memory_space<vmem>> -> memref<1x128x16xf32, #tpu.memory_space<vmem>>
      %dma_wait3A_770 = tpu.memref_squeeze %dma_wait3A_769 : memref<1x128x16xf32, #tpu.memory_space<vmem>> -> memref<128x16xf32, #tpu.memory_space<vmem>>
      %dma_wait3A_771 = arith.constant 0 : i32
      %dma_wait3A_772 = tpu.memref_slice %arg7[%add3A_765, %dma_wait3A_771] : memref<80x128xi32, #tpu.memory_space<vmem>> -> memref<1x128xi32, #tpu.memory_space<vmem>>
      %dma_wait3A_773 = tpu.memref_squeeze %dma_wait3A_772 : memref<1x128xi32, #tpu.memory_space<vmem>> -> memref<128xi32, #tpu.memory_space<vmem>>
      %dma_wait3A_774 = arith.constant 0 : i32
      %dma_wait3A_775 = arith.constant 0 : i32
      %dma_wait3A_776 = tpu.memref_slice %arg11[%dma_wait3A_774, %dma_wait3A_775] : memref<10240x16xf32, #tpu.memory_space<vmem_shared>> -> memref<10240x16xf32, #tpu.memory_space<vmem_shared>>
      tpu.wait_indirect_dma semaphore(%arg10 : memref<!tpu.dma_semaphore, #tpu.memory_space<semaphore_mem>>) src(%dma_wait3A_770 : memref<128x16xf32, #tpu.memory_space<vmem>>) dst(%dma_wait3A_776 : memref<10240x16xf32, #tpu.memory_space<vmem_shared>>)
      %add3A_777 = arith.constant 2 : i32
      %add3A_778 = arith.addi %add3A_123, %add3A_777 : i32
      %dma_wait3A_779 = arith.constant 10 : i32
      %dma_wait3A_780 = arith.constant 0 : i32
      %dma_wait3A_781 = arith.constant 0 : i32
      %dma_wait3A_782 = tpu.memref_slice %arg8[%dma_wait3A_779, %dma_wait3A_780, %dma_wait3A_781] : memref<16x128x16xf32, #tpu.memory_space<vmem>> -> memref<1x128x16xf32, #tpu.memory_space<vmem>>
      %dma_wait3A_783 = tpu.memref_squeeze %dma_wait3A_782 : memref<1x128x16xf32, #tpu.memory_space<vmem>> -> memref<128x16xf32, #tpu.memory_space<vmem>>
      %dma_wait3A_784 = arith.constant 0 : i32
      %dma_wait3A_785 = tpu.memref_slice %arg7[%add3A_778, %dma_wait3A_784] : memref<80x128xi32, #tpu.memory_space<vmem>> -> memref<1x128xi32, #tpu.memory_space<vmem>>
      %dma_wait3A_786 = tpu.memref_squeeze %dma_wait3A_785 : memref<1x128xi32, #tpu.memory_space<vmem>> -> memref<128xi32, #tpu.memory_space<vmem>>
      %dma_wait3A_787 = arith.constant 0 : i32
      %dma_wait3A_788 = arith.constant 0 : i32
      %dma_wait3A_789 = tpu.memref_slice %arg11[%dma_wait3A_787, %dma_wait3A_788] : memref<10240x16xf32, #tpu.memory_space<vmem_shared>> -> memref<10240x16xf32, #tpu.memory_space<vmem_shared>>
      tpu.wait_indirect_dma semaphore(%arg10 : memref<!tpu.dma_semaphore, #tpu.memory_space<semaphore_mem>>) src(%dma_wait3A_783 : memref<128x16xf32, #tpu.memory_space<vmem>>) dst(%dma_wait3A_789 : memref<10240x16xf32, #tpu.memory_space<vmem_shared>>)
      %add3A_790 = arith.constant 3 : i32
      %add3A_791 = arith.addi %add3A_123, %add3A_790 : i32
      %dma_wait3A_792 = arith.constant 11 : i32
      %dma_wait3A_793 = arith.constant 0 : i32
      %dma_wait3A_794 = arith.constant 0 : i32
      %dma_wait3A_795 = tpu.memref_slice %arg8[%dma_wait3A_792, %dma_wait3A_793, %dma_wait3A_794] : memref<16x128x16xf32, #tpu.memory_space<vmem>> -> memref<1x128x16xf32, #tpu.memory_space<vmem>>
      %dma_wait3A_796 = tpu.memref_squeeze %dma_wait3A_795 : memref<1x128x16xf32, #tpu.memory_space<vmem>> -> memref<128x16xf32, #tpu.memory_space<vmem>>
      %dma_wait3A_797 = arith.constant 0 : i32
      %dma_wait3A_798 = tpu.memref_slice %arg7[%add3A_791, %dma_wait3A_797] : memref<80x128xi32, #tpu.memory_space<vmem>> -> memref<1x128xi32, #tpu.memory_space<vmem>>
      %dma_wait3A_799 = tpu.memref_squeeze %dma_wait3A_798 : memref<1x128xi32, #tpu.memory_space<vmem>> -> memref<128xi32, #tpu.memory_space<vmem>>
      %dma_wait3A_800 = arith.constant 0 : i32
      %dma_wait3A_801 = arith.constant 0 : i32
      %dma_wait3A_802 = tpu.memref_slice %arg11[%dma_wait3A_800, %dma_wait3A_801] : memref<10240x16xf32, #tpu.memory_space<vmem_shared>> -> memref<10240x16xf32, #tpu.memory_space<vmem_shared>>
      tpu.wait_indirect_dma semaphore(%arg10 : memref<!tpu.dma_semaphore, #tpu.memory_space<semaphore_mem>>) src(%dma_wait3A_796 : memref<128x16xf32, #tpu.memory_space<vmem>>) dst(%dma_wait3A_802 : memref<10240x16xf32, #tpu.memory_space<vmem_shared>>)
      %add3A_803 = arith.constant 4 : i32
      %add3A_804 = arith.addi %add3A_123, %add3A_803 : i32
      %dma_wait3A_805 = arith.constant 12 : i32
      %dma_wait3A_806 = arith.constant 0 : i32
      %dma_wait3A_807 = arith.constant 0 : i32
      %dma_wait3A_808 = tpu.memref_slice %arg8[%dma_wait3A_805, %dma_wait3A_806, %dma_wait3A_807] : memref<16x128x16xf32, #tpu.memory_space<vmem>> -> memref<1x128x16xf32, #tpu.memory_space<vmem>>
      %dma_wait3A_809 = tpu.memref_squeeze %dma_wait3A_808 : memref<1x128x16xf32, #tpu.memory_space<vmem>> -> memref<128x16xf32, #tpu.memory_space<vmem>>
      %dma_wait3A_810 = arith.constant 0 : i32
      %dma_wait3A_811 = tpu.memref_slice %arg7[%add3A_804, %dma_wait3A_810] : memref<80x128xi32, #tpu.memory_space<vmem>> -> memref<1x128xi32, #tpu.memory_space<vmem>>
      %dma_wait3A_812 = tpu.memref_squeeze %dma_wait3A_811 : memref<1x128xi32, #tpu.memory_space<vmem>> -> memref<128xi32, #tpu.memory_space<vmem>>
      %dma_wait3A_813 = arith.constant 0 : i32
      %dma_wait3A_814 = arith.constant 0 : i32
      %dma_wait3A_815 = tpu.memref_slice %arg11[%dma_wait3A_813, %dma_wait3A_814] : memref<10240x16xf32, #tpu.memory_space<vmem_shared>> -> memref<10240x16xf32, #tpu.memory_space<vmem_shared>>
      tpu.wait_indirect_dma semaphore(%arg10 : memref<!tpu.dma_semaphore, #tpu.memory_space<semaphore_mem>>) src(%dma_wait3A_809 : memref<128x16xf32, #tpu.memory_space<vmem>>) dst(%dma_wait3A_815 : memref<10240x16xf32, #tpu.memory_space<vmem_shared>>)
      %add3A_816 = arith.constant 5 : i32
      %add3A_817 = arith.addi %add3A_123, %add3A_816 : i32
      %dma_wait3A_818 = arith.constant 13 : i32
      %dma_wait3A_819 = arith.constant 0 : i32
      %dma_wait3A_820 = arith.constant 0 : i32
      %dma_wait3A_821 = tpu.memref_slice %arg8[%dma_wait3A_818, %dma_wait3A_819, %dma_wait3A_820] : memref<16x128x16xf32, #tpu.memory_space<vmem>> -> memref<1x128x16xf32, #tpu.memory_space<vmem>>
      %dma_wait3A_822 = tpu.memref_squeeze %dma_wait3A_821 : memref<1x128x16xf32, #tpu.memory_space<vmem>> -> memref<128x16xf32, #tpu.memory_space<vmem>>
      %dma_wait3A_823 = arith.constant 0 : i32
      %dma_wait3A_824 = tpu.memref_slice %arg7[%add3A_817, %dma_wait3A_823] : memref<80x128xi32, #tpu.memory_space<vmem>> -> memref<1x128xi32, #tpu.memory_space<vmem>>
      %dma_wait3A_825 = tpu.memref_squeeze %dma_wait3A_824 : memref<1x128xi32, #tpu.memory_space<vmem>> -> memref<128xi32, #tpu.memory_space<vmem>>
      %dma_wait3A_826 = arith.constant 0 : i32
      %dma_wait3A_827 = arith.constant 0 : i32
      %dma_wait3A_828 = tpu.memref_slice %arg11[%dma_wait3A_826, %dma_wait3A_827] : memref<10240x16xf32, #tpu.memory_space<vmem_shared>> -> memref<10240x16xf32, #tpu.memory_space<vmem_shared>>
      tpu.wait_indirect_dma semaphore(%arg10 : memref<!tpu.dma_semaphore, #tpu.memory_space<semaphore_mem>>) src(%dma_wait3A_822 : memref<128x16xf32, #tpu.memory_space<vmem>>) dst(%dma_wait3A_828 : memref<10240x16xf32, #tpu.memory_space<vmem_shared>>)
      %add3A_829 = arith.constant 6 : i32
      %add3A_830 = arith.addi %add3A_123, %add3A_829 : i32
      %dma_wait3A_831 = arith.constant 14 : i32
      %dma_wait3A_832 = arith.constant 0 : i32
      %dma_wait3A_833 = arith.constant 0 : i32
      %dma_wait3A_834 = tpu.memref_slice %arg8[%dma_wait3A_831, %dma_wait3A_832, %dma_wait3A_833] : memref<16x128x16xf32, #tpu.memory_space<vmem>> -> memref<1x128x16xf32, #tpu.memory_space<vmem>>
      %dma_wait3A_835 = tpu.memref_squeeze %dma_wait3A_834 : memref<1x128x16xf32, #tpu.memory_space<vmem>> -> memref<128x16xf32, #tpu.memory_space<vmem>>
      %dma_wait3A_836 = arith.constant 0 : i32
      %dma_wait3A_837 = tpu.memref_slice %arg7[%add3A_830, %dma_wait3A_836] : memref<80x128xi32, #tpu.memory_space<vmem>> -> memref<1x128xi32, #tpu.memory_space<vmem>>
      %dma_wait3A_838 = tpu.memref_squeeze %dma_wait3A_837 : memref<1x128xi32, #tpu.memory_space<vmem>> -> memref<128xi32, #tpu.memory_space<vmem>>
      %dma_wait3A_839 = arith.constant 0 : i32
      %dma_wait3A_840 = arith.constant 0 : i32
      %dma_wait3A_841 = tpu.memref_slice %arg11[%dma_wait3A_839, %dma_wait3A_840] : memref<10240x16xf32, #tpu.memory_space<vmem_shared>> -> memref<10240x16xf32, #tpu.memory_space<vmem_shared>>
      tpu.wait_indirect_dma semaphore(%arg10 : memref<!tpu.dma_semaphore, #tpu.memory_space<semaphore_mem>>) src(%dma_wait3A_835 : memref<128x16xf32, #tpu.memory_space<vmem>>) dst(%dma_wait3A_841 : memref<10240x16xf32, #tpu.memory_space<vmem_shared>>)
      %add3A_842 = arith.constant 7 : i32
      %add3A_843 = arith.addi %add3A_123, %add3A_842 : i32
      %dma_wait3A_844 = arith.constant 15 : i32
      %dma_wait3A_845 = arith.constant 0 : i32
      %dma_wait3A_846 = arith.constant 0 : i32
      %dma_wait3A_847 = tpu.memref_slice %arg8[%dma_wait3A_844, %dma_wait3A_845, %dma_wait3A_846] : memref<16x128x16xf32, #tpu.memory_space<vmem>> -> memref<1x128x16xf32, #tpu.memory_space<vmem>>
      %dma_wait3A_848 = tpu.memref_squeeze %dma_wait3A_847 : memref<1x128x16xf32, #tpu.memory_space<vmem>> -> memref<128x16xf32, #tpu.memory_space<vmem>>
      %dma_wait3A_849 = arith.constant 0 : i32
      %dma_wait3A_850 = tpu.memref_slice %arg7[%add3A_843, %dma_wait3A_849] : memref<80x128xi32, #tpu.memory_space<vmem>> -> memref<1x128xi32, #tpu.memory_space<vmem>>
      %dma_wait3A_851 = tpu.memref_squeeze %dma_wait3A_850 : memref<1x128xi32, #tpu.memory_space<vmem>> -> memref<128xi32, #tpu.memory_space<vmem>>
      %dma_wait3A_852 = arith.constant 0 : i32
      %dma_wait3A_853 = arith.constant 0 : i32
      %dma_wait3A_854 = tpu.memref_slice %arg11[%dma_wait3A_852, %dma_wait3A_853] : memref<10240x16xf32, #tpu.memory_space<vmem_shared>> -> memref<10240x16xf32, #tpu.memory_space<vmem_shared>>
      tpu.wait_indirect_dma semaphore(%arg10 : memref<!tpu.dma_semaphore, #tpu.memory_space<semaphore_mem>>) src(%dma_wait3A_848 : memref<128x16xf32, #tpu.memory_space<vmem>>) dst(%dma_wait3A_854 : memref<10240x16xf32, #tpu.memory_space<vmem_shared>>)
    }
    %scan3A_115 = arith.constant 5 : i32
    %barrier3A_116 = arith.constant 0 : index
    tpu.barrier barrier_id(%barrier3A_116)
    %eq3A = arith.constant 0 : i32
    %eq3A_117 = arith.cmpi eq, %arg1, %eq3A : i32
    %convert_element_type3A = arith.extui %eq3A_117 : i1 to i32
    %cond3A = arith.constant 0 : i32
    %cond3A_118 = arith.cmpi ne, %convert_element_type3A, %cond3A : i32
    scf.if %cond3A_118 {
      "tpu.region"() ({
        %run_scoped3A = tpu.sem_alloc : memref<!tpu.dma_semaphore, #tpu.memory_space<semaphore_mem>>
        %dma_start3A_119 = arith.constant 0 : i32
        %dma_start3A_120 = arith.constant 0 : i32
        %dma_start3A_121 = tpu.memref_slice %arg5[%arg0, %dma_start3A_119, %dma_start3A_120] : memref<2x10240x16xf32, #tpu.memory_space<hbm>> -> memref<1x10240x16xf32, #tpu.memory_space<hbm>>
        %dma_start3A_122 = tpu.memref_squeeze %dma_start3A_121 : memref<1x10240x16xf32, #tpu.memory_space<hbm>> -> memref<10240x16xf32, #tpu.memory_space<hbm>>
        tpu.enqueue_dma source(%arg11 : memref<10240x16xf32, #tpu.memory_space<vmem_shared>>) target(%dma_start3A_122 : memref<10240x16xf32, #tpu.memory_space<hbm>>) target_semaphore(%run_scoped3A : memref<!tpu.dma_semaphore, #tpu.memory_space<semaphore_mem>>)
        %dma_wait3A = arith.constant 0 : i32
        %dma_wait3A_123 = arith.constant 0 : i32
        %dma_wait3A_124 = tpu.memref_slice %arg5[%arg0, %dma_wait3A, %dma_wait3A_123] : memref<2x10240x16xf32, #tpu.memory_space<hbm>> -> memref<1x10240x16xf32, #tpu.memory_space<hbm>>
        %dma_wait3A_125 = tpu.memref_squeeze %dma_wait3A_124 : memref<1x10240x16xf32, #tpu.memory_space<hbm>> -> memref<10240x16xf32, #tpu.memory_space<hbm>>
        tpu.wait_dma2 semaphore(%run_scoped3A : memref<!tpu.dma_semaphore, #tpu.memory_space<semaphore_mem>>) src(%arg11 : memref<10240x16xf32, #tpu.memory_space<vmem_shared>>) dst(%dma_wait3A_125 : memref<10240x16xf32, #tpu.memory_space<hbm>>)
        tpu.yield
      }) : () -> ()
    } else {
    }
    return
  }
}

#map = affine_map<(d0, d1) -> (0, 0)>
#map1 = affine_map<(d0, d1) -> (0, 0, 0)>
module attributes {stable_mosaic.version = 14 : i64} {
  func.func @_sc_msg(%arg0: i32, %arg1: i32, %arg2: memref<10240x16xf32, #tpu.memory_space<hbm>>, %arg3: memref<32x80x128xi32, #tpu.memory_space<hbm>>, %arg4: memref<32x80x128xi32, #tpu.memory_space<hbm>>, %arg5: memref<2x10240x16xf32, #tpu.memory_space<hbm>>, %arg6: memref<80x128xi32, #tpu.memory_space<vmem>>, %arg7: memref<80x128xi32, #tpu.memory_space<vmem>>, %arg8: memref<16x128x16xf32, #tpu.memory_space<vmem>>, %arg9: memref<!tpu.dma_semaphore, #tpu.memory_space<semaphore_mem>>, %arg10: memref<!tpu.dma_semaphore, #tpu.memory_space<semaphore_mem>>, %arg11: memref<10240x16xf32, #tpu.memory_space<vmem_shared>>, %arg12: memref<10240x16xf32, #tpu.memory_space<vmem_shared>>) attributes {dimension_semantics = [#tpu.dimension_semantics<core_parallel>, #tpu.dimension_semantics<subcore_parallel>], iteration_bounds = array<i64: 2, 16>, scalar_prefetch = 0 : i64, scratch_operands = 7 : i64, tpu.core_type = #tpu.core_type<sc_vector_subcore>, window_params = [{transform_indices = #map}, {transform_indices = #map1}, {transform_indices = #map1}, {transform_indices = #map1}]} {
    %mul3A = arith.constant 16 : i32
    %mul3A_0 = arith.muli %arg0, %mul3A : i32
    %add3A = arith.addi %mul3A_0, %arg1 : i32
    %broadcast_in_dim3A = arith.constant 0.000000e+00 : f32
    %broadcast_in_dim3A_1 = vector.broadcast %broadcast_in_dim3A : f32 to vector<16xf32>
    "tpu.region"() ({
      %run_scoped3A = tpu.sem_alloc : memref<!tpu.dma_semaphore, #tpu.memory_space<semaphore_mem>>
      %dma_start3A_119 = arith.constant 0 : i32
      %dma_start3A_120 = arith.constant 0 : i32
      %dma_start3A_121 = tpu.memref_slice %arg3[%add3A, %dma_start3A_119, %dma_start3A_120] : memref<32x80x128xi32, #tpu.memory_space<hbm>> -> memref<1x80x128xi32, #tpu.memory_space<hbm>>
      %dma_start3A_122 = tpu.memref_squeeze %dma_start3A_121 : memref<1x80x128xi32, #tpu.memory_space<hbm>> -> memref<80x128xi32, #tpu.memory_space<hbm>>
      %dma_start3A_123 = arith.constant 0 : i32
      %dma_start3A_124 = arith.constant 0 : i32
      %dma_start3A_125 = tpu.memref_slice %arg3[%add3A, %dma_start3A_123, %dma_start3A_124] : memref<32x80x128xi32, #tpu.memory_space<hbm>> -> memref<1x80x128xi32, #tpu.memory_space<hbm>>
      %dma_start3A_126 = tpu.memref_squeeze %dma_start3A_125 : memref<1x80x128xi32, #tpu.memory_space<hbm>> -> memref<80x128xi32, #tpu.memory_space<hbm>>
      tpu.enqueue_dma source(%dma_start3A_126 : memref<80x128xi32, #tpu.memory_space<hbm>>) target(%arg6 : memref<80x128xi32, #tpu.memory_space<vmem>>) target_semaphore(%run_scoped3A : memref<!tpu.dma_semaphore, #tpu.memory_space<semaphore_mem>>)
      %dma_wait3A = arith.constant 0 : i32
      %dma_wait3A_127 = arith.constant 0 : i32
      %dma_wait3A_128 = tpu.memref_slice %arg3[%add3A, %dma_wait3A, %dma_wait3A_127] : memref<32x80x128xi32, #tpu.memory_space<hbm>> -> memref<1x80x128xi32, #tpu.memory_space<hbm>>
      %dma_wait3A_129 = tpu.memref_squeeze %dma_wait3A_128 : memref<1x80x128xi32, #tpu.memory_space<hbm>> -> memref<80x128xi32, #tpu.memory_space<hbm>>
      %dma_wait3A_130 = arith.constant 0 : i32
      %dma_wait3A_131 = arith.constant 0 : i32
      %dma_wait3A_132 = tpu.memref_slice %arg3[%add3A, %dma_wait3A_130, %dma_wait3A_131] : memref<32x80x128xi32, #tpu.memory_space<hbm>> -> memref<1x80x128xi32, #tpu.memory_space<hbm>>
      %dma_wait3A_133 = tpu.memref_squeeze %dma_wait3A_132 : memref<1x80x128xi32, #tpu.memory_space<hbm>> -> memref<80x128xi32, #tpu.memory_space<hbm>>
      tpu.wait_dma2 semaphore(%run_scoped3A : memref<!tpu.dma_semaphore, #tpu.memory_space<semaphore_mem>>) src(%dma_wait3A_133 : memref<80x128xi32, #tpu.memory_space<hbm>>) dst(%arg6 : memref<80x128xi32, #tpu.memory_space<vmem>>)
      tpu.yield
    }) : () -> ()
    "tpu.region"() ({
      %run_scoped3A = tpu.sem_alloc : memref<!tpu.dma_semaphore, #tpu.memory_space<semaphore_mem>>
      %dma_start3A_119 = arith.constant 0 : i32
      %dma_start3A_120 = arith.constant 0 : i32
      %dma_start3A_121 = tpu.memref_slice %arg4[%add3A, %dma_start3A_119, %dma_start3A_120] : memref<32x80x128xi32, #tpu.memory_space<hbm>> -> memref<1x80x128xi32, #tpu.memory_space<hbm>>
      %dma_start3A_122 = tpu.memref_squeeze %dma_start3A_121 : memref<1x80x128xi32, #tpu.memory_space<hbm>> -> memref<80x128xi32, #tpu.memory_space<hbm>>
      %dma_start3A_123 = arith.constant 0 : i32
      %dma_start3A_124 = arith.constant 0 : i32
      %dma_start3A_125 = tpu.memref_slice %arg4[%add3A, %dma_start3A_123, %dma_start3A_124] : memref<32x80x128xi32, #tpu.memory_space<hbm>> -> memref<1x80x128xi32, #tpu.memory_space<hbm>>
      %dma_start3A_126 = tpu.memref_squeeze %dma_start3A_125 : memref<1x80x128xi32, #tpu.memory_space<hbm>> -> memref<80x128xi32, #tpu.memory_space<hbm>>
      tpu.enqueue_dma source(%dma_start3A_126 : memref<80x128xi32, #tpu.memory_space<hbm>>) target(%arg7 : memref<80x128xi32, #tpu.memory_space<vmem>>) target_semaphore(%run_scoped3A : memref<!tpu.dma_semaphore, #tpu.memory_space<semaphore_mem>>)
      %dma_wait3A = arith.constant 0 : i32
      %dma_wait3A_127 = arith.constant 0 : i32
      %dma_wait3A_128 = tpu.memref_slice %arg4[%add3A, %dma_wait3A, %dma_wait3A_127] : memref<32x80x128xi32, #tpu.memory_space<hbm>> -> memref<1x80x128xi32, #tpu.memory_space<hbm>>
      %dma_wait3A_129 = tpu.memref_squeeze %dma_wait3A_128 : memref<1x80x128xi32, #tpu.memory_space<hbm>> -> memref<80x128xi32, #tpu.memory_space<hbm>>
      %dma_wait3A_130 = arith.constant 0 : i32
      %dma_wait3A_131 = arith.constant 0 : i32
      %dma_wait3A_132 = tpu.memref_slice %arg4[%add3A, %dma_wait3A_130, %dma_wait3A_131] : memref<32x80x128xi32, #tpu.memory_space<hbm>> -> memref<1x80x128xi32, #tpu.memory_space<hbm>>
      %dma_wait3A_133 = tpu.memref_squeeze %dma_wait3A_132 : memref<1x80x128xi32, #tpu.memory_space<hbm>> -> memref<80x128xi32, #tpu.memory_space<hbm>>
      tpu.wait_dma2 semaphore(%run_scoped3A : memref<!tpu.dma_semaphore, #tpu.memory_space<semaphore_mem>>) src(%dma_wait3A_133 : memref<80x128xi32, #tpu.memory_space<hbm>>) dst(%arg7 : memref<80x128xi32, #tpu.memory_space<vmem>>)
      tpu.yield
    }) : () -> ()
    %mul3A_2 = arith.constant 640 : i32
    %mul3A_3 = arith.muli %arg1, %mul3A_2 : i32
    "tpu.region"() ({
      %run_scoped3A = tpu.sem_alloc : memref<!tpu.dma_semaphore, #tpu.memory_space<semaphore_mem>>
      %dma_start3A_119 = arith.constant 0 : i32
      %dma_start3A_120 = tpu.memref_slice %arg12[%mul3A_3, %dma_start3A_119] : memref<10240x16xf32, #tpu.memory_space<vmem_shared>> -> memref<640x16xf32, #tpu.memory_space<vmem_shared>>
      %dma_start3A_121 = arith.constant 0 : i32
      %dma_start3A_122 = tpu.memref_slice %arg2[%mul3A_3, %dma_start3A_121] : memref<10240x16xf32, #tpu.memory_space<hbm>> -> memref<640x16xf32, #tpu.memory_space<hbm>>
      tpu.enqueue_dma source(%dma_start3A_122 : memref<640x16xf32, #tpu.memory_space<hbm>>) target(%dma_start3A_120 : memref<640x16xf32, #tpu.memory_space<vmem_shared>>) target_semaphore(%run_scoped3A : memref<!tpu.dma_semaphore, #tpu.memory_space<semaphore_mem>>)
      %dma_wait3A = arith.constant 0 : i32
      %dma_wait3A_123 = tpu.memref_slice %arg12[%mul3A_3, %dma_wait3A] : memref<10240x16xf32, #tpu.memory_space<vmem_shared>> -> memref<640x16xf32, #tpu.memory_space<vmem_shared>>
      %dma_wait3A_124 = arith.constant 0 : i32
      %dma_wait3A_125 = tpu.memref_slice %arg2[%mul3A_3, %dma_wait3A_124] : memref<10240x16xf32, #tpu.memory_space<hbm>> -> memref<640x16xf32, #tpu.memory_space<hbm>>
      tpu.wait_dma2 semaphore(%run_scoped3A : memref<!tpu.dma_semaphore, #tpu.memory_space<semaphore_mem>>) src(%dma_wait3A_125 : memref<640x16xf32, #tpu.memory_space<hbm>>) dst(%dma_wait3A_123 : memref<640x16xf32, #tpu.memory_space<vmem_shared>>)
      tpu.yield
    }) : () -> ()
    %scan3A = arith.constant 0 : i32
    %scan3A_4 = arith.constant 0 : i32
    %scan3A_5 = arith.constant 128 : i32
    %scan3A_6 = arith.addi %scan3A_4, %scan3A_5 : i32
    %scan3A_7 = arith.constant 1 : i32
    scf.for %scan3A_119 = %scan3A_4 to %scan3A_6 step %scan3A_7  : i32 {
      %swap3A = arith.constant 0 : i32
      %swap3A_120 = arith.index_cast %swap3A : i32 to index
      %swap3A_121 = arith.index_cast %scan3A_119 : i32 to index
      %swap3A_122 = arith.constant 0 : index
      %swap3A_123 = tpu.vector_load %arg8[%swap3A_120, %swap3A_121, %swap3A_122] {strides = array<i32>} : memref<16x128x16xf32, #tpu.memory_space<vmem>>, vector<1x1x16xf32>,
      %swap3A_124 = vector.shape_cast %swap3A_123 : vector<1x1x16xf32> to vector<16xf32>
      %swap3A_125 = vector.shape_cast %broadcast_in_dim3A_1 : vector<16xf32> to vector<1x1x16xf32>
      tpu.vector_store %arg8[%swap3A_120, %swap3A_121, %swap3A_122], %swap3A_125 {strides = array<i32>} : memref<16x128x16xf32, #tpu.memory_space<vmem>>, vector<1x1x16xf32>,
    }
    %scan3A_8 = arith.constant 128 : i32
    %scan3A_9 = arith.constant 0 : i32
    %scan3A_10 = arith.constant 0 : i32
    %scan3A_11 = arith.constant 5 : i32
    %scan3A_12 = arith.addi %scan3A_10, %scan3A_11 : i32
    %scan3A_13 = arith.constant 1 : i32
    scf.for %scan3A_119 = %scan3A_10 to %scan3A_12 step %scan3A_13  : i32 {
      %mul3A_120 = arith.constant 128 : i32
      %mul3A_121 = arith.muli %scan3A_119, %mul3A_120 : i32
      %add3A_122 = arith.addi %mul3A_3, %mul3A_121 : i32
      %run_scoped3A = arith.constant 0 : i32
      "tpu.region"() ({
        %run_scoped3A_123 = tpu.sem_alloc : memref<!tpu.dma_semaphore, #tpu.memory_space<semaphore_mem>>
        %dma_start3A_124 = arith.constant 0 : i32
        %dma_start3A_125 = arith.constant 0 : i32
        %dma_start3A_126 = tpu.memref_slice %arg8[%run_scoped3A, %dma_start3A_124, %dma_start3A_125] : memref<16x128x16xf32, #tpu.memory_space<vmem>> -> memref<1x128x16xf32, #tpu.memory_space<vmem>>
        %dma_start3A_127 = tpu.memref_squeeze %dma_start3A_126 : memref<1x128x16xf32, #tpu.memory_space<vmem>> -> memref<128x16xf32, #tpu.memory_space<vmem>>
        %dma_start3A_128 = arith.constant 0 : i32
        %dma_start3A_129 = tpu.memref_slice %arg11[%add3A_122, %dma_start3A_128] : memref<10240x16xf32, #tpu.memory_space<vmem_shared>> -> memref<128x16xf32, #tpu.memory_space<vmem_shared>>
        %dma_start3A_130 = arith.constant 0 : i32
        %dma_start3A_131 = tpu.memref_slice %arg11[%add3A_122, %dma_start3A_130] : memref<10240x16xf32, #tpu.memory_space<vmem_shared>> -> memref<128x16xf32, #tpu.memory_space<vmem_shared>>
        %dma_start3A_132 = arith.constant 0 : i32
        %dma_start3A_133 = arith.constant 0 : i32
        %dma_start3A_134 = tpu.memref_slice %arg8[%run_scoped3A, %dma_start3A_132, %dma_start3A_133] : memref<16x128x16xf32, #tpu.memory_space<vmem>> -> memref<1x128x16xf32, #tpu.memory_space<vmem>>
        %dma_start3A_135 = tpu.memref_squeeze %dma_start3A_134 : memref<1x128x16xf32, #tpu.memory_space<vmem>> -> memref<128x16xf32, #tpu.memory_space<vmem>>
        tpu.enqueue_dma source(%dma_start3A_135 : memref<128x16xf32, #tpu.memory_space<vmem>>) target(%dma_start3A_131 : memref<128x16xf32, #tpu.memory_space<vmem_shared>>) target_semaphore(%run_scoped3A_123 : memref<!tpu.dma_semaphore, #tpu.memory_space<semaphore_mem>>)
        %dma_wait3A = arith.constant 0 : i32
        %dma_wait3A_136 = arith.constant 0 : i32
        %dma_wait3A_137 = tpu.memref_slice %arg8[%run_scoped3A, %dma_wait3A, %dma_wait3A_136] : memref<16x128x16xf32, #tpu.memory_space<vmem>> -> memref<1x128x16xf32, #tpu.memory_space<vmem>>
        %dma_wait3A_138 = tpu.memref_squeeze %dma_wait3A_137 : memref<1x128x16xf32, #tpu.memory_space<vmem>> -> memref<128x16xf32, #tpu.memory_space<vmem>>
        %dma_wait3A_139 = arith.constant 0 : i32
        %dma_wait3A_140 = tpu.memref_slice %arg11[%add3A_122, %dma_wait3A_139] : memref<10240x16xf32, #tpu.memory_space<vmem_shared>> -> memref<128x16xf32, #tpu.memory_space<vmem_shared>>
        %dma_wait3A_141 = arith.constant 0 : i32
        %dma_wait3A_142 = tpu.memref_slice %arg11[%add3A_122, %dma_wait3A_141] : memref<10240x16xf32, #tpu.memory_space<vmem_shared>> -> memref<128x16xf32, #tpu.memory_space<vmem_shared>>
        %dma_wait3A_143 = arith.constant 0 : i32
        %dma_wait3A_144 = arith.constant 0 : i32
        %dma_wait3A_145 = tpu.memref_slice %arg8[%run_scoped3A, %dma_wait3A_143, %dma_wait3A_144] : memref<16x128x16xf32, #tpu.memory_space<vmem>> -> memref<1x128x16xf32, #tpu.memory_space<vmem>>
        %dma_wait3A_146 = tpu.memref_squeeze %dma_wait3A_145 : memref<1x128x16xf32, #tpu.memory_space<vmem>> -> memref<128x16xf32, #tpu.memory_space<vmem>>
        tpu.wait_dma2 semaphore(%run_scoped3A_123 : memref<!tpu.dma_semaphore, #tpu.memory_space<semaphore_mem>>) src(%dma_wait3A_146 : memref<128x16xf32, #tpu.memory_space<vmem>>) dst(%dma_wait3A_142 : memref<128x16xf32, #tpu.memory_space<vmem_shared>>)
        tpu.yield
      }) : () -> ()
    }
    %scan3A_14 = arith.constant 5 : i32
    %barrier3A = arith.constant 0 : index
    tpu.barrier barrier_id(%barrier3A)
    %dma_start3A = arith.constant 0 : i32
    %dma_start3A_15 = arith.constant 0 : i32
    %dma_start3A_16 = arith.constant 0 : i32
    %dma_start3A_17 = arith.constant 0 : i32
    %dma_start3A_18 = tpu.memref_slice %arg8[%dma_start3A_15, %dma_start3A_16, %dma_start3A_17] : memref<16x128x16xf32, #tpu.memory_space<vmem>> -> memref<1x128x16xf32, #tpu.memory_space<vmem>>
    %dma_start3A_19 = tpu.memref_squeeze %dma_start3A_18 : memref<1x128x16xf32, #tpu.memory_space<vmem>> -> memref<128x16xf32, #tpu.memory_space<vmem>>
    %dma_start3A_20 = arith.constant 0 : i32
    %dma_start3A_21 = tpu.memref_slice %arg6[%dma_start3A, %dma_start3A_20] : memref<80x128xi32, #tpu.memory_space<vmem>> -> memref<1x128xi32, #tpu.memory_space<vmem>>
    %dma_start3A_22 = tpu.memref_squeeze %dma_start3A_21 : memref<1x128xi32, #tpu.memory_space<vmem>> -> memref<128xi32, #tpu.memory_space<vmem>>
    %dma_start3A_23 = arith.constant 0 : i32
    %dma_start3A_24 = arith.constant 0 : i32
    %dma_start3A_25 = tpu.memref_slice %arg12[%dma_start3A_23, %dma_start3A_24] : memref<10240x16xf32, #tpu.memory_space<vmem_shared>> -> memref<10240x16xf32, #tpu.memory_space<vmem_shared>>
    tpu.enqueue_indirect_dma source(%dma_start3A_25 : memref<10240x16xf32, #tpu.memory_space<vmem_shared>>) target(%dma_start3A_19 : memref<128x16xf32, #tpu.memory_space<vmem>>) offsets(%dma_start3A_22 : memref<128xi32, #tpu.memory_space<vmem>>) semaphore(%arg9 : memref<!tpu.dma_semaphore, #tpu.memory_space<semaphore_mem>>)
    %dma_start3A_26 = arith.constant 1 : i32
    %dma_start3A_27 = arith.constant 1 : i32
    %dma_start3A_28 = arith.constant 0 : i32
    %dma_start3A_29 = arith.constant 0 : i32
    %dma_start3A_30 = tpu.memref_slice %arg8[%dma_start3A_27, %dma_start3A_28, %dma_start3A_29] : memref<16x128x16xf32, #tpu.memory_space<vmem>> -> memref<1x128x16xf32, #tpu.memory_space<vmem>>
    %dma_start3A_31 = tpu.memref_squeeze %dma_start3A_30 : memref<1x128x16xf32, #tpu.memory_space<vmem>> -> memref<128x16xf32, #tpu.memory_space<vmem>>
    %dma_start3A_32 = arith.constant 0 : i32
    %dma_start3A_33 = tpu.memref_slice %arg6[%dma_start3A_26, %dma_start3A_32] : memref<80x128xi32, #tpu.memory_space<vmem>> -> memref<1x128xi32, #tpu.memory_space<vmem>>
    %dma_start3A_34 = tpu.memref_squeeze %dma_start3A_33 : memref<1x128xi32, #tpu.memory_space<vmem>> -> memref<128xi32, #tpu.memory_space<vmem>>
    %dma_start3A_35 = arith.constant 0 : i32
    %dma_start3A_36 = arith.constant 0 : i32
    %dma_start3A_37 = tpu.memref_slice %arg12[%dma_start3A_35, %dma_start3A_36] : memref<10240x16xf32, #tpu.memory_space<vmem_shared>> -> memref<10240x16xf32, #tpu.memory_space<vmem_shared>>
    tpu.enqueue_indirect_dma source(%dma_start3A_37 : memref<10240x16xf32, #tpu.memory_space<vmem_shared>>) target(%dma_start3A_31 : memref<128x16xf32, #tpu.memory_space<vmem>>) offsets(%dma_start3A_34 : memref<128xi32, #tpu.memory_space<vmem>>) semaphore(%arg9 : memref<!tpu.dma_semaphore, #tpu.memory_space<semaphore_mem>>)
    %dma_start3A_38 = arith.constant 2 : i32
    %dma_start3A_39 = arith.constant 2 : i32
    %dma_start3A_40 = arith.constant 0 : i32
    %dma_start3A_41 = arith.constant 0 : i32
    %dma_start3A_42 = tpu.memref_slice %arg8[%dma_start3A_39, %dma_start3A_40, %dma_start3A_41] : memref<16x128x16xf32, #tpu.memory_space<vmem>> -> memref<1x128x16xf32, #tpu.memory_space<vmem>>
    %dma_start3A_43 = tpu.memref_squeeze %dma_start3A_42 : memref<1x128x16xf32, #tpu.memory_space<vmem>> -> memref<128x16xf32, #tpu.memory_space<vmem>>
    %dma_start3A_44 = arith.constant 0 : i32
    %dma_start3A_45 = tpu.memref_slice %arg6[%dma_start3A_38, %dma_start3A_44] : memref<80x128xi32, #tpu.memory_space<vmem>> -> memref<1x128xi32, #tpu.memory_space<vmem>>
    %dma_start3A_46 = tpu.memref_squeeze %dma_start3A_45 : memref<1x128xi32, #tpu.memory_space<vmem>> -> memref<128xi32, #tpu.memory_space<vmem>>
    %dma_start3A_47 = arith.constant 0 : i32
    %dma_start3A_48 = arith.constant 0 : i32
    %dma_start3A_49 = tpu.memref_slice %arg12[%dma_start3A_47, %dma_start3A_48] : memref<10240x16xf32, #tpu.memory_space<vmem_shared>> -> memref<10240x16xf32, #tpu.memory_space<vmem_shared>>
    tpu.enqueue_indirect_dma source(%dma_start3A_49 : memref<10240x16xf32, #tpu.memory_space<vmem_shared>>) target(%dma_start3A_43 : memref<128x16xf32, #tpu.memory_space<vmem>>) offsets(%dma_start3A_46 : memref<128xi32, #tpu.memory_space<vmem>>) semaphore(%arg9 : memref<!tpu.dma_semaphore, #tpu.memory_space<semaphore_mem>>)
    %dma_start3A_50 = arith.constant 3 : i32
    %dma_start3A_51 = arith.constant 3 : i32
    %dma_start3A_52 = arith.constant 0 : i32
    %dma_start3A_53 = arith.constant 0 : i32
    %dma_start3A_54 = tpu.memref_slice %arg8[%dma_start3A_51, %dma_start3A_52, %dma_start3A_53] : memref<16x128x16xf32, #tpu.memory_space<vmem>> -> memref<1x128x16xf32, #tpu.memory_space<vmem>>
    %dma_start3A_55 = tpu.memref_squeeze %dma_start3A_54 : memref<1x128x16xf32, #tpu.memory_space<vmem>> -> memref<128x16xf32, #tpu.memory_space<vmem>>
    %dma_start3A_56 = arith.constant 0 : i32
    %dma_start3A_57 = tpu.memref_slice %arg6[%dma_start3A_50, %dma_start3A_56] : memref<80x128xi32, #tpu.memory_space<vmem>> -> memref<1x128xi32, #tpu.memory_space<vmem>>
    %dma_start3A_58 = tpu.memref_squeeze %dma_start3A_57 : memref<1x128xi32, #tpu.memory_space<vmem>> -> memref<128xi32, #tpu.memory_space<vmem>>
    %dma_start3A_59 = arith.constant 0 : i32
    %dma_start3A_60 = arith.constant 0 : i32
    %dma_start3A_61 = tpu.memref_slice %arg12[%dma_start3A_59, %dma_start3A_60] : memref<10240x16xf32, #tpu.memory_space<vmem_shared>> -> memref<10240x16xf32, #tpu.memory_space<vmem_shared>>
    tpu.enqueue_indirect_dma source(%dma_start3A_61 : memref<10240x16xf32, #tpu.memory_space<vmem_shared>>) target(%dma_start3A_55 : memref<128x16xf32, #tpu.memory_space<vmem>>) offsets(%dma_start3A_58 : memref<128xi32, #tpu.memory_space<vmem>>) semaphore(%arg9 : memref<!tpu.dma_semaphore, #tpu.memory_space<semaphore_mem>>)
    %dma_start3A_62 = arith.constant 4 : i32
    %dma_start3A_63 = arith.constant 4 : i32
    %dma_start3A_64 = arith.constant 0 : i32
    %dma_start3A_65 = arith.constant 0 : i32
    %dma_start3A_66 = tpu.memref_slice %arg8[%dma_start3A_63, %dma_start3A_64, %dma_start3A_65] : memref<16x128x16xf32, #tpu.memory_space<vmem>> -> memref<1x128x16xf32, #tpu.memory_space<vmem>>
    %dma_start3A_67 = tpu.memref_squeeze %dma_start3A_66 : memref<1x128x16xf32, #tpu.memory_space<vmem>> -> memref<128x16xf32, #tpu.memory_space<vmem>>
    %dma_start3A_68 = arith.constant 0 : i32
    %dma_start3A_69 = tpu.memref_slice %arg6[%dma_start3A_62, %dma_start3A_68] : memref<80x128xi32, #tpu.memory_space<vmem>> -> memref<1x128xi32, #tpu.memory_space<vmem>>
    %dma_start3A_70 = tpu.memref_squeeze %dma_start3A_69 : memref<1x128xi32, #tpu.memory_space<vmem>> -> memref<128xi32, #tpu.memory_space<vmem>>
    %dma_start3A_71 = arith.constant 0 : i32
    %dma_start3A_72 = arith.constant 0 : i32
    %dma_start3A_73 = tpu.memref_slice %arg12[%dma_start3A_71, %dma_start3A_72] : memref<10240x16xf32, #tpu.memory_space<vmem_shared>> -> memref<10240x16xf32, #tpu.memory_space<vmem_shared>>
    tpu.enqueue_indirect_dma source(%dma_start3A_73 : memref<10240x16xf32, #tpu.memory_space<vmem_shared>>) target(%dma_start3A_67 : memref<128x16xf32, #tpu.memory_space<vmem>>) offsets(%dma_start3A_70 : memref<128xi32, #tpu.memory_space<vmem>>) semaphore(%arg9 : memref<!tpu.dma_semaphore, #tpu.memory_space<semaphore_mem>>)
    %dma_start3A_74 = arith.constant 5 : i32
    %dma_start3A_75 = arith.constant 5 : i32
    %dma_start3A_76 = arith.constant 0 : i32
    %dma_start3A_77 = arith.constant 0 : i32
    %dma_start3A_78 = tpu.memref_slice %arg8[%dma_start3A_75, %dma_start3A_76, %dma_start3A_77] : memref<16x128x16xf32, #tpu.memory_space<vmem>> -> memref<1x128x16xf32, #tpu.memory_space<vmem>>
    %dma_start3A_79 = tpu.memref_squeeze %dma_start3A_78 : memref<1x128x16xf32, #tpu.memory_space<vmem>> -> memref<128x16xf32, #tpu.memory_space<vmem>>
    %dma_start3A_80 = arith.constant 0 : i32
    %dma_start3A_81 = tpu.memref_slice %arg6[%dma_start3A_74, %dma_start3A_80] : memref<80x128xi32, #tpu.memory_space<vmem>> -> memref<1x128xi32, #tpu.memory_space<vmem>>
    %dma_start3A_82 = tpu.memref_squeeze %dma_start3A_81 : memref<1x128xi32, #tpu.memory_space<vmem>> -> memref<128xi32, #tpu.memory_space<vmem>>
    %dma_start3A_83 = arith.constant 0 : i32
    %dma_start3A_84 = arith.constant 0 : i32
    %dma_start3A_85 = tpu.memref_slice %arg12[%dma_start3A_83, %dma_start3A_84] : memref<10240x16xf32, #tpu.memory_space<vmem_shared>> -> memref<10240x16xf32, #tpu.memory_space<vmem_shared>>
    tpu.enqueue_indirect_dma source(%dma_start3A_85 : memref<10240x16xf32, #tpu.memory_space<vmem_shared>>) target(%dma_start3A_79 : memref<128x16xf32, #tpu.memory_space<vmem>>) offsets(%dma_start3A_82 : memref<128xi32, #tpu.memory_space<vmem>>) semaphore(%arg9 : memref<!tpu.dma_semaphore, #tpu.memory_space<semaphore_mem>>)
    %dma_start3A_86 = arith.constant 6 : i32
    %dma_start3A_87 = arith.constant 6 : i32
    %dma_start3A_88 = arith.constant 0 : i32
    %dma_start3A_89 = arith.constant 0 : i32
    %dma_start3A_90 = tpu.memref_slice %arg8[%dma_start3A_87, %dma_start3A_88, %dma_start3A_89] : memref<16x128x16xf32, #tpu.memory_space<vmem>> -> memref<1x128x16xf32, #tpu.memory_space<vmem>>
    %dma_start3A_91 = tpu.memref_squeeze %dma_start3A_90 : memref<1x128x16xf32, #tpu.memory_space<vmem>> -> memref<128x16xf32, #tpu.memory_space<vmem>>
    %dma_start3A_92 = arith.constant 0 : i32
    %dma_start3A_93 = tpu.memref_slice %arg6[%dma_start3A_86, %dma_start3A_92] : memref<80x128xi32, #tpu.memory_space<vmem>> -> memref<1x128xi32, #tpu.memory_space<vmem>>
    %dma_start3A_94 = tpu.memref_squeeze %dma_start3A_93 : memref<1x128xi32, #tpu.memory_space<vmem>> -> memref<128xi32, #tpu.memory_space<vmem>>
    %dma_start3A_95 = arith.constant 0 : i32
    %dma_start3A_96 = arith.constant 0 : i32
    %dma_start3A_97 = tpu.memref_slice %arg12[%dma_start3A_95, %dma_start3A_96] : memref<10240x16xf32, #tpu.memory_space<vmem_shared>> -> memref<10240x16xf32, #tpu.memory_space<vmem_shared>>
    tpu.enqueue_indirect_dma source(%dma_start3A_97 : memref<10240x16xf32, #tpu.memory_space<vmem_shared>>) target(%dma_start3A_91 : memref<128x16xf32, #tpu.memory_space<vmem>>) offsets(%dma_start3A_94 : memref<128xi32, #tpu.memory_space<vmem>>) semaphore(%arg9 : memref<!tpu.dma_semaphore, #tpu.memory_space<semaphore_mem>>)
    %dma_start3A_98 = arith.constant 7 : i32
    %dma_start3A_99 = arith.constant 7 : i32
    %dma_start3A_100 = arith.constant 0 : i32
    %dma_start3A_101 = arith.constant 0 : i32
    %dma_start3A_102 = tpu.memref_slice %arg8[%dma_start3A_99, %dma_start3A_100, %dma_start3A_101] : memref<16x128x16xf32, #tpu.memory_space<vmem>> -> memref<1x128x16xf32, #tpu.memory_space<vmem>>
    %dma_start3A_103 = tpu.memref_squeeze %dma_start3A_102 : memref<1x128x16xf32, #tpu.memory_space<vmem>> -> memref<128x16xf32, #tpu.memory_space<vmem>>
    %dma_start3A_104 = arith.constant 0 : i32
    %dma_start3A_105 = tpu.memref_slice %arg6[%dma_start3A_98, %dma_start3A_104] : memref<80x128xi32, #tpu.memory_space<vmem>> -> memref<1x128xi32, #tpu.memory_space<vmem>>
    %dma_start3A_106 = tpu.memref_squeeze %dma_start3A_105 : memref<1x128xi32, #tpu.memory_space<vmem>> -> memref<128xi32, #tpu.memory_space<vmem>>
    %dma_start3A_107 = arith.constant 0 : i32
    %dma_start3A_108 = arith.constant 0 : i32
    %dma_start3A_109 = tpu.memref_slice %arg12[%dma_start3A_107, %dma_start3A_108] : memref<10240x16xf32, #tpu.memory_space<vmem_shared>> -> memref<10240x16xf32, #tpu.memory_space<vmem_shared>>
    tpu.enqueue_indirect_dma source(%dma_start3A_109 : memref<10240x16xf32, #tpu.memory_space<vmem_shared>>) target(%dma_start3A_103 : memref<128x16xf32, #tpu.memory_space<vmem>>) offsets(%dma_start3A_106 : memref<128xi32, #tpu.memory_space<vmem>>) semaphore(%arg9 : memref<!tpu.dma_semaphore, #tpu.memory_space<semaphore_mem>>)
    %scan3A_110 = arith.constant 0 : i32
    %scan3A_111 = arith.constant 0 : i32
    %scan3A_112 = arith.constant 5 : i32
    %scan3A_113 = arith.addi %scan3A_111, %scan3A_112 : i32
    %scan3A_114 = arith.constant 1 : i32
    scf.for %scan3A_119 = %scan3A_111 to %scan3A_113 step %scan3A_114  : i32 {
      %mul3A_120 = arith.constant 16 : i32
      %mul3A_121 = arith.muli %scan3A_119, %mul3A_120 : i32
      %add3A_122 = arith.constant 8 : i32
      %add3A_123 = arith.addi %mul3A_121, %add3A_122 : i32
      %add3A_124 = arith.constant 0 : i32
      %add3A_125 = arith.addi %mul3A_121, %add3A_124 : i32
      %dma_wait3A = arith.constant 0 : i32
      %dma_wait3A_126 = arith.constant 0 : i32
      %dma_wait3A_127 = arith.constant 0 : i32
      %dma_wait3A_128 = tpu.memref_slice %arg8[%dma_wait3A, %dma_wait3A_126, %dma_wait3A_127] : memref<16x128x16xf32, #tpu.memory_space<vmem>> -> memref<1x128x16xf32, #tpu.memory_space<vmem>>
      %dma_wait3A_129 = tpu.memref_squeeze %dma_wait3A_128 : memref<1x128x16xf32, #tpu.memory_space<vmem>> -> memref<128x16xf32, #tpu.memory_space<vmem>>
      %dma_wait3A_130 = arith.constant 0 : i32
      %dma_wait3A_131 = tpu.memref_slice %arg6[%add3A_125, %dma_wait3A_130] : memref<80x128xi32, #tpu.memory_space<vmem>> -> memref<1x128xi32, #tpu.memory_space<vmem>>
      %dma_wait3A_132 = tpu.memref_squeeze %dma_wait3A_131 : memref<1x128xi32, #tpu.memory_space<vmem>> -> memref<128xi32, #tpu.memory_space<vmem>>
      %dma_wait3A_133 = arith.constant 0 : i32
      %dma_wait3A_134 = arith.constant 0 : i32
      %dma_wait3A_135 = tpu.memref_slice %arg12[%dma_wait3A_133, %dma_wait3A_134] : memref<10240x16xf32, #tpu.memory_space<vmem_shared>> -> memref<10240x16xf32, #tpu.memory_space<vmem_shared>>
      tpu.wait_indirect_dma semaphore(%arg9 : memref<!tpu.dma_semaphore, #tpu.memory_space<semaphore_mem>>) src(%dma_wait3A_135 : memref<10240x16xf32, #tpu.memory_space<vmem_shared>>) dst(%dma_wait3A_129 : memref<128x16xf32, #tpu.memory_space<vmem>>)
      %add3A_136 = arith.constant 1 : i32
      %add3A_137 = arith.addi %mul3A_121, %add3A_136 : i32
      %dma_wait3A_138 = arith.constant 1 : i32
      %dma_wait3A_139 = arith.constant 0 : i32
      %dma_wait3A_140 = arith.constant 0 : i32
      %dma_wait3A_141 = tpu.memref_slice %arg8[%dma_wait3A_138, %dma_wait3A_139, %dma_wait3A_140] : memref<16x128x16xf32, #tpu.memory_space<vmem>> -> memref<1x128x16xf32, #tpu.memory_space<vmem>>
      %dma_wait3A_142 = tpu.memref_squeeze %dma_wait3A_141 : memref<1x128x16xf32, #tpu.memory_space<vmem>> -> memref<128x16xf32, #tpu.memory_space<vmem>>
      %dma_wait3A_143 = arith.constant 0 : i32
      %dma_wait3A_144 = tpu.memref_slice %arg6[%add3A_137, %dma_wait3A_143] : memref<80x128xi32, #tpu.memory_space<vmem>> -> memref<1x128xi32, #tpu.memory_space<vmem>>
      %dma_wait3A_145 = tpu.memref_squeeze %dma_wait3A_144 : memref<1x128xi32, #tpu.memory_space<vmem>> -> memref<128xi32, #tpu.memory_space<vmem>>
      %dma_wait3A_146 = arith.constant 0 : i32
      %dma_wait3A_147 = arith.constant 0 : i32
      %dma_wait3A_148 = tpu.memref_slice %arg12[%dma_wait3A_146, %dma_wait3A_147] : memref<10240x16xf32, #tpu.memory_space<vmem_shared>> -> memref<10240x16xf32, #tpu.memory_space<vmem_shared>>
      tpu.wait_indirect_dma semaphore(%arg9 : memref<!tpu.dma_semaphore, #tpu.memory_space<semaphore_mem>>) src(%dma_wait3A_148 : memref<10240x16xf32, #tpu.memory_space<vmem_shared>>) dst(%dma_wait3A_142 : memref<128x16xf32, #tpu.memory_space<vmem>>)
      %add3A_149 = arith.constant 2 : i32
      %add3A_150 = arith.addi %mul3A_121, %add3A_149 : i32
      %dma_wait3A_151 = arith.constant 2 : i32
      %dma_wait3A_152 = arith.constant 0 : i32
      %dma_wait3A_153 = arith.constant 0 : i32
      %dma_wait3A_154 = tpu.memref_slice %arg8[%dma_wait3A_151, %dma_wait3A_152, %dma_wait3A_153] : memref<16x128x16xf32, #tpu.memory_space<vmem>> -> memref<1x128x16xf32, #tpu.memory_space<vmem>>
      %dma_wait3A_155 = tpu.memref_squeeze %dma_wait3A_154 : memref<1x128x16xf32, #tpu.memory_space<vmem>> -> memref<128x16xf32, #tpu.memory_space<vmem>>
      %dma_wait3A_156 = arith.constant 0 : i32
      %dma_wait3A_157 = tpu.memref_slice %arg6[%add3A_150, %dma_wait3A_156] : memref<80x128xi32, #tpu.memory_space<vmem>> -> memref<1x128xi32, #tpu.memory_space<vmem>>
      %dma_wait3A_158 = tpu.memref_squeeze %dma_wait3A_157 : memref<1x128xi32, #tpu.memory_space<vmem>> -> memref<128xi32, #tpu.memory_space<vmem>>
      %dma_wait3A_159 = arith.constant 0 : i32
      %dma_wait3A_160 = arith.constant 0 : i32
      %dma_wait3A_161 = tpu.memref_slice %arg12[%dma_wait3A_159, %dma_wait3A_160] : memref<10240x16xf32, #tpu.memory_space<vmem_shared>> -> memref<10240x16xf32, #tpu.memory_space<vmem_shared>>
      tpu.wait_indirect_dma semaphore(%arg9 : memref<!tpu.dma_semaphore, #tpu.memory_space<semaphore_mem>>) src(%dma_wait3A_161 : memref<10240x16xf32, #tpu.memory_space<vmem_shared>>) dst(%dma_wait3A_155 : memref<128x16xf32, #tpu.memory_space<vmem>>)
      %add3A_162 = arith.constant 3 : i32
      %add3A_163 = arith.addi %mul3A_121, %add3A_162 : i32
      %dma_wait3A_164 = arith.constant 3 : i32
      %dma_wait3A_165 = arith.constant 0 : i32
      %dma_wait3A_166 = arith.constant 0 : i32
      %dma_wait3A_167 = tpu.memref_slice %arg8[%dma_wait3A_164, %dma_wait3A_165, %dma_wait3A_166] : memref<16x128x16xf32, #tpu.memory_space<vmem>> -> memref<1x128x16xf32, #tpu.memory_space<vmem>>
      %dma_wait3A_168 = tpu.memref_squeeze %dma_wait3A_167 : memref<1x128x16xf32, #tpu.memory_space<vmem>> -> memref<128x16xf32, #tpu.memory_space<vmem>>
      %dma_wait3A_169 = arith.constant 0 : i32
      %dma_wait3A_170 = tpu.memref_slice %arg6[%add3A_163, %dma_wait3A_169] : memref<80x128xi32, #tpu.memory_space<vmem>> -> memref<1x128xi32, #tpu.memory_space<vmem>>
      %dma_wait3A_171 = tpu.memref_squeeze %dma_wait3A_170 : memref<1x128xi32, #tpu.memory_space<vmem>> -> memref<128xi32, #tpu.memory_space<vmem>>
      %dma_wait3A_172 = arith.constant 0 : i32
      %dma_wait3A_173 = arith.constant 0 : i32
      %dma_wait3A_174 = tpu.memref_slice %arg12[%dma_wait3A_172, %dma_wait3A_173] : memref<10240x16xf32, #tpu.memory_space<vmem_shared>> -> memref<10240x16xf32, #tpu.memory_space<vmem_shared>>
      tpu.wait_indirect_dma semaphore(%arg9 : memref<!tpu.dma_semaphore, #tpu.memory_space<semaphore_mem>>) src(%dma_wait3A_174 : memref<10240x16xf32, #tpu.memory_space<vmem_shared>>) dst(%dma_wait3A_168 : memref<128x16xf32, #tpu.memory_space<vmem>>)
      %add3A_175 = arith.constant 4 : i32
      %add3A_176 = arith.addi %mul3A_121, %add3A_175 : i32
      %dma_wait3A_177 = arith.constant 4 : i32
      %dma_wait3A_178 = arith.constant 0 : i32
      %dma_wait3A_179 = arith.constant 0 : i32
      %dma_wait3A_180 = tpu.memref_slice %arg8[%dma_wait3A_177, %dma_wait3A_178, %dma_wait3A_179] : memref<16x128x16xf32, #tpu.memory_space<vmem>> -> memref<1x128x16xf32, #tpu.memory_space<vmem>>
      %dma_wait3A_181 = tpu.memref_squeeze %dma_wait3A_180 : memref<1x128x16xf32, #tpu.memory_space<vmem>> -> memref<128x16xf32, #tpu.memory_space<vmem>>
      %dma_wait3A_182 = arith.constant 0 : i32
      %dma_wait3A_183 = tpu.memref_slice %arg6[%add3A_176, %dma_wait3A_182] : memref<80x128xi32, #tpu.memory_space<vmem>> -> memref<1x128xi32, #tpu.memory_space<vmem>>
      %dma_wait3A_184 = tpu.memref_squeeze %dma_wait3A_183 : memref<1x128xi32, #tpu.memory_space<vmem>> -> memref<128xi32, #tpu.memory_space<vmem>>
      %dma_wait3A_185 = arith.constant 0 : i32
      %dma_wait3A_186 = arith.constant 0 : i32
      %dma_wait3A_187 = tpu.memref_slice %arg12[%dma_wait3A_185, %dma_wait3A_186] : memref<10240x16xf32, #tpu.memory_space<vmem_shared>> -> memref<10240x16xf32, #tpu.memory_space<vmem_shared>>
      tpu.wait_indirect_dma semaphore(%arg9 : memref<!tpu.dma_semaphore, #tpu.memory_space<semaphore_mem>>) src(%dma_wait3A_187 : memref<10240x16xf32, #tpu.memory_space<vmem_shared>>) dst(%dma_wait3A_181 : memref<128x16xf32, #tpu.memory_space<vmem>>)
      %add3A_188 = arith.constant 5 : i32
      %add3A_189 = arith.addi %mul3A_121, %add3A_188 : i32
      %dma_wait3A_190 = arith.constant 5 : i32
      %dma_wait3A_191 = arith.constant 0 : i32
      %dma_wait3A_192 = arith.constant 0 : i32
      %dma_wait3A_193 = tpu.memref_slice %arg8[%dma_wait3A_190, %dma_wait3A_191, %dma_wait3A_192] : memref<16x128x16xf32, #tpu.memory_space<vmem>> -> memref<1x128x16xf32, #tpu.memory_space<vmem>>
      %dma_wait3A_194 = tpu.memref_squeeze %dma_wait3A_193 : memref<1x128x16xf32, #tpu.memory_space<vmem>> -> memref<128x16xf32, #tpu.memory_space<vmem>>
      %dma_wait3A_195 = arith.constant 0 : i32
      %dma_wait3A_196 = tpu.memref_slice %arg6[%add3A_189, %dma_wait3A_195] : memref<80x128xi32, #tpu.memory_space<vmem>> -> memref<1x128xi32, #tpu.memory_space<vmem>>
      %dma_wait3A_197 = tpu.memref_squeeze %dma_wait3A_196 : memref<1x128xi32, #tpu.memory_space<vmem>> -> memref<128xi32, #tpu.memory_space<vmem>>
      %dma_wait3A_198 = arith.constant 0 : i32
      %dma_wait3A_199 = arith.constant 0 : i32
      %dma_wait3A_200 = tpu.memref_slice %arg12[%dma_wait3A_198, %dma_wait3A_199] : memref<10240x16xf32, #tpu.memory_space<vmem_shared>> -> memref<10240x16xf32, #tpu.memory_space<vmem_shared>>
      tpu.wait_indirect_dma semaphore(%arg9 : memref<!tpu.dma_semaphore, #tpu.memory_space<semaphore_mem>>) src(%dma_wait3A_200 : memref<10240x16xf32, #tpu.memory_space<vmem_shared>>) dst(%dma_wait3A_194 : memref<128x16xf32, #tpu.memory_space<vmem>>)
      %add3A_201 = arith.constant 6 : i32
      %add3A_202 = arith.addi %mul3A_121, %add3A_201 : i32
      %dma_wait3A_203 = arith.constant 6 : i32
      %dma_wait3A_204 = arith.constant 0 : i32
      %dma_wait3A_205 = arith.constant 0 : i32
      %dma_wait3A_206 = tpu.memref_slice %arg8[%dma_wait3A_203, %dma_wait3A_204, %dma_wait3A_205] : memref<16x128x16xf32, #tpu.memory_space<vmem>> -> memref<1x128x16xf32, #tpu.memory_space<vmem>>
      %dma_wait3A_207 = tpu.memref_squeeze %dma_wait3A_206 : memref<1x128x16xf32, #tpu.memory_space<vmem>> -> memref<128x16xf32, #tpu.memory_space<vmem>>
      %dma_wait3A_208 = arith.constant 0 : i32
      %dma_wait3A_209 = tpu.memref_slice %arg6[%add3A_202, %dma_wait3A_208] : memref<80x128xi32, #tpu.memory_space<vmem>> -> memref<1x128xi32, #tpu.memory_space<vmem>>
      %dma_wait3A_210 = tpu.memref_squeeze %dma_wait3A_209 : memref<1x128xi32, #tpu.memory_space<vmem>> -> memref<128xi32, #tpu.memory_space<vmem>>
      %dma_wait3A_211 = arith.constant 0 : i32
      %dma_wait3A_212 = arith.constant 0 : i32
      %dma_wait3A_213 = tpu.memref_slice %arg12[%dma_wait3A_211, %dma_wait3A_212] : memref<10240x16xf32, #tpu.memory_space<vmem_shared>> -> memref<10240x16xf32, #tpu.memory_space<vmem_shared>>
      tpu.wait_indirect_dma semaphore(%arg9 : memref<!tpu.dma_semaphore, #tpu.memory_space<semaphore_mem>>) src(%dma_wait3A_213 : memref<10240x16xf32, #tpu.memory_space<vmem_shared>>) dst(%dma_wait3A_207 : memref<128x16xf32, #tpu.memory_space<vmem>>)
      %add3A_214 = arith.constant 7 : i32
      %add3A_215 = arith.addi %mul3A_121, %add3A_214 : i32
      %dma_wait3A_216 = arith.constant 7 : i32
      %dma_wait3A_217 = arith.constant 0 : i32
      %dma_wait3A_218 = arith.constant 0 : i32
      %dma_wait3A_219 = tpu.memref_slice %arg8[%dma_wait3A_216, %dma_wait3A_217, %dma_wait3A_218] : memref<16x128x16xf32, #tpu.memory_space<vmem>> -> memref<1x128x16xf32, #tpu.memory_space<vmem>>
      %dma_wait3A_220 = tpu.memref_squeeze %dma_wait3A_219 : memref<1x128x16xf32, #tpu.memory_space<vmem>> -> memref<128x16xf32, #tpu.memory_space<vmem>>
      %dma_wait3A_221 = arith.constant 0 : i32
      %dma_wait3A_222 = tpu.memref_slice %arg6[%add3A_215, %dma_wait3A_221] : memref<80x128xi32, #tpu.memory_space<vmem>> -> memref<1x128xi32, #tpu.memory_space<vmem>>
      %dma_wait3A_223 = tpu.memref_squeeze %dma_wait3A_222 : memref<1x128xi32, #tpu.memory_space<vmem>> -> memref<128xi32, #tpu.memory_space<vmem>>
      %dma_wait3A_224 = arith.constant 0 : i32
      %dma_wait3A_225 = arith.constant 0 : i32
      %dma_wait3A_226 = tpu.memref_slice %arg12[%dma_wait3A_224, %dma_wait3A_225] : memref<10240x16xf32, #tpu.memory_space<vmem_shared>> -> memref<10240x16xf32, #tpu.memory_space<vmem_shared>>
      tpu.wait_indirect_dma semaphore(%arg9 : memref<!tpu.dma_semaphore, #tpu.memory_space<semaphore_mem>>) src(%dma_wait3A_226 : memref<10240x16xf32, #tpu.memory_space<vmem_shared>>) dst(%dma_wait3A_220 : memref<128x16xf32, #tpu.memory_space<vmem>>)
      %add3A_227 = arith.constant 0 : i32
      %add3A_228 = arith.addi %mul3A_121, %add3A_227 : i32
      %dma_start3A_229 = arith.constant 0 : i32
      %dma_start3A_230 = arith.constant 0 : i32
      %dma_start3A_231 = arith.constant 0 : i32
      %dma_start3A_232 = tpu.memref_slice %arg8[%dma_start3A_229, %dma_start3A_230, %dma_start3A_231] : memref<16x128x16xf32, #tpu.memory_space<vmem>> -> memref<1x128x16xf32, #tpu.memory_space<vmem>>
      %dma_start3A_233 = tpu.memref_squeeze %dma_start3A_232 : memref<1x128x16xf32, #tpu.memory_space<vmem>> -> memref<128x16xf32, #tpu.memory_space<vmem>>
      %dma_start3A_234 = arith.constant 0 : i32
      %dma_start3A_235 = tpu.memref_slice %arg7[%add3A_228, %dma_start3A_234] : memref<80x128xi32, #tpu.memory_space<vmem>> -> memref<1x128xi32, #tpu.memory_space<vmem>>
      %dma_start3A_236 = tpu.memref_squeeze %dma_start3A_235 : memref<1x128xi32, #tpu.memory_space<vmem>> -> memref<128xi32, #tpu.memory_space<vmem>>
      %dma_start3A_237 = arith.constant 0 : i32
      %dma_start3A_238 = arith.constant 0 : i32
      %dma_start3A_239 = tpu.memref_slice %arg11[%dma_start3A_237, %dma_start3A_238] : memref<10240x16xf32, #tpu.memory_space<vmem_shared>> -> memref<10240x16xf32, #tpu.memory_space<vmem_shared>>
      tpu.enqueue_indirect_dma source(%dma_start3A_233 : memref<128x16xf32, #tpu.memory_space<vmem>>) target(%dma_start3A_239 : memref<10240x16xf32, #tpu.memory_space<vmem_shared>>) offsets(%dma_start3A_236 : memref<128xi32, #tpu.memory_space<vmem>>) semaphore(%arg10 : memref<!tpu.dma_semaphore, #tpu.memory_space<semaphore_mem>>) {add = true}
      %add3A_240 = arith.constant 1 : i32
      %add3A_241 = arith.addi %mul3A_121, %add3A_240 : i32
      %dma_start3A_242 = arith.constant 1 : i32
      %dma_start3A_243 = arith.constant 0 : i32
      %dma_start3A_244 = arith.constant 0 : i32
      %dma_start3A_245 = tpu.memref_slice %arg8[%dma_start3A_242, %dma_start3A_243, %dma_start3A_244] : memref<16x128x16xf32, #tpu.memory_space<vmem>> -> memref<1x128x16xf32, #tpu.memory_space<vmem>>
      %dma_start3A_246 = tpu.memref_squeeze %dma_start3A_245 : memref<1x128x16xf32, #tpu.memory_space<vmem>> -> memref<128x16xf32, #tpu.memory_space<vmem>>
      %dma_start3A_247 = arith.constant 0 : i32
      %dma_start3A_248 = tpu.memref_slice %arg7[%add3A_241, %dma_start3A_247] : memref<80x128xi32, #tpu.memory_space<vmem>> -> memref<1x128xi32, #tpu.memory_space<vmem>>
      %dma_start3A_249 = tpu.memref_squeeze %dma_start3A_248 : memref<1x128xi32, #tpu.memory_space<vmem>> -> memref<128xi32, #tpu.memory_space<vmem>>
      %dma_start3A_250 = arith.constant 0 : i32
      %dma_start3A_251 = arith.constant 0 : i32
      %dma_start3A_252 = tpu.memref_slice %arg11[%dma_start3A_250, %dma_start3A_251] : memref<10240x16xf32, #tpu.memory_space<vmem_shared>> -> memref<10240x16xf32, #tpu.memory_space<vmem_shared>>
      tpu.enqueue_indirect_dma source(%dma_start3A_246 : memref<128x16xf32, #tpu.memory_space<vmem>>) target(%dma_start3A_252 : memref<10240x16xf32, #tpu.memory_space<vmem_shared>>) offsets(%dma_start3A_249 : memref<128xi32, #tpu.memory_space<vmem>>) semaphore(%arg10 : memref<!tpu.dma_semaphore, #tpu.memory_space<semaphore_mem>>) {add = true}
      %add3A_253 = arith.constant 2 : i32
      %add3A_254 = arith.addi %mul3A_121, %add3A_253 : i32
      %dma_start3A_255 = arith.constant 2 : i32
      %dma_start3A_256 = arith.constant 0 : i32
      %dma_start3A_257 = arith.constant 0 : i32
      %dma_start3A_258 = tpu.memref_slice %arg8[%dma_start3A_255, %dma_start3A_256, %dma_start3A_257] : memref<16x128x16xf32, #tpu.memory_space<vmem>> -> memref<1x128x16xf32, #tpu.memory_space<vmem>>
      %dma_start3A_259 = tpu.memref_squeeze %dma_start3A_258 : memref<1x128x16xf32, #tpu.memory_space<vmem>> -> memref<128x16xf32, #tpu.memory_space<vmem>>
      %dma_start3A_260 = arith.constant 0 : i32
      %dma_start3A_261 = tpu.memref_slice %arg7[%add3A_254, %dma_start3A_260] : memref<80x128xi32, #tpu.memory_space<vmem>> -> memref<1x128xi32, #tpu.memory_space<vmem>>
      %dma_start3A_262 = tpu.memref_squeeze %dma_start3A_261 : memref<1x128xi32, #tpu.memory_space<vmem>> -> memref<128xi32, #tpu.memory_space<vmem>>
      %dma_start3A_263 = arith.constant 0 : i32
      %dma_start3A_264 = arith.constant 0 : i32
      %dma_start3A_265 = tpu.memref_slice %arg11[%dma_start3A_263, %dma_start3A_264] : memref<10240x16xf32, #tpu.memory_space<vmem_shared>> -> memref<10240x16xf32, #tpu.memory_space<vmem_shared>>
      tpu.enqueue_indirect_dma source(%dma_start3A_259 : memref<128x16xf32, #tpu.memory_space<vmem>>) target(%dma_start3A_265 : memref<10240x16xf32, #tpu.memory_space<vmem_shared>>) offsets(%dma_start3A_262 : memref<128xi32, #tpu.memory_space<vmem>>) semaphore(%arg10 : memref<!tpu.dma_semaphore, #tpu.memory_space<semaphore_mem>>) {add = true}
      %add3A_266 = arith.constant 3 : i32
      %add3A_267 = arith.addi %mul3A_121, %add3A_266 : i32
      %dma_start3A_268 = arith.constant 3 : i32
      %dma_start3A_269 = arith.constant 0 : i32
      %dma_start3A_270 = arith.constant 0 : i32
      %dma_start3A_271 = tpu.memref_slice %arg8[%dma_start3A_268, %dma_start3A_269, %dma_start3A_270] : memref<16x128x16xf32, #tpu.memory_space<vmem>> -> memref<1x128x16xf32, #tpu.memory_space<vmem>>
      %dma_start3A_272 = tpu.memref_squeeze %dma_start3A_271 : memref<1x128x16xf32, #tpu.memory_space<vmem>> -> memref<128x16xf32, #tpu.memory_space<vmem>>
      %dma_start3A_273 = arith.constant 0 : i32
      %dma_start3A_274 = tpu.memref_slice %arg7[%add3A_267, %dma_start3A_273] : memref<80x128xi32, #tpu.memory_space<vmem>> -> memref<1x128xi32, #tpu.memory_space<vmem>>
      %dma_start3A_275 = tpu.memref_squeeze %dma_start3A_274 : memref<1x128xi32, #tpu.memory_space<vmem>> -> memref<128xi32, #tpu.memory_space<vmem>>
      %dma_start3A_276 = arith.constant 0 : i32
      %dma_start3A_277 = arith.constant 0 : i32
      %dma_start3A_278 = tpu.memref_slice %arg11[%dma_start3A_276, %dma_start3A_277] : memref<10240x16xf32, #tpu.memory_space<vmem_shared>> -> memref<10240x16xf32, #tpu.memory_space<vmem_shared>>
      tpu.enqueue_indirect_dma source(%dma_start3A_272 : memref<128x16xf32, #tpu.memory_space<vmem>>) target(%dma_start3A_278 : memref<10240x16xf32, #tpu.memory_space<vmem_shared>>) offsets(%dma_start3A_275 : memref<128xi32, #tpu.memory_space<vmem>>) semaphore(%arg10 : memref<!tpu.dma_semaphore, #tpu.memory_space<semaphore_mem>>) {add = true}
      %add3A_279 = arith.constant 4 : i32
      %add3A_280 = arith.addi %mul3A_121, %add3A_279 : i32
      %dma_start3A_281 = arith.constant 4 : i32
      %dma_start3A_282 = arith.constant 0 : i32
      %dma_start3A_283 = arith.constant 0 : i32
      %dma_start3A_284 = tpu.memref_slice %arg8[%dma_start3A_281, %dma_start3A_282, %dma_start3A_283] : memref<16x128x16xf32, #tpu.memory_space<vmem>> -> memref<1x128x16xf32, #tpu.memory_space<vmem>>
      %dma_start3A_285 = tpu.memref_squeeze %dma_start3A_284 : memref<1x128x16xf32, #tpu.memory_space<vmem>> -> memref<128x16xf32, #tpu.memory_space<vmem>>
      %dma_start3A_286 = arith.constant 0 : i32
      %dma_start3A_287 = tpu.memref_slice %arg7[%add3A_280, %dma_start3A_286] : memref<80x128xi32, #tpu.memory_space<vmem>> -> memref<1x128xi32, #tpu.memory_space<vmem>>
      %dma_start3A_288 = tpu.memref_squeeze %dma_start3A_287 : memref<1x128xi32, #tpu.memory_space<vmem>> -> memref<128xi32, #tpu.memory_space<vmem>>
      %dma_start3A_289 = arith.constant 0 : i32
      %dma_start3A_290 = arith.constant 0 : i32
      %dma_start3A_291 = tpu.memref_slice %arg11[%dma_start3A_289, %dma_start3A_290] : memref<10240x16xf32, #tpu.memory_space<vmem_shared>> -> memref<10240x16xf32, #tpu.memory_space<vmem_shared>>
      tpu.enqueue_indirect_dma source(%dma_start3A_285 : memref<128x16xf32, #tpu.memory_space<vmem>>) target(%dma_start3A_291 : memref<10240x16xf32, #tpu.memory_space<vmem_shared>>) offsets(%dma_start3A_288 : memref<128xi32, #tpu.memory_space<vmem>>) semaphore(%arg10 : memref<!tpu.dma_semaphore, #tpu.memory_space<semaphore_mem>>) {add = true}
      %add3A_292 = arith.constant 5 : i32
      %add3A_293 = arith.addi %mul3A_121, %add3A_292 : i32
      %dma_start3A_294 = arith.constant 5 : i32
      %dma_start3A_295 = arith.constant 0 : i32
      %dma_start3A_296 = arith.constant 0 : i32
      %dma_start3A_297 = tpu.memref_slice %arg8[%dma_start3A_294, %dma_start3A_295, %dma_start3A_296] : memref<16x128x16xf32, #tpu.memory_space<vmem>> -> memref<1x128x16xf32, #tpu.memory_space<vmem>>
      %dma_start3A_298 = tpu.memref_squeeze %dma_start3A_297 : memref<1x128x16xf32, #tpu.memory_space<vmem>> -> memref<128x16xf32, #tpu.memory_space<vmem>>
      %dma_start3A_299 = arith.constant 0 : i32
      %dma_start3A_300 = tpu.memref_slice %arg7[%add3A_293, %dma_start3A_299] : memref<80x128xi32, #tpu.memory_space<vmem>> -> memref<1x128xi32, #tpu.memory_space<vmem>>
      %dma_start3A_301 = tpu.memref_squeeze %dma_start3A_300 : memref<1x128xi32, #tpu.memory_space<vmem>> -> memref<128xi32, #tpu.memory_space<vmem>>
      %dma_start3A_302 = arith.constant 0 : i32
      %dma_start3A_303 = arith.constant 0 : i32
      %dma_start3A_304 = tpu.memref_slice %arg11[%dma_start3A_302, %dma_start3A_303] : memref<10240x16xf32, #tpu.memory_space<vmem_shared>> -> memref<10240x16xf32, #tpu.memory_space<vmem_shared>>
      tpu.enqueue_indirect_dma source(%dma_start3A_298 : memref<128x16xf32, #tpu.memory_space<vmem>>) target(%dma_start3A_304 : memref<10240x16xf32, #tpu.memory_space<vmem_shared>>) offsets(%dma_start3A_301 : memref<128xi32, #tpu.memory_space<vmem>>) semaphore(%arg10 : memref<!tpu.dma_semaphore, #tpu.memory_space<semaphore_mem>>) {add = true}
      %add3A_305 = arith.constant 6 : i32
      %add3A_306 = arith.addi %mul3A_121, %add3A_305 : i32
      %dma_start3A_307 = arith.constant 6 : i32
      %dma_start3A_308 = arith.constant 0 : i32
      %dma_start3A_309 = arith.constant 0 : i32
      %dma_start3A_310 = tpu.memref_slice %arg8[%dma_start3A_307, %dma_start3A_308, %dma_start3A_309] : memref<16x128x16xf32, #tpu.memory_space<vmem>> -> memref<1x128x16xf32, #tpu.memory_space<vmem>>
      %dma_start3A_311 = tpu.memref_squeeze %dma_start3A_310 : memref<1x128x16xf32, #tpu.memory_space<vmem>> -> memref<128x16xf32, #tpu.memory_space<vmem>>
      %dma_start3A_312 = arith.constant 0 : i32
      %dma_start3A_313 = tpu.memref_slice %arg7[%add3A_306, %dma_start3A_312] : memref<80x128xi32, #tpu.memory_space<vmem>> -> memref<1x128xi32, #tpu.memory_space<vmem>>
      %dma_start3A_314 = tpu.memref_squeeze %dma_start3A_313 : memref<1x128xi32, #tpu.memory_space<vmem>> -> memref<128xi32, #tpu.memory_space<vmem>>
      %dma_start3A_315 = arith.constant 0 : i32
      %dma_start3A_316 = arith.constant 0 : i32
      %dma_start3A_317 = tpu.memref_slice %arg11[%dma_start3A_315, %dma_start3A_316] : memref<10240x16xf32, #tpu.memory_space<vmem_shared>> -> memref<10240x16xf32, #tpu.memory_space<vmem_shared>>
      tpu.enqueue_indirect_dma source(%dma_start3A_311 : memref<128x16xf32, #tpu.memory_space<vmem>>) target(%dma_start3A_317 : memref<10240x16xf32, #tpu.memory_space<vmem_shared>>) offsets(%dma_start3A_314 : memref<128xi32, #tpu.memory_space<vmem>>) semaphore(%arg10 : memref<!tpu.dma_semaphore, #tpu.memory_space<semaphore_mem>>) {add = true}
      %add3A_318 = arith.constant 7 : i32
      %add3A_319 = arith.addi %mul3A_121, %add3A_318 : i32
      %dma_start3A_320 = arith.constant 7 : i32
      %dma_start3A_321 = arith.constant 0 : i32
      %dma_start3A_322 = arith.constant 0 : i32
      %dma_start3A_323 = tpu.memref_slice %arg8[%dma_start3A_320, %dma_start3A_321, %dma_start3A_322] : memref<16x128x16xf32, #tpu.memory_space<vmem>> -> memref<1x128x16xf32, #tpu.memory_space<vmem>>
      %dma_start3A_324 = tpu.memref_squeeze %dma_start3A_323 : memref<1x128x16xf32, #tpu.memory_space<vmem>> -> memref<128x16xf32, #tpu.memory_space<vmem>>
      %dma_start3A_325 = arith.constant 0 : i32
      %dma_start3A_326 = tpu.memref_slice %arg7[%add3A_319, %dma_start3A_325] : memref<80x128xi32, #tpu.memory_space<vmem>> -> memref<1x128xi32, #tpu.memory_space<vmem>>
      %dma_start3A_327 = tpu.memref_squeeze %dma_start3A_326 : memref<1x128xi32, #tpu.memory_space<vmem>> -> memref<128xi32, #tpu.memory_space<vmem>>
      %dma_start3A_328 = arith.constant 0 : i32
      %dma_start3A_329 = arith.constant 0 : i32
      %dma_start3A_330 = tpu.memref_slice %arg11[%dma_start3A_328, %dma_start3A_329] : memref<10240x16xf32, #tpu.memory_space<vmem_shared>> -> memref<10240x16xf32, #tpu.memory_space<vmem_shared>>
      tpu.enqueue_indirect_dma source(%dma_start3A_324 : memref<128x16xf32, #tpu.memory_space<vmem>>) target(%dma_start3A_330 : memref<10240x16xf32, #tpu.memory_space<vmem_shared>>) offsets(%dma_start3A_327 : memref<128xi32, #tpu.memory_space<vmem>>) semaphore(%arg10 : memref<!tpu.dma_semaphore, #tpu.memory_space<semaphore_mem>>) {add = true}
      %add3A_331 = arith.constant 0 : i32
      %add3A_332 = arith.addi %add3A_123, %add3A_331 : i32
      %dma_start3A_333 = arith.constant 8 : i32
      %dma_start3A_334 = arith.constant 0 : i32
      %dma_start3A_335 = arith.constant 0 : i32
      %dma_start3A_336 = tpu.memref_slice %arg8[%dma_start3A_333, %dma_start3A_334, %dma_start3A_335] : memref<16x128x16xf32, #tpu.memory_space<vmem>> -> memref<1x128x16xf32, #tpu.memory_space<vmem>>
      %dma_start3A_337 = tpu.memref_squeeze %dma_start3A_336 : memref<1x128x16xf32, #tpu.memory_space<vmem>> -> memref<128x16xf32, #tpu.memory_space<vmem>>
      %dma_start3A_338 = arith.constant 0 : i32
      %dma_start3A_339 = tpu.memref_slice %arg6[%add3A_332, %dma_start3A_338] : memref<80x128xi32, #tpu.memory_space<vmem>> -> memref<1x128xi32, #tpu.memory_space<vmem>>
      %dma_start3A_340 = tpu.memref_squeeze %dma_start3A_339 : memref<1x128xi32, #tpu.memory_space<vmem>> -> memref<128xi32, #tpu.memory_space<vmem>>
      %dma_start3A_341 = arith.constant 0 : i32
      %dma_start3A_342 = arith.constant 0 : i32
      %dma_start3A_343 = tpu.memref_slice %arg12[%dma_start3A_341, %dma_start3A_342] : memref<10240x16xf32, #tpu.memory_space<vmem_shared>> -> memref<10240x16xf32, #tpu.memory_space<vmem_shared>>
      tpu.enqueue_indirect_dma source(%dma_start3A_343 : memref<10240x16xf32, #tpu.memory_space<vmem_shared>>) target(%dma_start3A_337 : memref<128x16xf32, #tpu.memory_space<vmem>>) offsets(%dma_start3A_340 : memref<128xi32, #tpu.memory_space<vmem>>) semaphore(%arg9 : memref<!tpu.dma_semaphore, #tpu.memory_space<semaphore_mem>>)
      %add3A_344 = arith.constant 1 : i32
      %add3A_345 = arith.addi %add3A_123, %add3A_344 : i32
      %dma_start3A_346 = arith.constant 9 : i32
      %dma_start3A_347 = arith.constant 0 : i32
      %dma_start3A_348 = arith.constant 0 : i32
      %dma_start3A_349 = tpu.memref_slice %arg8[%dma_start3A_346, %dma_start3A_347, %dma_start3A_348] : memref<16x128x16xf32, #tpu.memory_space<vmem>> -> memref<1x128x16xf32, #tpu.memory_space<vmem>>
      %dma_start3A_350 = tpu.memref_squeeze %dma_start3A_349 : memref<1x128x16xf32, #tpu.memory_space<vmem>> -> memref<128x16xf32, #tpu.memory_space<vmem>>
      %dma_start3A_351 = arith.constant 0 : i32
      %dma_start3A_352 = tpu.memref_slice %arg6[%add3A_345, %dma_start3A_351] : memref<80x128xi32, #tpu.memory_space<vmem>> -> memref<1x128xi32, #tpu.memory_space<vmem>>
      %dma_start3A_353 = tpu.memref_squeeze %dma_start3A_352 : memref<1x128xi32, #tpu.memory_space<vmem>> -> memref<128xi32, #tpu.memory_space<vmem>>
      %dma_start3A_354 = arith.constant 0 : i32
      %dma_start3A_355 = arith.constant 0 : i32
      %dma_start3A_356 = tpu.memref_slice %arg12[%dma_start3A_354, %dma_start3A_355] : memref<10240x16xf32, #tpu.memory_space<vmem_shared>> -> memref<10240x16xf32, #tpu.memory_space<vmem_shared>>
      tpu.enqueue_indirect_dma source(%dma_start3A_356 : memref<10240x16xf32, #tpu.memory_space<vmem_shared>>) target(%dma_start3A_350 : memref<128x16xf32, #tpu.memory_space<vmem>>) offsets(%dma_start3A_353 : memref<128xi32, #tpu.memory_space<vmem>>) semaphore(%arg9 : memref<!tpu.dma_semaphore, #tpu.memory_space<semaphore_mem>>)
      %add3A_357 = arith.constant 2 : i32
      %add3A_358 = arith.addi %add3A_123, %add3A_357 : i32
      %dma_start3A_359 = arith.constant 10 : i32
      %dma_start3A_360 = arith.constant 0 : i32
      %dma_start3A_361 = arith.constant 0 : i32
      %dma_start3A_362 = tpu.memref_slice %arg8[%dma_start3A_359, %dma_start3A_360, %dma_start3A_361] : memref<16x128x16xf32, #tpu.memory_space<vmem>> -> memref<1x128x16xf32, #tpu.memory_space<vmem>>
      %dma_start3A_363 = tpu.memref_squeeze %dma_start3A_362 : memref<1x128x16xf32, #tpu.memory_space<vmem>> -> memref<128x16xf32, #tpu.memory_space<vmem>>
      %dma_start3A_364 = arith.constant 0 : i32
      %dma_start3A_365 = tpu.memref_slice %arg6[%add3A_358, %dma_start3A_364] : memref<80x128xi32, #tpu.memory_space<vmem>> -> memref<1x128xi32, #tpu.memory_space<vmem>>
      %dma_start3A_366 = tpu.memref_squeeze %dma_start3A_365 : memref<1x128xi32, #tpu.memory_space<vmem>> -> memref<128xi32, #tpu.memory_space<vmem>>
      %dma_start3A_367 = arith.constant 0 : i32
      %dma_start3A_368 = arith.constant 0 : i32
      %dma_start3A_369 = tpu.memref_slice %arg12[%dma_start3A_367, %dma_start3A_368] : memref<10240x16xf32, #tpu.memory_space<vmem_shared>> -> memref<10240x16xf32, #tpu.memory_space<vmem_shared>>
      tpu.enqueue_indirect_dma source(%dma_start3A_369 : memref<10240x16xf32, #tpu.memory_space<vmem_shared>>) target(%dma_start3A_363 : memref<128x16xf32, #tpu.memory_space<vmem>>) offsets(%dma_start3A_366 : memref<128xi32, #tpu.memory_space<vmem>>) semaphore(%arg9 : memref<!tpu.dma_semaphore, #tpu.memory_space<semaphore_mem>>)
      %add3A_370 = arith.constant 3 : i32
      %add3A_371 = arith.addi %add3A_123, %add3A_370 : i32
      %dma_start3A_372 = arith.constant 11 : i32
      %dma_start3A_373 = arith.constant 0 : i32
      %dma_start3A_374 = arith.constant 0 : i32
      %dma_start3A_375 = tpu.memref_slice %arg8[%dma_start3A_372, %dma_start3A_373, %dma_start3A_374] : memref<16x128x16xf32, #tpu.memory_space<vmem>> -> memref<1x128x16xf32, #tpu.memory_space<vmem>>
      %dma_start3A_376 = tpu.memref_squeeze %dma_start3A_375 : memref<1x128x16xf32, #tpu.memory_space<vmem>> -> memref<128x16xf32, #tpu.memory_space<vmem>>
      %dma_start3A_377 = arith.constant 0 : i32
      %dma_start3A_378 = tpu.memref_slice %arg6[%add3A_371, %dma_start3A_377] : memref<80x128xi32, #tpu.memory_space<vmem>> -> memref<1x128xi32, #tpu.memory_space<vmem>>
      %dma_start3A_379 = tpu.memref_squeeze %dma_start3A_378 : memref<1x128xi32, #tpu.memory_space<vmem>> -> memref<128xi32, #tpu.memory_space<vmem>>
      %dma_start3A_380 = arith.constant 0 : i32
      %dma_start3A_381 = arith.constant 0 : i32
      %dma_start3A_382 = tpu.memref_slice %arg12[%dma_start3A_380, %dma_start3A_381] : memref<10240x16xf32, #tpu.memory_space<vmem_shared>> -> memref<10240x16xf32, #tpu.memory_space<vmem_shared>>
      tpu.enqueue_indirect_dma source(%dma_start3A_382 : memref<10240x16xf32, #tpu.memory_space<vmem_shared>>) target(%dma_start3A_376 : memref<128x16xf32, #tpu.memory_space<vmem>>) offsets(%dma_start3A_379 : memref<128xi32, #tpu.memory_space<vmem>>) semaphore(%arg9 : memref<!tpu.dma_semaphore, #tpu.memory_space<semaphore_mem>>)
      %add3A_383 = arith.constant 4 : i32
      %add3A_384 = arith.addi %add3A_123, %add3A_383 : i32
      %dma_start3A_385 = arith.constant 12 : i32
      %dma_start3A_386 = arith.constant 0 : i32
      %dma_start3A_387 = arith.constant 0 : i32
      %dma_start3A_388 = tpu.memref_slice %arg8[%dma_start3A_385, %dma_start3A_386, %dma_start3A_387] : memref<16x128x16xf32, #tpu.memory_space<vmem>> -> memref<1x128x16xf32, #tpu.memory_space<vmem>>
      %dma_start3A_389 = tpu.memref_squeeze %dma_start3A_388 : memref<1x128x16xf32, #tpu.memory_space<vmem>> -> memref<128x16xf32, #tpu.memory_space<vmem>>
      %dma_start3A_390 = arith.constant 0 : i32
      %dma_start3A_391 = tpu.memref_slice %arg6[%add3A_384, %dma_start3A_390] : memref<80x128xi32, #tpu.memory_space<vmem>> -> memref<1x128xi32, #tpu.memory_space<vmem>>
      %dma_start3A_392 = tpu.memref_squeeze %dma_start3A_391 : memref<1x128xi32, #tpu.memory_space<vmem>> -> memref<128xi32, #tpu.memory_space<vmem>>
      %dma_start3A_393 = arith.constant 0 : i32
      %dma_start3A_394 = arith.constant 0 : i32
      %dma_start3A_395 = tpu.memref_slice %arg12[%dma_start3A_393, %dma_start3A_394] : memref<10240x16xf32, #tpu.memory_space<vmem_shared>> -> memref<10240x16xf32, #tpu.memory_space<vmem_shared>>
      tpu.enqueue_indirect_dma source(%dma_start3A_395 : memref<10240x16xf32, #tpu.memory_space<vmem_shared>>) target(%dma_start3A_389 : memref<128x16xf32, #tpu.memory_space<vmem>>) offsets(%dma_start3A_392 : memref<128xi32, #tpu.memory_space<vmem>>) semaphore(%arg9 : memref<!tpu.dma_semaphore, #tpu.memory_space<semaphore_mem>>)
      %add3A_396 = arith.constant 5 : i32
      %add3A_397 = arith.addi %add3A_123, %add3A_396 : i32
      %dma_start3A_398 = arith.constant 13 : i32
      %dma_start3A_399 = arith.constant 0 : i32
      %dma_start3A_400 = arith.constant 0 : i32
      %dma_start3A_401 = tpu.memref_slice %arg8[%dma_start3A_398, %dma_start3A_399, %dma_start3A_400] : memref<16x128x16xf32, #tpu.memory_space<vmem>> -> memref<1x128x16xf32, #tpu.memory_space<vmem>>
      %dma_start3A_402 = tpu.memref_squeeze %dma_start3A_401 : memref<1x128x16xf32, #tpu.memory_space<vmem>> -> memref<128x16xf32, #tpu.memory_space<vmem>>
      %dma_start3A_403 = arith.constant 0 : i32
      %dma_start3A_404 = tpu.memref_slice %arg6[%add3A_397, %dma_start3A_403] : memref<80x128xi32, #tpu.memory_space<vmem>> -> memref<1x128xi32, #tpu.memory_space<vmem>>
      %dma_start3A_405 = tpu.memref_squeeze %dma_start3A_404 : memref<1x128xi32, #tpu.memory_space<vmem>> -> memref<128xi32, #tpu.memory_space<vmem>>
      %dma_start3A_406 = arith.constant 0 : i32
      %dma_start3A_407 = arith.constant 0 : i32
      %dma_start3A_408 = tpu.memref_slice %arg12[%dma_start3A_406, %dma_start3A_407] : memref<10240x16xf32, #tpu.memory_space<vmem_shared>> -> memref<10240x16xf32, #tpu.memory_space<vmem_shared>>
      tpu.enqueue_indirect_dma source(%dma_start3A_408 : memref<10240x16xf32, #tpu.memory_space<vmem_shared>>) target(%dma_start3A_402 : memref<128x16xf32, #tpu.memory_space<vmem>>) offsets(%dma_start3A_405 : memref<128xi32, #tpu.memory_space<vmem>>) semaphore(%arg9 : memref<!tpu.dma_semaphore, #tpu.memory_space<semaphore_mem>>)
      %add3A_409 = arith.constant 6 : i32
      %add3A_410 = arith.addi %add3A_123, %add3A_409 : i32
      %dma_start3A_411 = arith.constant 14 : i32
      %dma_start3A_412 = arith.constant 0 : i32
      %dma_start3A_413 = arith.constant 0 : i32
      %dma_start3A_414 = tpu.memref_slice %arg8[%dma_start3A_411, %dma_start3A_412, %dma_start3A_413] : memref<16x128x16xf32, #tpu.memory_space<vmem>> -> memref<1x128x16xf32, #tpu.memory_space<vmem>>
      %dma_start3A_415 = tpu.memref_squeeze %dma_start3A_414 : memref<1x128x16xf32, #tpu.memory_space<vmem>> -> memref<128x16xf32, #tpu.memory_space<vmem>>
      %dma_start3A_416 = arith.constant 0 : i32
      %dma_start3A_417 = tpu.memref_slice %arg6[%add3A_410, %dma_start3A_416] : memref<80x128xi32, #tpu.memory_space<vmem>> -> memref<1x128xi32, #tpu.memory_space<vmem>>
      %dma_start3A_418 = tpu.memref_squeeze %dma_start3A_417 : memref<1x128xi32, #tpu.memory_space<vmem>> -> memref<128xi32, #tpu.memory_space<vmem>>
      %dma_start3A_419 = arith.constant 0 : i32
      %dma_start3A_420 = arith.constant 0 : i32
      %dma_start3A_421 = tpu.memref_slice %arg12[%dma_start3A_419, %dma_start3A_420] : memref<10240x16xf32, #tpu.memory_space<vmem_shared>> -> memref<10240x16xf32, #tpu.memory_space<vmem_shared>>
      tpu.enqueue_indirect_dma source(%dma_start3A_421 : memref<10240x16xf32, #tpu.memory_space<vmem_shared>>) target(%dma_start3A_415 : memref<128x16xf32, #tpu.memory_space<vmem>>) offsets(%dma_start3A_418 : memref<128xi32, #tpu.memory_space<vmem>>) semaphore(%arg9 : memref<!tpu.dma_semaphore, #tpu.memory_space<semaphore_mem>>)
      %add3A_422 = arith.constant 7 : i32
      %add3A_423 = arith.addi %add3A_123, %add3A_422 : i32
      %dma_start3A_424 = arith.constant 15 : i32
      %dma_start3A_425 = arith.constant 0 : i32
      %dma_start3A_426 = arith.constant 0 : i32
      %dma_start3A_427 = tpu.memref_slice %arg8[%dma_start3A_424, %dma_start3A_425, %dma_start3A_426] : memref<16x128x16xf32, #tpu.memory_space<vmem>> -> memref<1x128x16xf32, #tpu.memory_space<vmem>>
      %dma_start3A_428 = tpu.memref_squeeze %dma_start3A_427 : memref<1x128x16xf32, #tpu.memory_space<vmem>> -> memref<128x16xf32, #tpu.memory_space<vmem>>
      %dma_start3A_429 = arith.constant 0 : i32
      %dma_start3A_430 = tpu.memref_slice %arg6[%add3A_423, %dma_start3A_429] : memref<80x128xi32, #tpu.memory_space<vmem>> -> memref<1x128xi32, #tpu.memory_space<vmem>>
      %dma_start3A_431 = tpu.memref_squeeze %dma_start3A_430 : memref<1x128xi32, #tpu.memory_space<vmem>> -> memref<128xi32, #tpu.memory_space<vmem>>
      %dma_start3A_432 = arith.constant 0 : i32
      %dma_start3A_433 = arith.constant 0 : i32
      %dma_start3A_434 = tpu.memref_slice %arg12[%dma_start3A_432, %dma_start3A_433] : memref<10240x16xf32, #tpu.memory_space<vmem_shared>> -> memref<10240x16xf32, #tpu.memory_space<vmem_shared>>
      tpu.enqueue_indirect_dma source(%dma_start3A_434 : memref<10240x16xf32, #tpu.memory_space<vmem_shared>>) target(%dma_start3A_428 : memref<128x16xf32, #tpu.memory_space<vmem>>) offsets(%dma_start3A_431 : memref<128xi32, #tpu.memory_space<vmem>>) semaphore(%arg9 : memref<!tpu.dma_semaphore, #tpu.memory_space<semaphore_mem>>)
      %add3A_435 = arith.constant 0 : i32
      %add3A_436 = arith.addi %mul3A_121, %add3A_435 : i32
      %dma_wait3A_437 = arith.constant 0 : i32
      %dma_wait3A_438 = arith.constant 0 : i32
      %dma_wait3A_439 = arith.constant 0 : i32
      %dma_wait3A_440 = tpu.memref_slice %arg8[%dma_wait3A_437, %dma_wait3A_438, %dma_wait3A_439] : memref<16x128x16xf32, #tpu.memory_space<vmem>> -> memref<1x128x16xf32, #tpu.memory_space<vmem>>
      %dma_wait3A_441 = tpu.memref_squeeze %dma_wait3A_440 : memref<1x128x16xf32, #tpu.memory_space<vmem>> -> memref<128x16xf32, #tpu.memory_space<vmem>>
      %dma_wait3A_442 = arith.constant 0 : i32
      %dma_wait3A_443 = tpu.memref_slice %arg7[%add3A_436, %dma_wait3A_442] : memref<80x128xi32, #tpu.memory_space<vmem>> -> memref<1x128xi32, #tpu.memory_space<vmem>>
      %dma_wait3A_444 = tpu.memref_squeeze %dma_wait3A_443 : memref<1x128xi32, #tpu.memory_space<vmem>> -> memref<128xi32, #tpu.memory_space<vmem>>
      %dma_wait3A_445 = arith.constant 0 : i32
      %dma_wait3A_446 = arith.constant 0 : i32
      %dma_wait3A_447 = tpu.memref_slice %arg11[%dma_wait3A_445, %dma_wait3A_446] : memref<10240x16xf32, #tpu.memory_space<vmem_shared>> -> memref<10240x16xf32, #tpu.memory_space<vmem_shared>>
      tpu.wait_indirect_dma semaphore(%arg10 : memref<!tpu.dma_semaphore, #tpu.memory_space<semaphore_mem>>) src(%dma_wait3A_441 : memref<128x16xf32, #tpu.memory_space<vmem>>) dst(%dma_wait3A_447 : memref<10240x16xf32, #tpu.memory_space<vmem_shared>>)
      %add3A_448 = arith.constant 1 : i32
      %add3A_449 = arith.addi %mul3A_121, %add3A_448 : i32
      %dma_wait3A_450 = arith.constant 1 : i32
      %dma_wait3A_451 = arith.constant 0 : i32
      %dma_wait3A_452 = arith.constant 0 : i32
      %dma_wait3A_453 = tpu.memref_slice %arg8[%dma_wait3A_450, %dma_wait3A_451, %dma_wait3A_452] : memref<16x128x16xf32, #tpu.memory_space<vmem>> -> memref<1x128x16xf32, #tpu.memory_space<vmem>>
      %dma_wait3A_454 = tpu.memref_squeeze %dma_wait3A_453 : memref<1x128x16xf32, #tpu.memory_space<vmem>> -> memref<128x16xf32, #tpu.memory_space<vmem>>
      %dma_wait3A_455 = arith.constant 0 : i32
      %dma_wait3A_456 = tpu.memref_slice %arg7[%add3A_449, %dma_wait3A_455] : memref<80x128xi32, #tpu.memory_space<vmem>> -> memref<1x128xi32, #tpu.memory_space<vmem>>
      %dma_wait3A_457 = tpu.memref_squeeze %dma_wait3A_456 : memref<1x128xi32, #tpu.memory_space<vmem>> -> memref<128xi32, #tpu.memory_space<vmem>>
      %dma_wait3A_458 = arith.constant 0 : i32
      %dma_wait3A_459 = arith.constant 0 : i32
      %dma_wait3A_460 = tpu.memref_slice %arg11[%dma_wait3A_458, %dma_wait3A_459] : memref<10240x16xf32, #tpu.memory_space<vmem_shared>> -> memref<10240x16xf32, #tpu.memory_space<vmem_shared>>
      tpu.wait_indirect_dma semaphore(%arg10 : memref<!tpu.dma_semaphore, #tpu.memory_space<semaphore_mem>>) src(%dma_wait3A_454 : memref<128x16xf32, #tpu.memory_space<vmem>>) dst(%dma_wait3A_460 : memref<10240x16xf32, #tpu.memory_space<vmem_shared>>)
      %add3A_461 = arith.constant 2 : i32
      %add3A_462 = arith.addi %mul3A_121, %add3A_461 : i32
      %dma_wait3A_463 = arith.constant 2 : i32
      %dma_wait3A_464 = arith.constant 0 : i32
      %dma_wait3A_465 = arith.constant 0 : i32
      %dma_wait3A_466 = tpu.memref_slice %arg8[%dma_wait3A_463, %dma_wait3A_464, %dma_wait3A_465] : memref<16x128x16xf32, #tpu.memory_space<vmem>> -> memref<1x128x16xf32, #tpu.memory_space<vmem>>
      %dma_wait3A_467 = tpu.memref_squeeze %dma_wait3A_466 : memref<1x128x16xf32, #tpu.memory_space<vmem>> -> memref<128x16xf32, #tpu.memory_space<vmem>>
      %dma_wait3A_468 = arith.constant 0 : i32
      %dma_wait3A_469 = tpu.memref_slice %arg7[%add3A_462, %dma_wait3A_468] : memref<80x128xi32, #tpu.memory_space<vmem>> -> memref<1x128xi32, #tpu.memory_space<vmem>>
      %dma_wait3A_470 = tpu.memref_squeeze %dma_wait3A_469 : memref<1x128xi32, #tpu.memory_space<vmem>> -> memref<128xi32, #tpu.memory_space<vmem>>
      %dma_wait3A_471 = arith.constant 0 : i32
      %dma_wait3A_472 = arith.constant 0 : i32
      %dma_wait3A_473 = tpu.memref_slice %arg11[%dma_wait3A_471, %dma_wait3A_472] : memref<10240x16xf32, #tpu.memory_space<vmem_shared>> -> memref<10240x16xf32, #tpu.memory_space<vmem_shared>>
      tpu.wait_indirect_dma semaphore(%arg10 : memref<!tpu.dma_semaphore, #tpu.memory_space<semaphore_mem>>) src(%dma_wait3A_467 : memref<128x16xf32, #tpu.memory_space<vmem>>) dst(%dma_wait3A_473 : memref<10240x16xf32, #tpu.memory_space<vmem_shared>>)
      %add3A_474 = arith.constant 3 : i32
      %add3A_475 = arith.addi %mul3A_121, %add3A_474 : i32
      %dma_wait3A_476 = arith.constant 3 : i32
      %dma_wait3A_477 = arith.constant 0 : i32
      %dma_wait3A_478 = arith.constant 0 : i32
      %dma_wait3A_479 = tpu.memref_slice %arg8[%dma_wait3A_476, %dma_wait3A_477, %dma_wait3A_478] : memref<16x128x16xf32, #tpu.memory_space<vmem>> -> memref<1x128x16xf32, #tpu.memory_space<vmem>>
      %dma_wait3A_480 = tpu.memref_squeeze %dma_wait3A_479 : memref<1x128x16xf32, #tpu.memory_space<vmem>> -> memref<128x16xf32, #tpu.memory_space<vmem>>
      %dma_wait3A_481 = arith.constant 0 : i32
      %dma_wait3A_482 = tpu.memref_slice %arg7[%add3A_475, %dma_wait3A_481] : memref<80x128xi32, #tpu.memory_space<vmem>> -> memref<1x128xi32, #tpu.memory_space<vmem>>
      %dma_wait3A_483 = tpu.memref_squeeze %dma_wait3A_482 : memref<1x128xi32, #tpu.memory_space<vmem>> -> memref<128xi32, #tpu.memory_space<vmem>>
      %dma_wait3A_484 = arith.constant 0 : i32
      %dma_wait3A_485 = arith.constant 0 : i32
      %dma_wait3A_486 = tpu.memref_slice %arg11[%dma_wait3A_484, %dma_wait3A_485] : memref<10240x16xf32, #tpu.memory_space<vmem_shared>> -> memref<10240x16xf32, #tpu.memory_space<vmem_shared>>
      tpu.wait_indirect_dma semaphore(%arg10 : memref<!tpu.dma_semaphore, #tpu.memory_space<semaphore_mem>>) src(%dma_wait3A_480 : memref<128x16xf32, #tpu.memory_space<vmem>>) dst(%dma_wait3A_486 : memref<10240x16xf32, #tpu.memory_space<vmem_shared>>)
      %add3A_487 = arith.constant 4 : i32
      %add3A_488 = arith.addi %mul3A_121, %add3A_487 : i32
      %dma_wait3A_489 = arith.constant 4 : i32
      %dma_wait3A_490 = arith.constant 0 : i32
      %dma_wait3A_491 = arith.constant 0 : i32
      %dma_wait3A_492 = tpu.memref_slice %arg8[%dma_wait3A_489, %dma_wait3A_490, %dma_wait3A_491] : memref<16x128x16xf32, #tpu.memory_space<vmem>> -> memref<1x128x16xf32, #tpu.memory_space<vmem>>
      %dma_wait3A_493 = tpu.memref_squeeze %dma_wait3A_492 : memref<1x128x16xf32, #tpu.memory_space<vmem>> -> memref<128x16xf32, #tpu.memory_space<vmem>>
      %dma_wait3A_494 = arith.constant 0 : i32
      %dma_wait3A_495 = tpu.memref_slice %arg7[%add3A_488, %dma_wait3A_494] : memref<80x128xi32, #tpu.memory_space<vmem>> -> memref<1x128xi32, #tpu.memory_space<vmem>>
      %dma_wait3A_496 = tpu.memref_squeeze %dma_wait3A_495 : memref<1x128xi32, #tpu.memory_space<vmem>> -> memref<128xi32, #tpu.memory_space<vmem>>
      %dma_wait3A_497 = arith.constant 0 : i32
      %dma_wait3A_498 = arith.constant 0 : i32
      %dma_wait3A_499 = tpu.memref_slice %arg11[%dma_wait3A_497, %dma_wait3A_498] : memref<10240x16xf32, #tpu.memory_space<vmem_shared>> -> memref<10240x16xf32, #tpu.memory_space<vmem_shared>>
      tpu.wait_indirect_dma semaphore(%arg10 : memref<!tpu.dma_semaphore, #tpu.memory_space<semaphore_mem>>) src(%dma_wait3A_493 : memref<128x16xf32, #tpu.memory_space<vmem>>) dst(%dma_wait3A_499 : memref<10240x16xf32, #tpu.memory_space<vmem_shared>>)
      %add3A_500 = arith.constant 5 : i32
      %add3A_501 = arith.addi %mul3A_121, %add3A_500 : i32
      %dma_wait3A_502 = arith.constant 5 : i32
      %dma_wait3A_503 = arith.constant 0 : i32
      %dma_wait3A_504 = arith.constant 0 : i32
      %dma_wait3A_505 = tpu.memref_slice %arg8[%dma_wait3A_502, %dma_wait3A_503, %dma_wait3A_504] : memref<16x128x16xf32, #tpu.memory_space<vmem>> -> memref<1x128x16xf32, #tpu.memory_space<vmem>>
      %dma_wait3A_506 = tpu.memref_squeeze %dma_wait3A_505 : memref<1x128x16xf32, #tpu.memory_space<vmem>> -> memref<128x16xf32, #tpu.memory_space<vmem>>
      %dma_wait3A_507 = arith.constant 0 : i32
      %dma_wait3A_508 = tpu.memref_slice %arg7[%add3A_501, %dma_wait3A_507] : memref<80x128xi32, #tpu.memory_space<vmem>> -> memref<1x128xi32, #tpu.memory_space<vmem>>
      %dma_wait3A_509 = tpu.memref_squeeze %dma_wait3A_508 : memref<1x128xi32, #tpu.memory_space<vmem>> -> memref<128xi32, #tpu.memory_space<vmem>>
      %dma_wait3A_510 = arith.constant 0 : i32
      %dma_wait3A_511 = arith.constant 0 : i32
      %dma_wait3A_512 = tpu.memref_slice %arg11[%dma_wait3A_510, %dma_wait3A_511] : memref<10240x16xf32, #tpu.memory_space<vmem_shared>> -> memref<10240x16xf32, #tpu.memory_space<vmem_shared>>
      tpu.wait_indirect_dma semaphore(%arg10 : memref<!tpu.dma_semaphore, #tpu.memory_space<semaphore_mem>>) src(%dma_wait3A_506 : memref<128x16xf32, #tpu.memory_space<vmem>>) dst(%dma_wait3A_512 : memref<10240x16xf32, #tpu.memory_space<vmem_shared>>)
      %add3A_513 = arith.constant 6 : i32
      %add3A_514 = arith.addi %mul3A_121, %add3A_513 : i32
      %dma_wait3A_515 = arith.constant 6 : i32
      %dma_wait3A_516 = arith.constant 0 : i32
      %dma_wait3A_517 = arith.constant 0 : i32
      %dma_wait3A_518 = tpu.memref_slice %arg8[%dma_wait3A_515, %dma_wait3A_516, %dma_wait3A_517] : memref<16x128x16xf32, #tpu.memory_space<vmem>> -> memref<1x128x16xf32, #tpu.memory_space<vmem>>
      %dma_wait3A_519 = tpu.memref_squeeze %dma_wait3A_518 : memref<1x128x16xf32, #tpu.memory_space<vmem>> -> memref<128x16xf32, #tpu.memory_space<vmem>>
      %dma_wait3A_520 = arith.constant 0 : i32
      %dma_wait3A_521 = tpu.memref_slice %arg7[%add3A_514, %dma_wait3A_520] : memref<80x128xi32, #tpu.memory_space<vmem>> -> memref<1x128xi32, #tpu.memory_space<vmem>>
      %dma_wait3A_522 = tpu.memref_squeeze %dma_wait3A_521 : memref<1x128xi32, #tpu.memory_space<vmem>> -> memref<128xi32, #tpu.memory_space<vmem>>
      %dma_wait3A_523 = arith.constant 0 : i32
      %dma_wait3A_524 = arith.constant 0 : i32
      %dma_wait3A_525 = tpu.memref_slice %arg11[%dma_wait3A_523, %dma_wait3A_524] : memref<10240x16xf32, #tpu.memory_space<vmem_shared>> -> memref<10240x16xf32, #tpu.memory_space<vmem_shared>>
      tpu.wait_indirect_dma semaphore(%arg10 : memref<!tpu.dma_semaphore, #tpu.memory_space<semaphore_mem>>) src(%dma_wait3A_519 : memref<128x16xf32, #tpu.memory_space<vmem>>) dst(%dma_wait3A_525 : memref<10240x16xf32, #tpu.memory_space<vmem_shared>>)
      %add3A_526 = arith.constant 7 : i32
      %add3A_527 = arith.addi %mul3A_121, %add3A_526 : i32
      %dma_wait3A_528 = arith.constant 7 : i32
      %dma_wait3A_529 = arith.constant 0 : i32
      %dma_wait3A_530 = arith.constant 0 : i32
      %dma_wait3A_531 = tpu.memref_slice %arg8[%dma_wait3A_528, %dma_wait3A_529, %dma_wait3A_530] : memref<16x128x16xf32, #tpu.memory_space<vmem>> -> memref<1x128x16xf32, #tpu.memory_space<vmem>>
      %dma_wait3A_532 = tpu.memref_squeeze %dma_wait3A_531 : memref<1x128x16xf32, #tpu.memory_space<vmem>> -> memref<128x16xf32, #tpu.memory_space<vmem>>
      %dma_wait3A_533 = arith.constant 0 : i32
      %dma_wait3A_534 = tpu.memref_slice %arg7[%add3A_527, %dma_wait3A_533] : memref<80x128xi32, #tpu.memory_space<vmem>> -> memref<1x128xi32, #tpu.memory_space<vmem>>
      %dma_wait3A_535 = tpu.memref_squeeze %dma_wait3A_534 : memref<1x128xi32, #tpu.memory_space<vmem>> -> memref<128xi32, #tpu.memory_space<vmem>>
      %dma_wait3A_536 = arith.constant 0 : i32
      %dma_wait3A_537 = arith.constant 0 : i32
      %dma_wait3A_538 = tpu.memref_slice %arg11[%dma_wait3A_536, %dma_wait3A_537] : memref<10240x16xf32, #tpu.memory_space<vmem_shared>> -> memref<10240x16xf32, #tpu.memory_space<vmem_shared>>
      tpu.wait_indirect_dma semaphore(%arg10 : memref<!tpu.dma_semaphore, #tpu.memory_space<semaphore_mem>>) src(%dma_wait3A_532 : memref<128x16xf32, #tpu.memory_space<vmem>>) dst(%dma_wait3A_538 : memref<10240x16xf32, #tpu.memory_space<vmem_shared>>)
      %add3A_539 = arith.constant 0 : i32
      %add3A_540 = arith.addi %add3A_123, %add3A_539 : i32
      %dma_wait3A_541 = arith.constant 8 : i32
      %dma_wait3A_542 = arith.constant 0 : i32
      %dma_wait3A_543 = arith.constant 0 : i32
      %dma_wait3A_544 = tpu.memref_slice %arg8[%dma_wait3A_541, %dma_wait3A_542, %dma_wait3A_543] : memref<16x128x16xf32, #tpu.memory_space<vmem>> -> memref<1x128x16xf32, #tpu.memory_space<vmem>>
      %dma_wait3A_545 = tpu.memref_squeeze %dma_wait3A_544 : memref<1x128x16xf32, #tpu.memory_space<vmem>> -> memref<128x16xf32, #tpu.memory_space<vmem>>
      %dma_wait3A_546 = arith.constant 0 : i32
      %dma_wait3A_547 = tpu.memref_slice %arg6[%add3A_540, %dma_wait3A_546] : memref<80x128xi32, #tpu.memory_space<vmem>> -> memref<1x128xi32, #tpu.memory_space<vmem>>
      %dma_wait3A_548 = tpu.memref_squeeze %dma_wait3A_547 : memref<1x128xi32, #tpu.memory_space<vmem>> -> memref<128xi32, #tpu.memory_space<vmem>>
      %dma_wait3A_549 = arith.constant 0 : i32
      %dma_wait3A_550 = arith.constant 0 : i32
      %dma_wait3A_551 = tpu.memref_slice %arg12[%dma_wait3A_549, %dma_wait3A_550] : memref<10240x16xf32, #tpu.memory_space<vmem_shared>> -> memref<10240x16xf32, #tpu.memory_space<vmem_shared>>
      tpu.wait_indirect_dma semaphore(%arg9 : memref<!tpu.dma_semaphore, #tpu.memory_space<semaphore_mem>>) src(%dma_wait3A_551 : memref<10240x16xf32, #tpu.memory_space<vmem_shared>>) dst(%dma_wait3A_545 : memref<128x16xf32, #tpu.memory_space<vmem>>)
      %add3A_552 = arith.constant 1 : i32
      %add3A_553 = arith.addi %add3A_123, %add3A_552 : i32
      %dma_wait3A_554 = arith.constant 9 : i32
      %dma_wait3A_555 = arith.constant 0 : i32
      %dma_wait3A_556 = arith.constant 0 : i32
      %dma_wait3A_557 = tpu.memref_slice %arg8[%dma_wait3A_554, %dma_wait3A_555, %dma_wait3A_556] : memref<16x128x16xf32, #tpu.memory_space<vmem>> -> memref<1x128x16xf32, #tpu.memory_space<vmem>>
      %dma_wait3A_558 = tpu.memref_squeeze %dma_wait3A_557 : memref<1x128x16xf32, #tpu.memory_space<vmem>> -> memref<128x16xf32, #tpu.memory_space<vmem>>
      %dma_wait3A_559 = arith.constant 0 : i32
      %dma_wait3A_560 = tpu.memref_slice %arg6[%add3A_553, %dma_wait3A_559] : memref<80x128xi32, #tpu.memory_space<vmem>> -> memref<1x128xi32, #tpu.memory_space<vmem>>
      %dma_wait3A_561 = tpu.memref_squeeze %dma_wait3A_560 : memref<1x128xi32, #tpu.memory_space<vmem>> -> memref<128xi32, #tpu.memory_space<vmem>>
      %dma_wait3A_562 = arith.constant 0 : i32
      %dma_wait3A_563 = arith.constant 0 : i32
      %dma_wait3A_564 = tpu.memref_slice %arg12[%dma_wait3A_562, %dma_wait3A_563] : memref<10240x16xf32, #tpu.memory_space<vmem_shared>> -> memref<10240x16xf32, #tpu.memory_space<vmem_shared>>
      tpu.wait_indirect_dma semaphore(%arg9 : memref<!tpu.dma_semaphore, #tpu.memory_space<semaphore_mem>>) src(%dma_wait3A_564 : memref<10240x16xf32, #tpu.memory_space<vmem_shared>>) dst(%dma_wait3A_558 : memref<128x16xf32, #tpu.memory_space<vmem>>)
      %add3A_565 = arith.constant 2 : i32
      %add3A_566 = arith.addi %add3A_123, %add3A_565 : i32
      %dma_wait3A_567 = arith.constant 10 : i32
      %dma_wait3A_568 = arith.constant 0 : i32
      %dma_wait3A_569 = arith.constant 0 : i32
      %dma_wait3A_570 = tpu.memref_slice %arg8[%dma_wait3A_567, %dma_wait3A_568, %dma_wait3A_569] : memref<16x128x16xf32, #tpu.memory_space<vmem>> -> memref<1x128x16xf32, #tpu.memory_space<vmem>>
      %dma_wait3A_571 = tpu.memref_squeeze %dma_wait3A_570 : memref<1x128x16xf32, #tpu.memory_space<vmem>> -> memref<128x16xf32, #tpu.memory_space<vmem>>
      %dma_wait3A_572 = arith.constant 0 : i32
      %dma_wait3A_573 = tpu.memref_slice %arg6[%add3A_566, %dma_wait3A_572] : memref<80x128xi32, #tpu.memory_space<vmem>> -> memref<1x128xi32, #tpu.memory_space<vmem>>
      %dma_wait3A_574 = tpu.memref_squeeze %dma_wait3A_573 : memref<1x128xi32, #tpu.memory_space<vmem>> -> memref<128xi32, #tpu.memory_space<vmem>>
      %dma_wait3A_575 = arith.constant 0 : i32
      %dma_wait3A_576 = arith.constant 0 : i32
      %dma_wait3A_577 = tpu.memref_slice %arg12[%dma_wait3A_575, %dma_wait3A_576] : memref<10240x16xf32, #tpu.memory_space<vmem_shared>> -> memref<10240x16xf32, #tpu.memory_space<vmem_shared>>
      tpu.wait_indirect_dma semaphore(%arg9 : memref<!tpu.dma_semaphore, #tpu.memory_space<semaphore_mem>>) src(%dma_wait3A_577 : memref<10240x16xf32, #tpu.memory_space<vmem_shared>>) dst(%dma_wait3A_571 : memref<128x16xf32, #tpu.memory_space<vmem>>)
      %add3A_578 = arith.constant 3 : i32
      %add3A_579 = arith.addi %add3A_123, %add3A_578 : i32
      %dma_wait3A_580 = arith.constant 11 : i32
      %dma_wait3A_581 = arith.constant 0 : i32
      %dma_wait3A_582 = arith.constant 0 : i32
      %dma_wait3A_583 = tpu.memref_slice %arg8[%dma_wait3A_580, %dma_wait3A_581, %dma_wait3A_582] : memref<16x128x16xf32, #tpu.memory_space<vmem>> -> memref<1x128x16xf32, #tpu.memory_space<vmem>>
      %dma_wait3A_584 = tpu.memref_squeeze %dma_wait3A_583 : memref<1x128x16xf32, #tpu.memory_space<vmem>> -> memref<128x16xf32, #tpu.memory_space<vmem>>
      %dma_wait3A_585 = arith.constant 0 : i32
      %dma_wait3A_586 = tpu.memref_slice %arg6[%add3A_579, %dma_wait3A_585] : memref<80x128xi32, #tpu.memory_space<vmem>> -> memref<1x128xi32, #tpu.memory_space<vmem>>
      %dma_wait3A_587 = tpu.memref_squeeze %dma_wait3A_586 : memref<1x128xi32, #tpu.memory_space<vmem>> -> memref<128xi32, #tpu.memory_space<vmem>>
      %dma_wait3A_588 = arith.constant 0 : i32
      %dma_wait3A_589 = arith.constant 0 : i32
      %dma_wait3A_590 = tpu.memref_slice %arg12[%dma_wait3A_588, %dma_wait3A_589] : memref<10240x16xf32, #tpu.memory_space<vmem_shared>> -> memref<10240x16xf32, #tpu.memory_space<vmem_shared>>
      tpu.wait_indirect_dma semaphore(%arg9 : memref<!tpu.dma_semaphore, #tpu.memory_space<semaphore_mem>>) src(%dma_wait3A_590 : memref<10240x16xf32, #tpu.memory_space<vmem_shared>>) dst(%dma_wait3A_584 : memref<128x16xf32, #tpu.memory_space<vmem>>)
      %add3A_591 = arith.constant 4 : i32
      %add3A_592 = arith.addi %add3A_123, %add3A_591 : i32
      %dma_wait3A_593 = arith.constant 12 : i32
      %dma_wait3A_594 = arith.constant 0 : i32
      %dma_wait3A_595 = arith.constant 0 : i32
      %dma_wait3A_596 = tpu.memref_slice %arg8[%dma_wait3A_593, %dma_wait3A_594, %dma_wait3A_595] : memref<16x128x16xf32, #tpu.memory_space<vmem>> -> memref<1x128x16xf32, #tpu.memory_space<vmem>>
      %dma_wait3A_597 = tpu.memref_squeeze %dma_wait3A_596 : memref<1x128x16xf32, #tpu.memory_space<vmem>> -> memref<128x16xf32, #tpu.memory_space<vmem>>
      %dma_wait3A_598 = arith.constant 0 : i32
      %dma_wait3A_599 = tpu.memref_slice %arg6[%add3A_592, %dma_wait3A_598] : memref<80x128xi32, #tpu.memory_space<vmem>> -> memref<1x128xi32, #tpu.memory_space<vmem>>
      %dma_wait3A_600 = tpu.memref_squeeze %dma_wait3A_599 : memref<1x128xi32, #tpu.memory_space<vmem>> -> memref<128xi32, #tpu.memory_space<vmem>>
      %dma_wait3A_601 = arith.constant 0 : i32
      %dma_wait3A_602 = arith.constant 0 : i32
      %dma_wait3A_603 = tpu.memref_slice %arg12[%dma_wait3A_601, %dma_wait3A_602] : memref<10240x16xf32, #tpu.memory_space<vmem_shared>> -> memref<10240x16xf32, #tpu.memory_space<vmem_shared>>
      tpu.wait_indirect_dma semaphore(%arg9 : memref<!tpu.dma_semaphore, #tpu.memory_space<semaphore_mem>>) src(%dma_wait3A_603 : memref<10240x16xf32, #tpu.memory_space<vmem_shared>>) dst(%dma_wait3A_597 : memref<128x16xf32, #tpu.memory_space<vmem>>)
      %add3A_604 = arith.constant 5 : i32
      %add3A_605 = arith.addi %add3A_123, %add3A_604 : i32
      %dma_wait3A_606 = arith.constant 13 : i32
      %dma_wait3A_607 = arith.constant 0 : i32
      %dma_wait3A_608 = arith.constant 0 : i32
      %dma_wait3A_609 = tpu.memref_slice %arg8[%dma_wait3A_606, %dma_wait3A_607, %dma_wait3A_608] : memref<16x128x16xf32, #tpu.memory_space<vmem>> -> memref<1x128x16xf32, #tpu.memory_space<vmem>>
      %dma_wait3A_610 = tpu.memref_squeeze %dma_wait3A_609 : memref<1x128x16xf32, #tpu.memory_space<vmem>> -> memref<128x16xf32, #tpu.memory_space<vmem>>
      %dma_wait3A_611 = arith.constant 0 : i32
      %dma_wait3A_612 = tpu.memref_slice %arg6[%add3A_605, %dma_wait3A_611] : memref<80x128xi32, #tpu.memory_space<vmem>> -> memref<1x128xi32, #tpu.memory_space<vmem>>
      %dma_wait3A_613 = tpu.memref_squeeze %dma_wait3A_612 : memref<1x128xi32, #tpu.memory_space<vmem>> -> memref<128xi32, #tpu.memory_space<vmem>>
      %dma_wait3A_614 = arith.constant 0 : i32
      %dma_wait3A_615 = arith.constant 0 : i32
      %dma_wait3A_616 = tpu.memref_slice %arg12[%dma_wait3A_614, %dma_wait3A_615] : memref<10240x16xf32, #tpu.memory_space<vmem_shared>> -> memref<10240x16xf32, #tpu.memory_space<vmem_shared>>
      tpu.wait_indirect_dma semaphore(%arg9 : memref<!tpu.dma_semaphore, #tpu.memory_space<semaphore_mem>>) src(%dma_wait3A_616 : memref<10240x16xf32, #tpu.memory_space<vmem_shared>>) dst(%dma_wait3A_610 : memref<128x16xf32, #tpu.memory_space<vmem>>)
      %add3A_617 = arith.constant 6 : i32
      %add3A_618 = arith.addi %add3A_123, %add3A_617 : i32
      %dma_wait3A_619 = arith.constant 14 : i32
      %dma_wait3A_620 = arith.constant 0 : i32
      %dma_wait3A_621 = arith.constant 0 : i32
      %dma_wait3A_622 = tpu.memref_slice %arg8[%dma_wait3A_619, %dma_wait3A_620, %dma_wait3A_621] : memref<16x128x16xf32, #tpu.memory_space<vmem>> -> memref<1x128x16xf32, #tpu.memory_space<vmem>>
      %dma_wait3A_623 = tpu.memref_squeeze %dma_wait3A_622 : memref<1x128x16xf32, #tpu.memory_space<vmem>> -> memref<128x16xf32, #tpu.memory_space<vmem>>
      %dma_wait3A_624 = arith.constant 0 : i32
      %dma_wait3A_625 = tpu.memref_slice %arg6[%add3A_618, %dma_wait3A_624] : memref<80x128xi32, #tpu.memory_space<vmem>> -> memref<1x128xi32, #tpu.memory_space<vmem>>
      %dma_wait3A_626 = tpu.memref_squeeze %dma_wait3A_625 : memref<1x128xi32, #tpu.memory_space<vmem>> -> memref<128xi32, #tpu.memory_space<vmem>>
      %dma_wait3A_627 = arith.constant 0 : i32
      %dma_wait3A_628 = arith.constant 0 : i32
      %dma_wait3A_629 = tpu.memref_slice %arg12[%dma_wait3A_627, %dma_wait3A_628] : memref<10240x16xf32, #tpu.memory_space<vmem_shared>> -> memref<10240x16xf32, #tpu.memory_space<vmem_shared>>
      tpu.wait_indirect_dma semaphore(%arg9 : memref<!tpu.dma_semaphore, #tpu.memory_space<semaphore_mem>>) src(%dma_wait3A_629 : memref<10240x16xf32, #tpu.memory_space<vmem_shared>>) dst(%dma_wait3A_623 : memref<128x16xf32, #tpu.memory_space<vmem>>)
      %add3A_630 = arith.constant 7 : i32
      %add3A_631 = arith.addi %add3A_123, %add3A_630 : i32
      %dma_wait3A_632 = arith.constant 15 : i32
      %dma_wait3A_633 = arith.constant 0 : i32
      %dma_wait3A_634 = arith.constant 0 : i32
      %dma_wait3A_635 = tpu.memref_slice %arg8[%dma_wait3A_632, %dma_wait3A_633, %dma_wait3A_634] : memref<16x128x16xf32, #tpu.memory_space<vmem>> -> memref<1x128x16xf32, #tpu.memory_space<vmem>>
      %dma_wait3A_636 = tpu.memref_squeeze %dma_wait3A_635 : memref<1x128x16xf32, #tpu.memory_space<vmem>> -> memref<128x16xf32, #tpu.memory_space<vmem>>
      %dma_wait3A_637 = arith.constant 0 : i32
      %dma_wait3A_638 = tpu.memref_slice %arg6[%add3A_631, %dma_wait3A_637] : memref<80x128xi32, #tpu.memory_space<vmem>> -> memref<1x128xi32, #tpu.memory_space<vmem>>
      %dma_wait3A_639 = tpu.memref_squeeze %dma_wait3A_638 : memref<1x128xi32, #tpu.memory_space<vmem>> -> memref<128xi32, #tpu.memory_space<vmem>>
      %dma_wait3A_640 = arith.constant 0 : i32
      %dma_wait3A_641 = arith.constant 0 : i32
      %dma_wait3A_642 = tpu.memref_slice %arg12[%dma_wait3A_640, %dma_wait3A_641] : memref<10240x16xf32, #tpu.memory_space<vmem_shared>> -> memref<10240x16xf32, #tpu.memory_space<vmem_shared>>
      tpu.wait_indirect_dma semaphore(%arg9 : memref<!tpu.dma_semaphore, #tpu.memory_space<semaphore_mem>>) src(%dma_wait3A_642 : memref<10240x16xf32, #tpu.memory_space<vmem_shared>>) dst(%dma_wait3A_636 : memref<128x16xf32, #tpu.memory_space<vmem>>)
      %add3A_643 = arith.constant 0 : i32
      %add3A_644 = arith.addi %add3A_123, %add3A_643 : i32
      %dma_start3A_645 = arith.constant 8 : i32
      %dma_start3A_646 = arith.constant 0 : i32
      %dma_start3A_647 = arith.constant 0 : i32
      %dma_start3A_648 = tpu.memref_slice %arg8[%dma_start3A_645, %dma_start3A_646, %dma_start3A_647] : memref<16x128x16xf32, #tpu.memory_space<vmem>> -> memref<1x128x16xf32, #tpu.memory_space<vmem>>
      %dma_start3A_649 = tpu.memref_squeeze %dma_start3A_648 : memref<1x128x16xf32, #tpu.memory_space<vmem>> -> memref<128x16xf32, #tpu.memory_space<vmem>>
      %dma_start3A_650 = arith.constant 0 : i32
      %dma_start3A_651 = tpu.memref_slice %arg7[%add3A_644, %dma_start3A_650] : memref<80x128xi32, #tpu.memory_space<vmem>> -> memref<1x128xi32, #tpu.memory_space<vmem>>
      %dma_start3A_652 = tpu.memref_squeeze %dma_start3A_651 : memref<1x128xi32, #tpu.memory_space<vmem>> -> memref<128xi32, #tpu.memory_space<vmem>>
      %dma_start3A_653 = arith.constant 0 : i32
      %dma_start3A_654 = arith.constant 0 : i32
      %dma_start3A_655 = tpu.memref_slice %arg11[%dma_start3A_653, %dma_start3A_654] : memref<10240x16xf32, #tpu.memory_space<vmem_shared>> -> memref<10240x16xf32, #tpu.memory_space<vmem_shared>>
      tpu.enqueue_indirect_dma source(%dma_start3A_649 : memref<128x16xf32, #tpu.memory_space<vmem>>) target(%dma_start3A_655 : memref<10240x16xf32, #tpu.memory_space<vmem_shared>>) offsets(%dma_start3A_652 : memref<128xi32, #tpu.memory_space<vmem>>) semaphore(%arg10 : memref<!tpu.dma_semaphore, #tpu.memory_space<semaphore_mem>>) {add = true}
      %add3A_656 = arith.constant 1 : i32
      %add3A_657 = arith.addi %add3A_123, %add3A_656 : i32
      %dma_start3A_658 = arith.constant 9 : i32
      %dma_start3A_659 = arith.constant 0 : i32
      %dma_start3A_660 = arith.constant 0 : i32
      %dma_start3A_661 = tpu.memref_slice %arg8[%dma_start3A_658, %dma_start3A_659, %dma_start3A_660] : memref<16x128x16xf32, #tpu.memory_space<vmem>> -> memref<1x128x16xf32, #tpu.memory_space<vmem>>
      %dma_start3A_662 = tpu.memref_squeeze %dma_start3A_661 : memref<1x128x16xf32, #tpu.memory_space<vmem>> -> memref<128x16xf32, #tpu.memory_space<vmem>>
      %dma_start3A_663 = arith.constant 0 : i32
      %dma_start3A_664 = tpu.memref_slice %arg7[%add3A_657, %dma_start3A_663] : memref<80x128xi32, #tpu.memory_space<vmem>> -> memref<1x128xi32, #tpu.memory_space<vmem>>
      %dma_start3A_665 = tpu.memref_squeeze %dma_start3A_664 : memref<1x128xi32, #tpu.memory_space<vmem>> -> memref<128xi32, #tpu.memory_space<vmem>>
      %dma_start3A_666 = arith.constant 0 : i32
      %dma_start3A_667 = arith.constant 0 : i32
      %dma_start3A_668 = tpu.memref_slice %arg11[%dma_start3A_666, %dma_start3A_667] : memref<10240x16xf32, #tpu.memory_space<vmem_shared>> -> memref<10240x16xf32, #tpu.memory_space<vmem_shared>>
      tpu.enqueue_indirect_dma source(%dma_start3A_662 : memref<128x16xf32, #tpu.memory_space<vmem>>) target(%dma_start3A_668 : memref<10240x16xf32, #tpu.memory_space<vmem_shared>>) offsets(%dma_start3A_665 : memref<128xi32, #tpu.memory_space<vmem>>) semaphore(%arg10 : memref<!tpu.dma_semaphore, #tpu.memory_space<semaphore_mem>>) {add = true}
      %add3A_669 = arith.constant 2 : i32
      %add3A_670 = arith.addi %add3A_123, %add3A_669 : i32
      %dma_start3A_671 = arith.constant 10 : i32
      %dma_start3A_672 = arith.constant 0 : i32
      %dma_start3A_673 = arith.constant 0 : i32
      %dma_start3A_674 = tpu.memref_slice %arg8[%dma_start3A_671, %dma_start3A_672, %dma_start3A_673] : memref<16x128x16xf32, #tpu.memory_space<vmem>> -> memref<1x128x16xf32, #tpu.memory_space<vmem>>
      %dma_start3A_675 = tpu.memref_squeeze %dma_start3A_674 : memref<1x128x16xf32, #tpu.memory_space<vmem>> -> memref<128x16xf32, #tpu.memory_space<vmem>>
      %dma_start3A_676 = arith.constant 0 : i32
      %dma_start3A_677 = tpu.memref_slice %arg7[%add3A_670, %dma_start3A_676] : memref<80x128xi32, #tpu.memory_space<vmem>> -> memref<1x128xi32, #tpu.memory_space<vmem>>
      %dma_start3A_678 = tpu.memref_squeeze %dma_start3A_677 : memref<1x128xi32, #tpu.memory_space<vmem>> -> memref<128xi32, #tpu.memory_space<vmem>>
      %dma_start3A_679 = arith.constant 0 : i32
      %dma_start3A_680 = arith.constant 0 : i32
      %dma_start3A_681 = tpu.memref_slice %arg11[%dma_start3A_679, %dma_start3A_680] : memref<10240x16xf32, #tpu.memory_space<vmem_shared>> -> memref<10240x16xf32, #tpu.memory_space<vmem_shared>>
      tpu.enqueue_indirect_dma source(%dma_start3A_675 : memref<128x16xf32, #tpu.memory_space<vmem>>) target(%dma_start3A_681 : memref<10240x16xf32, #tpu.memory_space<vmem_shared>>) offsets(%dma_start3A_678 : memref<128xi32, #tpu.memory_space<vmem>>) semaphore(%arg10 : memref<!tpu.dma_semaphore, #tpu.memory_space<semaphore_mem>>) {add = true}
      %add3A_682 = arith.constant 3 : i32
      %add3A_683 = arith.addi %add3A_123, %add3A_682 : i32
      %dma_start3A_684 = arith.constant 11 : i32
      %dma_start3A_685 = arith.constant 0 : i32
      %dma_start3A_686 = arith.constant 0 : i32
      %dma_start3A_687 = tpu.memref_slice %arg8[%dma_start3A_684, %dma_start3A_685, %dma_start3A_686] : memref<16x128x16xf32, #tpu.memory_space<vmem>> -> memref<1x128x16xf32, #tpu.memory_space<vmem>>
      %dma_start3A_688 = tpu.memref_squeeze %dma_start3A_687 : memref<1x128x16xf32, #tpu.memory_space<vmem>> -> memref<128x16xf32, #tpu.memory_space<vmem>>
      %dma_start3A_689 = arith.constant 0 : i32
      %dma_start3A_690 = tpu.memref_slice %arg7[%add3A_683, %dma_start3A_689] : memref<80x128xi32, #tpu.memory_space<vmem>> -> memref<1x128xi32, #tpu.memory_space<vmem>>
      %dma_start3A_691 = tpu.memref_squeeze %dma_start3A_690 : memref<1x128xi32, #tpu.memory_space<vmem>> -> memref<128xi32, #tpu.memory_space<vmem>>
      %dma_start3A_692 = arith.constant 0 : i32
      %dma_start3A_693 = arith.constant 0 : i32
      %dma_start3A_694 = tpu.memref_slice %arg11[%dma_start3A_692, %dma_start3A_693] : memref<10240x16xf32, #tpu.memory_space<vmem_shared>> -> memref<10240x16xf32, #tpu.memory_space<vmem_shared>>
      tpu.enqueue_indirect_dma source(%dma_start3A_688 : memref<128x16xf32, #tpu.memory_space<vmem>>) target(%dma_start3A_694 : memref<10240x16xf32, #tpu.memory_space<vmem_shared>>) offsets(%dma_start3A_691 : memref<128xi32, #tpu.memory_space<vmem>>) semaphore(%arg10 : memref<!tpu.dma_semaphore, #tpu.memory_space<semaphore_mem>>) {add = true}
      %add3A_695 = arith.constant 4 : i32
      %add3A_696 = arith.addi %add3A_123, %add3A_695 : i32
      %dma_start3A_697 = arith.constant 12 : i32
      %dma_start3A_698 = arith.constant 0 : i32
      %dma_start3A_699 = arith.constant 0 : i32
      %dma_start3A_700 = tpu.memref_slice %arg8[%dma_start3A_697, %dma_start3A_698, %dma_start3A_699] : memref<16x128x16xf32, #tpu.memory_space<vmem>> -> memref<1x128x16xf32, #tpu.memory_space<vmem>>
      %dma_start3A_701 = tpu.memref_squeeze %dma_start3A_700 : memref<1x128x16xf32, #tpu.memory_space<vmem>> -> memref<128x16xf32, #tpu.memory_space<vmem>>
      %dma_start3A_702 = arith.constant 0 : i32
      %dma_start3A_703 = tpu.memref_slice %arg7[%add3A_696, %dma_start3A_702] : memref<80x128xi32, #tpu.memory_space<vmem>> -> memref<1x128xi32, #tpu.memory_space<vmem>>
      %dma_start3A_704 = tpu.memref_squeeze %dma_start3A_703 : memref<1x128xi32, #tpu.memory_space<vmem>> -> memref<128xi32, #tpu.memory_space<vmem>>
      %dma_start3A_705 = arith.constant 0 : i32
      %dma_start3A_706 = arith.constant 0 : i32
      %dma_start3A_707 = tpu.memref_slice %arg11[%dma_start3A_705, %dma_start3A_706] : memref<10240x16xf32, #tpu.memory_space<vmem_shared>> -> memref<10240x16xf32, #tpu.memory_space<vmem_shared>>
      tpu.enqueue_indirect_dma source(%dma_start3A_701 : memref<128x16xf32, #tpu.memory_space<vmem>>) target(%dma_start3A_707 : memref<10240x16xf32, #tpu.memory_space<vmem_shared>>) offsets(%dma_start3A_704 : memref<128xi32, #tpu.memory_space<vmem>>) semaphore(%arg10 : memref<!tpu.dma_semaphore, #tpu.memory_space<semaphore_mem>>) {add = true}
      %add3A_708 = arith.constant 5 : i32
      %add3A_709 = arith.addi %add3A_123, %add3A_708 : i32
      %dma_start3A_710 = arith.constant 13 : i32
      %dma_start3A_711 = arith.constant 0 : i32
      %dma_start3A_712 = arith.constant 0 : i32
      %dma_start3A_713 = tpu.memref_slice %arg8[%dma_start3A_710, %dma_start3A_711, %dma_start3A_712] : memref<16x128x16xf32, #tpu.memory_space<vmem>> -> memref<1x128x16xf32, #tpu.memory_space<vmem>>
      %dma_start3A_714 = tpu.memref_squeeze %dma_start3A_713 : memref<1x128x16xf32, #tpu.memory_space<vmem>> -> memref<128x16xf32, #tpu.memory_space<vmem>>
      %dma_start3A_715 = arith.constant 0 : i32
      %dma_start3A_716 = tpu.memref_slice %arg7[%add3A_709, %dma_start3A_715] : memref<80x128xi32, #tpu.memory_space<vmem>> -> memref<1x128xi32, #tpu.memory_space<vmem>>
      %dma_start3A_717 = tpu.memref_squeeze %dma_start3A_716 : memref<1x128xi32, #tpu.memory_space<vmem>> -> memref<128xi32, #tpu.memory_space<vmem>>
      %dma_start3A_718 = arith.constant 0 : i32
      %dma_start3A_719 = arith.constant 0 : i32
      %dma_start3A_720 = tpu.memref_slice %arg11[%dma_start3A_718, %dma_start3A_719] : memref<10240x16xf32, #tpu.memory_space<vmem_shared>> -> memref<10240x16xf32, #tpu.memory_space<vmem_shared>>
      tpu.enqueue_indirect_dma source(%dma_start3A_714 : memref<128x16xf32, #tpu.memory_space<vmem>>) target(%dma_start3A_720 : memref<10240x16xf32, #tpu.memory_space<vmem_shared>>) offsets(%dma_start3A_717 : memref<128xi32, #tpu.memory_space<vmem>>) semaphore(%arg10 : memref<!tpu.dma_semaphore, #tpu.memory_space<semaphore_mem>>) {add = true}
      %add3A_721 = arith.constant 6 : i32
      %add3A_722 = arith.addi %add3A_123, %add3A_721 : i32
      %dma_start3A_723 = arith.constant 14 : i32
      %dma_start3A_724 = arith.constant 0 : i32
      %dma_start3A_725 = arith.constant 0 : i32
      %dma_start3A_726 = tpu.memref_slice %arg8[%dma_start3A_723, %dma_start3A_724, %dma_start3A_725] : memref<16x128x16xf32, #tpu.memory_space<vmem>> -> memref<1x128x16xf32, #tpu.memory_space<vmem>>
      %dma_start3A_727 = tpu.memref_squeeze %dma_start3A_726 : memref<1x128x16xf32, #tpu.memory_space<vmem>> -> memref<128x16xf32, #tpu.memory_space<vmem>>
      %dma_start3A_728 = arith.constant 0 : i32
      %dma_start3A_729 = tpu.memref_slice %arg7[%add3A_722, %dma_start3A_728] : memref<80x128xi32, #tpu.memory_space<vmem>> -> memref<1x128xi32, #tpu.memory_space<vmem>>
      %dma_start3A_730 = tpu.memref_squeeze %dma_start3A_729 : memref<1x128xi32, #tpu.memory_space<vmem>> -> memref<128xi32, #tpu.memory_space<vmem>>
      %dma_start3A_731 = arith.constant 0 : i32
      %dma_start3A_732 = arith.constant 0 : i32
      %dma_start3A_733 = tpu.memref_slice %arg11[%dma_start3A_731, %dma_start3A_732] : memref<10240x16xf32, #tpu.memory_space<vmem_shared>> -> memref<10240x16xf32, #tpu.memory_space<vmem_shared>>
      tpu.enqueue_indirect_dma source(%dma_start3A_727 : memref<128x16xf32, #tpu.memory_space<vmem>>) target(%dma_start3A_733 : memref<10240x16xf32, #tpu.memory_space<vmem_shared>>) offsets(%dma_start3A_730 : memref<128xi32, #tpu.memory_space<vmem>>) semaphore(%arg10 : memref<!tpu.dma_semaphore, #tpu.memory_space<semaphore_mem>>) {add = true}
      %add3A_734 = arith.constant 7 : i32
      %add3A_735 = arith.addi %add3A_123, %add3A_734 : i32
      %dma_start3A_736 = arith.constant 15 : i32
      %dma_start3A_737 = arith.constant 0 : i32
      %dma_start3A_738 = arith.constant 0 : i32
      %dma_start3A_739 = tpu.memref_slice %arg8[%dma_start3A_736, %dma_start3A_737, %dma_start3A_738] : memref<16x128x16xf32, #tpu.memory_space<vmem>> -> memref<1x128x16xf32, #tpu.memory_space<vmem>>
      %dma_start3A_740 = tpu.memref_squeeze %dma_start3A_739 : memref<1x128x16xf32, #tpu.memory_space<vmem>> -> memref<128x16xf32, #tpu.memory_space<vmem>>
      %dma_start3A_741 = arith.constant 0 : i32
      %dma_start3A_742 = tpu.memref_slice %arg7[%add3A_735, %dma_start3A_741] : memref<80x128xi32, #tpu.memory_space<vmem>> -> memref<1x128xi32, #tpu.memory_space<vmem>>
      %dma_start3A_743 = tpu.memref_squeeze %dma_start3A_742 : memref<1x128xi32, #tpu.memory_space<vmem>> -> memref<128xi32, #tpu.memory_space<vmem>>
      %dma_start3A_744 = arith.constant 0 : i32
      %dma_start3A_745 = arith.constant 0 : i32
      %dma_start3A_746 = tpu.memref_slice %arg11[%dma_start3A_744, %dma_start3A_745] : memref<10240x16xf32, #tpu.memory_space<vmem_shared>> -> memref<10240x16xf32, #tpu.memory_space<vmem_shared>>
      tpu.enqueue_indirect_dma source(%dma_start3A_740 : memref<128x16xf32, #tpu.memory_space<vmem>>) target(%dma_start3A_746 : memref<10240x16xf32, #tpu.memory_space<vmem_shared>>) offsets(%dma_start3A_743 : memref<128xi32, #tpu.memory_space<vmem>>) semaphore(%arg10 : memref<!tpu.dma_semaphore, #tpu.memory_space<semaphore_mem>>) {add = true}
      %lt3A = arith.constant 4 : i32
      %lt3A_747 = arith.cmpi slt, %scan3A_119, %lt3A : i32
      %convert_element_type3A_748 = arith.extui %lt3A_747 : i1 to i32
      %cond3A_749 = arith.constant 0 : i32
      %cond3A_750 = arith.cmpi ne, %convert_element_type3A_748, %cond3A_749 : i32
      scf.if %cond3A_750 {
        %add3A_855 = arith.constant 16 : i32
        %add3A_856 = arith.addi %mul3A_121, %add3A_855 : i32
        %add3A_857 = arith.constant 0 : i32
        %add3A_858 = arith.addi %add3A_856, %add3A_857 : i32
        %dma_start3A_859 = arith.constant 0 : i32
        %dma_start3A_860 = arith.constant 0 : i32
        %dma_start3A_861 = arith.constant 0 : i32
        %dma_start3A_862 = tpu.memref_slice %arg8[%dma_start3A_859, %dma_start3A_860, %dma_start3A_861] : memref<16x128x16xf32, #tpu.memory_space<vmem>> -> memref<1x128x16xf32, #tpu.memory_space<vmem>>
        %dma_start3A_863 = tpu.memref_squeeze %dma_start3A_862 : memref<1x128x16xf32, #tpu.memory_space<vmem>> -> memref<128x16xf32, #tpu.memory_space<vmem>>
        %dma_start3A_864 = arith.constant 0 : i32
        %dma_start3A_865 = tpu.memref_slice %arg6[%add3A_858, %dma_start3A_864] : memref<80x128xi32, #tpu.memory_space<vmem>> -> memref<1x128xi32, #tpu.memory_space<vmem>>
        %dma_start3A_866 = tpu.memref_squeeze %dma_start3A_865 : memref<1x128xi32, #tpu.memory_space<vmem>> -> memref<128xi32, #tpu.memory_space<vmem>>
        %dma_start3A_867 = arith.constant 0 : i32
        %dma_start3A_868 = arith.constant 0 : i32
        %dma_start3A_869 = tpu.memref_slice %arg12[%dma_start3A_867, %dma_start3A_868] : memref<10240x16xf32, #tpu.memory_space<vmem_shared>> -> memref<10240x16xf32, #tpu.memory_space<vmem_shared>>
        tpu.enqueue_indirect_dma source(%dma_start3A_869 : memref<10240x16xf32, #tpu.memory_space<vmem_shared>>) target(%dma_start3A_863 : memref<128x16xf32, #tpu.memory_space<vmem>>) offsets(%dma_start3A_866 : memref<128xi32, #tpu.memory_space<vmem>>) semaphore(%arg9 : memref<!tpu.dma_semaphore, #tpu.memory_space<semaphore_mem>>)
        %add3A_870 = arith.constant 1 : i32
        %add3A_871 = arith.addi %add3A_856, %add3A_870 : i32
        %dma_start3A_872 = arith.constant 1 : i32
        %dma_start3A_873 = arith.constant 0 : i32
        %dma_start3A_874 = arith.constant 0 : i32
        %dma_start3A_875 = tpu.memref_slice %arg8[%dma_start3A_872, %dma_start3A_873, %dma_start3A_874] : memref<16x128x16xf32, #tpu.memory_space<vmem>> -> memref<1x128x16xf32, #tpu.memory_space<vmem>>
        %dma_start3A_876 = tpu.memref_squeeze %dma_start3A_875 : memref<1x128x16xf32, #tpu.memory_space<vmem>> -> memref<128x16xf32, #tpu.memory_space<vmem>>
        %dma_start3A_877 = arith.constant 0 : i32
        %dma_start3A_878 = tpu.memref_slice %arg6[%add3A_871, %dma_start3A_877] : memref<80x128xi32, #tpu.memory_space<vmem>> -> memref<1x128xi32, #tpu.memory_space<vmem>>
        %dma_start3A_879 = tpu.memref_squeeze %dma_start3A_878 : memref<1x128xi32, #tpu.memory_space<vmem>> -> memref<128xi32, #tpu.memory_space<vmem>>
        %dma_start3A_880 = arith.constant 0 : i32
        %dma_start3A_881 = arith.constant 0 : i32
        %dma_start3A_882 = tpu.memref_slice %arg12[%dma_start3A_880, %dma_start3A_881] : memref<10240x16xf32, #tpu.memory_space<vmem_shared>> -> memref<10240x16xf32, #tpu.memory_space<vmem_shared>>
        tpu.enqueue_indirect_dma source(%dma_start3A_882 : memref<10240x16xf32, #tpu.memory_space<vmem_shared>>) target(%dma_start3A_876 : memref<128x16xf32, #tpu.memory_space<vmem>>) offsets(%dma_start3A_879 : memref<128xi32, #tpu.memory_space<vmem>>) semaphore(%arg9 : memref<!tpu.dma_semaphore, #tpu.memory_space<semaphore_mem>>)
        %add3A_883 = arith.constant 2 : i32
        %add3A_884 = arith.addi %add3A_856, %add3A_883 : i32
        %dma_start3A_885 = arith.constant 2 : i32
        %dma_start3A_886 = arith.constant 0 : i32
        %dma_start3A_887 = arith.constant 0 : i32
        %dma_start3A_888 = tpu.memref_slice %arg8[%dma_start3A_885, %dma_start3A_886, %dma_start3A_887] : memref<16x128x16xf32, #tpu.memory_space<vmem>> -> memref<1x128x16xf32, #tpu.memory_space<vmem>>
        %dma_start3A_889 = tpu.memref_squeeze %dma_start3A_888 : memref<1x128x16xf32, #tpu.memory_space<vmem>> -> memref<128x16xf32, #tpu.memory_space<vmem>>
        %dma_start3A_890 = arith.constant 0 : i32
        %dma_start3A_891 = tpu.memref_slice %arg6[%add3A_884, %dma_start3A_890] : memref<80x128xi32, #tpu.memory_space<vmem>> -> memref<1x128xi32, #tpu.memory_space<vmem>>
        %dma_start3A_892 = tpu.memref_squeeze %dma_start3A_891 : memref<1x128xi32, #tpu.memory_space<vmem>> -> memref<128xi32, #tpu.memory_space<vmem>>
        %dma_start3A_893 = arith.constant 0 : i32
        %dma_start3A_894 = arith.constant 0 : i32
        %dma_start3A_895 = tpu.memref_slice %arg12[%dma_start3A_893, %dma_start3A_894] : memref<10240x16xf32, #tpu.memory_space<vmem_shared>> -> memref<10240x16xf32, #tpu.memory_space<vmem_shared>>
        tpu.enqueue_indirect_dma source(%dma_start3A_895 : memref<10240x16xf32, #tpu.memory_space<vmem_shared>>) target(%dma_start3A_889 : memref<128x16xf32, #tpu.memory_space<vmem>>) offsets(%dma_start3A_892 : memref<128xi32, #tpu.memory_space<vmem>>) semaphore(%arg9 : memref<!tpu.dma_semaphore, #tpu.memory_space<semaphore_mem>>)
        %add3A_896 = arith.constant 3 : i32
        %add3A_897 = arith.addi %add3A_856, %add3A_896 : i32
        %dma_start3A_898 = arith.constant 3 : i32
        %dma_start3A_899 = arith.constant 0 : i32
        %dma_start3A_900 = arith.constant 0 : i32
        %dma_start3A_901 = tpu.memref_slice %arg8[%dma_start3A_898, %dma_start3A_899, %dma_start3A_900] : memref<16x128x16xf32, #tpu.memory_space<vmem>> -> memref<1x128x16xf32, #tpu.memory_space<vmem>>
        %dma_start3A_902 = tpu.memref_squeeze %dma_start3A_901 : memref<1x128x16xf32, #tpu.memory_space<vmem>> -> memref<128x16xf32, #tpu.memory_space<vmem>>
        %dma_start3A_903 = arith.constant 0 : i32
        %dma_start3A_904 = tpu.memref_slice %arg6[%add3A_897, %dma_start3A_903] : memref<80x128xi32, #tpu.memory_space<vmem>> -> memref<1x128xi32, #tpu.memory_space<vmem>>
        %dma_start3A_905 = tpu.memref_squeeze %dma_start3A_904 : memref<1x128xi32, #tpu.memory_space<vmem>> -> memref<128xi32, #tpu.memory_space<vmem>>
        %dma_start3A_906 = arith.constant 0 : i32
        %dma_start3A_907 = arith.constant 0 : i32
        %dma_start3A_908 = tpu.memref_slice %arg12[%dma_start3A_906, %dma_start3A_907] : memref<10240x16xf32, #tpu.memory_space<vmem_shared>> -> memref<10240x16xf32, #tpu.memory_space<vmem_shared>>
        tpu.enqueue_indirect_dma source(%dma_start3A_908 : memref<10240x16xf32, #tpu.memory_space<vmem_shared>>) target(%dma_start3A_902 : memref<128x16xf32, #tpu.memory_space<vmem>>) offsets(%dma_start3A_905 : memref<128xi32, #tpu.memory_space<vmem>>) semaphore(%arg9 : memref<!tpu.dma_semaphore, #tpu.memory_space<semaphore_mem>>)
        %add3A_909 = arith.constant 4 : i32
        %add3A_910 = arith.addi %add3A_856, %add3A_909 : i32
        %dma_start3A_911 = arith.constant 4 : i32
        %dma_start3A_912 = arith.constant 0 : i32
        %dma_start3A_913 = arith.constant 0 : i32
        %dma_start3A_914 = tpu.memref_slice %arg8[%dma_start3A_911, %dma_start3A_912, %dma_start3A_913] : memref<16x128x16xf32, #tpu.memory_space<vmem>> -> memref<1x128x16xf32, #tpu.memory_space<vmem>>
        %dma_start3A_915 = tpu.memref_squeeze %dma_start3A_914 : memref<1x128x16xf32, #tpu.memory_space<vmem>> -> memref<128x16xf32, #tpu.memory_space<vmem>>
        %dma_start3A_916 = arith.constant 0 : i32
        %dma_start3A_917 = tpu.memref_slice %arg6[%add3A_910, %dma_start3A_916] : memref<80x128xi32, #tpu.memory_space<vmem>> -> memref<1x128xi32, #tpu.memory_space<vmem>>
        %dma_start3A_918 = tpu.memref_squeeze %dma_start3A_917 : memref<1x128xi32, #tpu.memory_space<vmem>> -> memref<128xi32, #tpu.memory_space<vmem>>
        %dma_start3A_919 = arith.constant 0 : i32
        %dma_start3A_920 = arith.constant 0 : i32
        %dma_start3A_921 = tpu.memref_slice %arg12[%dma_start3A_919, %dma_start3A_920] : memref<10240x16xf32, #tpu.memory_space<vmem_shared>> -> memref<10240x16xf32, #tpu.memory_space<vmem_shared>>
        tpu.enqueue_indirect_dma source(%dma_start3A_921 : memref<10240x16xf32, #tpu.memory_space<vmem_shared>>) target(%dma_start3A_915 : memref<128x16xf32, #tpu.memory_space<vmem>>) offsets(%dma_start3A_918 : memref<128xi32, #tpu.memory_space<vmem>>) semaphore(%arg9 : memref<!tpu.dma_semaphore, #tpu.memory_space<semaphore_mem>>)
        %add3A_922 = arith.constant 5 : i32
        %add3A_923 = arith.addi %add3A_856, %add3A_922 : i32
        %dma_start3A_924 = arith.constant 5 : i32
        %dma_start3A_925 = arith.constant 0 : i32
        %dma_start3A_926 = arith.constant 0 : i32
        %dma_start3A_927 = tpu.memref_slice %arg8[%dma_start3A_924, %dma_start3A_925, %dma_start3A_926] : memref<16x128x16xf32, #tpu.memory_space<vmem>> -> memref<1x128x16xf32, #tpu.memory_space<vmem>>
        %dma_start3A_928 = tpu.memref_squeeze %dma_start3A_927 : memref<1x128x16xf32, #tpu.memory_space<vmem>> -> memref<128x16xf32, #tpu.memory_space<vmem>>
        %dma_start3A_929 = arith.constant 0 : i32
        %dma_start3A_930 = tpu.memref_slice %arg6[%add3A_923, %dma_start3A_929] : memref<80x128xi32, #tpu.memory_space<vmem>> -> memref<1x128xi32, #tpu.memory_space<vmem>>
        %dma_start3A_931 = tpu.memref_squeeze %dma_start3A_930 : memref<1x128xi32, #tpu.memory_space<vmem>> -> memref<128xi32, #tpu.memory_space<vmem>>
        %dma_start3A_932 = arith.constant 0 : i32
        %dma_start3A_933 = arith.constant 0 : i32
        %dma_start3A_934 = tpu.memref_slice %arg12[%dma_start3A_932, %dma_start3A_933] : memref<10240x16xf32, #tpu.memory_space<vmem_shared>> -> memref<10240x16xf32, #tpu.memory_space<vmem_shared>>
        tpu.enqueue_indirect_dma source(%dma_start3A_934 : memref<10240x16xf32, #tpu.memory_space<vmem_shared>>) target(%dma_start3A_928 : memref<128x16xf32, #tpu.memory_space<vmem>>) offsets(%dma_start3A_931 : memref<128xi32, #tpu.memory_space<vmem>>) semaphore(%arg9 : memref<!tpu.dma_semaphore, #tpu.memory_space<semaphore_mem>>)
        %add3A_935 = arith.constant 6 : i32
        %add3A_936 = arith.addi %add3A_856, %add3A_935 : i32
        %dma_start3A_937 = arith.constant 6 : i32
        %dma_start3A_938 = arith.constant 0 : i32
        %dma_start3A_939 = arith.constant 0 : i32
        %dma_start3A_940 = tpu.memref_slice %arg8[%dma_start3A_937, %dma_start3A_938, %dma_start3A_939] : memref<16x128x16xf32, #tpu.memory_space<vmem>> -> memref<1x128x16xf32, #tpu.memory_space<vmem>>
        %dma_start3A_941 = tpu.memref_squeeze %dma_start3A_940 : memref<1x128x16xf32, #tpu.memory_space<vmem>> -> memref<128x16xf32, #tpu.memory_space<vmem>>
        %dma_start3A_942 = arith.constant 0 : i32
        %dma_start3A_943 = tpu.memref_slice %arg6[%add3A_936, %dma_start3A_942] : memref<80x128xi32, #tpu.memory_space<vmem>> -> memref<1x128xi32, #tpu.memory_space<vmem>>
        %dma_start3A_944 = tpu.memref_squeeze %dma_start3A_943 : memref<1x128xi32, #tpu.memory_space<vmem>> -> memref<128xi32, #tpu.memory_space<vmem>>
        %dma_start3A_945 = arith.constant 0 : i32
        %dma_start3A_946 = arith.constant 0 : i32
        %dma_start3A_947 = tpu.memref_slice %arg12[%dma_start3A_945, %dma_start3A_946] : memref<10240x16xf32, #tpu.memory_space<vmem_shared>> -> memref<10240x16xf32, #tpu.memory_space<vmem_shared>>
        tpu.enqueue_indirect_dma source(%dma_start3A_947 : memref<10240x16xf32, #tpu.memory_space<vmem_shared>>) target(%dma_start3A_941 : memref<128x16xf32, #tpu.memory_space<vmem>>) offsets(%dma_start3A_944 : memref<128xi32, #tpu.memory_space<vmem>>) semaphore(%arg9 : memref<!tpu.dma_semaphore, #tpu.memory_space<semaphore_mem>>)
        %add3A_948 = arith.constant 7 : i32
        %add3A_949 = arith.addi %add3A_856, %add3A_948 : i32
        %dma_start3A_950 = arith.constant 7 : i32
        %dma_start3A_951 = arith.constant 0 : i32
        %dma_start3A_952 = arith.constant 0 : i32
        %dma_start3A_953 = tpu.memref_slice %arg8[%dma_start3A_950, %dma_start3A_951, %dma_start3A_952] : memref<16x128x16xf32, #tpu.memory_space<vmem>> -> memref<1x128x16xf32, #tpu.memory_space<vmem>>
        %dma_start3A_954 = tpu.memref_squeeze %dma_start3A_953 : memref<1x128x16xf32, #tpu.memory_space<vmem>> -> memref<128x16xf32, #tpu.memory_space<vmem>>
        %dma_start3A_955 = arith.constant 0 : i32
        %dma_start3A_956 = tpu.memref_slice %arg6[%add3A_949, %dma_start3A_955] : memref<80x128xi32, #tpu.memory_space<vmem>> -> memref<1x128xi32, #tpu.memory_space<vmem>>
        %dma_start3A_957 = tpu.memref_squeeze %dma_start3A_956 : memref<1x128xi32, #tpu.memory_space<vmem>> -> memref<128xi32, #tpu.memory_space<vmem>>
        %dma_start3A_958 = arith.constant 0 : i32
        %dma_start3A_959 = arith.constant 0 : i32
        %dma_start3A_960 = tpu.memref_slice %arg12[%dma_start3A_958, %dma_start3A_959] : memref<10240x16xf32, #tpu.memory_space<vmem_shared>> -> memref<10240x16xf32, #tpu.memory_space<vmem_shared>>
        tpu.enqueue_indirect_dma source(%dma_start3A_960 : memref<10240x16xf32, #tpu.memory_space<vmem_shared>>) target(%dma_start3A_954 : memref<128x16xf32, #tpu.memory_space<vmem>>) offsets(%dma_start3A_957 : memref<128xi32, #tpu.memory_space<vmem>>) semaphore(%arg9 : memref<!tpu.dma_semaphore, #tpu.memory_space<semaphore_mem>>)
      } else {
      }
      %add3A_751 = arith.constant 0 : i32
      %add3A_752 = arith.addi %add3A_123, %add3A_751 : i32
      %dma_wait3A_753 = arith.constant 8 : i32
      %dma_wait3A_754 = arith.constant 0 : i32
      %dma_wait3A_755 = arith.constant 0 : i32
      %dma_wait3A_756 = tpu.memref_slice %arg8[%dma_wait3A_753, %dma_wait3A_754, %dma_wait3A_755] : memref<16x128x16xf32, #tpu.memory_space<vmem>> -> memref<1x128x16xf32, #tpu.memory_space<vmem>>
      %dma_wait3A_757 = tpu.memref_squeeze %dma_wait3A_756 : memref<1x128x16xf32, #tpu.memory_space<vmem>> -> memref<128x16xf32, #tpu.memory_space<vmem>>
      %dma_wait3A_758 = arith.constant 0 : i32
      %dma_wait3A_759 = tpu.memref_slice %arg7[%add3A_752, %dma_wait3A_758] : memref<80x128xi32, #tpu.memory_space<vmem>> -> memref<1x128xi32, #tpu.memory_space<vmem>>
      %dma_wait3A_760 = tpu.memref_squeeze %dma_wait3A_759 : memref<1x128xi32, #tpu.memory_space<vmem>> -> memref<128xi32, #tpu.memory_space<vmem>>
      %dma_wait3A_761 = arith.constant 0 : i32
      %dma_wait3A_762 = arith.constant 0 : i32
      %dma_wait3A_763 = tpu.memref_slice %arg11[%dma_wait3A_761, %dma_wait3A_762] : memref<10240x16xf32, #tpu.memory_space<vmem_shared>> -> memref<10240x16xf32, #tpu.memory_space<vmem_shared>>
      tpu.wait_indirect_dma semaphore(%arg10 : memref<!tpu.dma_semaphore, #tpu.memory_space<semaphore_mem>>) src(%dma_wait3A_757 : memref<128x16xf32, #tpu.memory_space<vmem>>) dst(%dma_wait3A_763 : memref<10240x16xf32, #tpu.memory_space<vmem_shared>>)
      %add3A_764 = arith.constant 1 : i32
      %add3A_765 = arith.addi %add3A_123, %add3A_764 : i32
      %dma_wait3A_766 = arith.constant 9 : i32
      %dma_wait3A_767 = arith.constant 0 : i32
      %dma_wait3A_768 = arith.constant 0 : i32
      %dma_wait3A_769 = tpu.memref_slice %arg8[%dma_wait3A_766, %dma_wait3A_767, %dma_wait3A_768] : memref<16x128x16xf32, #tpu.memory_space<vmem>> -> memref<1x128x16xf32, #tpu.memory_space<vmem>>
      %dma_wait3A_770 = tpu.memref_squeeze %dma_wait3A_769 : memref<1x128x16xf32, #tpu.memory_space<vmem>> -> memref<128x16xf32, #tpu.memory_space<vmem>>
      %dma_wait3A_771 = arith.constant 0 : i32
      %dma_wait3A_772 = tpu.memref_slice %arg7[%add3A_765, %dma_wait3A_771] : memref<80x128xi32, #tpu.memory_space<vmem>> -> memref<1x128xi32, #tpu.memory_space<vmem>>
      %dma_wait3A_773 = tpu.memref_squeeze %dma_wait3A_772 : memref<1x128xi32, #tpu.memory_space<vmem>> -> memref<128xi32, #tpu.memory_space<vmem>>
      %dma_wait3A_774 = arith.constant 0 : i32
      %dma_wait3A_775 = arith.constant 0 : i32
      %dma_wait3A_776 = tpu.memref_slice %arg11[%dma_wait3A_774, %dma_wait3A_775] : memref<10240x16xf32, #tpu.memory_space<vmem_shared>> -> memref<10240x16xf32, #tpu.memory_space<vmem_shared>>
      tpu.wait_indirect_dma semaphore(%arg10 : memref<!tpu.dma_semaphore, #tpu.memory_space<semaphore_mem>>) src(%dma_wait3A_770 : memref<128x16xf32, #tpu.memory_space<vmem>>) dst(%dma_wait3A_776 : memref<10240x16xf32, #tpu.memory_space<vmem_shared>>)
      %add3A_777 = arith.constant 2 : i32
      %add3A_778 = arith.addi %add3A_123, %add3A_777 : i32
      %dma_wait3A_779 = arith.constant 10 : i32
      %dma_wait3A_780 = arith.constant 0 : i32
      %dma_wait3A_781 = arith.constant 0 : i32
      %dma_wait3A_782 = tpu.memref_slice %arg8[%dma_wait3A_779, %dma_wait3A_780, %dma_wait3A_781] : memref<16x128x16xf32, #tpu.memory_space<vmem>> -> memref<1x128x16xf32, #tpu.memory_space<vmem>>
      %dma_wait3A_783 = tpu.memref_squeeze %dma_wait3A_782 : memref<1x128x16xf32, #tpu.memory_space<vmem>> -> memref<128x16xf32, #tpu.memory_space<vmem>>
      %dma_wait3A_784 = arith.constant 0 : i32
      %dma_wait3A_785 = tpu.memref_slice %arg7[%add3A_778, %dma_wait3A_784] : memref<80x128xi32, #tpu.memory_space<vmem>> -> memref<1x128xi32, #tpu.memory_space<vmem>>
      %dma_wait3A_786 = tpu.memref_squeeze %dma_wait3A_785 : memref<1x128xi32, #tpu.memory_space<vmem>> -> memref<128xi32, #tpu.memory_space<vmem>>
      %dma_wait3A_787 = arith.constant 0 : i32
      %dma_wait3A_788 = arith.constant 0 : i32
      %dma_wait3A_789 = tpu.memref_slice %arg11[%dma_wait3A_787, %dma_wait3A_788] : memref<10240x16xf32, #tpu.memory_space<vmem_shared>> -> memref<10240x16xf32, #tpu.memory_space<vmem_shared>>
      tpu.wait_indirect_dma semaphore(%arg10 : memref<!tpu.dma_semaphore, #tpu.memory_space<semaphore_mem>>) src(%dma_wait3A_783 : memref<128x16xf32, #tpu.memory_space<vmem>>) dst(%dma_wait3A_789 : memref<10240x16xf32, #tpu.memory_space<vmem_shared>>)
      %add3A_790 = arith.constant 3 : i32
      %add3A_791 = arith.addi %add3A_123, %add3A_790 : i32
      %dma_wait3A_792 = arith.constant 11 : i32
      %dma_wait3A_793 = arith.constant 0 : i32
      %dma_wait3A_794 = arith.constant 0 : i32
      %dma_wait3A_795 = tpu.memref_slice %arg8[%dma_wait3A_792, %dma_wait3A_793, %dma_wait3A_794] : memref<16x128x16xf32, #tpu.memory_space<vmem>> -> memref<1x128x16xf32, #tpu.memory_space<vmem>>
      %dma_wait3A_796 = tpu.memref_squeeze %dma_wait3A_795 : memref<1x128x16xf32, #tpu.memory_space<vmem>> -> memref<128x16xf32, #tpu.memory_space<vmem>>
      %dma_wait3A_797 = arith.constant 0 : i32
      %dma_wait3A_798 = tpu.memref_slice %arg7[%add3A_791, %dma_wait3A_797] : memref<80x128xi32, #tpu.memory_space<vmem>> -> memref<1x128xi32, #tpu.memory_space<vmem>>
      %dma_wait3A_799 = tpu.memref_squeeze %dma_wait3A_798 : memref<1x128xi32, #tpu.memory_space<vmem>> -> memref<128xi32, #tpu.memory_space<vmem>>
      %dma_wait3A_800 = arith.constant 0 : i32
      %dma_wait3A_801 = arith.constant 0 : i32
      %dma_wait3A_802 = tpu.memref_slice %arg11[%dma_wait3A_800, %dma_wait3A_801] : memref<10240x16xf32, #tpu.memory_space<vmem_shared>> -> memref<10240x16xf32, #tpu.memory_space<vmem_shared>>
      tpu.wait_indirect_dma semaphore(%arg10 : memref<!tpu.dma_semaphore, #tpu.memory_space<semaphore_mem>>) src(%dma_wait3A_796 : memref<128x16xf32, #tpu.memory_space<vmem>>) dst(%dma_wait3A_802 : memref<10240x16xf32, #tpu.memory_space<vmem_shared>>)
      %add3A_803 = arith.constant 4 : i32
      %add3A_804 = arith.addi %add3A_123, %add3A_803 : i32
      %dma_wait3A_805 = arith.constant 12 : i32
      %dma_wait3A_806 = arith.constant 0 : i32
      %dma_wait3A_807 = arith.constant 0 : i32
      %dma_wait3A_808 = tpu.memref_slice %arg8[%dma_wait3A_805, %dma_wait3A_806, %dma_wait3A_807] : memref<16x128x16xf32, #tpu.memory_space<vmem>> -> memref<1x128x16xf32, #tpu.memory_space<vmem>>
      %dma_wait3A_809 = tpu.memref_squeeze %dma_wait3A_808 : memref<1x128x16xf32, #tpu.memory_space<vmem>> -> memref<128x16xf32, #tpu.memory_space<vmem>>
      %dma_wait3A_810 = arith.constant 0 : i32
      %dma_wait3A_811 = tpu.memref_slice %arg7[%add3A_804, %dma_wait3A_810] : memref<80x128xi32, #tpu.memory_space<vmem>> -> memref<1x128xi32, #tpu.memory_space<vmem>>
      %dma_wait3A_812 = tpu.memref_squeeze %dma_wait3A_811 : memref<1x128xi32, #tpu.memory_space<vmem>> -> memref<128xi32, #tpu.memory_space<vmem>>
      %dma_wait3A_813 = arith.constant 0 : i32
      %dma_wait3A_814 = arith.constant 0 : i32
      %dma_wait3A_815 = tpu.memref_slice %arg11[%dma_wait3A_813, %dma_wait3A_814] : memref<10240x16xf32, #tpu.memory_space<vmem_shared>> -> memref<10240x16xf32, #tpu.memory_space<vmem_shared>>
      tpu.wait_indirect_dma semaphore(%arg10 : memref<!tpu.dma_semaphore, #tpu.memory_space<semaphore_mem>>) src(%dma_wait3A_809 : memref<128x16xf32, #tpu.memory_space<vmem>>) dst(%dma_wait3A_815 : memref<10240x16xf32, #tpu.memory_space<vmem_shared>>)
      %add3A_816 = arith.constant 5 : i32
      %add3A_817 = arith.addi %add3A_123, %add3A_816 : i32
      %dma_wait3A_818 = arith.constant 13 : i32
      %dma_wait3A_819 = arith.constant 0 : i32
      %dma_wait3A_820 = arith.constant 0 : i32
      %dma_wait3A_821 = tpu.memref_slice %arg8[%dma_wait3A_818, %dma_wait3A_819, %dma_wait3A_820] : memref<16x128x16xf32, #tpu.memory_space<vmem>> -> memref<1x128x16xf32, #tpu.memory_space<vmem>>
      %dma_wait3A_822 = tpu.memref_squeeze %dma_wait3A_821 : memref<1x128x16xf32, #tpu.memory_space<vmem>> -> memref<128x16xf32, #tpu.memory_space<vmem>>
      %dma_wait3A_823 = arith.constant 0 : i32
      %dma_wait3A_824 = tpu.memref_slice %arg7[%add3A_817, %dma_wait3A_823] : memref<80x128xi32, #tpu.memory_space<vmem>> -> memref<1x128xi32, #tpu.memory_space<vmem>>
      %dma_wait3A_825 = tpu.memref_squeeze %dma_wait3A_824 : memref<1x128xi32, #tpu.memory_space<vmem>> -> memref<128xi32, #tpu.memory_space<vmem>>
      %dma_wait3A_826 = arith.constant 0 : i32
      %dma_wait3A_827 = arith.constant 0 : i32
      %dma_wait3A_828 = tpu.memref_slice %arg11[%dma_wait3A_826, %dma_wait3A_827] : memref<10240x16xf32, #tpu.memory_space<vmem_shared>> -> memref<10240x16xf32, #tpu.memory_space<vmem_shared>>
      tpu.wait_indirect_dma semaphore(%arg10 : memref<!tpu.dma_semaphore, #tpu.memory_space<semaphore_mem>>) src(%dma_wait3A_822 : memref<128x16xf32, #tpu.memory_space<vmem>>) dst(%dma_wait3A_828 : memref<10240x16xf32, #tpu.memory_space<vmem_shared>>)
      %add3A_829 = arith.constant 6 : i32
      %add3A_830 = arith.addi %add3A_123, %add3A_829 : i32
      %dma_wait3A_831 = arith.constant 14 : i32
      %dma_wait3A_832 = arith.constant 0 : i32
      %dma_wait3A_833 = arith.constant 0 : i32
      %dma_wait3A_834 = tpu.memref_slice %arg8[%dma_wait3A_831, %dma_wait3A_832, %dma_wait3A_833] : memref<16x128x16xf32, #tpu.memory_space<vmem>> -> memref<1x128x16xf32, #tpu.memory_space<vmem>>
      %dma_wait3A_835 = tpu.memref_squeeze %dma_wait3A_834 : memref<1x128x16xf32, #tpu.memory_space<vmem>> -> memref<128x16xf32, #tpu.memory_space<vmem>>
      %dma_wait3A_836 = arith.constant 0 : i32
      %dma_wait3A_837 = tpu.memref_slice %arg7[%add3A_830, %dma_wait3A_836] : memref<80x128xi32, #tpu.memory_space<vmem>> -> memref<1x128xi32, #tpu.memory_space<vmem>>
      %dma_wait3A_838 = tpu.memref_squeeze %dma_wait3A_837 : memref<1x128xi32, #tpu.memory_space<vmem>> -> memref<128xi32, #tpu.memory_space<vmem>>
      %dma_wait3A_839 = arith.constant 0 : i32
      %dma_wait3A_840 = arith.constant 0 : i32
      %dma_wait3A_841 = tpu.memref_slice %arg11[%dma_wait3A_839, %dma_wait3A_840] : memref<10240x16xf32, #tpu.memory_space<vmem_shared>> -> memref<10240x16xf32, #tpu.memory_space<vmem_shared>>
      tpu.wait_indirect_dma semaphore(%arg10 : memref<!tpu.dma_semaphore, #tpu.memory_space<semaphore_mem>>) src(%dma_wait3A_835 : memref<128x16xf32, #tpu.memory_space<vmem>>) dst(%dma_wait3A_841 : memref<10240x16xf32, #tpu.memory_space<vmem_shared>>)
      %add3A_842 = arith.constant 7 : i32
      %add3A_843 = arith.addi %add3A_123, %add3A_842 : i32
      %dma_wait3A_844 = arith.constant 15 : i32
      %dma_wait3A_845 = arith.constant 0 : i32
      %dma_wait3A_846 = arith.constant 0 : i32
      %dma_wait3A_847 = tpu.memref_slice %arg8[%dma_wait3A_844, %dma_wait3A_845, %dma_wait3A_846] : memref<16x128x16xf32, #tpu.memory_space<vmem>> -> memref<1x128x16xf32, #tpu.memory_space<vmem>>
      %dma_wait3A_848 = tpu.memref_squeeze %dma_wait3A_847 : memref<1x128x16xf32, #tpu.memory_space<vmem>> -> memref<128x16xf32, #tpu.memory_space<vmem>>
      %dma_wait3A_849 = arith.constant 0 : i32
      %dma_wait3A_850 = tpu.memref_slice %arg7[%add3A_843, %dma_wait3A_849] : memref<80x128xi32, #tpu.memory_space<vmem>> -> memref<1x128xi32, #tpu.memory_space<vmem>>
      %dma_wait3A_851 = tpu.memref_squeeze %dma_wait3A_850 : memref<1x128xi32, #tpu.memory_space<vmem>> -> memref<128xi32, #tpu.memory_space<vmem>>
      %dma_wait3A_852 = arith.constant 0 : i32
      %dma_wait3A_853 = arith.constant 0 : i32
      %dma_wait3A_854 = tpu.memref_slice %arg11[%dma_wait3A_852, %dma_wait3A_853] : memref<10240x16xf32, #tpu.memory_space<vmem_shared>> -> memref<10240x16xf32, #tpu.memory_space<vmem_shared>>
      tpu.wait_indirect_dma semaphore(%arg10 : memref<!tpu.dma_semaphore, #tpu.memory_space<semaphore_mem>>) src(%dma_wait3A_848 : memref<128x16xf32, #tpu.memory_space<vmem>>) dst(%dma_wait3A_854 : memref<10240x16xf32, #tpu.memory_space<vmem_shared>>)
    }
    %scan3A_115 = arith.constant 5 : i32
    %barrier3A_116 = arith.constant 0 : index
    tpu.barrier barrier_id(%barrier3A_116)
    %eq3A = arith.constant 0 : i32
    %eq3A_117 = arith.cmpi eq, %arg1, %eq3A : i32
    %convert_element_type3A = arith.extui %eq3A_117 : i1 to i32
    %cond3A = arith.constant 0 : i32
    %cond3A_118 = arith.cmpi ne, %convert_element_type3A, %cond3A : i32
    scf.if %cond3A_118 {
      "tpu.region"() ({
        %run_scoped3A = tpu.sem_alloc : memref<!tpu.dma_semaphore, #tpu.memory_space<semaphore_mem>>
        %dma_start3A_119 = arith.constant 0 : i32
        %dma_start3A_120 = arith.constant 0 : i32
        %dma_start3A_121 = tpu.memref_slice %arg5[%arg0, %dma_start3A_119, %dma_start3A_120] : memref<2x10240x16xf32, #tpu.memory_space<hbm>> -> memref<1x10240x16xf32, #tpu.memory_space<hbm>>
        %dma_start3A_122 = tpu.memref_squeeze %dma_start3A_121 : memref<1x10240x16xf32, #tpu.memory_space<hbm>> -> memref<10240x16xf32, #tpu.memory_space<hbm>>
        tpu.enqueue_dma source(%arg11 : memref<10240x16xf32, #tpu.memory_space<vmem_shared>>) target(%dma_start3A_122 : memref<10240x16xf32, #tpu.memory_space<hbm>>) target_semaphore(%run_scoped3A : memref<!tpu.dma_semaphore, #tpu.memory_space<semaphore_mem>>)
        %dma_wait3A = arith.constant 0 : i32
        %dma_wait3A_123 = arith.constant 0 : i32
        %dma_wait3A_124 = tpu.memref_slice %arg5[%arg0, %dma_wait3A, %dma_wait3A_123] : memref<2x10240x16xf32, #tpu.memory_space<hbm>> -> memref<1x10240x16xf32, #tpu.memory_space<hbm>>
        %dma_wait3A_125 = tpu.memref_squeeze %dma_wait3A_124 : memref<1x10240x16xf32, #tpu.memory_space<hbm>> -> memref<10240x16xf32, #tpu.memory_space<hbm>>
        tpu.wait_dma2 semaphore(%run_scoped3A : memref<!tpu.dma_semaphore, #tpu.memory_space<semaphore_mem>>) src(%arg11 : memref<10240x16xf32, #tpu.memory_space<vmem_shared>>) dst(%dma_wait3A_125 : memref<10240x16xf32, #tpu.memory_space<hbm>>)
        tpu.yield
      }) : () -> ()
    } else {
    }
    return
  }
}

module attributes {stable_mosaic.version = 14 : i64} {
  func.func @_tc_mm_body(%arg0: memref<10240x128xf32, #tpu.memory_space<vmem>>, %arg1: memref<128x16xf32, #tpu.memory_space<vmem>>, %arg2: memref<10240x16xf32, #tpu.memory_space<vmem>>) attributes {dimension_semantics = [], scalar_prefetch = 0 : i64, scratch_operands = 0 : i64, tpu.core_type = #tpu.core_type<tc>} {
    %get3A = arith.constant 0 : index
    %get3A_0 = arith.constant 0 : index
    %get3A_1 = vector.load %arg0[%get3A, %get3A_0] : memref<10240x128xf32, #tpu.memory_space<vmem>>, vector<10240x128xf32>
    %get3A_2 = arith.constant 0 : index
    %get3A_3 = arith.constant 0 : index
    %get3A_4 = vector.load %arg1[%get3A_2, %get3A_3] : memref<128x16xf32, #tpu.memory_space<vmem>>, vector<128x16xf32>
    %dot_general3A = arith.constant dense<0.000000e+00> : vector<10240x16xf32>
    %dot_general3A_5 = tpu.matmul %get3A_1, %get3A_4, %dot_general3A {dimension_numbers = #tpu.dot_dimension_numbers<[1], [0], [0], [1], [0, 0, 1, 1], [], []>, transpose_lhs_hint = false} : vector<10240x128xf32>, vector<128x16xf32>, vector<10240x16xf32> -> vector<10240x16xf32>
    %swap3A = arith.constant 0 : index
    %swap3A_6 = arith.constant 0 : index
    %swap3A_7 = vector.load %arg2[%swap3A, %swap3A_6] : memref<10240x16xf32, #tpu.memory_space<vmem>>, vector<10240x16xf32>
    tpu.vector_store %arg2[%swap3A, %swap3A_6], %dot_general3A_5 {strides = array<i32>} : memref<10240x16xf32, #tpu.memory_space<vmem>>, vector<10240x16xf32>,
    return
  }
}

module attributes {stable_mosaic.version = 14 : i64} {
  func.func @_tc0_body(%arg0: memref<32x80x128xf32, #tpu.memory_space<vmem>>, %arg1: memref<80x128xf32, #tpu.memory_space<vmem>>) attributes {dimension_semantics = [], scalar_prefetch = 0 : i64, scratch_operands = 0 : i64, tpu.core_type = #tpu.core_type<tc>} {
    %get3A = arith.constant 0 : index
    %get3A_0 = arith.constant 0 : index
    %get3A_1 = arith.constant 0 : index
    %get3A_2 = vector.load %arg0[%get3A, %get3A_0, %get3A_1] : memref<32x80x128xf32, #tpu.memory_space<vmem>>, vector<32x80x128xf32>
    %reduce_sum3A = arith.constant dense<0.000000e+00> : vector<80x128xf32>
    %reduce_sum3A_3 = vector.multi_reduction <add>, %get3A_2, %reduce_sum3A [0] : vector<32x80x128xf32> to vector<80x128xf32>
    %add3A = arith.constant 1.000000e+00 : f32
    %add3A_4 = vector.broadcast %add3A : f32 to vector<80x128xf32>
    %add3A_5 = arith.addf %reduce_sum3A_3, %add3A_4 : vector<80x128xf32>
    %max3A = arith.constant 1.000000e+00 : f32
    %max3A_6 = vector.broadcast %max3A : f32 to vector<80x128xf32>
    %max3A_7 = arith.maximumf %add3A_5, %max3A_6 : vector<80x128xf32>
    %rsqrt3A = math.rsqrt %max3A_7 : vector<80x128xf32>
    %swap3A = arith.constant 0 : index
    %swap3A_8 = arith.constant 0 : index
    %swap3A_9 = vector.load %arg1[%swap3A, %swap3A_8] : memref<80x128xf32, #tpu.memory_space<vmem>>, vector<80x128xf32>
    tpu.vector_store %arg1[%swap3A, %swap3A_8], %rsqrt3A {strides = array<i32>} : memref<80x128xf32, #tpu.memory_space<vmem>>, vector<80x128xf32>,
    return
  }
}

module attributes {stable_mosaic.version = 14 : i64} {
  func.func @_tc1_body(%arg0: memref<10240x16xf32, #tpu.memory_space<vmem>>, %arg1: memref<10240x1xf32, #tpu.memory_space<vmem>>, %arg2: memref<10240x16xf32, #tpu.memory_space<vmem>>, %arg3: memref<10240x16xf32, #tpu.memory_space<vmem>>) attributes {dimension_semantics = [], scalar_prefetch = 0 : i64, scratch_operands = 0 : i64, tpu.core_type = #tpu.core_type<tc>} {
    %get3A = arith.constant 0 : index
    %get3A_0 = arith.constant 0 : index
    %get3A_1 = vector.load %arg1[%get3A, %get3A_0] : memref<10240x1xf32, #tpu.memory_space<vmem>>, vector<10240x1xf32>
    %broadcast_in_dim3A = vector.shape_cast %get3A_1 : vector<10240x1xf32> to vector<10240x1xf32>
    %broadcast_in_dim3A_2 = vector.broadcast %broadcast_in_dim3A : vector<10240x1xf32> to vector<10240x16xf32>
    %get3A_3 = arith.constant 0 : index
    %get3A_4 = arith.constant 0 : index
    %get3A_5 = vector.load %arg0[%get3A_3, %get3A_4] : memref<10240x16xf32, #tpu.memory_space<vmem>>, vector<10240x16xf32>
    %mul3A = arith.mulf %get3A_5, %broadcast_in_dim3A_2 : vector<10240x16xf32>
    %swap3A = arith.constant 0 : index
    %swap3A_6 = arith.constant 0 : index
    %swap3A_7 = vector.load %arg2[%swap3A, %swap3A_6] : memref<10240x16xf32, #tpu.memory_space<vmem>>, vector<10240x16xf32>
    tpu.vector_store %arg2[%swap3A, %swap3A_6], %mul3A {strides = array<i32>} : memref<10240x16xf32, #tpu.memory_space<vmem>>, vector<10240x16xf32>,
    %swap3A_8 = arith.constant 0 : index
    %swap3A_9 = arith.constant 0 : index
    %swap3A_10 = vector.load %arg3[%swap3A_8, %swap3A_9] : memref<10240x16xf32, #tpu.memory_space<vmem>>, vector<10240x16xf32>
    tpu.vector_store %arg3[%swap3A_8, %swap3A_9], %broadcast_in_dim3A_2 {strides = array<i32>} : memref<10240x16xf32, #tpu.memory_space<vmem>>, vector<10240x16xf32>,
    return
  }
}

module attributes {stable_mosaic.version = 14 : i64} {
  func.func @_tc2_body(%arg0: memref<2x10240x16xf32, #tpu.memory_space<vmem>>, %arg1: memref<10240x16xf32, #tpu.memory_space<vmem>>, %arg2: memref<10240x16xf32, #tpu.memory_space<vmem>>, %arg3: memref<1x16xf32, #tpu.memory_space<vmem>>, %arg4: memref<16x16xf32, #tpu.memory_space<vmem>>, %arg5: memref<10240x16xf32, #tpu.memory_space<vmem>>) attributes {dimension_semantics = [], scalar_prefetch = 0 : i64, scratch_operands = 0 : i64, tpu.core_type = #tpu.core_type<tc>} {
    %get3A = arith.constant 0 : index
    %get3A_0 = arith.constant 0 : index
    %get3A_1 = arith.constant 0 : index
    %get3A_2 = vector.load %arg0[%get3A, %get3A_0, %get3A_1] : memref<2x10240x16xf32, #tpu.memory_space<vmem>>, vector<1x10240x16xf32>
    %get3A_3 = vector.shape_cast %get3A_2 : vector<1x10240x16xf32> to vector<10240x16xf32>
    %get3A_4 = arith.constant 1 : index
    %get3A_5 = arith.constant 0 : index
    %get3A_6 = arith.constant 0 : index
    %get3A_7 = vector.load %arg0[%get3A_4, %get3A_5, %get3A_6] : memref<2x10240x16xf32, #tpu.memory_space<vmem>>, vector<1x10240x16xf32>
    %get3A_8 = vector.shape_cast %get3A_7 : vector<1x10240x16xf32> to vector<10240x16xf32>
    %add3A = arith.addf %get3A_3, %get3A_8 : vector<10240x16xf32>
    %get3A_9 = arith.constant 0 : index
    %get3A_10 = arith.constant 0 : index
    %get3A_11 = vector.load %arg2[%get3A_9, %get3A_10] : memref<10240x16xf32, #tpu.memory_space<vmem>>, vector<10240x16xf32>
    %get3A_12 = arith.constant 0 : index
    %get3A_13 = arith.constant 0 : index
    %get3A_14 = vector.load %arg1[%get3A_12, %get3A_13] : memref<10240x16xf32, #tpu.memory_space<vmem>>, vector<10240x16xf32>
    %add3A_15 = arith.addf %add3A, %get3A_14 : vector<10240x16xf32>
    %mul3A = arith.mulf %get3A_11, %add3A_15 : vector<10240x16xf32>
    %get3A_16 = arith.constant 0 : index
    %get3A_17 = arith.constant 0 : index
    %get3A_18 = vector.load %arg3[%get3A_16, %get3A_17] : memref<1x16xf32, #tpu.memory_space<vmem>>, vector<1x16xf32>
    %add3A_19 = vector.broadcast %get3A_18 : vector<1x16xf32> to vector<10240x16xf32>
    %add3A_20 = arith.addf %mul3A, %add3A_19 : vector<10240x16xf32>
    %max3A = arith.constant 0.000000e+00 : f32
    %max3A_21 = vector.broadcast %max3A : f32 to vector<10240x16xf32>
    %max3A_22 = arith.maximumf %add3A_20, %max3A_21 : vector<10240x16xf32>
    %get3A_23 = arith.constant 0 : index
    %get3A_24 = arith.constant 0 : index
    %get3A_25 = vector.load %arg4[%get3A_23, %get3A_24] : memref<16x16xf32, #tpu.memory_space<vmem>>, vector<16x16xf32>
    %dot_general3A = arith.constant dense<0.000000e+00> : vector<10240x16xf32>
    %dot_general3A_26 = tpu.matmul %max3A_22, %get3A_25, %dot_general3A {dimension_numbers = #tpu.dot_dimension_numbers<[1], [0], [0], [1], [0, 0, 1, 1], [], []>, transpose_lhs_hint = false} : vector<10240x16xf32>, vector<16x16xf32>, vector<10240x16xf32> -> vector<10240x16xf32>
    %get3A_27 = arith.constant 0 : index
    %get3A_28 = arith.constant 0 : index
    %get3A_29 = vector.load %arg2[%get3A_27, %get3A_28] : memref<10240x16xf32, #tpu.memory_space<vmem>>, vector<10240x16xf32>
    %mul3A_30 = arith.mulf %dot_general3A_26, %get3A_29 : vector<10240x16xf32>
    %swap3A = arith.constant 0 : index
    %swap3A_31 = arith.constant 0 : index
    %swap3A_32 = vector.load %arg5[%swap3A, %swap3A_31] : memref<10240x16xf32, #tpu.memory_space<vmem>>, vector<10240x16xf32>
    tpu.vector_store %arg5[%swap3A, %swap3A_31], %mul3A_30 {strides = array<i32>} : memref<10240x16xf32, #tpu.memory_space<vmem>>, vector<10240x16xf32>,
    return
  }
}

module attributes {stable_mosaic.version = 14 : i64} {
  func.func @_tc3_body(%arg0: memref<2x10240x16xf32, #tpu.memory_space<vmem>>, %arg1: memref<10240x16xf32, #tpu.memory_space<vmem>>, %arg2: memref<10240x16xf32, #tpu.memory_space<vmem>>, %arg3: memref<1x16xf32, #tpu.memory_space<vmem>>, %arg4: memref<10240x16xf32, #tpu.memory_space<vmem>>) attributes {dimension_semantics = [], scalar_prefetch = 0 : i64, scratch_operands = 0 : i64, tpu.core_type = #tpu.core_type<tc>} {
    %get3A = arith.constant 0 : index
    %get3A_0 = arith.constant 0 : index
    %get3A_1 = arith.constant 0 : index
    %get3A_2 = vector.load %arg0[%get3A, %get3A_0, %get3A_1] : memref<2x10240x16xf32, #tpu.memory_space<vmem>>, vector<1x10240x16xf32>
    %get3A_3 = vector.shape_cast %get3A_2 : vector<1x10240x16xf32> to vector<10240x16xf32>
    %get3A_4 = arith.constant 1 : index
    %get3A_5 = arith.constant 0 : index
    %get3A_6 = arith.constant 0 : index
    %get3A_7 = vector.load %arg0[%get3A_4, %get3A_5, %get3A_6] : memref<2x10240x16xf32, #tpu.memory_space<vmem>>, vector<1x10240x16xf32>
    %get3A_8 = vector.shape_cast %get3A_7 : vector<1x10240x16xf32> to vector<10240x16xf32>
    %add3A = arith.addf %get3A_3, %get3A_8 : vector<10240x16xf32>
    %get3A_9 = arith.constant 0 : index
    %get3A_10 = arith.constant 0 : index
    %get3A_11 = vector.load %arg2[%get3A_9, %get3A_10] : memref<10240x16xf32, #tpu.memory_space<vmem>>, vector<10240x16xf32>
    %get3A_12 = arith.constant 0 : index
    %get3A_13 = arith.constant 0 : index
    %get3A_14 = vector.load %arg1[%get3A_12, %get3A_13] : memref<10240x16xf32, #tpu.memory_space<vmem>>, vector<10240x16xf32>
    %add3A_15 = arith.addf %add3A, %get3A_14 : vector<10240x16xf32>
    %mul3A = arith.mulf %get3A_11, %add3A_15 : vector<10240x16xf32>
    %get3A_16 = arith.constant 0 : index
    %get3A_17 = arith.constant 0 : index
    %get3A_18 = vector.load %arg3[%get3A_16, %get3A_17] : memref<1x16xf32, #tpu.memory_space<vmem>>, vector<1x16xf32>
    %add3A_19 = vector.broadcast %get3A_18 : vector<1x16xf32> to vector<10240x16xf32>
    %add3A_20 = arith.addf %mul3A, %add3A_19 : vector<10240x16xf32>
    %iota3A = tpu.iota {dimensions = array<i32: 1>} : vector<1x16xi32>
    %lt3A = arith.constant 10 : i32
    %lt3A_21 = vector.broadcast %lt3A : i32 to vector<1x16xi32>
    %lt3A_22 = arith.cmpi slt, %iota3A, %lt3A_21 : vector<1x16xi32>
    %jit3A = arith.constant -1.000000e+30 : f32
    %broadcast_in_dim3A = vector.shape_cast %lt3A_22 : vector<1x16xi1> to vector<1x16xi1>
    %broadcast_in_dim3A_23 = vector.broadcast %broadcast_in_dim3A : vector<1x16xi1> to vector<10240x16xi1>
    %broadcast_in_dim3A_24 = vector.broadcast %jit3A : f32 to vector<10240x16xf32>
    %select_n3A = arith.select %broadcast_in_dim3A_23, %add3A_20, %broadcast_in_dim3A_24 : vector<10240x16xi1>, vector<10240x16xf32>
    %reduce_max3A = arith.constant dense<0xFF800000> : vector<10240xf32>
    %reduce_max3A_25 = vector.multi_reduction <maximumf>, %select_n3A, %reduce_max3A [1] : vector<10240x16xf32> to vector<10240xf32>
    %broadcast_in_dim3A_26 = vector.shape_cast %reduce_max3A_25 : vector<10240xf32> to vector<10240x1xf32>
    %sub3A = vector.broadcast %broadcast_in_dim3A_26 : vector<10240x1xf32> to vector<10240x16xf32>
    %sub3A_27 = arith.subf %select_n3A, %sub3A : vector<10240x16xf32>
    %exp3A = math.exp %sub3A_27 : vector<10240x16xf32>
    %reduce_sum3A = arith.constant dense<0.000000e+00> : vector<10240xf32>
    %reduce_sum3A_28 = vector.multi_reduction <add>, %exp3A, %reduce_sum3A [1] : vector<10240x16xf32> to vector<10240xf32>
    %broadcast_in_dim3A_29 = vector.shape_cast %reduce_sum3A_28 : vector<10240xf32> to vector<10240x1xf32>
    %sub3A_30 = vector.broadcast %broadcast_in_dim3A_26 : vector<10240x1xf32> to vector<10240x16xf32>
    %sub3A_31 = arith.subf %select_n3A, %sub3A_30 : vector<10240x16xf32>
    %log3A = math.log %broadcast_in_dim3A_29 : vector<10240x1xf32>
    %sub3A_32 = vector.broadcast %log3A : vector<10240x1xf32> to vector<10240x16xf32>
    %sub3A_33 = arith.subf %sub3A_31, %sub3A_32 : vector<10240x16xf32>
    %swap3A = arith.constant 0 : index
    %swap3A_34 = arith.constant 0 : index
    %swap3A_35 = vector.load %arg4[%swap3A, %swap3A_34] : memref<10240x16xf32, #tpu.memory_space<vmem>>, vector<10240x16xf32>
    tpu.vector_store %arg4[%swap3A, %swap3A_34], %sub3A_33 {strides = array<i32>} : memref<10240x16xf32, #tpu.memory_space<vmem>>, vector<10240x16xf32>,
    return
  }
}

</mosaic_0001>

<sc_bundles>
// kernel: kernel.10.cloned.1.call-start
scs
__scs_entry_jumppad:
0x0: {  	(pc) =	sbr.rel $0x88, $3  }
0x1: {  	(tag) =	ssettag $0x0;
	lr =	simm.s32 $0x1  }
0x2: {  	[smem:$0x3F9B] =	sst lr;
	_ =	strace $0xD0000000  }
0x3: {  	_ = 	snop  }
0x4: {  	_ = 	snop  }
0x5: {  	_ = 	snop  }
0x6: {  	_ = 	snop  }
0x7: {  	_ = 	snop  }
__scs_overlays_trampoline_lowered:
0x8: {  	[smem:$0x3FAA] =	sst s0  }
0x9: {  	[smem:$0x3FAB] =	sst s1  }
0xa: {  	[smem:$0x3FAC] =	sst s2  }
0xb: {  	[smem:$0x3FAD] =	sst s3  }
0xc: {  	[smem:$0x3FAE] =	sst s4  }
0xd: {  	[smem:$0x3FAF] =	sst s5  }
0xe: {  	[smem:$0x3FB0] =	sst s6  }
0xf: {  	[smem:$0x3FB1] =	sst s7  }
0x10: {  	[smem:$0x3FB2] =	sst s8  }
0x11: {  	[smem:$0x3FB3] =	sst s9;
	s0 =	simm.s32 @!p0 $0x0  }
0x12: {  	s1 =	sld [smem:$0x3F99];
	s0 =	simm.s32 @p0 $0x1  }
0x13: {  	[smem:$0x3FB4] =	sst s0;
	s0 =	simm.s32 @!p1 $0x0  }
0x14: {  	s2 =	sld [smem:$0x3F98];
	s0 =	simm.s32 @p1 $0x1  }
0x15: {  	[smem:$0x3FB5] =	sst s0;
	s0 =	simm.s32 @!p2 $0x0  }
0x16: {  	s3 =	sld [smem:$0x3FDB];
	s0 =	simm.s32 @p2 $0x1  }
0x17: {  	s4 =	simm.s32 $0x1BF5;
	[smem:$0x3FB7] =	sst s0  }
0x18: {  	s0 =	sld [smem:$0x3F9A];
	_ =	swait.ge [sflag:s4], $0x0  }
0x19: {  	s7 =	sld [smem:$0x3F9B]  }
0x1a: {  	s8 =	sadd.s32 $0xFFFFE003, lr  }
0x1b: {  	s9 =	sadd.s32 $0xFFFFFEF7, lr;
	s5 =	simm.s32 $0xFFFFFFFF;
	p2 =	slt.u32 s8, $0xFFFFF086  }
0x1c: {  	p1 =	slt.u32 s9, $0xF7A;
	s5 =	simm.s32 @!p2 $0x0  }
0x1d: {  	s5 =	simm.s32 @p1 $0x1;
	p0 =	seq.s32 s7, s2  }
0x1e: {  	s7 =	smul.u32 @!p0 $0xF7A, s2;
	p2 =	seq.s32 @!p0 s5, $0x0  }
0x1f: {  	s9 =	smul.u32 $0xF7A, s1;
	s8 =	simm.s32 @!p0 $0x1BF5;
	p2 =	por !p2, p0  }
0x20: {  	[sflag:s8] =	ssyncset.s32 @!p0 $0xFFFFF086;
	s6 =	sadd.s32 @!p0 s3, s7;
	s7 =	simm.s32 @!p0 $0x108  }
0x21: {  	s3 =	sadd.s32 s3, s9;
	s6 =	sadd.s32 @!p0 $0x88, s6;
	s7 =	simm.s32 @p2 $0x1082  }
0x22: {  	[simem:s7], [sflag:s8] =	dma.local @!p0 [hbm:s6], $0xF7A  }
0x23: {  	s9 =	sor.u32 $0xD0000000, s2;
	s6 =	simm.s32 $0x108;
	_ =	swait.ge @!p0 [sflag:s8], $0x0  }
0x24: {  	s3 =	sadd.s32 $0x88, s3;
	s6 =	simm.s32 @!p1 $0x1082;
	[sflag:s4] =	ssyncset.s32 $0xFFFFF086  }
0x25: {  	[simem:s6], [sflag:s4] =	dma.local [hbm:s3], $0xF7A  }
0x26: {  	[smem:$0x3F9B] =	sst s1;
	(tag) =	ssettag s2;
	_ =	strace s9  }
0x27: {  	s1 =	sld [smem:$0x3FAB]  }
0x28: {  	s2 =	sld [smem:$0x3FAC]  }
0x29: {  	s4 =	sld [smem:$0x3FAE]  }
0x2a: {  	p0 =	seq.s32 s5, $0x0;
	s5 =	sld [smem:$0x3FAF]  }
0x2b: {  	s6 =	sld [smem:$0x3FB0]  }
0x2c: {  	s7 =	sld [smem:$0x3FB1]  }
0x2d: {  	s3 =	simm.s32 $0x108;
	s8 =	sld [smem:$0x3FB2]  }
0x2e: {  	s3 =	simm.s32 @!p0 $0x1082;
	s9 =	sld [smem:$0x3FB3]  }
0x2f: {  	lr =	sadd.s32 s0, s3;
	s0 =	sld [smem:$0x3FAA]  }
0x30: {  	s3 =	sld [smem:$0x3FAD]  }
0x31: {  	[smem:$0x3FB6] =	sst s10  }
0x32: {  	s10 =	sld [smem:$0x3FB4];
	_ =	sdelay $0x3  }
0x33: {  	p0 =	seq.s32 s10, $0x1;
	s10 =	sld [smem:$0x3FB6];
	_ =	sdelay $0x3  }
0x34: {  	[smem:$0x3FB6] =	sst s10  }
0x35: {  	s10 =	sld [smem:$0x3FB5];
	_ =	sdelay $0x3  }
0x36: {  	p1 =	seq.s32 s10, $0x1;
	s10 =	sld [smem:$0x3FB6];
	_ =	sdelay $0x3  }
0x37: {  	[smem:$0x3FB6] =	sst s10  }
0x38: {  	s10 =	sld [smem:$0x3FB7]  }
0x39: {  	_ = 	snop;
	(pc) =	sbr.ind lr, $3  }
0x3a: {  	_ = 	snop  }
0x3b: {  	_ = 	snop  }
0x3c: {  	p2 =	seq.s32 s10, $0x1;
	s10 =	sld [smem:$0x3FB6]  }
0x3d: {  	_ =	shalt  }
0x3e: {  	_ =	shalt  }
0x3f: {  	_ =	shalt  }
0x40: {  	_ =	shalt  }
0x41: {  	_ =	shalt  }
0x42: {  	_ =	shalt  }
0x43: {  	_ =	shalt  }
0x44: {  	_ =	shalt  }
0x45: {  	_ =	shalt  }
0x46: {  	_ =	shalt  }
0x47: {  	_ =	shalt  }
0x48: {  	_ =	shalt  }
0x49: {  	_ =	shalt  }
0x4a: {  	_ =	shalt  }
0x4b: {  	_ =	shalt  }
0x4c: {  	_ =	shalt  }
0x4d: {  	_ =	shalt  }
0x4e: {  	_ =	shalt  }
0x4f: {  	_ =	shalt  }
0x50: {  	_ =	shalt  }
0x51: {  	_ =	shalt  }
0x52: {  	_ =	shalt  }
0x53: {  	_ =	shalt  }
0x54: {  	_ =	shalt  }
0x55: {  	_ =	shalt  }
0x56: {  	_ =	shalt  }
0x57: {  	_ =	shalt  }
0x58: {  	_ =	shalt  }
0x59: {  	_ =	shalt  }
0x5a: {  	_ =	shalt  }
0x5b: {  	_ =	shalt  }
0x5c: {  	_ =	shalt  }
0x5d: {  	_ =	shalt  }
0x5e: {  	_ =	shalt  }
0x5f: {  	_ =	shalt  }
0x60: {  	_ =	shalt  }
0x61: {  	_ =	shalt  }
0x62: {  	_ =	shalt  }
0x63: {  	_ =	shalt  }
0x64: {  	_ =	shalt  }
0x65: {  	_ =	shalt  }
0x66: {  	_ =	shalt  }
0x67: {  	_ =	shalt  }
0x68: {  	_ =	shalt  }
0x69: {  	_ =	shalt  }
0x6a: {  	_ =	shalt  }
0x6b: {  	_ =	shalt  }
0x6c: {  	_ =	shalt  }
0x6d: {  	_ =	shalt  }
0x6e: {  	_ =	shalt  }
0x6f: {  	_ =	shalt  }
0x70: {  	_ =	shalt  }
0x71: {  	_ =	shalt  }
0x72: {  	_ =	shalt  }
0x73: {  	_ =	shalt  }
0x74: {  	_ =	shalt  }
0x75: {  	_ =	shalt  }
0x76: {  	_ =	shalt  }
0x77: {  	_ =	shalt  }
0x78: {  	_ =	shalt  }
0x79: {  	_ =	shalt  }
0x7a: {  	_ =	shalt  }
0x7b: {  	_ =	shalt  }
0x7c: {  	_ =	shalt  }
0x7d: {  	_ =	shalt  }
0x7e: {  	_ =	shalt  }
0x7f: {  	_ =	shalt  }
0x80: {  	_ =	shalt  }
0x81: {  	_ =	shalt  }
0x82: {  	_ =	shalt  }
0x83: {  	_ =	shalt  }
0x84: {  	_ =	shalt  }
0x85: {  	_ =	shalt  }
0x86: {  	_ =	shalt  }
0x87: {  	_ =	shalt  }
.Lfunc_end0:
.L_simem_size_0:
called_computation_lowered:
.L_overlay_start_0:
0x88: {  	s2 =	sld [smem:$0x3FD9]  }
0x89: {  	s3 =	sld [smem:$0x3FFE];
	_ =	sdelay $0x1  }
0x8a: {  	s1 =	srdreg.scid  }
0x8b: {  	s0 =	sand.u32 $0x1, s1  }
0x8c: {  	s16 =	sshll.u32 s0, $0xA;
	s2 =	sadd.s32 s3, s2  }
0x8d: {  	s2 =	sadd.s32 s2, s16  }
0x8e: {  	[smem:$0x3FC2] =	sst s2  }
0x8f: {  	_ = 	snop  }
0x90: {  	(tm) =	ssettm $0x1  }
0x91: {  	s17 =	sld [smem:$0x3FFB];
	_ =	sdelay $0x3  }
0x92: {  	_ =	strace s17  }
0x93: {  	s2 =	sld [smem:$0x3FFC];
	_ =	sdelay $0x3  }
0x94: {  	_ =	strace s2  }
0x95: {  	s2 =	sld [smem:$0x3FFD];
	_ =	sdelay $0x3  }
0x96: {  	_ =	strace s2  }
0x97: {  	_ =	strace $0x8FFFFFFF  }
0x98: {  	s18 =	sld [smem:$0x3FDB];
	_ =	sdelay $0x1  }
0x99: {  	s19 =	simm.s32 $_scs_section_size  }
0x9a: {  	s4 =	simm.s32 $_size__tile_overlayer_lowered;
	s5 =	simm.s32 $_tile_overlayer_lowered  }
0x9b: {  	s22 =	simm.s32 $0x1BFF;
	s21 =	sshll.u32 s5, $0x1;
	s2 =	sadd.s32 s19, s18  }
0x9c: {  	s6 =	simm.s32 $0x0;
	s20 =	sshll.u32 s4, $0x1;
	s4 =	sadd.s32 s21, s2  }
0x9d: {  	[timem:s6], [sflag:s22] =	dma.local [hbm:s4], s20  }
0x9e: {  	_ =	swait.ge [sflag:s22], s20  }
0x9f: {  	s3 =	ssub.s32 $0x0, s20;
	[sflag:s22] =	ssyncset.done $0x0  }
0xa0: {  	[sflag:s22] =	ssyncadd.s32 s3;
	_ =	sdelay $0x1  }
0xa1: {  	s23 =	simm.s32 $0x1B8B  }
0xa2: {  	_ =	swait.ge [sflag:s23], $0x1  }
0xa3: {  	[sflag:s23] =	ssyncset.done $0x0  }
0xa4: {  	s25 =	simm.s32 $0x1B8E;
	s24 =	sld [smem:$0x3FFE];
	[sflag:s23] =	ssyncadd.s32 $0xFFFFFFFF  }
0xa5: {  	s26 =	simm.s32 $execute0_lowered;
	[smem:$0x3FD2] =	sst s25  }
0xa6: {  	s4 =	sshll.u32 s26, $0x1;
	_ =	strace $0x80000046;
	[dreg:$0x1] =	wrdreg $0xFFFFFFFF  }
0xa7: {  	s28 =	simm.s32 $_size_execute0_lowered;
	s2 =	sadd.s32 s2, s4;
	[dreg:$0x0] =	wrdreg $0x0  }
0xa8: {  	s4 =	sshll.u32 s28, $0x1;
	[dreg:$0x2] =	wrdreg s2  }
0xa9: {  	[dreg:$0x3] =	wrdreg s4  }
0xaa: {  	[dreg:$0x4] =	wrdreg $0xC0  }
0xab: {  	_ =	task [dreg:s6], $0x5FFFF  }
0xac: {  	[dreg:$0x1] =	wrdreg $0xFFFFFFFF  }
0xad: {  	[dreg:$0x0] =	wrdreg $0x60  }
0xae: {  	[dreg:$0x2] =	wrdreg s24  }
0xaf: {  	[dreg:$0x3] =	wrdreg $0x9  }
0xb0: {  	_ =	task.clear_ibuf [dreg:s6], $0x4FFFF;
	_ =	strace $0x90000046  }
0xb1: {  	s29 =	simm.s32 $0x9;
	_ =	strace $0x80000048  }
0xb2: {  	_ =	swait.ge [sflag:s29], $0x1  }
0xb3: {  	[sflag:s29] =	ssyncadd.s32 $0xFFFFFFFF  }
0xb4: {  	_ =	strace $0x90000048  }
0xb5: {  	_ =	sfence  }
0xb6: {  	s30 =	sld [smem:$0x0];
	_ =	sdelay $0x2  }
0xb7: {  	s31 =	sshll.u32 s1, $0xD;
	s1 =	sshrl.u32 s1, $0x2  }
0xb8: {  	s3 =	sand.u32 $0x4000, s31;
	s1 =	sadd.s32 s1, s30  }
0xb9: {  	s0 =	sor.u32 s3, s0;
	s1 =	sshll.u32 s1, $0x11  }
0xba: {  	s0 =	sor.u32 s1, s0  }
0xbb: {  	s0 =	sadd.s32 $0x8F2B, s0  }
0xbc: {  	[sflag:s0] =	ssyncadd.remote.s32 $0x1  }
0xbd: {  	_ =	sfence.sel $0xFFFF  }
0xbe: {  	[dreg:$0x0] =	wrdreg $0xFFFFFFFF;
	(pc) =	sbr.abs _section_cstart, $3  }
0xbf: {  	[dreg:$0x1] =	wrdreg $0xFFFFFFFF  }
0xc0: {  	_ =	task.clear_ibuf [dreg:s6], $0x2FFFF;
	_ =	strace $0x9FFFFFFF  }
0xc1: {  	(tm) =	ssettm $0x7FFFFFFF  }
tec
execute0_lowered:
.L_overlay_start_1:
0x0: {  	(tag) =	ssettag $0x1  }
0x1: {  	s0 =	srdreg.scid  }
0x2: {  	s4 =	rddreg [dreg:$0x0];
	s3 =	sand.u32 $0x1, s0  }
0x3: {  	s1 =	stileid.u32;
	s7 =	simm.s32 $0x2800;
	s2 =	sshll.u32 s3, $0x4  }
0x4: {  	s0 =	rddreg [dreg:$0x1];
	s3 =	ssub.s32 $0x2, s3;
	s5 =	sor.u32 s1, s2  }
0x5: {  	s2 =	simm.s32 $0x0;
	s6 =	sshrl.u32 s3, $0x1;
	s5 =	smul.u32 $0x500, s5  }
0x6: {  	s8 =	simm.s32 $0x0;
	[smem:$0x7FF] =	sst s2;
	s31 =	ssub.s32 s3, s6  }
0x7: {  	s6 =	simm.s32 $0x1;
	_ =	strace $0x80000047;
	s4 =	sadd.s32 s5, s4  }
0x8: {  	v0 =	vimm.f32 $0.0e+00;
	s5 =	smax.u32 s31, $0x1;
	s3 =	sadd.s32 $0x1800, s4;
	s4 =	sadd.s32 $0xB800, s4  }
.LBB2_1:
0x9: {  	[tilespmem:s2], [sflag:$0x1] =	stream.linear.gather [hbm4b:s3+s2], $0x2800, $0x38;
	[tilespmem:$0x5000] =	vst v63  }
0xa: {  	_ =	swait.ge [sflag:s6], $0x2800  }
0xb: {  	[sflag:s6] =	ssyncset.done $0x0  }
0xc: {  	s9 =	simm.s32 $0x0;
	s10 =	simm.s32 $0x200;
	[sflag:s6] =	ssyncadd.s32 $0xFFFFD800  }
.LBB2_2:
0xd: {  	p0 =	sne.s32 s10, $0x9E00;
	[tilespmem:s9+$0x2870] =	vst v0  }
0xe: {  	[tilespmem:s9+$0x2800] =	vst v0  }
0xf: {  	[tilespmem:s9+$0x2810] =	vst v0  }
.Ltmp0:
0x10: {  	[tilespmem:s9+$0x2820] =	vst v0;
	(pc) =	sbr.rel @p0 .LBB2_2-.Ltmp0, $4  }
0x11: {  	[tilespmem:s9+$0x2830] =	vst v0  }
0x12: {  	[tilespmem:s9+$0x2840] =	vst v0  }
0x13: {  	[tilespmem:s9+$0x2850] =	vst v0  }
0x14: {  	[tilespmem:s9+$0x2860] =	vst v0;
	s9 =	sshra.s32 s10, $0x2;
	s10 =	sadd.s32 $0x200, s10  }
0x15: {  	[tilespmem:s9+$0x2870] =	vst v0  }
0x16: {  	[tilespmem:s9+$0x2800] =	vst v0  }
0x17: {  	[tilespmem:s9+$0x2810] =	vst v0  }
0x18: {  	[tilespmem:s9+$0x2820] =	vst v0  }
0x19: {  	[tilespmem:s9+$0x2830] =	vst v0  }
0x1a: {  	[tilespmem:s9+$0x2840] =	vst v0  }
0x1b: {  	[tilespmem:s9+$0x2850] =	vst v0  }
0x1c: {  	[tilespmem:s9+$0x2860] =	vst v0;
	s9 =	simm.s32 $0x0  }
.LBB2_4:
0x1d: {  	s10 =	sshra.s32 s9, $0x2  }
0x1e: {  	v1 =	vld [tilespmem:s10+$0x0];
	_ =	sdelay $0x4  }
0x1f: {  	(xrf1) =	vunique.msk.u32 $0xffff, v1;
	_ =	sdelay $0xd  }
0x20: {  	_, v2, vm0 =	vpop (xrf1);
	_ =	sdelay $0x3  }
0x21: {  	v2 =	vcvt.s32.f32 v2;
	_ =	sdelay $0x1  }
0x22: {  	[tilespmem:v1+s7+$0x0] =	vst.idx.add.f32.msk vm0, v2  }
0x23: {  	v1 =	vld [tilespmem:s10+$0x10];
	_ =	sdelay $0x4  }
0x24: {  	(xrf1) =	vunique.msk.u32 $0xffff, v1;
	_ =	sdelay $0xd  }
0x25: {  	_, v2, vm0 =	vpop (xrf1);
	_ =	sdelay $0x3  }
0x26: {  	v2 =	vcvt.s32.f32 v2;
	_ =	sdelay $0x1  }
0x27: {  	[tilespmem:v1+s7+$0x0] =	vst.idx.add.f32.msk vm0, v2  }
0x28: {  	v1 =	vld [tilespmem:s10+$0x20];
	_ =	sdelay $0x4  }
0x29: {  	(xrf1) =	vunique.msk.u32 $0xffff, v1;
	_ =	sdelay $0xd  }
0x2a: {  	_, v2, vm0 =	vpop (xrf1);
	_ =	sdelay $0x3  }
0x2b: {  	v2 =	vcvt.s32.f32 v2;
	_ =	sdelay $0x1  }
0x2c: {  	[tilespmem:v1+s7+$0x0] =	vst.idx.add.f32.msk vm0, v2  }
0x2d: {  	v1 =	vld [tilespmem:s10+$0x30];
	_ =	sdelay $0x4  }
0x2e: {  	(xrf1) =	vunique.msk.u32 $0xffff, v1;
	_ =	sdelay $0xd  }
0x2f: {  	_, v2, vm0 =	vpop (xrf1);
	_ =	sdelay $0x3  }
0x30: {  	v2 =	vcvt.s32.f32 v2;
	_ =	sdelay $0x1  }
0x31: {  	[tilespmem:v1+s7+$0x0] =	vst.idx.add.f32.msk vm0, v2  }
0x32: {  	v1 =	vld [tilespmem:s10+$0x40];
	_ =	sdelay $0x4  }
0x33: {  	(xrf1) =	vunique.msk.u32 $0xffff, v1;
	_ =	sdelay $0xd  }
0x34: {  	_, v2, vm0 =	vpop (xrf1);
	_ =	sdelay $0x3  }
0x35: {  	v2 =	vcvt.s32.f32 v2;
	_ =	sdelay $0x1  }
0x36: {  	[tilespmem:v1+s7+$0x0] =	vst.idx.add.f32.msk vm0, v2  }
0x37: {  	v1 =	vld [tilespmem:s10+$0x50];
	_ =	sdelay $0x4  }
0x38: {  	(xrf1) =	vunique.msk.u32 $0xffff, v1;
	_ =	sdelay $0xd  }
0x39: {  	_, v2, vm0 =	vpop (xrf1);
	_ =	sdelay $0x3  }
0x3a: {  	v2 =	vcvt.s32.f32 v2;
	_ =	sdelay $0x1  }
0x3b: {  	[tilespmem:v1+s7+$0x0] =	vst.idx.add.f32.msk vm0, v2  }
0x3c: {  	v1 =	vld [tilespmem:s10+$0x60];
	_ =	sdelay $0x4  }
0x3d: {  	(xrf1) =	vunique.msk.u32 $0xffff, v1;
	_ =	sdelay $0xd  }
0x3e: {  	_, v2, vm0 =	vpop (xrf1);
	_ =	sdelay $0x3  }
0x3f: {  	v2 =	vcvt.s32.f32 v2;
	_ =	sdelay $0x1  }
0x40: {  	[tilespmem:v1+s7+$0x0] =	vst.idx.add.f32.msk vm0, v2  }
0x41: {  	v1 =	vld [tilespmem:s10+$0x70];
	_ =	sdelay $0x4  }
0x42: {  	(xrf1) =	vunique.msk.u32 $0xffff, v1;
	_ =	sdelay $0xd  }
0x43: {  	_, v2, vm0 =	vpop (xrf1)  }
0x44: {  	p0 =	sne.s32 s9, $0x9E00  }
.Ltmp1:
0x45: {  	_ = 	snop;
	(pc) =	sbr.rel @p0 .LBB2_4-.Ltmp1, $3  }
0x46: {  	_ = 	snop  }
0x47: {  	v2 =	vcvt.s32.f32 v2;
	_ =	sdelay $0x1  }
0x48: {  	s9 =	sadd.s32 $0x200, s9;
	[tilespmem:v1+s7+$0x0] =	vst.idx.add.f32.msk vm0, v2  }
0x49: {  	s8 =	sadd.s32 $0x1, s8  }
0x4a: {  	p0 =	sne.s32 s8, s5  }
.Ltmp2:
0x4b: {  	_ = 	snop;
	(pc) =	sbr.rel @p0 .LBB2_1-.Ltmp2, $4  }
0x4c: {  	[hbm4b:s4+s2] =	stream.linear.scatter [tilespmem:s7], [sflag:$0x1], $0x2800, $0x38;
	[tilespmem:$0x5000] =	vst v63  }
0x4d: {  	_ =	swait.ge [sflag:s6], $0x2800  }
0x4e: {  	[sflag:s6] =	ssyncset.done $0x0  }
0x4f: {  	[sflag:s6] =	ssyncadd.s32 $0xFFFFD800  }
0x50: {  	_ =	sfence.sel $0x180000  }
0x51: {  	[bflag:$0x0] =	sbarrier.arrive $0xFFFF  }
0x52: {  	p0 =	sne.s32 s1, $0x0;
	_ =	strace $0x90000047  }
0x53: {  	s0 =	sadd.s32 @!p0 $0x100000, s0;
	[bflag:$0x2] =	sbarrier.arrive $0xFFFF  }
0x54: {  	[sflag:s0] =	ssyncadd.tile.s32 @!p0 $0x1;
	_ =	shalt  }
.Lfunc_end2:
_tile_overlayer_lowered:
.L_overlay_start_2:
0x55: {  	(tag) =	ssettag $0x2  }
0x56: {  	s0 =	rddreg [dreg:$0x0];
	s2 =	stileid.u32  }
0x57: {  	s1 =	rddreg [dreg:$0x1];
	p0 =	sne.s32 s2, $0x0  }
0x58: {  	s3 =	rddreg [dreg:$0x2];
	[bflag:$0x3] =	sbarrier.arrive $0xFFFF;
	s2 =	simm.s32 @!p0 $0x1C01  }
0x59: {  	[timem:s3], [sflag:s2] =	dma.local @!p0 [hbm:s0], s1  }
0x5a: {  	s0 =	simm.s32 @!p0 $0x1  }
0x5b: {  	_ =	swait.ge @!p0 [sflag:s0], s1  }
0x5c: {  	s1 =	ssub.s32 @!p0 $0x0, s1;
	[sflag:s0] =	ssyncset.done @!p0 $0x0  }
0x5d: {  	[sflag:s0] =	ssyncadd.s32 @!p0 s1  }
0x5e: {  	[bflag:$0x3] =	sbarrier.arrive $0xFFFF  }
0x5f: {  	_ =	shalt  }

// kernel: kernel.13.cloned.1.call-start
scs
__scs_entry_jumppad:
0x0: {  	(pc) =	sbr.rel $0x88, $3  }
0x1: {  	(tag) =	ssettag $0x0;
	lr =	simm.s32 $0x1  }
0x2: {  	[smem:$0x3F9B] =	sst lr;
	_ =	strace $0xD0000000  }
0x3: {  	_ = 	snop  }
0x4: {  	_ = 	snop  }
0x5: {  	_ = 	snop  }
0x6: {  	_ = 	snop  }
0x7: {  	_ = 	snop  }
__scs_overlays_trampoline_lowered:
0x8: {  	[smem:$0x3FAA] =	sst s0  }
0x9: {  	[smem:$0x3FAB] =	sst s1  }
0xa: {  	[smem:$0x3FAC] =	sst s2  }
0xb: {  	[smem:$0x3FAD] =	sst s3  }
0xc: {  	[smem:$0x3FAE] =	sst s4  }
0xd: {  	[smem:$0x3FAF] =	sst s5  }
0xe: {  	[smem:$0x3FB0] =	sst s6  }
0xf: {  	[smem:$0x3FB1] =	sst s7  }
0x10: {  	[smem:$0x3FB2] =	sst s8  }
0x11: {  	[smem:$0x3FB3] =	sst s9;
	s0 =	simm.s32 @!p0 $0x0  }
0x12: {  	s1 =	sld [smem:$0x3F99];
	s0 =	simm.s32 @p0 $0x1  }
0x13: {  	[smem:$0x3FB4] =	sst s0;
	s0 =	simm.s32 @!p1 $0x0  }
0x14: {  	s2 =	sld [smem:$0x3F98];
	s0 =	simm.s32 @p1 $0x1  }
0x15: {  	[smem:$0x3FB5] =	sst s0;
	s0 =	simm.s32 @!p2 $0x0  }
0x16: {  	s3 =	sld [smem:$0x3FDB];
	s0 =	simm.s32 @p2 $0x1  }
0x17: {  	s4 =	simm.s32 $0x1BF5;
	[smem:$0x3FB7] =	sst s0  }
0x18: {  	s0 =	sld [smem:$0x3F9A];
	_ =	swait.ge [sflag:s4], $0x0  }
0x19: {  	s7 =	sld [smem:$0x3F9B]  }
0x1a: {  	s8 =	sadd.s32 $0xFFFFE003, lr  }
0x1b: {  	s9 =	sadd.s32 $0xFFFFFEF7, lr;
	s5 =	simm.s32 $0xFFFFFFFF;
	p2 =	slt.u32 s8, $0xFFFFF086  }
0x1c: {  	p1 =	slt.u32 s9, $0xF7A;
	s5 =	simm.s32 @!p2 $0x0  }
0x1d: {  	s5 =	simm.s32 @p1 $0x1;
	p0 =	seq.s32 s7, s2  }
0x1e: {  	s7 =	smul.u32 @!p0 $0xF7A, s2;
	p2 =	seq.s32 @!p0 s5, $0x0  }
0x1f: {  	s9 =	smul.u32 $0xF7A, s1;
	s8 =	simm.s32 @!p0 $0x1BF5;
	p2 =	por !p2, p0  }
0x20: {  	[sflag:s8] =	ssyncset.s32 @!p0 $0xFFFFF086;
	s6 =	sadd.s32 @!p0 s3, s7;
	s7 =	simm.s32 @!p0 $0x108  }
0x21: {  	s3 =	sadd.s32 s3, s9;
	s6 =	sadd.s32 @!p0 $0x88, s6;
	s7 =	simm.s32 @p2 $0x1082  }
0x22: {  	[simem:s7], [sflag:s8] =	dma.local @!p0 [hbm:s6], $0xF7A  }
0x23: {  	s9 =	sor.u32 $0xD0000000, s2;
	s6 =	simm.s32 $0x108;
	_ =	swait.ge @!p0 [sflag:s8], $0x0  }
0x24: {  	s3 =	sadd.s32 $0x88, s3;
	s6 =	simm.s32 @!p1 $0x1082;
	[sflag:s4] =	ssyncset.s32 $0xFFFFF086  }
0x25: {  	[simem:s6], [sflag:s4] =	dma.local [hbm:s3], $0xF7A  }
0x26: {  	[smem:$0x3F9B] =	sst s1;
	(tag) =	ssettag s2;
	_ =	strace s9  }
0x27: {  	s1 =	sld [smem:$0x3FAB]  }
0x28: {  	s2 =	sld [smem:$0x3FAC]  }
0x29: {  	s4 =	sld [smem:$0x3FAE]  }
0x2a: {  	p0 =	seq.s32 s5, $0x0;
	s5 =	sld [smem:$0x3FAF]  }
0x2b: {  	s6 =	sld [smem:$0x3FB0]  }
0x2c: {  	s7 =	sld [smem:$0x3FB1]  }
0x2d: {  	s3 =	simm.s32 $0x108;
	s8 =	sld [smem:$0x3FB2]  }
0x2e: {  	s3 =	simm.s32 @!p0 $0x1082;
	s9 =	sld [smem:$0x3FB3]  }
0x2f: {  	lr =	sadd.s32 s0, s3;
	s0 =	sld [smem:$0x3FAA]  }
0x30: {  	s3 =	sld [smem:$0x3FAD]  }
0x31: {  	[smem:$0x3FB6] =	sst s10  }
0x32: {  	s10 =	sld [smem:$0x3FB4];
	_ =	sdelay $0x3  }
0x33: {  	p0 =	seq.s32 s10, $0x1;
	s10 =	sld [smem:$0x3FB6];
	_ =	sdelay $0x3  }
0x34: {  	[smem:$0x3FB6] =	sst s10  }
0x35: {  	s10 =	sld [smem:$0x3FB5];
	_ =	sdelay $0x3  }
0x36: {  	p1 =	seq.s32 s10, $0x1;
	s10 =	sld [smem:$0x3FB6];
	_ =	sdelay $0x3  }
0x37: {  	[smem:$0x3FB6] =	sst s10  }
0x38: {  	s10 =	sld [smem:$0x3FB7]  }
0x39: {  	_ = 	snop;
	(pc) =	sbr.ind lr, $3  }
0x3a: {  	_ = 	snop  }
0x3b: {  	_ = 	snop  }
0x3c: {  	p2 =	seq.s32 s10, $0x1;
	s10 =	sld [smem:$0x3FB6]  }
0x3d: {  	_ =	shalt  }
0x3e: {  	_ =	shalt  }
0x3f: {  	_ =	shalt  }
0x40: {  	_ =	shalt  }
0x41: {  	_ =	shalt  }
0x42: {  	_ =	shalt  }
0x43: {  	_ =	shalt  }
0x44: {  	_ =	shalt  }
0x45: {  	_ =	shalt  }
0x46: {  	_ =	shalt  }
0x47: {  	_ =	shalt  }
0x48: {  	_ =	shalt  }
0x49: {  	_ =	shalt  }
0x4a: {  	_ =	shalt  }
0x4b: {  	_ =	shalt  }
0x4c: {  	_ =	shalt  }
0x4d: {  	_ =	shalt  }
0x4e: {  	_ =	shalt  }
0x4f: {  	_ =	shalt  }
0x50: {  	_ =	shalt  }
0x51: {  	_ =	shalt  }
0x52: {  	_ =	shalt  }
0x53: {  	_ =	shalt  }
0x54: {  	_ =	shalt  }
0x55: {  	_ =	shalt  }
0x56: {  	_ =	shalt  }
0x57: {  	_ =	shalt  }
0x58: {  	_ =	shalt  }
0x59: {  	_ =	shalt  }
0x5a: {  	_ =	shalt  }
0x5b: {  	_ =	shalt  }
0x5c: {  	_ =	shalt  }
0x5d: {  	_ =	shalt  }
0x5e: {  	_ =	shalt  }
0x5f: {  	_ =	shalt  }
0x60: {  	_ =	shalt  }
0x61: {  	_ =	shalt  }
0x62: {  	_ =	shalt  }
0x63: {  	_ =	shalt  }
0x64: {  	_ =	shalt  }
0x65: {  	_ =	shalt  }
0x66: {  	_ =	shalt  }
0x67: {  	_ =	shalt  }
0x68: {  	_ =	shalt  }
0x69: {  	_ =	shalt  }
0x6a: {  	_ =	shalt  }
0x6b: {  	_ =	shalt  }
0x6c: {  	_ =	shalt  }
0x6d: {  	_ =	shalt  }
0x6e: {  	_ =	shalt  }
0x6f: {  	_ =	shalt  }
0x70: {  	_ =	shalt  }
0x71: {  	_ =	shalt  }
0x72: {  	_ =	shalt  }
0x73: {  	_ =	shalt  }
0x74: {  	_ =	shalt  }
0x75: {  	_ =	shalt  }
0x76: {  	_ =	shalt  }
0x77: {  	_ =	shalt  }
0x78: {  	_ =	shalt  }
0x79: {  	_ =	shalt  }
0x7a: {  	_ =	shalt  }
0x7b: {  	_ =	shalt  }
0x7c: {  	_ =	shalt  }
0x7d: {  	_ =	shalt  }
0x7e: {  	_ =	shalt  }
0x7f: {  	_ =	shalt  }
0x80: {  	_ =	shalt  }
0x81: {  	_ =	shalt  }
0x82: {  	_ =	shalt  }
0x83: {  	_ =	shalt  }
0x84: {  	_ =	shalt  }
0x85: {  	_ =	shalt  }
0x86: {  	_ =	shalt  }
0x87: {  	_ =	shalt  }
.Lfunc_end0:
.L_simem_size_0:
called_computation.1_lowered:
.L_overlay_start_0:
0x88: {  	s2 =	sld [smem:$0x3FD9]  }
0x89: {  	s3 =	sld [smem:$0x3FFE];
	_ =	sdelay $0x1  }
0x8a: {  	s1 =	srdreg.scid  }
0x8b: {  	s0 =	sand.u32 $0x1, s1  }
0x8c: {  	s16 =	sshll.u32 s0, $0xA;
	s2 =	sadd.s32 s3, s2  }
0x8d: {  	s2 =	sadd.s32 s2, s16  }
0x8e: {  	[smem:$0x3FC2] =	sst s2  }
0x8f: {  	_ = 	snop  }
0x90: {  	(tm) =	ssettm $0x1  }
0x91: {  	s17 =	sld [smem:$0x3FFB];
	_ =	sdelay $0x3  }
0x92: {  	_ =	strace s17  }
0x93: {  	s2 =	sld [smem:$0x3FFC];
	_ =	sdelay $0x3  }
0x94: {  	_ =	strace s2  }
0x95: {  	s2 =	sld [smem:$0x3FFD];
	_ =	sdelay $0x3  }
0x96: {  	_ =	strace s2  }
0x97: {  	_ =	strace $0x8FFFFFFF  }
0x98: {  	s18 =	sld [smem:$0x3FDB];
	_ =	sdelay $0x1  }
0x99: {  	s19 =	simm.s32 $_scs_section_size  }
0x9a: {  	s4 =	simm.s32 $_size__tile_overlayer_lowered;
	s5 =	simm.s32 $_tile_overlayer_lowered  }
0x9b: {  	s22 =	simm.s32 $0x1BFF;
	s21 =	sshll.u32 s5, $0x1;
	s2 =	sadd.s32 s19, s18  }
0x9c: {  	s6 =	simm.s32 $0x0;
	s20 =	sshll.u32 s4, $0x1;
	s4 =	sadd.s32 s21, s2  }
0x9d: {  	[timem:s6], [sflag:s22] =	dma.local [hbm:s4], s20  }
0x9e: {  	_ =	swait.ge [sflag:s22], s20  }
0x9f: {  	s3 =	ssub.s32 $0x0, s20;
	[sflag:s22] =	ssyncset.done $0x0  }
0xa0: {  	[sflag:s22] =	ssyncadd.s32 s3;
	_ =	sdelay $0x1  }
0xa1: {  	s23 =	simm.s32 $0x1B8B  }
0xa2: {  	_ =	swait.ge [sflag:s23], $0x1  }
0xa3: {  	[sflag:s23] =	ssyncset.done $0x0  }
0xa4: {  	s25 =	simm.s32 $0x1B8E;
	s24 =	sld [smem:$0x3FFE];
	[sflag:s23] =	ssyncadd.s32 $0xFFFFFFFF  }
0xa5: {  	s26 =	simm.s32 $execute0_lowered;
	[smem:$0x3FD2] =	sst s25  }
0xa6: {  	s4 =	sshll.u32 s26, $0x1;
	_ =	strace $0x80000049;
	[dreg:$0x1] =	wrdreg $0xFFFFFFFF  }
0xa7: {  	s28 =	simm.s32 $_size_execute0_lowered;
	s2 =	sadd.s32 s2, s4;
	[dreg:$0x0] =	wrdreg $0x0  }
0xa8: {  	s4 =	sshll.u32 s28, $0x1;
	[dreg:$0x2] =	wrdreg s2  }
0xa9: {  	[dreg:$0x3] =	wrdreg s4  }
0xaa: {  	[dreg:$0x4] =	wrdreg $0xC0  }
0xab: {  	_ =	task [dreg:s6], $0x5FFFF  }
0xac: {  	[dreg:$0x1] =	wrdreg $0xFFFFFFFF  }
0xad: {  	[dreg:$0x0] =	wrdreg $0x60  }
0xae: {  	[dreg:$0x2] =	wrdreg s24  }
0xaf: {  	[dreg:$0x3] =	wrdreg $0xF8000  }
0xb0: {  	[dreg:$0x4] =	wrdreg $0xD0000  }
0xb1: {  	[dreg:$0x5] =	wrdreg $0x9  }
0xb2: {  	_ =	task.clear_ibuf [dreg:s6], $0x6FFFF;
	_ =	strace $0x90000049  }
0xb3: {  	s29 =	simm.s32 $0x9;
	_ =	strace $0x8000004B  }
0xb4: {  	_ =	swait.ge [sflag:s29], $0x1  }
0xb5: {  	[sflag:s29] =	ssyncadd.s32 $0xFFFFFFFF  }
0xb6: {  	_ =	strace $0x9000004B  }
0xb7: {  	_ =	sfence  }
0xb8: {  	s30 =	sld [smem:$0x0];
	_ =	sdelay $0x2  }
0xb9: {  	s31 =	sshll.u32 s1, $0xD;
	s1 =	sshrl.u32 s1, $0x2  }
0xba: {  	s3 =	sand.u32 $0x4000, s31;
	s1 =	sadd.s32 s1, s30  }
0xbb: {  	s0 =	sor.u32 s3, s0;
	s1 =	sshll.u32 s1, $0x11  }
0xbc: {  	s0 =	sor.u32 s1, s0  }
0xbd: {  	s0 =	sadd.s32 $0x8F2B, s0  }
0xbe: {  	[sflag:s0] =	ssyncadd.remote.s32 $0x1  }
0xbf: {  	_ =	sfence.sel $0xFFFF  }
0xc0: {  	[dreg:$0x0] =	wrdreg $0xFFFFFFFF;
	(pc) =	sbr.abs _section_cstart, $3  }
0xc1: {  	[dreg:$0x1] =	wrdreg $0xFFFFFFFF  }
0xc2: {  	_ =	task.clear_ibuf [dreg:s6], $0x2FFFF;
	_ =	strace $0x9FFFFFFF  }
0xc3: {  	(tm) =	ssettm $0x7FFFFFFF  }
tec
execute0_lowered:
.L_overlay_start_1:
0x0: {  	(tag) =	ssettag $0x1  }
0x1: {  	s0 =	rddreg [dreg:$0x0]  }
0x2: {  	s1 =	rddreg [dreg:$0x1];
	s3 =	srdreg.scid  }
0x3: {  	s2 =	rddreg [dreg:$0x2];
	s4 =	stileid.u32  }
0x4: {  	s7 =	simm.s32 $0x0;
	s29 =	simm.s32 $0x7800;
	s31 =	simm.s32 $0x8000  }
0x5: {  	s28 =	simm.s32 $0xA000;
	s30 =	simm.s32 $0xA800;
	s6 =	smul.u32 $0x2800, s4  }
0x6: {  	s3 =	sand.u32 $0x1, s3;
	[smem:$0x7FF] =	sst s7;
	s9 =	smul.u32 $0xA000, s4  }
0x7: {  	s25 =	sshll.u32 s4, $0x6;
	p0 =	sne.s32 s4, $0x0;
	s5 =	sshll.u32 s3, $0x4  }
0x8: {  	_ =	strace $0x8000004A;
	s8 =	smul.u32 $0x5000, s3;
	s3 =	ssub.s32 $0x2, s3  }
0x9: {  	s10 =	sor.u32 $0x1C03, s25;
	s25 =	simm.s32 $0x9800;
	s5 =	sor.u32 s4, s5  }
0xa: {  	s14 =	sshrl.u32 s6, $0x3;
	s15 =	sshrl.u32 s3, $0x1;
	s17 =	sadd.s32 s6, s1  }
0xb: {  	s19 =	sshrl.u32 s9, $0x2;
	s4 =	simm.s32 $0xC000;
	s9 =	simm.s32 $0x0  }
0xc: {  	[dreg:$0xe] =	wrdreg s10;
	s5 =	smul.u32 $0x500, s5;
	s7 =	sadd.s32 s14, s0  }
0xd: {  	s3 =	ssub.s32 s3, s15;
	s6 =	sadd.s32 s19, s2;
	s14 =	simm.s32 $0x3  }
0xe: {  	s26 =	sshrl.u32 s17, $0x3;
	s19 =	simm.s32 $0x80;
	[dreg:$0x7] =	wrdreg s6  }
0xf: {  	s15 =	simm.s32 $0x8800;
	s18 =	sadd.s32 $0xB800, s7;
	[dreg:$0xf] =	wrdreg s26  }
0x10: {  	s20 =	smax.u32 s3, $0x1;
	s21 =	sadd.s32 $0x800, s6;
	[dreg:$0x6] =	wrdreg s18  }
0x11: {  	s22 =	sadd.s32 $0x1000, s6;
	s23 =	sadd.s32 $0x1800, s6;
	[dreg:$0x9] =	wrdreg s20  }
0x12: {  	s24 =	sadd.s32 $0x2000, s6;
	s26 =	simm.s32 $0x7000;
	[dreg:$0xa] =	wrdreg s21  }
0x13: {  	s3 =	simm.s32 $0xB800;
	s6 =	simm.s32 $0x2;
	[dreg:$0xb] =	wrdreg s22  }
0x14: {  	s5 =	sadd.s32 s5, s0;
	s0 =	sadd.s32 s8, s0;
	[dreg:$0xc] =	wrdreg s23  }
0x15: {  	[dreg:$0xd] =	wrdreg s24;
	s18 =	simm.s32 $0x5000;
	s20 =	simm.s32 $0x5800  }
0x16: {  	s22 =	simm.s32 $0x6000;
	s24 =	simm.s32 $0x6800;
	s16 =	sadd.s32 $0x15800, s5  }
0x17: {  	s21 =	simm.s32 $0x1;
	s5 =	sadd.s32 $0x1800, s5;
	[dreg:$0x4] =	wrdreg s16  }
0x18: {  	s23 =	simm.s32 $0x9000;
	s0 =	sadd.s32 $0x1F800, s0;
	[dreg:$0x5] =	wrdreg s5  }
0x19: {  	v0 =	vimm.f32 $0.0e+00;
	[dreg:$0x8] =	wrdreg s0;
	s0 =	simm.s32 $0xB000;
	s5 =	simm.s32 $0xC800  }
.LBB2_1:
0x1a: {  	[dreg:$0x10] =	wrdreg s9  }
0x1b: {  	s7 =	simm.s32 $0x0;
	s8 =	rddreg [dreg:$0x4]  }
0x1c: {  	[tilespmem:s7], [sflag:$0x3] =	stream.linear.gather [hbm4b:s8+s7], $0x2800, $0x38;
	[tilespmem:$0x12000] =	vst v63  }
0x1d: {  	_ =	swait.ge [sflag:s14], $0x2800  }
0x1e: {  	[sflag:s14] =	ssyncset.done $0x0  }
0x1f: {  	s13 =	simm.s32 $0x2800;
	s12 =	rddreg [dreg:$0x5];
	[sflag:s14] =	ssyncadd.s32 $0xFFFFD800  }
0x20: {  	[tilespmem:s13], [sflag:$0x3] =	stream.linear.gather [hbm4b:s12+s7], $0x2800, $0x38;
	[tilespmem:$0x12000] =	vst v63  }
0x21: {  	_ =	swait.ge [sflag:s14], $0x2800  }
0x22: {  	[sflag:s14] =	ssyncset.done $0x0;
	s16 =	rddreg [dreg:$0x6]  }
0x23: {  	s17 =	rddreg [dreg:$0xf];
	[sflag:s14] =	ssyncadd.s32 $0xFFFFD800  }
0x24: {  	[spmem:s17], [sflag:s10] =	dma.local [hbm:s16], $0x500  }
0x25: {  	_ =	swait.ge [sflag:s14], $0x500  }
0x26: {  	[sflag:s14] =	ssyncset.done $0x0  }
0x27: {  	s9 =	simm.s32 $0x40;
	s10 =	simm.s32 $0x0;
	[sflag:s14] =	ssyncadd.s32 $0xFFFFFB00  }
.LBB2_2:
0x28: {  	p1 =	sne.s32 s9, $0x1FC0;
	[tilespmem:s10+$0x5000] =	vst v0;
	s10 =	smov.u32 s9;
	s9 =	sadd.s32 $0x40, s9  }
.Ltmp0:
0x29: {  	(pc) =	sbr.rel @p1 .LBB2_2-.Ltmp0, $2  }
0x2a: {  	_ =	sdelay $0x2  }
0x2b: {  	s10 =	sshra.s32 s10, $0x2  }
0x2c: {  	[tilespmem:s10+$0x5000] =	vst v0;
	s7 =	rddreg [dreg:$0x7]  }
0x2d: {  	[spmem:s7] =	stream.linear.scatter [tilespmem:s18], [sflag:$0x3], $0x800, $0x38;
	[tilespmem:$0x12000] =	vst v63  }
0x2e: {  	_ =	swait.ge [sflag:s14], $0x800  }
0x2f: {  	[sflag:s14] =	ssyncset.done $0x0  }
0x30: {  	s16 =	rddreg [dreg:$0xa];
	[sflag:s14] =	ssyncadd.s32 $0xFFFFF800  }
0x31: {  	[spmem:s16] =	stream.linear.scatter [tilespmem:s18], [sflag:$0x3], $0x800, $0x38;
	[tilespmem:$0x12000] =	vst v63  }
0x32: {  	_ =	swait.ge [sflag:s14], $0x800  }
0x33: {  	[sflag:s14] =	ssyncset.done $0x0  }
0x34: {  	s17 =	rddreg [dreg:$0xb];
	[sflag:s14] =	ssyncadd.s32 $0xFFFFF800  }
0x35: {  	[spmem:s17] =	stream.linear.scatter [tilespmem:s18], [sflag:$0x3], $0x800, $0x38;
	[tilespmem:$0x12000] =	vst v63  }
0x36: {  	_ =	swait.ge [sflag:s14], $0x800  }
0x37: {  	[sflag:s14] =	ssyncset.done $0x0  }
0x38: {  	s8 =	rddreg [dreg:$0xc];
	[sflag:s14] =	ssyncadd.s32 $0xFFFFF800  }
0x39: {  	[spmem:s8] =	stream.linear.scatter [tilespmem:s18], [sflag:$0x3], $0x800, $0x38;
	[tilespmem:$0x12000] =	vst v63  }
0x3a: {  	_ =	swait.ge [sflag:s14], $0x800  }
0x3b: {  	[sflag:s14] =	ssyncset.done $0x0  }
0x3c: {  	s9 =	rddreg [dreg:$0xd];
	[sflag:s14] =	ssyncadd.s32 $0xFFFFF800  }
0x3d: {  	[spmem:s9] =	stream.linear.scatter [tilespmem:s18], [sflag:$0x3], $0x800, $0x38;
	[tilespmem:$0x12000] =	vst v63  }
0x3e: {  	_ =	swait.ge [sflag:s14], $0x800  }
0x3f: {  	[sflag:s14] =	ssyncset.done $0x0  }
0x40: {  	[sflag:s14] =	ssyncadd.s32 $0xFFFFF800  }
0x41: {  	s9 =	simm.s32 $0x0;
	[bflag:$0x0] =	sbarrier.arrive $0xFFFF  }
0x42: {  	[tilespmem:s18], [sflag:$0x1] =	stream.indirect.gather [spmem:s1], $0x10, s9, s19, $0xb8;
	[tilespmem:$0x12000] =	vst v63  }
0x43: {  	_ = 	snop  }
0x44: {  	[tilespmem:s20], [sflag:$0x1] =	stream.indirect.gather [spmem:s1], $0x10, s19, s19, $0xb8;
	[tilespmem:$0x12000] =	vst v63  }
0x45: {  	s10 =	simm.s32 $0x100  }
0x46: {  	[tilespmem:s22], [sflag:$0x1] =	stream.indirect.gather [spmem:s1], $0x10, s10, s19, $0xb8;
	[tilespmem:$0x12000] =	vst v63  }
0x47: {  	s11 =	simm.s32 $0x180  }
0x48: {  	[tilespmem:s24], [sflag:$0x1] =	stream.indirect.gather [spmem:s1], $0x10, s11, s19, $0xb8;
	[tilespmem:$0x12000] =	vst v63  }
0x49: {  	s12 =	simm.s32 $0x200  }
0x4a: {  	[tilespmem:s26], [sflag:$0x1] =	stream.indirect.gather [spmem:s1], $0x10, s12, s19, $0xb8;
	[tilespmem:$0x12000] =	vst v63  }
0x4b: {  	s13 =	simm.s32 $0x280  }
0x4c: {  	[tilespmem:s29], [sflag:$0x1] =	stream.indirect.gather [spmem:s1], $0x10, s13, s19, $0xb8;
	[tilespmem:$0x12000] =	vst v63  }
0x4d: {  	s16 =	simm.s32 $0x300  }
0x4e: {  	[tilespmem:s31], [sflag:$0x1] =	stream.indirect.gather [spmem:s1], $0x10, s16, s19, $0xb8;
	[tilespmem:$0x12000] =	vst v63  }
0x4f: {  	s17 =	simm.s32 $0x380  }
0x50: {  	[tilespmem:s15], [sflag:$0x1] =	stream.indirect.gather [spmem:s1], $0x10, s17, s19, $0xb8;
	[tilespmem:$0x12000] =	vst v63  }
0x51: {  	_ =	swait.ge [sflag:s21], $0x800  }
0x52: {  	[sflag:s21] =	ssyncset.done $0x0  }
0x53: {  	[sflag:s21] =	ssyncadd.s32 $0xFFFFF800  }
0x54: {  	_ =	swait.ge [sflag:s21], $0x800  }
0x55: {  	[sflag:s21] =	ssyncset.done $0x0  }
0x56: {  	[sflag:s21] =	ssyncadd.s32 $0xFFFFF800  }
0x57: {  	_ =	swait.ge [sflag:s21], $0x800  }
0x58: {  	[sflag:s21] =	ssyncset.done $0x0  }
0x59: {  	[sflag:s21] =	ssyncadd.s32 $0xFFFFF800  }
0x5a: {  	_ =	swait.ge [sflag:s21], $0x800  }
0x5b: {  	[sflag:s21] =	ssyncset.done $0x0  }
0x5c: {  	[sflag:s21] =	ssyncadd.s32 $0xFFFFF800  }
0x5d: {  	_ =	swait.ge [sflag:s21], $0x800  }
0x5e: {  	[sflag:s21] =	ssyncset.done $0x0  }
0x5f: {  	[sflag:s21] =	ssyncadd.s32 $0xFFFFF800  }
0x60: {  	_ =	swait.ge [sflag:s21], $0x800  }
0x61: {  	[sflag:s21] =	ssyncset.done $0x0  }
0x62: {  	[sflag:s21] =	ssyncadd.s32 $0xFFFFF800  }
0x63: {  	_ =	swait.ge [sflag:s21], $0x800  }
0x64: {  	[sflag:s21] =	ssyncset.done $0x0  }
0x65: {  	[sflag:s21] =	ssyncadd.s32 $0xFFFFF800  }
0x66: {  	_ =	swait.ge [sflag:s21], $0x800  }
0x67: {  	[sflag:s21] =	ssyncset.done $0x0  }
0x68: {  	s7 =	simm.s32 $0x2800;
	[sflag:s21] =	ssyncadd.s32 $0xFFFFF800  }
0x69: {  	[spmem:s2] =	stream.indirect.scatter.add.f32 [tilespmem:s18], [sflag:$0x2], $0x10, s7, s19, $0xb8;
	[tilespmem:$0x12000] =	vst v63  }
0x6a: {  	s8 =	simm.s32 $0x2880  }
0x6b: {  	[spmem:s2] =	stream.indirect.scatter.add.f32 [tilespmem:s20], [sflag:$0x2], $0x10, s8, s19, $0xb8;
	[tilespmem:$0x12000] =	vst v63  }
0x6c: {  	s10 =	simm.s32 $0x2900  }
0x6d: {  	[spmem:s2] =	stream.indirect.scatter.add.f32 [tilespmem:s22], [sflag:$0x2], $0x10, s10, s19, $0xb8;
	[tilespmem:$0x12000] =	vst v63  }
0x6e: {  	s11 =	simm.s32 $0x2980  }
0x6f: {  	[spmem:s2] =	stream.indirect.scatter.add.f32 [tilespmem:s24], [sflag:$0x2], $0x10, s11, s19, $0xb8;
	[tilespmem:$0x12000] =	vst v63  }
0x70: {  	s12 =	simm.s32 $0x2A00  }
0x71: {  	[spmem:s2] =	stream.indirect.scatter.add.f32 [tilespmem:s26], [sflag:$0x2], $0x10, s12, s19, $0xb8;
	[tilespmem:$0x12000] =	vst v63  }
0x72: {  	s13 =	simm.s32 $0x2A80  }
0x73: {  	[spmem:s2] =	stream.indirect.scatter.add.f32 [tilespmem:s29], [sflag:$0x2], $0x10, s13, s19, $0xb8;
	[tilespmem:$0x12000] =	vst v63  }
0x74: {  	s16 =	simm.s32 $0x2B00  }
0x75: {  	[spmem:s2] =	stream.indirect.scatter.add.f32 [tilespmem:s31], [sflag:$0x2], $0x10, s16, s19, $0xb8;
	[tilespmem:$0x12000] =	vst v63  }
0x76: {  	s17 =	simm.s32 $0x2B80  }
0x77: {  	[spmem:s2] =	stream.indirect.scatter.add.f32 [tilespmem:s15], [sflag:$0x2], $0x10, s17, s19, $0xb8;
	[tilespmem:$0x12000] =	vst v63  }
0x78: {  	s7 =	simm.s32 $0x400  }
0x79: {  	[tilespmem:s23], [sflag:$0x1] =	stream.indirect.gather [spmem:s1], $0x10, s7, s19, $0xb8;
	[tilespmem:$0x12000] =	vst v63  }
0x7a: {  	s8 =	simm.s32 $0x480  }
0x7b: {  	[tilespmem:s25], [sflag:$0x1] =	stream.indirect.gather [spmem:s1], $0x10, s8, s19, $0xb8;
	[tilespmem:$0x12000] =	vst v63  }
0x7c: {  	s10 =	simm.s32 $0x500  }
0x7d: {  	[tilespmem:s28], [sflag:$0x1] =	stream.indirect.gather [spmem:s1], $0x10, s10, s19, $0xb8;
	[tilespmem:$0x12000] =	vst v63  }
0x7e: {  	s11 =	simm.s32 $0x580  }
0x7f: {  	[tilespmem:s30], [sflag:$0x1] =	stream.indirect.gather [spmem:s1], $0x10, s11, s19, $0xb8;
	[tilespmem:$0x12000] =	vst v63  }
0x80: {  	s12 =	simm.s32 $0x600  }
0x81: {  	[tilespmem:s0], [sflag:$0x1] =	stream.indirect.gather [spmem:s1], $0x10, s12, s19, $0xb8;
	[tilespmem:$0x12000] =	vst v63  }
0x82: {  	s13 =	simm.s32 $0x680  }
0x83: {  	[tilespmem:s3], [sflag:$0x1] =	stream.indirect.gather [spmem:s1], $0x10, s13, s19, $0xb8;
	[tilespmem:$0x12000] =	vst v63  }
0x84: {  	s16 =	simm.s32 $0x700  }
0x85: {  	[tilespmem:s4], [sflag:$0x1] =	stream.indirect.gather [spmem:s1], $0x10, s16, s19, $0xb8;
	[tilespmem:$0x12000] =	vst v63  }
0x86: {  	s17 =	simm.s32 $0x780  }
0x87: {  	[tilespmem:s5], [sflag:$0x1] =	stream.indirect.gather [spmem:s1], $0x10, s17, s19, $0xb8;
	[tilespmem:$0x12000] =	vst v63  }
0x88: {  	_ =	swait.ge [sflag:s6], $0x800  }
0x89: {  	[sflag:s6] =	ssyncset.done $0x0  }
0x8a: {  	[sflag:s6] =	ssyncadd.s32 $0xFFFFF800  }
0x8b: {  	_ =	swait.ge [sflag:s6], $0x800  }
0x8c: {  	[sflag:s6] =	ssyncset.done $0x0  }
0x8d: {  	[sflag:s6] =	ssyncadd.s32 $0xFFFFF800  }
0x8e: {  	_ =	swait.ge [sflag:s6], $0x800  }
0x8f: {  	[sflag:s6] =	ssyncset.done $0x0  }
0x90: {  	[sflag:s6] =	ssyncadd.s32 $0xFFFFF800  }
0x91: {  	_ =	swait.ge [sflag:s6], $0x800  }
0x92: {  	[sflag:s6] =	ssyncset.done $0x0  }
0x93: {  	[sflag:s6] =	ssyncadd.s32 $0xFFFFF800  }
0x94: {  	_ =	swait.ge [sflag:s6], $0x800  }
0x95: {  	[sflag:s6] =	ssyncset.done $0x0  }
0x96: {  	[sflag:s6] =	ssyncadd.s32 $0xFFFFF800  }
0x97: {  	_ =	swait.ge [sflag:s6], $0x800  }
0x98: {  	[sflag:s6] =	ssyncset.done $0x0  }
0x99: {  	[sflag:s6] =	ssyncadd.s32 $0xFFFFF800  }
0x9a: {  	_ =	swait.ge [sflag:s6], $0x800  }
0x9b: {  	[sflag:s6] =	ssyncset.done $0x0  }
0x9c: {  	[sflag:s6] =	ssyncadd.s32 $0xFFFFF800  }
0x9d: {  	_ =	swait.ge [sflag:s6], $0x800  }
0x9e: {  	[sflag:s6] =	ssyncset.done $0x0  }
0x9f: {  	[sflag:s6] =	ssyncadd.s32 $0xFFFFF800  }
0xa0: {  	_ =	swait.ge [sflag:s21], $0x800  }
0xa1: {  	[sflag:s21] =	ssyncset.done $0x0  }
0xa2: {  	[sflag:s21] =	ssyncadd.s32 $0xFFFFF800  }
0xa3: {  	_ =	swait.ge [sflag:s21], $0x800  }
0xa4: {  	[sflag:s21] =	ssyncset.done $0x0  }
0xa5: {  	[sflag:s21] =	ssyncadd.s32 $0xFFFFF800  }
0xa6: {  	_ =	swait.ge [sflag:s21], $0x800  }
0xa7: {  	[sflag:s21] =	ssyncset.done $0x0  }
0xa8: {  	[sflag:s21] =	ssyncadd.s32 $0xFFFFF800  }
0xa9: {  	_ =	swait.ge [sflag:s21], $0x800  }
0xaa: {  	[sflag:s21] =	ssyncset.done $0x0  }
0xab: {  	[sflag:s21] =	ssyncadd.s32 $0xFFFFF800  }
0xac: {  	_ =	swait.ge [sflag:s21], $0x800  }
0xad: {  	[sflag:s21] =	ssyncset.done $0x0  }
0xae: {  	[sflag:s21] =	ssyncadd.s32 $0xFFFFF800  }
0xaf: {  	_ =	swait.ge [sflag:s21], $0x800  }
0xb0: {  	[sflag:s21] =	ssyncset.done $0x0  }
0xb1: {  	[sflag:s21] =	ssyncadd.s32 $0xFFFFF800  }
0xb2: {  	_ =	swait.ge [sflag:s21], $0x800  }
0xb3: {  	[sflag:s21] =	ssyncset.done $0x0  }
0xb4: {  	[sflag:s21] =	ssyncadd.s32 $0xFFFFF800  }
0xb5: {  	_ =	swait.ge [sflag:s21], $0x800  }
0xb6: {  	[sflag:s21] =	ssyncset.done $0x0  }
0xb7: {  	s7 =	simm.s32 $0x2C00;
	[sflag:s21] =	ssyncadd.s32 $0xFFFFF800  }
0xb8: {  	[spmem:s2] =	stream.indirect.scatter.add.f32 [tilespmem:s23], [sflag:$0x2], $0x10, s7, s19, $0xb8;
	[tilespmem:$0x12000] =	vst v63  }
0xb9: {  	s8 =	simm.s32 $0x2C80  }
0xba: {  	[spmem:s2] =	stream.indirect.scatter.add.f32 [tilespmem:s25], [sflag:$0x2], $0x10, s8, s19, $0xb8;
	[tilespmem:$0x12000] =	vst v63  }
0xbb: {  	s10 =	simm.s32 $0x2D00  }
0xbc: {  	[spmem:s2] =	stream.indirect.scatter.add.f32 [tilespmem:s28], [sflag:$0x2], $0x10, s10, s19, $0xb8;
	[tilespmem:$0x12000] =	vst v63  }
0xbd: {  	s11 =	simm.s32 $0x2D80  }
0xbe: {  	[spmem:s2] =	stream.indirect.scatter.add.f32 [tilespmem:s30], [sflag:$0x2], $0x10, s11, s19, $0xb8;
	[tilespmem:$0x12000] =	vst v63  }
0xbf: {  	s12 =	simm.s32 $0x2E00  }
0xc0: {  	[spmem:s2] =	stream.indirect.scatter.add.f32 [tilespmem:s0], [sflag:$0x2], $0x10, s12, s19, $0xb8;
	[tilespmem:$0x12000] =	vst v63  }
0xc1: {  	s13 =	simm.s32 $0x2E80  }
0xc2: {  	[spmem:s2] =	stream.indirect.scatter.add.f32 [tilespmem:s3], [sflag:$0x2], $0x10, s13, s19, $0xb8;
	[tilespmem:$0x12000] =	vst v63  }
0xc3: {  	s16 =	simm.s32 $0x2F00  }
0xc4: {  	[spmem:s2] =	stream.indirect.scatter.add.f32 [tilespmem:s4], [sflag:$0x2], $0x10, s16, s19, $0xb8;
	[tilespmem:$0x12000] =	vst v63  }
0xc5: {  	p1 =	por $0x0, $0x0;
	s17 =	simm.s32 $0x2F80  }
0xc6: {  	[spmem:s2] =	stream.indirect.scatter.add.f32 [tilespmem:s5], [sflag:$0x2], $0x10, s17, s19, $0xb8;
	[tilespmem:$0x12000] =	vst v63  }
0xc7: {  	s9 =	simm.s32 @!p1 $0x80;
	s10 =	simm.s32 @!p1 $0x5000;
	s11 =	simm.s32 @!p1 $0x800  }
0xc8: {  	[tilespmem:s10], [sflag:$0x1] =	stream.indirect.gather @!p1 [spmem:s1], $0x10, s11, s9, $0xb8;
	[tilespmem:$0x12000] =	vst v63  }
0xc9: {  	s10 =	simm.s32 @!p1 $0x880;
	s11 =	simm.s32 @!p1 $0x5800  }
0xca: {  	[tilespmem:s11], [sflag:$0x1] =	stream.indirect.gather @!p1 [spmem:s1], $0x10, s10, s9, $0xb8;
	[tilespmem:$0x12000] =	vst v63  }
0xcb: {  	s10 =	simm.s32 @!p1 $0x900;
	s11 =	simm.s32 @!p1 $0x6000  }
0xcc: {  	[tilespmem:s11], [sflag:$0x1] =	stream.indirect.gather @!p1 [spmem:s1], $0x10, s10, s9, $0xb8;
	[tilespmem:$0x12000] =	vst v63  }
0xcd: {  	s10 =	simm.s32 @!p1 $0x980;
	s11 =	simm.s32 @!p1 $0x6800  }
0xce: {  	[tilespmem:s11], [sflag:$0x1] =	stream.indirect.gather @!p1 [spmem:s1], $0x10, s10, s9, $0xb8;
	[tilespmem:$0x12000] =	vst v63  }
0xcf: {  	s10 =	simm.s32 @!p1 $0xA00;
	s11 =	simm.s32 @!p1 $0x7000  }
0xd0: {  	[tilespmem:s11], [sflag:$0x1] =	stream.indirect.gather @!p1 [spmem:s1], $0x10, s10, s9, $0xb8;
	[tilespmem:$0x12000] =	vst v63  }
0xd1: {  	s10 =	simm.s32 @!p1 $0xA80;
	s11 =	simm.s32 @!p1 $0x7800  }
0xd2: {  	[tilespmem:s11], [sflag:$0x1] =	stream.indirect.gather @!p1 [spmem:s1], $0x10, s10, s9, $0xb8;
	[tilespmem:$0x12000] =	vst v63  }
0xd3: {  	s10 =	simm.s32 @!p1 $0xB00;
	s11 =	simm.s32 @!p1 $0x8000  }
0xd4: {  	[tilespmem:s11], [sflag:$0x1] =	stream.indirect.gather @!p1 [spmem:s1], $0x10, s10, s9, $0xb8;
	[tilespmem:$0x12000] =	vst v63  }
0xd5: {  	s10 =	simm.s32 @!p1 $0xB80;
	s11 =	simm.s32 @!p1 $0x8800  }
0xd6: {  	[tilespmem:s11], [sflag:$0x1] =	stream.indirect.gather @!p1 [spmem:s1], $0x10, s10, s9, $0xb8;
	[tilespmem:$0x12000] =	vst v63  }
0xd7: {  	_ =	swait.ge [sflag:s6], $0x800  }
0xd8: {  	[sflag:s6] =	ssyncset.done $0x0  }
0xd9: {  	[sflag:s6] =	ssyncadd.s32 $0xFFFFF800  }
0xda: {  	_ =	swait.ge [sflag:s6], $0x800  }
0xdb: {  	[sflag:s6] =	ssyncset.done $0x0  }
0xdc: {  	[sflag:s6] =	ssyncadd.s32 $0xFFFFF800  }
0xdd: {  	_ =	swait.ge [sflag:s6], $0x800  }
0xde: {  	[sflag:s6] =	ssyncset.done $0x0  }
0xdf: {  	[sflag:s6] =	ssyncadd.s32 $0xFFFFF800  }
0xe0: {  	_ =	swait.ge [sflag:s6], $0x800  }
0xe1: {  	[sflag:s6] =	ssyncset.done $0x0  }
0xe2: {  	[sflag:s6] =	ssyncadd.s32 $0xFFFFF800  }
0xe3: {  	_ =	swait.ge [sflag:s6], $0x800  }
0xe4: {  	[sflag:s6] =	ssyncset.done $0x0  }
0xe5: {  	[sflag:s6] =	ssyncadd.s32 $0xFFFFF800  }
0xe6: {  	_ =	swait.ge [sflag:s6], $0x800  }
0xe7: {  	[sflag:s6] =	ssyncset.done $0x0  }
0xe8: {  	[sflag:s6] =	ssyncadd.s32 $0xFFFFF800  }
0xe9: {  	_ =	swait.ge [sflag:s6], $0x800  }
0xea: {  	[sflag:s6] =	ssyncset.done $0x0  }
0xeb: {  	[sflag:s6] =	ssyncadd.s32 $0xFFFFF800  }
0xec: {  	s9 =	simm.s32 $0x2000;
	_ =	swait.ge [sflag:s6], $0x800  }
.LBB2_4:
0xed: {  	[sflag:s6] =	ssyncset.done $0x0;
	s10 =	smov.u32 s9;
	s9 =	sadd.s32 $0x2000, s9  }
0xee: {  	p1 =	sne.s32 s9, $0xA000;
	[sflag:s6] =	ssyncadd.s32 $0xFFFFF800  }
0xef: {  	_ =	swait.ge [sflag:s21], $0x800  }
0xf0: {  	[sflag:s21] =	ssyncset.done $0x0  }
0xf1: {  	[sflag:s21] =	ssyncadd.s32 $0xFFFFF800  }
0xf2: {  	_ =	swait.ge [sflag:s21], $0x800  }
0xf3: {  	[sflag:s21] =	ssyncset.done $0x0  }
0xf4: {  	[sflag:s21] =	ssyncadd.s32 $0xFFFFF800  }
0xf5: {  	_ =	swait.ge [sflag:s21], $0x800  }
0xf6: {  	[sflag:s21] =	ssyncset.done $0x0  }
0xf7: {  	[sflag:s21] =	ssyncadd.s32 $0xFFFFF800  }
0xf8: {  	_ =	swait.ge [sflag:s21], $0x800  }
0xf9: {  	[sflag:s21] =	ssyncset.done $0x0  }
0xfa: {  	[sflag:s21] =	ssyncadd.s32 $0xFFFFF800  }
0xfb: {  	_ =	swait.ge [sflag:s21], $0x800  }
0xfc: {  	[sflag:s21] =	ssyncset.done $0x0  }
0xfd: {  	[sflag:s21] =	ssyncadd.s32 $0xFFFFF800  }
0xfe: {  	_ =	swait.ge [sflag:s21], $0x800  }
0xff: {  	[sflag:s21] =	ssyncset.done $0x0  }
0x100: {  	[sflag:s21] =	ssyncadd.s32 $0xFFFFF800  }
0x101: {  	_ =	swait.ge [sflag:s21], $0x800  }
0x102: {  	[sflag:s21] =	ssyncset.done $0x0  }
0x103: {  	[sflag:s21] =	ssyncadd.s32 $0xFFFFF800  }
0x104: {  	_ =	swait.ge [sflag:s21], $0x800  }
0x105: {  	s11 =	sshra.s32 s10, $0x2;
	[sflag:s21] =	ssyncset.done $0x0  }
0x106: {  	s12 =	sadd.s32 $0x2800, s11;
	[sflag:s21] =	ssyncadd.s32 $0xFFFFF800  }
0x107: {  	[spmem:s2] =	stream.indirect.scatter.add.f32 [tilespmem:s18], [sflag:$0x2], $0x10, s12, s19, $0xb8;
	[tilespmem:$0x12000] =	vst v63  }
0x108: {  	s12 =	sadd.s32 $0x2880, s11  }
0x109: {  	[spmem:s2] =	stream.indirect.scatter.add.f32 [tilespmem:s20], [sflag:$0x2], $0x10, s12, s19, $0xb8;
	[tilespmem:$0x12000] =	vst v63  }
0x10a: {  	s12 =	sadd.s32 $0x2900, s11  }
0x10b: {  	[spmem:s2] =	stream.indirect.scatter.add.f32 [tilespmem:s22], [sflag:$0x2], $0x10, s12, s19, $0xb8;
	[tilespmem:$0x12000] =	vst v63  }
0x10c: {  	s12 =	sadd.s32 $0x2980, s11  }
0x10d: {  	[spmem:s2] =	stream.indirect.scatter.add.f32 [tilespmem:s24], [sflag:$0x2], $0x10, s12, s19, $0xb8;
	[tilespmem:$0x12000] =	vst v63  }
0x10e: {  	s12 =	sadd.s32 $0x2A00, s11  }
0x10f: {  	[spmem:s2] =	stream.indirect.scatter.add.f32 [tilespmem:s26], [sflag:$0x2], $0x10, s12, s19, $0xb8;
	[tilespmem:$0x12000] =	vst v63  }
0x110: {  	s12 =	sadd.s32 $0x2A80, s11  }
0x111: {  	[spmem:s2] =	stream.indirect.scatter.add.f32 [tilespmem:s29], [sflag:$0x2], $0x10, s12, s19, $0xb8;
	[tilespmem:$0x12000] =	vst v63  }
0x112: {  	s12 =	sadd.s32 $0x2B00, s11  }
0x113: {  	[spmem:s2] =	stream.indirect.scatter.add.f32 [tilespmem:s31], [sflag:$0x2], $0x10, s12, s19, $0xb8;
	[tilespmem:$0x12000] =	vst v63  }
0x114: {  	s12 =	sadd.s32 $0x2B80, s11  }
0x115: {  	[spmem:s2] =	stream.indirect.scatter.add.f32 [tilespmem:s15], [sflag:$0x2], $0x10, s12, s19, $0xb8;
	[tilespmem:$0x12000] =	vst v63  }
0x116: {  	s12 =	sadd.s32 $0x400, s11  }
0x117: {  	[tilespmem:s23], [sflag:$0x1] =	stream.indirect.gather [spmem:s1], $0x10, s12, s19, $0xb8;
	[tilespmem:$0x12000] =	vst v63  }
0x118: {  	s12 =	sadd.s32 $0x480, s11  }
0x119: {  	[tilespmem:s25], [sflag:$0x1] =	stream.indirect.gather [spmem:s1], $0x10, s12, s19, $0xb8;
	[tilespmem:$0x12000] =	vst v63  }
0x11a: {  	s12 =	sadd.s32 $0x500, s11  }
0x11b: {  	[tilespmem:s28], [sflag:$0x1] =	stream.indirect.gather [spmem:s1], $0x10, s12, s19, $0xb8;
	[tilespmem:$0x12000] =	vst v63  }
0x11c: {  	s12 =	sadd.s32 $0x580, s11  }
0x11d: {  	[tilespmem:s30], [sflag:$0x1] =	stream.indirect.gather [spmem:s1], $0x10, s12, s19, $0xb8;
	[tilespmem:$0x12000] =	vst v63  }
0x11e: {  	s12 =	sadd.s32 $0x600, s11  }
0x11f: {  	[tilespmem:s0], [sflag:$0x1] =	stream.indirect.gather [spmem:s1], $0x10, s12, s19, $0xb8;
	[tilespmem:$0x12000] =	vst v63  }
0x120: {  	s12 =	sadd.s32 $0x680, s11  }
0x121: {  	[tilespmem:s3], [sflag:$0x1] =	stream.indirect.gather [spmem:s1], $0x10, s12, s19, $0xb8;
	[tilespmem:$0x12000] =	vst v63  }
0x122: {  	s12 =	sadd.s32 $0x700, s11  }
0x123: {  	[tilespmem:s4], [sflag:$0x1] =	stream.indirect.gather [spmem:s1], $0x10, s12, s19, $0xb8;
	[tilespmem:$0x12000] =	vst v63  }
0x124: {  	s12 =	sadd.s32 $0x780, s11  }
0x125: {  	[tilespmem:s5], [sflag:$0x1] =	stream.indirect.gather [spmem:s1], $0x10, s12, s19, $0xb8;
	[tilespmem:$0x12000] =	vst v63  }
0x126: {  	_ =	swait.ge [sflag:s6], $0x800  }
0x127: {  	[sflag:s6] =	ssyncset.done $0x0  }
0x128: {  	[sflag:s6] =	ssyncadd.s32 $0xFFFFF800  }
0x129: {  	_ =	swait.ge [sflag:s6], $0x800  }
0x12a: {  	[sflag:s6] =	ssyncset.done $0x0  }
0x12b: {  	[sflag:s6] =	ssyncadd.s32 $0xFFFFF800  }
0x12c: {  	_ =	swait.ge [sflag:s6], $0x800  }
0x12d: {  	[sflag:s6] =	ssyncset.done $0x0  }
0x12e: {  	[sflag:s6] =	ssyncadd.s32 $0xFFFFF800  }
0x12f: {  	_ =	swait.ge [sflag:s6], $0x800  }
0x130: {  	[sflag:s6] =	ssyncset.done $0x0  }
0x131: {  	[sflag:s6] =	ssyncadd.s32 $0xFFFFF800  }
0x132: {  	_ =	swait.ge [sflag:s6], $0x800  }
0x133: {  	[sflag:s6] =	ssyncset.done $0x0  }
0x134: {  	[sflag:s6] =	ssyncadd.s32 $0xFFFFF800  }
0x135: {  	_ =	swait.ge [sflag:s6], $0x800  }
0x136: {  	[sflag:s6] =	ssyncset.done $0x0  }
0x137: {  	[sflag:s6] =	ssyncadd.s32 $0xFFFFF800  }
0x138: {  	_ =	swait.ge [sflag:s6], $0x800  }
0x139: {  	[sflag:s6] =	ssyncset.done $0x0  }
0x13a: {  	[sflag:s6] =	ssyncadd.s32 $0xFFFFF800  }
0x13b: {  	_ =	swait.ge [sflag:s6], $0x800  }
0x13c: {  	[sflag:s6] =	ssyncset.done $0x0  }
0x13d: {  	[sflag:s6] =	ssyncadd.s32 $0xFFFFF800  }
0x13e: {  	_ =	swait.ge [sflag:s21], $0x800  }
0x13f: {  	[sflag:s21] =	ssyncset.done $0x0  }
0x140: {  	[sflag:s21] =	ssyncadd.s32 $0xFFFFF800  }
0x141: {  	_ =	swait.ge [sflag:s21], $0x800  }
0x142: {  	[sflag:s21] =	ssyncset.done $0x0  }
0x143: {  	[sflag:s21] =	ssyncadd.s32 $0xFFFFF800  }
0x144: {  	_ =	swait.ge [sflag:s21], $0x800  }
0x145: {  	[sflag:s21] =	ssyncset.done $0x0  }
0x146: {  	[sflag:s21] =	ssyncadd.s32 $0xFFFFF800  }
0x147: {  	_ =	swait.ge [sflag:s21], $0x800  }
0x148: {  	[sflag:s21] =	ssyncset.done $0x0  }
0x149: {  	[sflag:s21] =	ssyncadd.s32 $0xFFFFF800  }
0x14a: {  	_ =	swait.ge [sflag:s21], $0x800  }
0x14b: {  	[sflag:s21] =	ssyncset.done $0x0  }
0x14c: {  	[sflag:s21] =	ssyncadd.s32 $0xFFFFF800  }
0x14d: {  	_ =	swait.ge [sflag:s21], $0x800  }
0x14e: {  	[sflag:s21] =	ssyncset.done $0x0  }
0x14f: {  	[sflag:s21] =	ssyncadd.s32 $0xFFFFF800  }
0x150: {  	_ =	swait.ge [sflag:s21], $0x800  }
0x151: {  	[sflag:s21] =	ssyncset.done $0x0  }
0x152: {  	[sflag:s21] =	ssyncadd.s32 $0xFFFFF800  }
0x153: {  	_ =	swait.ge [sflag:s21], $0x800  }
0x154: {  	[sflag:s21] =	ssyncset.done $0x0  }
0x155: {  	s12 =	sadd.s32 $0x2C00, s11;
	[sflag:s21] =	ssyncadd.s32 $0xFFFFF800  }
0x156: {  	[spmem:s2] =	stream.indirect.scatter.add.f32 [tilespmem:s23], [sflag:$0x2], $0x10, s12, s19, $0xb8;
	[tilespmem:$0x12000] =	vst v63  }
0x157: {  	s12 =	sadd.s32 $0x2C80, s11  }
0x158: {  	[spmem:s2] =	stream.indirect.scatter.add.f32 [tilespmem:s25], [sflag:$0x2], $0x10, s12, s19, $0xb8;
	[tilespmem:$0x12000] =	vst v63  }
0x159: {  	s12 =	sadd.s32 $0x2D00, s11  }
0x15a: {  	[spmem:s2] =	stream.indirect.scatter.add.f32 [tilespmem:s28], [sflag:$0x2], $0x10, s12, s19, $0xb8;
	[tilespmem:$0x12000] =	vst v63  }
0x15b: {  	s12 =	sadd.s32 $0x2D80, s11  }
0x15c: {  	[spmem:s2] =	stream.indirect.scatter.add.f32 [tilespmem:s30], [sflag:$0x2], $0x10, s12, s19, $0xb8;
	[tilespmem:$0x12000] =	vst v63  }
0x15d: {  	s12 =	sadd.s32 $0x2E00, s11  }
0x15e: {  	[spmem:s2] =	stream.indirect.scatter.add.f32 [tilespmem:s0], [sflag:$0x2], $0x10, s12, s19, $0xb8;
	[tilespmem:$0x12000] =	vst v63  }
0x15f: {  	s12 =	sadd.s32 $0x2E80, s11  }
0x160: {  	[spmem:s2] =	stream.indirect.scatter.add.f32 [tilespmem:s3], [sflag:$0x2], $0x10, s12, s19, $0xb8;
	[tilespmem:$0x12000] =	vst v63  }
0x161: {  	s12 =	sadd.s32 $0x2F00, s11  }
0x162: {  	[spmem:s2] =	stream.indirect.scatter.add.f32 [tilespmem:s4], [sflag:$0x2], $0x10, s12, s19, $0xb8;
	[tilespmem:$0x12000] =	vst v63  }
0x163: {  	p2 =	seq.s32 s10, $0x8000;
	s11 =	sadd.s32 $0x2F80, s11  }
0x164: {  	[spmem:s2] =	stream.indirect.scatter.add.f32 [tilespmem:s5], [sflag:$0x2], $0x10, s11, s19, $0xb8;
	[tilespmem:$0x12000] =	vst v63  }
0x165: {  	s10 =	sshra.s32 @!p2 s10, $0x2;
	s12 =	simm.s32 @!p2 $0x5000;
	s11 =	simm.s32 @!p2 $0x80  }
0x166: {  	s7 =	simm.s32 @!p2 $0x5800;
	s13 =	sadd.s32 @!p2 $0x800, s10;
	s17 =	sadd.s32 @!p2 $0x880, s10  }
0x167: {  	[tilespmem:s12], [sflag:$0x1] =	stream.indirect.gather @!p2 [spmem:s1], $0x10, s13, s11, $0xb8;
	[tilespmem:$0x12000] =	vst v63  }
0x168: {  	s16 =	sadd.s32 @!p2 $0x980, s10;
	s12 =	sadd.s32 @!p2 $0x900, s10;
	s13 =	simm.s32 @!p2 $0x6000  }
0x169: {  	[tilespmem:s7], [sflag:$0x1] =	stream.indirect.gather @!p2 [spmem:s1], $0x10, s17, s11, $0xb8;
	[tilespmem:$0x12000] =	vst v63  }
0x16a: {  	s8 =	sadd.s32 @!p2 $0xA80, s10;
	s7 =	simm.s32 @!p2 $0x6800;
	s17 =	sadd.s32 @!p2 $0xA00, s10  }
0x16b: {  	[tilespmem:s13], [sflag:$0x1] =	stream.indirect.gather @!p2 [spmem:s1], $0x10, s12, s11, $0xb8;
	[tilespmem:$0x12000] =	vst v63  }
0x16c: {  	s12 =	simm.s32 @!p2 $0x7000;
	s13 =	sadd.s32 @!p2 $0xB00, s10;
	s10 =	sadd.s32 @!p2 $0xB80, s10  }
0x16d: {  	[tilespmem:s7], [sflag:$0x1] =	stream.indirect.gather @!p2 [spmem:s1], $0x10, s16, s11, $0xb8;
	[tilespmem:$0x12000] =	vst v63  }
0x16e: {  	s7 =	simm.s32 @!p2 $0x7800  }
0x16f: {  	[tilespmem:s12], [sflag:$0x1] =	stream.indirect.gather @!p2 [spmem:s1], $0x10, s17, s11, $0xb8;
	[tilespmem:$0x12000] =	vst v63  }
0x170: {  	s12 =	simm.s32 @!p2 $0x8000  }
0x171: {  	[tilespmem:s7], [sflag:$0x1] =	stream.indirect.gather @!p2 [spmem:s1], $0x10, s8, s11, $0xb8;
	[tilespmem:$0x12000] =	vst v63  }
0x172: {  	s7 =	simm.s32 @!p2 $0x8800  }
0x173: {  	[tilespmem:s12], [sflag:$0x1] =	stream.indirect.gather @!p2 [spmem:s1], $0x10, s13, s11, $0xb8;
	[tilespmem:$0x12000] =	vst v63  }
0x174: {  	_ = 	snop  }
0x175: {  	[tilespmem:s7], [sflag:$0x1] =	stream.indirect.gather @!p2 [spmem:s1], $0x10, s10, s11, $0xb8;
	[tilespmem:$0x12000] =	vst v63  }
0x176: {  	_ =	swait.ge [sflag:s6], $0x800  }
0x177: {  	[sflag:s6] =	ssyncset.done $0x0  }
0x178: {  	[sflag:s6] =	ssyncadd.s32 $0xFFFFF800  }
0x179: {  	_ =	swait.ge [sflag:s6], $0x800  }
0x17a: {  	[sflag:s6] =	ssyncset.done $0x0  }
0x17b: {  	[sflag:s6] =	ssyncadd.s32 $0xFFFFF800  }
0x17c: {  	_ =	swait.ge [sflag:s6], $0x800  }
0x17d: {  	[sflag:s6] =	ssyncset.done $0x0  }
0x17e: {  	[sflag:s6] =	ssyncadd.s32 $0xFFFFF800  }
0x17f: {  	_ =	swait.ge [sflag:s6], $0x800  }
0x180: {  	[sflag:s6] =	ssyncset.done $0x0  }
0x181: {  	[sflag:s6] =	ssyncadd.s32 $0xFFFFF800  }
0x182: {  	_ =	swait.ge [sflag:s6], $0x800  }
0x183: {  	[sflag:s6] =	ssyncset.done $0x0  }
0x184: {  	[sflag:s6] =	ssyncadd.s32 $0xFFFFF800  }
0x185: {  	_ =	swait.ge [sflag:s6], $0x800  }
0x186: {  	[sflag:s6] =	ssyncset.done $0x0  }
.Ltmp1:
0x187: {  	[sflag:s6] =	ssyncadd.s32 $0xFFFFF800;
	(pc) =	sbr.rel @p1 .LBB2_4-.Ltmp1, $4  }
0x188: {  	_ =	swait.ge [sflag:s6], $0x800  }
0x189: {  	[sflag:s6] =	ssyncset.done $0x0  }
0x18a: {  	[sflag:s6] =	ssyncadd.s32 $0xFFFFF800  }
0x18b: {  	_ =	swait.ge [sflag:s6], $0x800  }
0x18c: {  	[sflag:s6] =	ssyncset.done $0x0  }
0x18d: {  	[sflag:s6] =	ssyncadd.s32 $0xFFFFF800  }
0x18e: {  	[bflag:$0x0] =	sbarrier.arrive $0xFFFF  }
0x18f: {  	s8 =	rddreg [dreg:$0x8]  }
0x190: {  	s7 =	sshrl.u32 @!p0 s2, $0x3;
	s10 =	rddreg [dreg:$0xe]  }
0x191: {  	[hbm:s8], [sflag:s10] =	dma.local @!p0 [spmem:s7], $0x5000  }
0x192: {  	s7 =	simm.s32 @!p0 $0x3  }
0x193: {  	_ =	swait.ge @!p0 [sflag:s7], $0x5000  }
0x194: {  	s9 =	rddreg [dreg:$0x10]  }
0x195: {  	s17 =	rddreg [dreg:$0x9];
	s9 =	sadd.s32 $0x1, s9  }
0x196: {  	p1 =	sne.s32 s9, s17  }
.Ltmp2:
0x197: {  	_ = 	snop;
	(pc) =	sbr.rel @p1 .LBB2_1-.Ltmp2, $3  }
0x198: {  	_ =	sdelay $0x1  }
0x199: {  	[sflag:s7] =	ssyncset.done @!p0 $0x0  }
0x19a: {  	[sflag:s7] =	ssyncadd.s32 @!p0 $0xFFFFB000  }
0x19b: {  	_ =	sfence.sel $0x180000  }
0x19c: {  	[bflag:$0x0] =	sbarrier.arrive $0xFFFF  }
0x19d: {  	_ =	strace $0x9000004A  }
0x19e: {  	[bflag:$0x2] =	sbarrier.arrive $0xFFFF  }
0x19f: {  	s0 =	rddreg [dreg:$0x3]  }
0x1a0: {  	s0 =	sadd.s32 @!p0 $0x100000, s0  }
0x1a1: {  	[sflag:s0] =	ssyncadd.tile.s32 @!p0 $0x1;
	_ =	shalt  }
.Lfunc_end2:
_tile_overlayer_lowered:
.L_overlay_start_2:
0x1a2: {  	(tag) =	ssettag $0x2  }
0x1a3: {  	s0 =	rddreg [dreg:$0x0];
	s2 =	stileid.u32  }
0x1a4: {  	s1 =	rddreg [dreg:$0x1];
	p0 =	sne.s32 s2, $0x0  }
0x1a5: {  	s3 =	rddreg [dreg:$0x2];
	[bflag:$0x3] =	sbarrier.arrive $0xFFFF;
	s2 =	simm.s32 @!p0 $0x1C03  }
0x1a6: {  	[timem:s3], [sflag:s2] =	dma.local @!p0 [hbm:s0], s1  }
0x1a7: {  	s0 =	simm.s32 @!p0 $0x3  }
0x1a8: {  	_ =	swait.ge @!p0 [sflag:s0], s1  }
0x1a9: {  	s1 =	ssub.s32 @!p0 $0x0, s1;
	[sflag:s0] =	ssyncset.done @!p0 $0x0  }
0x1aa: {  	[sflag:s0] =	ssyncadd.s32 @!p0 s1  }
0x1ab: {  	[bflag:$0x3] =	sbarrier.arrive $0xFFFF  }
0x1ac: {  	_ =	shalt  }

// kernel: kernel.16.cloned.1.call-start
scs
__scs_entry_jumppad:
0x0: {  	(pc) =	sbr.rel $0x88, $3  }
0x1: {  	(tag) =	ssettag $0x0;
	lr =	simm.s32 $0x1  }
0x2: {  	[smem:$0x3F9B] =	sst lr;
	_ =	strace $0xD0000000  }
0x3: {  	_ = 	snop  }
0x4: {  	_ = 	snop  }
0x5: {  	_ = 	snop  }
0x6: {  	_ = 	snop  }
0x7: {  	_ = 	snop  }
__scs_overlays_trampoline_lowered:
0x8: {  	[smem:$0x3FAA] =	sst s0  }
0x9: {  	[smem:$0x3FAB] =	sst s1  }
0xa: {  	[smem:$0x3FAC] =	sst s2  }
0xb: {  	[smem:$0x3FAD] =	sst s3  }
0xc: {  	[smem:$0x3FAE] =	sst s4  }
0xd: {  	[smem:$0x3FAF] =	sst s5  }
0xe: {  	[smem:$0x3FB0] =	sst s6  }
0xf: {  	[smem:$0x3FB1] =	sst s7  }
0x10: {  	[smem:$0x3FB2] =	sst s8  }
0x11: {  	[smem:$0x3FB3] =	sst s9;
	s0 =	simm.s32 @!p0 $0x0  }
0x12: {  	s1 =	sld [smem:$0x3F99];
	s0 =	simm.s32 @p0 $0x1  }
0x13: {  	[smem:$0x3FB4] =	sst s0;
	s0 =	simm.s32 @!p1 $0x0  }
0x14: {  	s2 =	sld [smem:$0x3F98];
	s0 =	simm.s32 @p1 $0x1  }
0x15: {  	[smem:$0x3FB5] =	sst s0;
	s0 =	simm.s32 @!p2 $0x0  }
0x16: {  	s3 =	sld [smem:$0x3FDB];
	s0 =	simm.s32 @p2 $0x1  }
0x17: {  	s4 =	simm.s32 $0x1BF5;
	[smem:$0x3FB7] =	sst s0  }
0x18: {  	s0 =	sld [smem:$0x3F9A];
	_ =	swait.ge [sflag:s4], $0x0  }
0x19: {  	s7 =	sld [smem:$0x3F9B]  }
0x1a: {  	s8 =	sadd.s32 $0xFFFFE003, lr  }
0x1b: {  	s9 =	sadd.s32 $0xFFFFFEF7, lr;
	s5 =	simm.s32 $0xFFFFFFFF;
	p2 =	slt.u32 s8, $0xFFFFF086  }
0x1c: {  	p1 =	slt.u32 s9, $0xF7A;
	s5 =	simm.s32 @!p2 $0x0  }
0x1d: {  	s5 =	simm.s32 @p1 $0x1;
	p0 =	seq.s32 s7, s2  }
0x1e: {  	s7 =	smul.u32 @!p0 $0xF7A, s2;
	p2 =	seq.s32 @!p0 s5, $0x0  }
0x1f: {  	s9 =	smul.u32 $0xF7A, s1;
	s8 =	simm.s32 @!p0 $0x1BF5;
	p2 =	por !p2, p0  }
0x20: {  	[sflag:s8] =	ssyncset.s32 @!p0 $0xFFFFF086;
	s6 =	sadd.s32 @!p0 s3, s7;
	s7 =	simm.s32 @!p0 $0x108  }
0x21: {  	s3 =	sadd.s32 s3, s9;
	s6 =	sadd.s32 @!p0 $0x88, s6;
	s7 =	simm.s32 @p2 $0x1082  }
0x22: {  	[simem:s7], [sflag:s8] =	dma.local @!p0 [hbm:s6], $0xF7A  }
0x23: {  	s9 =	sor.u32 $0xD0000000, s2;
	s6 =	simm.s32 $0x108;
	_ =	swait.ge @!p0 [sflag:s8], $0x0  }
0x24: {  	s3 =	sadd.s32 $0x88, s3;
	s6 =	simm.s32 @!p1 $0x1082;
	[sflag:s4] =	ssyncset.s32 $0xFFFFF086  }
0x25: {  	[simem:s6], [sflag:s4] =	dma.local [hbm:s3], $0xF7A  }
0x26: {  	[smem:$0x3F9B] =	sst s1;
	(tag) =	ssettag s2;
	_ =	strace s9  }
0x27: {  	s1 =	sld [smem:$0x3FAB]  }
0x28: {  	s2 =	sld [smem:$0x3FAC]  }
0x29: {  	s4 =	sld [smem:$0x3FAE]  }
0x2a: {  	p0 =	seq.s32 s5, $0x0;
	s5 =	sld [smem:$0x3FAF]  }
0x2b: {  	s6 =	sld [smem:$0x3FB0]  }
0x2c: {  	s7 =	sld [smem:$0x3FB1]  }
0x2d: {  	s3 =	simm.s32 $0x108;
	s8 =	sld [smem:$0x3FB2]  }
0x2e: {  	s3 =	simm.s32 @!p0 $0x1082;
	s9 =	sld [smem:$0x3FB3]  }
0x2f: {  	lr =	sadd.s32 s0, s3;
	s0 =	sld [smem:$0x3FAA]  }
0x30: {  	s3 =	sld [smem:$0x3FAD]  }
0x31: {  	[smem:$0x3FB6] =	sst s10  }
0x32: {  	s10 =	sld [smem:$0x3FB4];
	_ =	sdelay $0x3  }
0x33: {  	p0 =	seq.s32 s10, $0x1;
	s10 =	sld [smem:$0x3FB6];
	_ =	sdelay $0x3  }
0x34: {  	[smem:$0x3FB6] =	sst s10  }
0x35: {  	s10 =	sld [smem:$0x3FB5];
	_ =	sdelay $0x3  }
0x36: {  	p1 =	seq.s32 s10, $0x1;
	s10 =	sld [smem:$0x3FB6];
	_ =	sdelay $0x3  }
0x37: {  	[smem:$0x3FB6] =	sst s10  }
0x38: {  	s10 =	sld [smem:$0x3FB7]  }
0x39: {  	_ = 	snop;
	(pc) =	sbr.ind lr, $3  }
0x3a: {  	_ = 	snop  }
0x3b: {  	_ = 	snop  }
0x3c: {  	p2 =	seq.s32 s10, $0x1;
	s10 =	sld [smem:$0x3FB6]  }
0x3d: {  	_ =	shalt  }
0x3e: {  	_ =	shalt  }
0x3f: {  	_ =	shalt  }
0x40: {  	_ =	shalt  }
0x41: {  	_ =	shalt  }
0x42: {  	_ =	shalt  }
0x43: {  	_ =	shalt  }
0x44: {  	_ =	shalt  }
0x45: {  	_ =	shalt  }
0x46: {  	_ =	shalt  }
0x47: {  	_ =	shalt  }
0x48: {  	_ =	shalt  }
0x49: {  	_ =	shalt  }
0x4a: {  	_ =	shalt  }
0x4b: {  	_ =	shalt  }
0x4c: {  	_ =	shalt  }
0x4d: {  	_ =	shalt  }
0x4e: {  	_ =	shalt  }
0x4f: {  	_ =	shalt  }
0x50: {  	_ =	shalt  }
0x51: {  	_ =	shalt  }
0x52: {  	_ =	shalt  }
0x53: {  	_ =	shalt  }
0x54: {  	_ =	shalt  }
0x55: {  	_ =	shalt  }
0x56: {  	_ =	shalt  }
0x57: {  	_ =	shalt  }
0x58: {  	_ =	shalt  }
0x59: {  	_ =	shalt  }
0x5a: {  	_ =	shalt  }
0x5b: {  	_ =	shalt  }
0x5c: {  	_ =	shalt  }
0x5d: {  	_ =	shalt  }
0x5e: {  	_ =	shalt  }
0x5f: {  	_ =	shalt  }
0x60: {  	_ =	shalt  }
0x61: {  	_ =	shalt  }
0x62: {  	_ =	shalt  }
0x63: {  	_ =	shalt  }
0x64: {  	_ =	shalt  }
0x65: {  	_ =	shalt  }
0x66: {  	_ =	shalt  }
0x67: {  	_ =	shalt  }
0x68: {  	_ =	shalt  }
0x69: {  	_ =	shalt  }
0x6a: {  	_ =	shalt  }
0x6b: {  	_ =	shalt  }
0x6c: {  	_ =	shalt  }
0x6d: {  	_ =	shalt  }
0x6e: {  	_ =	shalt  }
0x6f: {  	_ =	shalt  }
0x70: {  	_ =	shalt  }
0x71: {  	_ =	shalt  }
0x72: {  	_ =	shalt  }
0x73: {  	_ =	shalt  }
0x74: {  	_ =	shalt  }
0x75: {  	_ =	shalt  }
0x76: {  	_ =	shalt  }
0x77: {  	_ =	shalt  }
0x78: {  	_ =	shalt  }
0x79: {  	_ =	shalt  }
0x7a: {  	_ =	shalt  }
0x7b: {  	_ =	shalt  }
0x7c: {  	_ =	shalt  }
0x7d: {  	_ =	shalt  }
0x7e: {  	_ =	shalt  }
0x7f: {  	_ =	shalt  }
0x80: {  	_ =	shalt  }
0x81: {  	_ =	shalt  }
0x82: {  	_ =	shalt  }
0x83: {  	_ =	shalt  }
0x84: {  	_ =	shalt  }
0x85: {  	_ =	shalt  }
0x86: {  	_ =	shalt  }
0x87: {  	_ =	shalt  }
.Lfunc_end0:
.L_simem_size_0:
called_computation.2_lowered:
.L_overlay_start_0:
0x88: {  	s2 =	sld [smem:$0x3FD9]  }
0x89: {  	s3 =	sld [smem:$0x3FFE];
	_ =	sdelay $0x1  }
0x8a: {  	s1 =	srdreg.scid  }
0x8b: {  	s0 =	sand.u32 $0x1, s1  }
0x8c: {  	s16 =	sshll.u32 s0, $0xA;
	s2 =	sadd.s32 s3, s2  }
0x8d: {  	s2 =	sadd.s32 s2, s16  }
0x8e: {  	[smem:$0x3FC2] =	sst s2  }
0x8f: {  	_ = 	snop  }
0x90: {  	(tm) =	ssettm $0x1  }
0x91: {  	s17 =	sld [smem:$0x3FFB];
	_ =	sdelay $0x3  }
0x92: {  	_ =	strace s17  }
0x93: {  	s2 =	sld [smem:$0x3FFC];
	_ =	sdelay $0x3  }
0x94: {  	_ =	strace s2  }
0x95: {  	s2 =	sld [smem:$0x3FFD];
	_ =	sdelay $0x3  }
0x96: {  	_ =	strace s2  }
0x97: {  	_ =	strace $0x8FFFFFFF  }
0x98: {  	s18 =	sld [smem:$0x3FDB];
	_ =	sdelay $0x1  }
0x99: {  	s19 =	simm.s32 $_scs_section_size  }
0x9a: {  	s4 =	simm.s32 $_size__tile_overlayer_lowered;
	s5 =	simm.s32 $_tile_overlayer_lowered  }
0x9b: {  	s22 =	simm.s32 $0x1BFF;
	s21 =	sshll.u32 s5, $0x1;
	s2 =	sadd.s32 s19, s18  }
0x9c: {  	s6 =	simm.s32 $0x0;
	s20 =	sshll.u32 s4, $0x1;
	s4 =	sadd.s32 s21, s2  }
0x9d: {  	[timem:s6], [sflag:s22] =	dma.local [hbm:s4], s20  }
0x9e: {  	_ =	swait.ge [sflag:s22], s20  }
0x9f: {  	s3 =	ssub.s32 $0x0, s20;
	[sflag:s22] =	ssyncset.done $0x0  }
0xa0: {  	[sflag:s22] =	ssyncadd.s32 s3;
	_ =	sdelay $0x1  }
0xa1: {  	s23 =	simm.s32 $0x1B8B  }
0xa2: {  	_ =	swait.ge [sflag:s23], $0x1  }
0xa3: {  	[sflag:s23] =	ssyncset.done $0x0  }
0xa4: {  	s25 =	simm.s32 $0x1B8E;
	s24 =	sld [smem:$0x3FFE];
	[sflag:s23] =	ssyncadd.s32 $0xFFFFFFFF  }
0xa5: {  	s26 =	simm.s32 $execute0_lowered;
	[smem:$0x3FD2] =	sst s25  }
0xa6: {  	s4 =	sshll.u32 s26, $0x1;
	_ =	strace $0x8000004C;
	[dreg:$0x1] =	wrdreg $0xFFFFFFFF  }
0xa7: {  	s28 =	simm.s32 $_size_execute0_lowered;
	s2 =	sadd.s32 s2, s4;
	[dreg:$0x0] =	wrdreg $0x0  }
0xa8: {  	s4 =	sshll.u32 s28, $0x1;
	[dreg:$0x2] =	wrdreg s2  }
0xa9: {  	[dreg:$0x3] =	wrdreg s4  }
0xaa: {  	[dreg:$0x4] =	wrdreg $0xC0  }
0xab: {  	_ =	task [dreg:s6], $0x5FFFF  }
0xac: {  	[dreg:$0x1] =	wrdreg $0xFFFFFFFF  }
0xad: {  	[dreg:$0x0] =	wrdreg $0x60  }
0xae: {  	[dreg:$0x2] =	wrdreg s24  }
0xaf: {  	[dreg:$0x3] =	wrdreg $0xF8000  }
0xb0: {  	[dreg:$0x4] =	wrdreg $0xD0000  }
0xb1: {  	[dreg:$0x5] =	wrdreg $0x9  }
0xb2: {  	_ =	task.clear_ibuf [dreg:s6], $0x6FFFF;
	_ =	strace $0x9000004C  }
0xb3: {  	s29 =	simm.s32 $0x9;
	_ =	strace $0x8000004E  }
0xb4: {  	_ =	swait.ge [sflag:s29], $0x1  }
0xb5: {  	[sflag:s29] =	ssyncadd.s32 $0xFFFFFFFF  }
0xb6: {  	_ =	strace $0x9000004E  }
0xb7: {  	_ =	sfence  }
0xb8: {  	s30 =	sld [smem:$0x0];
	_ =	sdelay $0x2  }
0xb9: {  	s31 =	sshll.u32 s1, $0xD;
	s1 =	sshrl.u32 s1, $0x2  }
0xba: {  	s3 =	sand.u32 $0x4000, s31;
	s1 =	sadd.s32 s1, s30  }
0xbb: {  	s0 =	sor.u32 s3, s0;
	s1 =	sshll.u32 s1, $0x11  }
0xbc: {  	s0 =	sor.u32 s1, s0  }
0xbd: {  	s0 =	sadd.s32 $0x8F2B, s0  }
0xbe: {  	[sflag:s0] =	ssyncadd.remote.s32 $0x1  }
0xbf: {  	_ =	sfence.sel $0xFFFF  }
0xc0: {  	[dreg:$0x0] =	wrdreg $0xFFFFFFFF;
	(pc) =	sbr.abs _section_cstart, $3  }
0xc1: {  	[dreg:$0x1] =	wrdreg $0xFFFFFFFF  }
0xc2: {  	_ =	task.clear_ibuf [dreg:s6], $0x2FFFF;
	_ =	strace $0x9FFFFFFF  }
0xc3: {  	(tm) =	ssettm $0x7FFFFFFF  }
tec
execute0_lowered:
.L_overlay_start_1:
0x0: {  	(tag) =	ssettag $0x1  }
0x1: {  	s0 =	rddreg [dreg:$0x0]  }
0x2: {  	s1 =	rddreg [dreg:$0x1];
	s3 =	srdreg.scid  }
0x3: {  	s2 =	rddreg [dreg:$0x2];
	s4 =	stileid.u32  }
0x4: {  	s7 =	simm.s32 $0x0;
	s29 =	simm.s32 $0x7800;
	s31 =	simm.s32 $0x8000  }
0x5: {  	s28 =	simm.s32 $0xA000;
	s30 =	simm.s32 $0xA800;
	s6 =	smul.u32 $0x2800, s4  }
0x6: {  	s3 =	sand.u32 $0x1, s3;
	[smem:$0x7FF] =	sst s7;
	s9 =	smul.u32 $0xA000, s4  }
0x7: {  	s25 =	sshll.u32 s4, $0x6;
	p0 =	sne.s32 s4, $0x0;
	s5 =	sshll.u32 s3, $0x4  }
0x8: {  	_ =	strace $0x8000004D;
	s8 =	smul.u32 $0x5000, s3;
	s3 =	ssub.s32 $0x2, s3  }
0x9: {  	s10 =	sor.u32 $0x1C03, s25;
	s25 =	simm.s32 $0x9800;
	s5 =	sor.u32 s4, s5  }
0xa: {  	s14 =	sshrl.u32 s6, $0x3;
	s15 =	sshrl.u32 s3, $0x1;
	s17 =	sadd.s32 s6, s1  }
0xb: {  	s19 =	sshrl.u32 s9, $0x2;
	s4 =	simm.s32 $0xC000;
	s9 =	simm.s32 $0x0  }
0xc: {  	[dreg:$0xe] =	wrdreg s10;
	s5 =	smul.u32 $0x500, s5;
	s7 =	sadd.s32 s14, s0  }
0xd: {  	s3 =	ssub.s32 s3, s15;
	s6 =	sadd.s32 s19, s2;
	s14 =	simm.s32 $0x3  }
0xe: {  	s26 =	sshrl.u32 s17, $0x3;
	s19 =	simm.s32 $0x80;
	[dreg:$0x7] =	wrdreg s6  }
0xf: {  	s15 =	simm.s32 $0x8800;
	s18 =	sadd.s32 $0xB800, s7;
	[dreg:$0xf] =	wrdreg s26  }
0x10: {  	s20 =	smax.u32 s3, $0x1;
	s21 =	sadd.s32 $0x800, s6;
	[dreg:$0x6] =	wrdreg s18  }
0x11: {  	s22 =	sadd.s32 $0x1000, s6;
	s23 =	sadd.s32 $0x1800, s6;
	[dreg:$0x9] =	wrdreg s20  }
0x12: {  	s24 =	sadd.s32 $0x2000, s6;
	s26 =	simm.s32 $0x7000;
	[dreg:$0xa] =	wrdreg s21  }
0x13: {  	s3 =	simm.s32 $0xB800;
	s6 =	simm.s32 $0x2;
	[dreg:$0xb] =	wrdreg s22  }
0x14: {  	s5 =	sadd.s32 s5, s0;
	s0 =	sadd.s32 s8, s0;
	[dreg:$0xc] =	wrdreg s23  }
0x15: {  	[dreg:$0xd] =	wrdreg s24;
	s18 =	simm.s32 $0x5000;
	s20 =	simm.s32 $0x5800  }
0x16: {  	s22 =	simm.s32 $0x6000;
	s24 =	simm.s32 $0x6800;
	s16 =	sadd.s32 $0x15800, s5  }
0x17: {  	s21 =	simm.s32 $0x1;
	s5 =	sadd.s32 $0x1800, s5;
	[dreg:$0x4] =	wrdreg s16  }
0x18: {  	s23 =	simm.s32 $0x9000;
	s0 =	sadd.s32 $0x1F800, s0;
	[dreg:$0x5] =	wrdreg s5  }
0x19: {  	v0 =	vimm.f32 $0.0e+00;
	[dreg:$0x8] =	wrdreg s0;
	s0 =	simm.s32 $0xB000;
	s5 =	simm.s32 $0xC800  }
.LBB2_1:
0x1a: {  	[dreg:$0x10] =	wrdreg s9  }
0x1b: {  	s7 =	simm.s32 $0x0;
	s8 =	rddreg [dreg:$0x4]  }
0x1c: {  	[tilespmem:s7], [sflag:$0x3] =	stream.linear.gather [hbm4b:s8+s7], $0x2800, $0x38;
	[tilespmem:$0x12000] =	vst v63  }
0x1d: {  	_ =	swait.ge [sflag:s14], $0x2800  }
0x1e: {  	[sflag:s14] =	ssyncset.done $0x0  }
0x1f: {  	s13 =	simm.s32 $0x2800;
	s12 =	rddreg [dreg:$0x5];
	[sflag:s14] =	ssyncadd.s32 $0xFFFFD800  }
0x20: {  	[tilespmem:s13], [sflag:$0x3] =	stream.linear.gather [hbm4b:s12+s7], $0x2800, $0x38;
	[tilespmem:$0x12000] =	vst v63  }
0x21: {  	_ =	swait.ge [sflag:s14], $0x2800  }
0x22: {  	[sflag:s14] =	ssyncset.done $0x0;
	s16 =	rddreg [dreg:$0x6]  }
0x23: {  	s17 =	rddreg [dreg:$0xf];
	[sflag:s14] =	ssyncadd.s32 $0xFFFFD800  }
0x24: {  	[spmem:s17], [sflag:s10] =	dma.local [hbm:s16], $0x500  }
0x25: {  	_ =	swait.ge [sflag:s14], $0x500  }
0x26: {  	[sflag:s14] =	ssyncset.done $0x0  }
0x27: {  	s9 =	simm.s32 $0x40;
	s10 =	simm.s32 $0x0;
	[sflag:s14] =	ssyncadd.s32 $0xFFFFFB00  }
.LBB2_2:
0x28: {  	p1 =	sne.s32 s9, $0x1FC0;
	[tilespmem:s10+$0x5000] =	vst v0;
	s10 =	smov.u32 s9;
	s9 =	sadd.s32 $0x40, s9  }
.Ltmp0:
0x29: {  	(pc) =	sbr.rel @p1 .LBB2_2-.Ltmp0, $2  }
0x2a: {  	_ =	sdelay $0x2  }
0x2b: {  	s10 =	sshra.s32 s10, $0x2  }
0x2c: {  	[tilespmem:s10+$0x5000] =	vst v0;
	s7 =	rddreg [dreg:$0x7]  }
0x2d: {  	[spmem:s7] =	stream.linear.scatter [tilespmem:s18], [sflag:$0x3], $0x800, $0x38;
	[tilespmem:$0x12000] =	vst v63  }
0x2e: {  	_ =	swait.ge [sflag:s14], $0x800  }
0x2f: {  	[sflag:s14] =	ssyncset.done $0x0  }
0x30: {  	s16 =	rddreg [dreg:$0xa];
	[sflag:s14] =	ssyncadd.s32 $0xFFFFF800  }
0x31: {  	[spmem:s16] =	stream.linear.scatter [tilespmem:s18], [sflag:$0x3], $0x800, $0x38;
	[tilespmem:$0x12000] =	vst v63  }
0x32: {  	_ =	swait.ge [sflag:s14], $0x800  }
0x33: {  	[sflag:s14] =	ssyncset.done $0x0  }
0x34: {  	s17 =	rddreg [dreg:$0xb];
	[sflag:s14] =	ssyncadd.s32 $0xFFFFF800  }
0x35: {  	[spmem:s17] =	stream.linear.scatter [tilespmem:s18], [sflag:$0x3], $0x800, $0x38;
	[tilespmem:$0x12000] =	vst v63  }
0x36: {  	_ =	swait.ge [sflag:s14], $0x800  }
0x37: {  	[sflag:s14] =	ssyncset.done $0x0  }
0x38: {  	s8 =	rddreg [dreg:$0xc];
	[sflag:s14] =	ssyncadd.s32 $0xFFFFF800  }
0x39: {  	[spmem:s8] =	stream.linear.scatter [tilespmem:s18], [sflag:$0x3], $0x800, $0x38;
	[tilespmem:$0x12000] =	vst v63  }
0x3a: {  	_ =	swait.ge [sflag:s14], $0x800  }
0x3b: {  	[sflag:s14] =	ssyncset.done $0x0  }
0x3c: {  	s9 =	rddreg [dreg:$0xd];
	[sflag:s14] =	ssyncadd.s32 $0xFFFFF800  }
0x3d: {  	[spmem:s9] =	stream.linear.scatter [tilespmem:s18], [sflag:$0x3], $0x800, $0x38;
	[tilespmem:$0x12000] =	vst v63  }
0x3e: {  	_ =	swait.ge [sflag:s14], $0x800  }
0x3f: {  	[sflag:s14] =	ssyncset.done $0x0  }
0x40: {  	[sflag:s14] =	ssyncadd.s32 $0xFFFFF800  }
0x41: {  	s9 =	simm.s32 $0x0;
	[bflag:$0x0] =	sbarrier.arrive $0xFFFF  }
0x42: {  	[tilespmem:s18], [sflag:$0x1] =	stream.indirect.gather [spmem:s1], $0x10, s9, s19, $0xb8;
	[tilespmem:$0x12000] =	vst v63  }
0x43: {  	_ = 	snop  }
0x44: {  	[tilespmem:s20], [sflag:$0x1] =	stream.indirect.gather [spmem:s1], $0x10, s19, s19, $0xb8;
	[tilespmem:$0x12000] =	vst v63  }
0x45: {  	s10 =	simm.s32 $0x100  }
0x46: {  	[tilespmem:s22], [sflag:$0x1] =	stream.indirect.gather [spmem:s1], $0x10, s10, s19, $0xb8;
	[tilespmem:$0x12000] =	vst v63  }
0x47: {  	s11 =	simm.s32 $0x180  }
0x48: {  	[tilespmem:s24], [sflag:$0x1] =	stream.indirect.gather [spmem:s1], $0x10, s11, s19, $0xb8;
	[tilespmem:$0x12000] =	vst v63  }
0x49: {  	s12 =	simm.s32 $0x200  }
0x4a: {  	[tilespmem:s26], [sflag:$0x1] =	stream.indirect.gather [spmem:s1], $0x10, s12, s19, $0xb8;
	[tilespmem:$0x12000] =	vst v63  }
0x4b: {  	s13 =	simm.s32 $0x280  }
0x4c: {  	[tilespmem:s29], [sflag:$0x1] =	stream.indirect.gather [spmem:s1], $0x10, s13, s19, $0xb8;
	[tilespmem:$0x12000] =	vst v63  }
0x4d: {  	s16 =	simm.s32 $0x300  }
0x4e: {  	[tilespmem:s31], [sflag:$0x1] =	stream.indirect.gather [spmem:s1], $0x10, s16, s19, $0xb8;
	[tilespmem:$0x12000] =	vst v63  }
0x4f: {  	s17 =	simm.s32 $0x380  }
0x50: {  	[tilespmem:s15], [sflag:$0x1] =	stream.indirect.gather [spmem:s1], $0x10, s17, s19, $0xb8;
	[tilespmem:$0x12000] =	vst v63  }
0x51: {  	_ =	swait.ge [sflag:s21], $0x800  }
0x52: {  	[sflag:s21] =	ssyncset.done $0x0  }
0x53: {  	[sflag:s21] =	ssyncadd.s32 $0xFFFFF800  }
0x54: {  	_ =	swait.ge [sflag:s21], $0x800  }
0x55: {  	[sflag:s21] =	ssyncset.done $0x0  }
0x56: {  	[sflag:s21] =	ssyncadd.s32 $0xFFFFF800  }
0x57: {  	_ =	swait.ge [sflag:s21], $0x800  }
0x58: {  	[sflag:s21] =	ssyncset.done $0x0  }
0x59: {  	[sflag:s21] =	ssyncadd.s32 $0xFFFFF800  }
0x5a: {  	_ =	swait.ge [sflag:s21], $0x800  }
0x5b: {  	[sflag:s21] =	ssyncset.done $0x0  }
0x5c: {  	[sflag:s21] =	ssyncadd.s32 $0xFFFFF800  }
0x5d: {  	_ =	swait.ge [sflag:s21], $0x800  }
0x5e: {  	[sflag:s21] =	ssyncset.done $0x0  }
0x5f: {  	[sflag:s21] =	ssyncadd.s32 $0xFFFFF800  }
0x60: {  	_ =	swait.ge [sflag:s21], $0x800  }
0x61: {  	[sflag:s21] =	ssyncset.done $0x0  }
0x62: {  	[sflag:s21] =	ssyncadd.s32 $0xFFFFF800  }
0x63: {  	_ =	swait.ge [sflag:s21], $0x800  }
0x64: {  	[sflag:s21] =	ssyncset.done $0x0  }
0x65: {  	[sflag:s21] =	ssyncadd.s32 $0xFFFFF800  }
0x66: {  	_ =	swait.ge [sflag:s21], $0x800  }
0x67: {  	[sflag:s21] =	ssyncset.done $0x0  }
0x68: {  	s7 =	simm.s32 $0x2800;
	[sflag:s21] =	ssyncadd.s32 $0xFFFFF800  }
0x69: {  	[spmem:s2] =	stream.indirect.scatter.add.f32 [tilespmem:s18], [sflag:$0x2], $0x10, s7, s19, $0xb8;
	[tilespmem:$0x12000] =	vst v63  }
0x6a: {  	s8 =	simm.s32 $0x2880  }
0x6b: {  	[spmem:s2] =	stream.indirect.scatter.add.f32 [tilespmem:s20], [sflag:$0x2], $0x10, s8, s19, $0xb8;
	[tilespmem:$0x12000] =	vst v63  }
0x6c: {  	s10 =	simm.s32 $0x2900  }
0x6d: {  	[spmem:s2] =	stream.indirect.scatter.add.f32 [tilespmem:s22], [sflag:$0x2], $0x10, s10, s19, $0xb8;
	[tilespmem:$0x12000] =	vst v63  }
0x6e: {  	s11 =	simm.s32 $0x2980  }
0x6f: {  	[spmem:s2] =	stream.indirect.scatter.add.f32 [tilespmem:s24], [sflag:$0x2], $0x10, s11, s19, $0xb8;
	[tilespmem:$0x12000] =	vst v63  }
0x70: {  	s12 =	simm.s32 $0x2A00  }
0x71: {  	[spmem:s2] =	stream.indirect.scatter.add.f32 [tilespmem:s26], [sflag:$0x2], $0x10, s12, s19, $0xb8;
	[tilespmem:$0x12000] =	vst v63  }
0x72: {  	s13 =	simm.s32 $0x2A80  }
0x73: {  	[spmem:s2] =	stream.indirect.scatter.add.f32 [tilespmem:s29], [sflag:$0x2], $0x10, s13, s19, $0xb8;
	[tilespmem:$0x12000] =	vst v63  }
0x74: {  	s16 =	simm.s32 $0x2B00  }
0x75: {  	[spmem:s2] =	stream.indirect.scatter.add.f32 [tilespmem:s31], [sflag:$0x2], $0x10, s16, s19, $0xb8;
	[tilespmem:$0x12000] =	vst v63  }
0x76: {  	s17 =	simm.s32 $0x2B80  }
0x77: {  	[spmem:s2] =	stream.indirect.scatter.add.f32 [tilespmem:s15], [sflag:$0x2], $0x10, s17, s19, $0xb8;
	[tilespmem:$0x12000] =	vst v63  }
0x78: {  	s7 =	simm.s32 $0x400  }
0x79: {  	[tilespmem:s23], [sflag:$0x1] =	stream.indirect.gather [spmem:s1], $0x10, s7, s19, $0xb8;
	[tilespmem:$0x12000] =	vst v63  }
0x7a: {  	s8 =	simm.s32 $0x480  }
0x7b: {  	[tilespmem:s25], [sflag:$0x1] =	stream.indirect.gather [spmem:s1], $0x10, s8, s19, $0xb8;
	[tilespmem:$0x12000] =	vst v63  }
0x7c: {  	s10 =	simm.s32 $0x500  }
0x7d: {  	[tilespmem:s28], [sflag:$0x1] =	stream.indirect.gather [spmem:s1], $0x10, s10, s19, $0xb8;
	[tilespmem:$0x12000] =	vst v63  }
0x7e: {  	s11 =	simm.s32 $0x580  }
0x7f: {  	[tilespmem:s30], [sflag:$0x1] =	stream.indirect.gather [spmem:s1], $0x10, s11, s19, $0xb8;
	[tilespmem:$0x12000] =	vst v63  }
0x80: {  	s12 =	simm.s32 $0x600  }
0x81: {  	[tilespmem:s0], [sflag:$0x1] =	stream.indirect.gather [spmem:s1], $0x10, s12, s19, $0xb8;
	[tilespmem:$0x12000] =	vst v63  }
0x82: {  	s13 =	simm.s32 $0x680  }
0x83: {  	[tilespmem:s3], [sflag:$0x1] =	stream.indirect.gather [spmem:s1], $0x10, s13, s19, $0xb8;
	[tilespmem:$0x12000] =	vst v63  }
0x84: {  	s16 =	simm.s32 $0x700  }
0x85: {  	[tilespmem:s4], [sflag:$0x1] =	stream.indirect.gather [spmem:s1], $0x10, s16, s19, $0xb8;
	[tilespmem:$0x12000] =	vst v63  }
0x86: {  	s17 =	simm.s32 $0x780  }
0x87: {  	[tilespmem:s5], [sflag:$0x1] =	stream.indirect.gather [spmem:s1], $0x10, s17, s19, $0xb8;
	[tilespmem:$0x12000] =	vst v63  }
0x88: {  	_ =	swait.ge [sflag:s6], $0x800  }
0x89: {  	[sflag:s6] =	ssyncset.done $0x0  }
0x8a: {  	[sflag:s6] =	ssyncadd.s32 $0xFFFFF800  }
0x8b: {  	_ =	swait.ge [sflag:s6], $0x800  }
0x8c: {  	[sflag:s6] =	ssyncset.done $0x0  }
0x8d: {  	[sflag:s6] =	ssyncadd.s32 $0xFFFFF800  }
0x8e: {  	_ =	swait.ge [sflag:s6], $0x800  }
0x8f: {  	[sflag:s6] =	ssyncset.done $0x0  }
0x90: {  	[sflag:s6] =	ssyncadd.s32 $0xFFFFF800  }
0x91: {  	_ =	swait.ge [sflag:s6], $0x800  }
0x92: {  	[sflag:s6] =	ssyncset.done $0x0  }
0x93: {  	[sflag:s6] =	ssyncadd.s32 $0xFFFFF800  }
0x94: {  	_ =	swait.ge [sflag:s6], $0x800  }
0x95: {  	[sflag:s6] =	ssyncset.done $0x0  }
0x96: {  	[sflag:s6] =	ssyncadd.s32 $0xFFFFF800  }
0x97: {  	_ =	swait.ge [sflag:s6], $0x800  }
0x98: {  	[sflag:s6] =	ssyncset.done $0x0  }
0x99: {  	[sflag:s6] =	ssyncadd.s32 $0xFFFFF800  }
0x9a: {  	_ =	swait.ge [sflag:s6], $0x800  }
0x9b: {  	[sflag:s6] =	ssyncset.done $0x0  }
0x9c: {  	[sflag:s6] =	ssyncadd.s32 $0xFFFFF800  }
0x9d: {  	_ =	swait.ge [sflag:s6], $0x800  }
0x9e: {  	[sflag:s6] =	ssyncset.done $0x0  }
0x9f: {  	[sflag:s6] =	ssyncadd.s32 $0xFFFFF800  }
0xa0: {  	_ =	swait.ge [sflag:s21], $0x800  }
0xa1: {  	[sflag:s21] =	ssyncset.done $0x0  }
0xa2: {  	[sflag:s21] =	ssyncadd.s32 $0xFFFFF800  }
0xa3: {  	_ =	swait.ge [sflag:s21], $0x800  }
0xa4: {  	[sflag:s21] =	ssyncset.done $0x0  }
0xa5: {  	[sflag:s21] =	ssyncadd.s32 $0xFFFFF800  }
0xa6: {  	_ =	swait.ge [sflag:s21], $0x800  }
0xa7: {  	[sflag:s21] =	ssyncset.done $0x0  }
0xa8: {  	[sflag:s21] =	ssyncadd.s32 $0xFFFFF800  }
0xa9: {  	_ =	swait.ge [sflag:s21], $0x800  }
0xaa: {  	[sflag:s21] =	ssyncset.done $0x0  }
0xab: {  	[sflag:s21] =	ssyncadd.s32 $0xFFFFF800  }
0xac: {  	_ =	swait.ge [sflag:s21], $0x800  }
0xad: {  	[sflag:s21] =	ssyncset.done $0x0  }
0xae: {  	[sflag:s21] =	ssyncadd.s32 $0xFFFFF800  }
0xaf: {  	_ =	swait.ge [sflag:s21], $0x800  }
0xb0: {  	[sflag:s21] =	ssyncset.done $0x0  }
0xb1: {  	[sflag:s21] =	ssyncadd.s32 $0xFFFFF800  }
0xb2: {  	_ =	swait.ge [sflag:s21], $0x800  }
0xb3: {  	[sflag:s21] =	ssyncset.done $0x0  }
0xb4: {  	[sflag:s21] =	ssyncadd.s32 $0xFFFFF800  }
0xb5: {  	_ =	swait.ge [sflag:s21], $0x800  }
0xb6: {  	[sflag:s21] =	ssyncset.done $0x0  }
0xb7: {  	s7 =	simm.s32 $0x2C00;
	[sflag:s21] =	ssyncadd.s32 $0xFFFFF800  }
0xb8: {  	[spmem:s2] =	stream.indirect.scatter.add.f32 [tilespmem:s23], [sflag:$0x2], $0x10, s7, s19, $0xb8;
	[tilespmem:$0x12000] =	vst v63  }
0xb9: {  	s8 =	simm.s32 $0x2C80  }
0xba: {  	[spmem:s2] =	stream.indirect.scatter.add.f32 [tilespmem:s25], [sflag:$0x2], $0x10, s8, s19, $0xb8;
	[tilespmem:$0x12000] =	vst v63  }
0xbb: {  	s10 =	simm.s32 $0x2D00  }
0xbc: {  	[spmem:s2] =	stream.indirect.scatter.add.f32 [tilespmem:s28], [sflag:$0x2], $0x10, s10, s19, $0xb8;
	[tilespmem:$0x12000] =	vst v63  }
0xbd: {  	s11 =	simm.s32 $0x2D80  }
0xbe: {  	[spmem:s2] =	stream.indirect.scatter.add.f32 [tilespmem:s30], [sflag:$0x2], $0x10, s11, s19, $0xb8;
	[tilespmem:$0x12000] =	vst v63  }
0xbf: {  	s12 =	simm.s32 $0x2E00  }
0xc0: {  	[spmem:s2] =	stream.indirect.scatter.add.f32 [tilespmem:s0], [sflag:$0x2], $0x10, s12, s19, $0xb8;
	[tilespmem:$0x12000] =	vst v63  }
0xc1: {  	s13 =	simm.s32 $0x2E80  }
0xc2: {  	[spmem:s2] =	stream.indirect.scatter.add.f32 [tilespmem:s3], [sflag:$0x2], $0x10, s13, s19, $0xb8;
	[tilespmem:$0x12000] =	vst v63  }
0xc3: {  	s16 =	simm.s32 $0x2F00  }
0xc4: {  	[spmem:s2] =	stream.indirect.scatter.add.f32 [tilespmem:s4], [sflag:$0x2], $0x10, s16, s19, $0xb8;
	[tilespmem:$0x12000] =	vst v63  }
0xc5: {  	p1 =	por $0x0, $0x0;
	s17 =	simm.s32 $0x2F80  }
0xc6: {  	[spmem:s2] =	stream.indirect.scatter.add.f32 [tilespmem:s5], [sflag:$0x2], $0x10, s17, s19, $0xb8;
	[tilespmem:$0x12000] =	vst v63  }
0xc7: {  	s9 =	simm.s32 @!p1 $0x80;
	s10 =	simm.s32 @!p1 $0x5000;
	s11 =	simm.s32 @!p1 $0x800  }
0xc8: {  	[tilespmem:s10], [sflag:$0x1] =	stream.indirect.gather @!p1 [spmem:s1], $0x10, s11, s9, $0xb8;
	[tilespmem:$0x12000] =	vst v63  }
0xc9: {  	s10 =	simm.s32 @!p1 $0x880;
	s11 =	simm.s32 @!p1 $0x5800  }
0xca: {  	[tilespmem:s11], [sflag:$0x1] =	stream.indirect.gather @!p1 [spmem:s1], $0x10, s10, s9, $0xb8;
	[tilespmem:$0x12000] =	vst v63  }
0xcb: {  	s10 =	simm.s32 @!p1 $0x900;
	s11 =	simm.s32 @!p1 $0x6000  }
0xcc: {  	[tilespmem:s11], [sflag:$0x1] =	stream.indirect.gather @!p1 [spmem:s1], $0x10, s10, s9, $0xb8;
	[tilespmem:$0x12000] =	vst v63  }
0xcd: {  	s10 =	simm.s32 @!p1 $0x980;
	s11 =	simm.s32 @!p1 $0x6800  }
0xce: {  	[tilespmem:s11], [sflag:$0x1] =	stream.indirect.gather @!p1 [spmem:s1], $0x10, s10, s9, $0xb8;
	[tilespmem:$0x12000] =	vst v63  }
0xcf: {  	s10 =	simm.s32 @!p1 $0xA00;
	s11 =	simm.s32 @!p1 $0x7000  }
0xd0: {  	[tilespmem:s11], [sflag:$0x1] =	stream.indirect.gather @!p1 [spmem:s1], $0x10, s10, s9, $0xb8;
	[tilespmem:$0x12000] =	vst v63  }
0xd1: {  	s10 =	simm.s32 @!p1 $0xA80;
	s11 =	simm.s32 @!p1 $0x7800  }
0xd2: {  	[tilespmem:s11], [sflag:$0x1] =	stream.indirect.gather @!p1 [spmem:s1], $0x10, s10, s9, $0xb8;
	[tilespmem:$0x12000] =	vst v63  }
0xd3: {  	s10 =	simm.s32 @!p1 $0xB00;
	s11 =	simm.s32 @!p1 $0x8000  }
0xd4: {  	[tilespmem:s11], [sflag:$0x1] =	stream.indirect.gather @!p1 [spmem:s1], $0x10, s10, s9, $0xb8;
	[tilespmem:$0x12000] =	vst v63  }
0xd5: {  	s10 =	simm.s32 @!p1 $0xB80;
	s11 =	simm.s32 @!p1 $0x8800  }
0xd6: {  	[tilespmem:s11], [sflag:$0x1] =	stream.indirect.gather @!p1 [spmem:s1], $0x10, s10, s9, $0xb8;
	[tilespmem:$0x12000] =	vst v63  }
0xd7: {  	_ =	swait.ge [sflag:s6], $0x800  }
0xd8: {  	[sflag:s6] =	ssyncset.done $0x0  }
0xd9: {  	[sflag:s6] =	ssyncadd.s32 $0xFFFFF800  }
0xda: {  	_ =	swait.ge [sflag:s6], $0x800  }
0xdb: {  	[sflag:s6] =	ssyncset.done $0x0  }
0xdc: {  	[sflag:s6] =	ssyncadd.s32 $0xFFFFF800  }
0xdd: {  	_ =	swait.ge [sflag:s6], $0x800  }
0xde: {  	[sflag:s6] =	ssyncset.done $0x0  }
0xdf: {  	[sflag:s6] =	ssyncadd.s32 $0xFFFFF800  }
0xe0: {  	_ =	swait.ge [sflag:s6], $0x800  }
0xe1: {  	[sflag:s6] =	ssyncset.done $0x0  }
0xe2: {  	[sflag:s6] =	ssyncadd.s32 $0xFFFFF800  }
0xe3: {  	_ =	swait.ge [sflag:s6], $0x800  }
0xe4: {  	[sflag:s6] =	ssyncset.done $0x0  }
0xe5: {  	[sflag:s6] =	ssyncadd.s32 $0xFFFFF800  }
0xe6: {  	_ =	swait.ge [sflag:s6], $0x800  }
0xe7: {  	[sflag:s6] =	ssyncset.done $0x0  }
0xe8: {  	[sflag:s6] =	ssyncadd.s32 $0xFFFFF800  }
0xe9: {  	_ =	swait.ge [sflag:s6], $0x800  }
0xea: {  	[sflag:s6] =	ssyncset.done $0x0  }
0xeb: {  	[sflag:s6] =	ssyncadd.s32 $0xFFFFF800  }
0xec: {  	s9 =	simm.s32 $0x2000;
	_ =	swait.ge [sflag:s6], $0x800  }
.LBB2_4:
0xed: {  	[sflag:s6] =	ssyncset.done $0x0;
	s10 =	smov.u32 s9;
	s9 =	sadd.s32 $0x2000, s9  }
0xee: {  	p1 =	sne.s32 s9, $0xA000;
	[sflag:s6] =	ssyncadd.s32 $0xFFFFF800  }
0xef: {  	_ =	swait.ge [sflag:s21], $0x800  }
0xf0: {  	[sflag:s21] =	ssyncset.done $0x0  }
0xf1: {  	[sflag:s21] =	ssyncadd.s32 $0xFFFFF800  }
0xf2: {  	_ =	swait.ge [sflag:s21], $0x800  }
0xf3: {  	[sflag:s21] =	ssyncset.done $0x0  }
0xf4: {  	[sflag:s21] =	ssyncadd.s32 $0xFFFFF800  }
0xf5: {  	_ =	swait.ge [sflag:s21], $0x800  }
0xf6: {  	[sflag:s21] =	ssyncset.done $0x0  }
0xf7: {  	[sflag:s21] =	ssyncadd.s32 $0xFFFFF800  }
0xf8: {  	_ =	swait.ge [sflag:s21], $0x800  }
0xf9: {  	[sflag:s21] =	ssyncset.done $0x0  }
0xfa: {  	[sflag:s21] =	ssyncadd.s32 $0xFFFFF800  }
0xfb: {  	_ =	swait.ge [sflag:s21], $0x800  }
0xfc: {  	[sflag:s21] =	ssyncset.done $0x0  }
0xfd: {  	[sflag:s21] =	ssyncadd.s32 $0xFFFFF800  }
0xfe: {  	_ =	swait.ge [sflag:s21], $0x800  }
0xff: {  	[sflag:s21] =	ssyncset.done $0x0  }
0x100: {  	[sflag:s21] =	ssyncadd.s32 $0xFFFFF800  }
0x101: {  	_ =	swait.ge [sflag:s21], $0x800  }
0x102: {  	[sflag:s21] =	ssyncset.done $0x0  }
0x103: {  	[sflag:s21] =	ssyncadd.s32 $0xFFFFF800  }
0x104: {  	_ =	swait.ge [sflag:s21], $0x800  }
0x105: {  	s11 =	sshra.s32 s10, $0x2;
	[sflag:s21] =	ssyncset.done $0x0  }
0x106: {  	s12 =	sadd.s32 $0x2800, s11;
	[sflag:s21] =	ssyncadd.s32 $0xFFFFF800  }
0x107: {  	[spmem:s2] =	stream.indirect.scatter.add.f32 [tilespmem:s18], [sflag:$0x2], $0x10, s12, s19, $0xb8;
	[tilespmem:$0x12000] =	vst v63  }
0x108: {  	s12 =	sadd.s32 $0x2880, s11  }
0x109: {  	[spmem:s2] =	stream.indirect.scatter.add.f32 [tilespmem:s20], [sflag:$0x2], $0x10, s12, s19, $0xb8;
	[tilespmem:$0x12000] =	vst v63  }
0x10a: {  	s12 =	sadd.s32 $0x2900, s11  }
0x10b: {  	[spmem:s2] =	stream.indirect.scatter.add.f32 [tilespmem:s22], [sflag:$0x2], $0x10, s12, s19, $0xb8;
	[tilespmem:$0x12000] =	vst v63  }
0x10c: {  	s12 =	sadd.s32 $0x2980, s11  }
0x10d: {  	[spmem:s2] =	stream.indirect.scatter.add.f32 [tilespmem:s24], [sflag:$0x2], $0x10, s12, s19, $0xb8;
	[tilespmem:$0x12000] =	vst v63  }
0x10e: {  	s12 =	sadd.s32 $0x2A00, s11  }
0x10f: {  	[spmem:s2] =	stream.indirect.scatter.add.f32 [tilespmem:s26], [sflag:$0x2], $0x10, s12, s19, $0xb8;
	[tilespmem:$0x12000] =	vst v63  }
0x110: {  	s12 =	sadd.s32 $0x2A80, s11  }
0x111: {  	[spmem:s2] =	stream.indirect.scatter.add.f32 [tilespmem:s29], [sflag:$0x2], $0x10, s12, s19, $0xb8;
	[tilespmem:$0x12000] =	vst v63  }
0x112: {  	s12 =	sadd.s32 $0x2B00, s11  }
0x113: {  	[spmem:s2] =	stream.indirect.scatter.add.f32 [tilespmem:s31], [sflag:$0x2], $0x10, s12, s19, $0xb8;
	[tilespmem:$0x12000] =	vst v63  }
0x114: {  	s12 =	sadd.s32 $0x2B80, s11  }
0x115: {  	[spmem:s2] =	stream.indirect.scatter.add.f32 [tilespmem:s15], [sflag:$0x2], $0x10, s12, s19, $0xb8;
	[tilespmem:$0x12000] =	vst v63  }
0x116: {  	s12 =	sadd.s32 $0x400, s11  }
0x117: {  	[tilespmem:s23], [sflag:$0x1] =	stream.indirect.gather [spmem:s1], $0x10, s12, s19, $0xb8;
	[tilespmem:$0x12000] =	vst v63  }
0x118: {  	s12 =	sadd.s32 $0x480, s11  }
0x119: {  	[tilespmem:s25], [sflag:$0x1] =	stream.indirect.gather [spmem:s1], $0x10, s12, s19, $0xb8;
	[tilespmem:$0x12000] =	vst v63  }
0x11a: {  	s12 =	sadd.s32 $0x500, s11  }
0x11b: {  	[tilespmem:s28], [sflag:$0x1] =	stream.indirect.gather [spmem:s1], $0x10, s12, s19, $0xb8;
	[tilespmem:$0x12000] =	vst v63  }
0x11c: {  	s12 =	sadd.s32 $0x580, s11  }
0x11d: {  	[tilespmem:s30], [sflag:$0x1] =	stream.indirect.gather [spmem:s1], $0x10, s12, s19, $0xb8;
	[tilespmem:$0x12000] =	vst v63  }
0x11e: {  	s12 =	sadd.s32 $0x600, s11  }
0x11f: {  	[tilespmem:s0], [sflag:$0x1] =	stream.indirect.gather [spmem:s1], $0x10, s12, s19, $0xb8;
	[tilespmem:$0x12000] =	vst v63  }
0x120: {  	s12 =	sadd.s32 $0x680, s11  }
0x121: {  	[tilespmem:s3], [sflag:$0x1] =	stream.indirect.gather [spmem:s1], $0x10, s12, s19, $0xb8;
	[tilespmem:$0x12000] =	vst v63  }
0x122: {  	s12 =	sadd.s32 $0x700, s11  }
0x123: {  	[tilespmem:s4], [sflag:$0x1] =	stream.indirect.gather [spmem:s1], $0x10, s12, s19, $0xb8;
	[tilespmem:$0x12000] =	vst v63  }
0x124: {  	s12 =	sadd.s32 $0x780, s11  }
0x125: {  	[tilespmem:s5], [sflag:$0x1] =	stream.indirect.gather [spmem:s1], $0x10, s12, s19, $0xb8;
	[tilespmem:$0x12000] =	vst v63  }
0x126: {  	_ =	swait.ge [sflag:s6], $0x800  }
0x127: {  	[sflag:s6] =	ssyncset.done $0x0  }
0x128: {  	[sflag:s6] =	ssyncadd.s32 $0xFFFFF800  }
0x129: {  	_ =	swait.ge [sflag:s6], $0x800  }
0x12a: {  	[sflag:s6] =	ssyncset.done $0x0  }
0x12b: {  	[sflag:s6] =	ssyncadd.s32 $0xFFFFF800  }
0x12c: {  	_ =	swait.ge [sflag:s6], $0x800  }
0x12d: {  	[sflag:s6] =	ssyncset.done $0x0  }
0x12e: {  	[sflag:s6] =	ssyncadd.s32 $0xFFFFF800  }
0x12f: {  	_ =	swait.ge [sflag:s6], $0x800  }
0x130: {  	[sflag:s6] =	ssyncset.done $0x0  }
0x131: {  	[sflag:s6] =	ssyncadd.s32 $0xFFFFF800  }
0x132: {  	_ =	swait.ge [sflag:s6], $0x800  }
0x133: {  	[sflag:s6] =	ssyncset.done $0x0  }
0x134: {  	[sflag:s6] =	ssyncadd.s32 $0xFFFFF800  }
0x135: {  	_ =	swait.ge [sflag:s6], $0x800  }
0x136: {  	[sflag:s6] =	ssyncset.done $0x0  }
0x137: {  	[sflag:s6] =	ssyncadd.s32 $0xFFFFF800  }
0x138: {  	_ =	swait.ge [sflag:s6], $0x800  }
0x139: {  	[sflag:s6] =	ssyncset.done $0x0  }
0x13a: {  	[sflag:s6] =	ssyncadd.s32 $0xFFFFF800  }
0x13b: {  	_ =	swait.ge [sflag:s6], $0x800  }
0x13c: {  	[sflag:s6] =	ssyncset.done $0x0  }
0x13d: {  	[sflag:s6] =	ssyncadd.s32 $0xFFFFF800  }
0x13e: {  	_ =	swait.ge [sflag:s21], $0x800  }
0x13f: {  	[sflag:s21] =	ssyncset.done $0x0  }
0x140: {  	[sflag:s21] =	ssyncadd.s32 $0xFFFFF800  }
0x141: {  	_ =	swait.ge [sflag:s21], $0x800  }
0x142: {  	[sflag:s21] =	ssyncset.done $0x0  }
0x143: {  	[sflag:s21] =	ssyncadd.s32 $0xFFFFF800  }
0x144: {  	_ =	swait.ge [sflag:s21], $0x800  }
0x145: {  	[sflag:s21] =	ssyncset.done $0x0  }
0x146: {  	[sflag:s21] =	ssyncadd.s32 $0xFFFFF800  }
0x147: {  	_ =	swait.ge [sflag:s21], $0x800  }
0x148: {  	[sflag:s21] =	ssyncset.done $0x0  }
0x149: {  	[sflag:s21] =	ssyncadd.s32 $0xFFFFF800  }
0x14a: {  	_ =	swait.ge [sflag:s21], $0x800  }
0x14b: {  	[sflag:s21] =	ssyncset.done $0x0  }
0x14c: {  	[sflag:s21] =	ssyncadd.s32 $0xFFFFF800  }
0x14d: {  	_ =	swait.ge [sflag:s21], $0x800  }
0x14e: {  	[sflag:s21] =	ssyncset.done $0x0  }
0x14f: {  	[sflag:s21] =	ssyncadd.s32 $0xFFFFF800  }
0x150: {  	_ =	swait.ge [sflag:s21], $0x800  }
0x151: {  	[sflag:s21] =	ssyncset.done $0x0  }
0x152: {  	[sflag:s21] =	ssyncadd.s32 $0xFFFFF800  }
0x153: {  	_ =	swait.ge [sflag:s21], $0x800  }
0x154: {  	[sflag:s21] =	ssyncset.done $0x0  }
0x155: {  	s12 =	sadd.s32 $0x2C00, s11;
	[sflag:s21] =	ssyncadd.s32 $0xFFFFF800  }
0x156: {  	[spmem:s2] =	stream.indirect.scatter.add.f32 [tilespmem:s23], [sflag:$0x2], $0x10, s12, s19, $0xb8;
	[tilespmem:$0x12000] =	vst v63  }
0x157: {  	s12 =	sadd.s32 $0x2C80, s11  }
0x158: {  	[spmem:s2] =	stream.indirect.scatter.add.f32 [tilespmem:s25], [sflag:$0x2], $0x10, s12, s19, $0xb8;
	[tilespmem:$0x12000] =	vst v63  }
0x159: {  	s12 =	sadd.s32 $0x2D00, s11  }
0x15a: {  	[spmem:s2] =	stream.indirect.scatter.add.f32 [tilespmem:s28], [sflag:$0x2], $0x10, s12, s19, $0xb8;
	[tilespmem:$0x12000] =	vst v63  }
0x15b: {  	s12 =	sadd.s32 $0x2D80, s11  }
0x15c: {  	[spmem:s2] =	stream.indirect.scatter.add.f32 [tilespmem:s30], [sflag:$0x2], $0x10, s12, s19, $0xb8;
	[tilespmem:$0x12000] =	vst v63  }
0x15d: {  	s12 =	sadd.s32 $0x2E00, s11  }
0x15e: {  	[spmem:s2] =	stream.indirect.scatter.add.f32 [tilespmem:s0], [sflag:$0x2], $0x10, s12, s19, $0xb8;
	[tilespmem:$0x12000] =	vst v63  }
0x15f: {  	s12 =	sadd.s32 $0x2E80, s11  }
0x160: {  	[spmem:s2] =	stream.indirect.scatter.add.f32 [tilespmem:s3], [sflag:$0x2], $0x10, s12, s19, $0xb8;
	[tilespmem:$0x12000] =	vst v63  }
0x161: {  	s12 =	sadd.s32 $0x2F00, s11  }
0x162: {  	[spmem:s2] =	stream.indirect.scatter.add.f32 [tilespmem:s4], [sflag:$0x2], $0x10, s12, s19, $0xb8;
	[tilespmem:$0x12000] =	vst v63  }
0x163: {  	p2 =	seq.s32 s10, $0x8000;
	s11 =	sadd.s32 $0x2F80, s11  }
0x164: {  	[spmem:s2] =	stream.indirect.scatter.add.f32 [tilespmem:s5], [sflag:$0x2], $0x10, s11, s19, $0xb8;
	[tilespmem:$0x12000] =	vst v63  }
0x165: {  	s10 =	sshra.s32 @!p2 s10, $0x2;
	s12 =	simm.s32 @!p2 $0x5000;
	s11 =	simm.s32 @!p2 $0x80  }
0x166: {  	s7 =	simm.s32 @!p2 $0x5800;
	s13 =	sadd.s32 @!p2 $0x800, s10;
	s17 =	sadd.s32 @!p2 $0x880, s10  }
0x167: {  	[tilespmem:s12], [sflag:$0x1] =	stream.indirect.gather @!p2 [spmem:s1], $0x10, s13, s11, $0xb8;
	[tilespmem:$0x12000] =	vst v63  }
0x168: {  	s16 =	sadd.s32 @!p2 $0x980, s10;
	s12 =	sadd.s32 @!p2 $0x900, s10;
	s13 =	simm.s32 @!p2 $0x6000  }
0x169: {  	[tilespmem:s7], [sflag:$0x1] =	stream.indirect.gather @!p2 [spmem:s1], $0x10, s17, s11, $0xb8;
	[tilespmem:$0x12000] =	vst v63  }
0x16a: {  	s8 =	sadd.s32 @!p2 $0xA80, s10;
	s7 =	simm.s32 @!p2 $0x6800;
	s17 =	sadd.s32 @!p2 $0xA00, s10  }
0x16b: {  	[tilespmem:s13], [sflag:$0x1] =	stream.indirect.gather @!p2 [spmem:s1], $0x10, s12, s11, $0xb8;
	[tilespmem:$0x12000] =	vst v63  }
0x16c: {  	s12 =	simm.s32 @!p2 $0x7000;
	s13 =	sadd.s32 @!p2 $0xB00, s10;
	s10 =	sadd.s32 @!p2 $0xB80, s10  }
0x16d: {  	[tilespmem:s7], [sflag:$0x1] =	stream.indirect.gather @!p2 [spmem:s1], $0x10, s16, s11, $0xb8;
	[tilespmem:$0x12000] =	vst v63  }
0x16e: {  	s7 =	simm.s32 @!p2 $0x7800  }
0x16f: {  	[tilespmem:s12], [sflag:$0x1] =	stream.indirect.gather @!p2 [spmem:s1], $0x10, s17, s11, $0xb8;
	[tilespmem:$0x12000] =	vst v63  }
0x170: {  	s12 =	simm.s32 @!p2 $0x8000  }
0x171: {  	[tilespmem:s7], [sflag:$0x1] =	stream.indirect.gather @!p2 [spmem:s1], $0x10, s8, s11, $0xb8;
	[tilespmem:$0x12000] =	vst v63  }
0x172: {  	s7 =	simm.s32 @!p2 $0x8800  }
0x173: {  	[tilespmem:s12], [sflag:$0x1] =	stream.indirect.gather @!p2 [spmem:s1], $0x10, s13, s11, $0xb8;
	[tilespmem:$0x12000] =	vst v63  }
0x174: {  	_ = 	snop  }
0x175: {  	[tilespmem:s7], [sflag:$0x1] =	stream.indirect.gather @!p2 [spmem:s1], $0x10, s10, s11, $0xb8;
	[tilespmem:$0x12000] =	vst v63  }
0x176: {  	_ =	swait.ge [sflag:s6], $0x800  }
0x177: {  	[sflag:s6] =	ssyncset.done $0x0  }
0x178: {  	[sflag:s6] =	ssyncadd.s32 $0xFFFFF800  }
0x179: {  	_ =	swait.ge [sflag:s6], $0x800  }
0x17a: {  	[sflag:s6] =	ssyncset.done $0x0  }
0x17b: {  	[sflag:s6] =	ssyncadd.s32 $0xFFFFF800  }
0x17c: {  	_ =	swait.ge [sflag:s6], $0x800  }
0x17d: {  	[sflag:s6] =	ssyncset.done $0x0  }
0x17e: {  	[sflag:s6] =	ssyncadd.s32 $0xFFFFF800  }
0x17f: {  	_ =	swait.ge [sflag:s6], $0x800  }
0x180: {  	[sflag:s6] =	ssyncset.done $0x0  }
0x181: {  	[sflag:s6] =	ssyncadd.s32 $0xFFFFF800  }
0x182: {  	_ =	swait.ge [sflag:s6], $0x800  }
0x183: {  	[sflag:s6] =	ssyncset.done $0x0  }
0x184: {  	[sflag:s6] =	ssyncadd.s32 $0xFFFFF800  }
0x185: {  	_ =	swait.ge [sflag:s6], $0x800  }
0x186: {  	[sflag:s6] =	ssyncset.done $0x0  }
.Ltmp1:
0x187: {  	[sflag:s6] =	ssyncadd.s32 $0xFFFFF800;
	(pc) =	sbr.rel @p1 .LBB2_4-.Ltmp1, $4  }
0x188: {  	_ =	swait.ge [sflag:s6], $0x800  }
0x189: {  	[sflag:s6] =	ssyncset.done $0x0  }
0x18a: {  	[sflag:s6] =	ssyncadd.s32 $0xFFFFF800  }
0x18b: {  	_ =	swait.ge [sflag:s6], $0x800  }
0x18c: {  	[sflag:s6] =	ssyncset.done $0x0  }
0x18d: {  	[sflag:s6] =	ssyncadd.s32 $0xFFFFF800  }
0x18e: {  	[bflag:$0x0] =	sbarrier.arrive $0xFFFF  }
0x18f: {  	s8 =	rddreg [dreg:$0x8]  }
0x190: {  	s7 =	sshrl.u32 @!p0 s2, $0x3;
	s10 =	rddreg [dreg:$0xe]  }
0x191: {  	[hbm:s8], [sflag:s10] =	dma.local @!p0 [spmem:s7], $0x5000  }
0x192: {  	s7 =	simm.s32 @!p0 $0x3  }
0x193: {  	_ =	swait.ge @!p0 [sflag:s7], $0x5000  }
0x194: {  	s9 =	rddreg [dreg:$0x10]  }
0x195: {  	s17 =	rddreg [dreg:$0x9];
	s9 =	sadd.s32 $0x1, s9  }
0x196: {  	p1 =	sne.s32 s9, s17  }
.Ltmp2:
0x197: {  	_ = 	snop;
	(pc) =	sbr.rel @p1 .LBB2_1-.Ltmp2, $3  }
0x198: {  	_ =	sdelay $0x1  }
0x199: {  	[sflag:s7] =	ssyncset.done @!p0 $0x0  }
0x19a: {  	[sflag:s7] =	ssyncadd.s32 @!p0 $0xFFFFB000  }
0x19b: {  	_ =	sfence.sel $0x180000  }
0x19c: {  	[bflag:$0x0] =	sbarrier.arrive $0xFFFF  }
0x19d: {  	_ =	strace $0x9000004D  }
0x19e: {  	[bflag:$0x2] =	sbarrier.arrive $0xFFFF  }
0x19f: {  	s0 =	rddreg [dreg:$0x3]  }
0x1a0: {  	s0 =	sadd.s32 @!p0 $0x100000, s0  }
0x1a1: {  	[sflag:s0] =	ssyncadd.tile.s32 @!p0 $0x1;
	_ =	shalt  }
.Lfunc_end2:
_tile_overlayer_lowered:
.L_overlay_start_2:
0x1a2: {  	(tag) =	ssettag $0x2  }
0x1a3: {  	s0 =	rddreg [dreg:$0x0];
	s2 =	stileid.u32  }
0x1a4: {  	s1 =	rddreg [dreg:$0x1];
	p0 =	sne.s32 s2, $0x0  }
0x1a5: {  	s3 =	rddreg [dreg:$0x2];
	[bflag:$0x3] =	sbarrier.arrive $0xFFFF;
	s2 =	simm.s32 @!p0 $0x1C03  }
0x1a6: {  	[timem:s3], [sflag:s2] =	dma.local @!p0 [hbm:s0], s1  }
0x1a7: {  	s0 =	simm.s32 @!p0 $0x3  }
0x1a8: {  	_ =	swait.ge @!p0 [sflag:s0], s1  }
0x1a9: {  	s1 =	ssub.s32 @!p0 $0x0, s1;
	[sflag:s0] =	ssyncset.done @!p0 $0x0  }
0x1aa: {  	[sflag:s0] =	ssyncadd.s32 @!p0 s1  }
0x1ab: {  	[bflag:$0x3] =	sbarrier.arrive $0xFFFF  }
0x1ac: {  	_ =	shalt  }

</sc_bundles>
